<compile_context>
chip_gen: v7x
topology: tpu7x:2x2x1
jax: 0.10.2.dev20260603
libtpu: 0.0.44.dev20260713+nightly
codegen_flags: <defaults>
</compile_context>

<pallas_src>
import functools

import jax
import jax.numpy as jnp
from jax import lax
from jax.experimental import pallas as pl
from jax.experimental.pallas import tpu as pltpu
from jax.experimental.pallas import tpu_sc as plsc

D = 128
NC, NS = 2, 16
NW = NC * NS
NA_A, NA_B = 5, 4
SZ_A, SZ_B = 3 ** NA_A, 3 ** NA_B


def _build(n_atoms, blk):
    assert n_atoms % blk == 0 and blk % 16 == 0
    nbt = n_atoms // blk
    nb_per_w = -(-nbt // NW)
    mesh = plsc.VectorSubcoreMesh(
        core_axis_name="c", subcore_axis_name="s", num_cores=NC, num_subcores=NS
    )

    @functools.partial(
        pl.kernel,
        out_type=jax.ShapeDtypeStruct((n_atoms, D), jnp.float32),
        mesh=mesh,
        scratch_types=[
            pltpu.VMEM((32 * D,), jnp.float32),
            pltpu.VMEM((SZ_A * D,), jnp.float32),
            pltpu.VMEM((SZ_B * D,), jnp.float32),
            pltpu.VMEM((blk * 16,), jnp.int32),
            pltpu.VMEM((blk, D), jnp.float32),
        ],
        compiler_params=pltpu.CompilerParams(needs_layout_passes=False),
    )
    def embed_sc(x_hbm, t_hbm, out_hbm, t_v, sa_v, sb_v, x_v, o_v):
        wid = lax.axis_index("s") * NC + lax.axis_index("c")
        pltpu.sync_copy(t_hbm, t_v)
        iota = lax.iota(jnp.int32, 16)
        cv = [iota + 16 * j for j in range(8)]
        scale = jnp.float32(1.0 / 9.0)

        def build(dst, attr0, nlvl):
            for c in range(3):
                for j in range(8):
                    dst[pl.ds(c * D + 16 * j, 16)] = t_v[
                        pl.ds((3 * attr0 + c) * D + 16 * j, 16)
                    ]
            for k in range(1, nlvl):
                tk = 3 ** k
                last = k == nlvl - 1
                for a in (2, 1, 0):
                    w = [
                        t_v[pl.ds((3 * (attr0 + k) + a) * D + 16 * j, 16)]
                        for j in range(8)
                    ]

                    def row_body(p, carry, *, a=a, tk=tk, w=w, last=last):
                        r = a * tk + p
                        for j in range(8):
                            v = plsc.load_gather(dst, [p * D + cv[j]]) + w[j]
                            if last:
                                v = v * scale
                            plsc.store_scatter(dst, [r * D + cv[j]], v)
                        return carry

                    lax.fori_loop(0, tk, row_body, 0)

        build(sa_v, 0, NA_A)
        build(sb_v, NA_A, NA_B)

        def blk_body(b, carry):
            bid = b * NW + wid
            base = bid * blk

            @pl.when(bid < nbt)
            def _():
                pltpu.sync_copy(x_hbm.at[pl.ds(base * 16, blk * 16)], x_v)
                zero = iota * 0

                @plsc.parallel_loop(0, blk, 1, unroll=8)
                def _atom(a):
                    xr = plsc.load_gather(x_v, [a * 16 + iota])
                    ka = a * 0
                    kb = a * 0
                    arow = zero + a
                    for j in range(8):
                        va = plsc.load_gather(sa_v, [ka + cv[j]])
                        vb = plsc.load_gather(sb_v, [kb + cv[j]])
                        plsc.store_scatter(o_v, [arow, cv[j]], va + vb)

                pltpu.sync_copy(o_v, out_hbm.at[pl.ds(base, blk)])

            return carry

        lax.fori_loop(0, nb_per_w, blk_body, 0)

    return embed_sc


_embed = _build(100000, 400)


def _pack_inputs(x, Ws):
    t = jnp.concatenate([w[:3] for w in Ws], axis=0)
    t = jnp.pad(t, ((0, 5), (0, 0))).reshape(-1)
    x16 = jnp.pad(x, ((0, 0), (0, 7))).reshape(-1)
    return x16, t


def kernel(x, W0, W1, W2, W3, W4, W5, W6, W7, W8):
    x16, t = _pack_inputs(x, [W0, W1, W2, W3, W4, W5, W6, W7, W8])
    return _embed(x16, t)

# --- scband reference (transcript-rebuilt; emitter-appended) ---
"""Pipeline reference for scband-atom-embedding-53369263620703 (READ-ONLY COPY).

The authoritative reference and input builder live on the scoring server;
editing this copy changes nothing except your own understanding.
"""

import jax, jax.numpy as jnp
import numpy as np

VOCAB_DIMS = [119, 4, 12, 12, 10, 6, 6, 2, 2]
EMB_DIM = 128
N_ATOMS = 100000


def _xavier_uniform(key, shape):
    fan_in, fan_out = shape[0], shape[1]
    a = float(np.sqrt(6.0 / (fan_in + fan_out)))
    return jax.random.uniform(key, shape, dtype=jnp.float32, minval=-a, maxval=a)


def setup_inputs(seed: int = 0) -> dict:
    key = jax.random.key(seed)
    kx, key = jax.random.split(key)
    # indices in [0, 3): valid for every table since smallest vocab is 2+1=3 rows
    x = jax.random.randint(kx, (N_ATOMS, 9), 0, 3, dtype=jnp.int32)
    inp = {"x": x}
    for i, v in enumerate(VOCAB_DIMS):
        key, kw = jax.random.split(key)
        inp[f"W{i}"] = _xavier_uniform(kw, (v + 1, EMB_DIM))
    return inp


def reference(x, W0, W1, W2, W3, W4, W5, W6, W7, W8):
    tables = [W0, W1, W2, W3, W4, W5, W6, W7, W8]
    # per-attribute embedding lookup: gather rows from each table
    emb_ls = [jnp.take(tables[i], x[:, i], axis=0) for i in range(9)]  # each (N, D)
    emb = jnp.stack(emb_ls, axis=1)  # (N, 9, D) == torch.cat of (N,1,D) along dim=1
    return jnp.mean(emb, axis=1)  # attr_reduction='mean' -> (N, D)

if __name__ == "__main__":
    import jax
    _d = setup_inputs()
    print(jax.jit(kernel)(*tuple(_d.values())))

</pallas_src>

<mosaic_0001>
#map = affine_map<(d0, d1) -> (0)>
#map1 = affine_map<(d0, d1) -> (0, 0)>
module attributes {stable_mosaic.version = 14 : i64} {
  func.func @embed_sc(%arg0: i32, %arg1: i32, %arg2: memref<1600000xi32, #tpu.memory_space<hbm>>, %arg3: memref<4096xf32, #tpu.memory_space<hbm>>, %arg4: memref<100000x128xf32, #tpu.memory_space<hbm>>, %arg5: memref<4096xf32, #tpu.memory_space<vmem>>, %arg6: memref<31104xf32, #tpu.memory_space<vmem>>, %arg7: memref<10368xf32, #tpu.memory_space<vmem>>, %arg8: memref<6400xi32, #tpu.memory_space<vmem>>, %arg9: memref<400x128xf32, #tpu.memory_space<vmem>>) attributes {dimension_semantics = [#tpu.dimension_semantics<core_parallel>, #tpu.dimension_semantics<subcore_parallel>], iteration_bounds = array<i64: 2, 16>, scalar_prefetch = 0 : i64, scratch_operands = 5 : i64, tpu.core_type = #tpu.core_type<sc_vector_subcore>, window_params = [{transform_indices = #map}, {transform_indices = #map}, {transform_indices = #map1}]} {
    %mul3A = arith.constant 2 : i32
    %mul3A_0 = arith.muli %arg1, %mul3A : i32
    %add3A = arith.addi %mul3A_0, %arg0 : i32
    "tpu.region"() ({
      %run_scoped3A = tpu.sem_alloc : memref<!tpu.dma_semaphore, #tpu.memory_space<semaphore_mem>>
      tpu.enqueue_dma source(%arg3 : memref<4096xf32, #tpu.memory_space<hbm>>) target(%arg5 : memref<4096xf32, #tpu.memory_space<vmem>>) target_semaphore(%run_scoped3A : memref<!tpu.dma_semaphore, #tpu.memory_space<semaphore_mem>>)
      tpu.wait_dma2 semaphore(%run_scoped3A : memref<!tpu.dma_semaphore, #tpu.memory_space<semaphore_mem>>) src(%arg3 : memref<4096xf32, #tpu.memory_space<hbm>>) dst(%arg5 : memref<4096xf32, #tpu.memory_space<vmem>>)
      tpu.yield
    }) : () -> ()
    %iota3A = tpu.iota {dimensions = array<i32: 0>} : vector<16xi32>
    %add3A_1 = arith.constant 0 : i32
    %add3A_2 = vector.broadcast %add3A_1 : i32 to vector<16xi32>
    %add3A_3 = arith.addi %iota3A, %add3A_2 : vector<16xi32>
    %add3A_4 = arith.constant 16 : i32
    %add3A_5 = vector.broadcast %add3A_4 : i32 to vector<16xi32>
    %add3A_6 = arith.addi %iota3A, %add3A_5 : vector<16xi32>
    %add3A_7 = arith.constant 32 : i32
    %add3A_8 = vector.broadcast %add3A_7 : i32 to vector<16xi32>
    %add3A_9 = arith.addi %iota3A, %add3A_8 : vector<16xi32>
    %add3A_10 = arith.constant 48 : i32
    %add3A_11 = vector.broadcast %add3A_10 : i32 to vector<16xi32>
    %add3A_12 = arith.addi %iota3A, %add3A_11 : vector<16xi32>
    %add3A_13 = arith.constant 64 : i32
    %add3A_14 = vector.broadcast %add3A_13 : i32 to vector<16xi32>
    %add3A_15 = arith.addi %iota3A, %add3A_14 : vector<16xi32>
    %add3A_16 = arith.constant 80 : i32
    %add3A_17 = vector.broadcast %add3A_16 : i32 to vector<16xi32>
    %add3A_18 = arith.addi %iota3A, %add3A_17 : vector<16xi32>
    %add3A_19 = arith.constant 96 : i32
    %add3A_20 = vector.broadcast %add3A_19 : i32 to vector<16xi32>
    %add3A_21 = arith.addi %iota3A, %add3A_20 : vector<16xi32>
    %add3A_22 = arith.constant 112 : i32
    %add3A_23 = vector.broadcast %add3A_22 : i32 to vector<16xi32>
    %add3A_24 = arith.addi %iota3A, %add3A_23 : vector<16xi32>
    %get3A = arith.constant 0 : index
    %get3A_25 = tpu.vector_load %arg5[%get3A] {strides = array<i32>} : memref<4096xf32, #tpu.memory_space<vmem>>, vector<16xf32>,
    %swap3A = arith.constant 0 : index
    %swap3A_26 = tpu.vector_load %arg6[%swap3A] {strides = array<i32>} : memref<31104xf32, #tpu.memory_space<vmem>>, vector<16xf32>,
    tpu.vector_store %arg6[%swap3A], %get3A_25 {strides = array<i32>} : memref<31104xf32, #tpu.memory_space<vmem>>, vector<16xf32>,
    %get3A_27 = arith.constant 16 : index
    %get3A_28 = tpu.vector_load %arg5[%get3A_27] {strides = array<i32>} : memref<4096xf32, #tpu.memory_space<vmem>>, vector<16xf32>,
    %swap3A_29 = arith.constant 16 : index
    %swap3A_30 = tpu.vector_load %arg6[%swap3A_29] {strides = array<i32>} : memref<31104xf32, #tpu.memory_space<vmem>>, vector<16xf32>,
    tpu.vector_store %arg6[%swap3A_29], %get3A_28 {strides = array<i32>} : memref<31104xf32, #tpu.memory_space<vmem>>, vector<16xf32>,
    %get3A_31 = arith.constant 32 : index
    %get3A_32 = tpu.vector_load %arg5[%get3A_31] {strides = array<i32>} : memref<4096xf32, #tpu.memory_space<vmem>>, vector<16xf32>,
    %swap3A_33 = arith.constant 32 : index
    %swap3A_34 = tpu.vector_load %arg6[%swap3A_33] {strides = array<i32>} : memref<31104xf32, #tpu.memory_space<vmem>>, vector<16xf32>,
    tpu.vector_store %arg6[%swap3A_33], %get3A_32 {strides = array<i32>} : memref<31104xf32, #tpu.memory_space<vmem>>, vector<16xf32>,
    %get3A_35 = arith.constant 48 : index
    %get3A_36 = tpu.vector_load %arg5[%get3A_35] {strides = array<i32>} : memref<4096xf32, #tpu.memory_space<vmem>>, vector<16xf32>,
    %swap3A_37 = arith.constant 48 : index
    %swap3A_38 = tpu.vector_load %arg6[%swap3A_37] {strides = array<i32>} : memref<31104xf32, #tpu.memory_space<vmem>>, vector<16xf32>,
    tpu.vector_store %arg6[%swap3A_37], %get3A_36 {strides = array<i32>} : memref<31104xf32, #tpu.memory_space<vmem>>, vector<16xf32>,
    %get3A_39 = arith.constant 64 : index
    %get3A_40 = tpu.vector_load %arg5[%get3A_39] {strides = array<i32>} : memref<4096xf32, #tpu.memory_space<vmem>>, vector<16xf32>,
    %swap3A_41 = arith.constant 64 : index
    %swap3A_42 = tpu.vector_load %arg6[%swap3A_41] {strides = array<i32>} : memref<31104xf32, #tpu.memory_space<vmem>>, vector<16xf32>,
    tpu.vector_store %arg6[%swap3A_41], %get3A_40 {strides = array<i32>} : memref<31104xf32, #tpu.memory_space<vmem>>, vector<16xf32>,
    %get3A_43 = arith.constant 80 : index
    %get3A_44 = tpu.vector_load %arg5[%get3A_43] {strides = array<i32>} : memref<4096xf32, #tpu.memory_space<vmem>>, vector<16xf32>,
    %swap3A_45 = arith.constant 80 : index
    %swap3A_46 = tpu.vector_load %arg6[%swap3A_45] {strides = array<i32>} : memref<31104xf32, #tpu.memory_space<vmem>>, vector<16xf32>,
    tpu.vector_store %arg6[%swap3A_45], %get3A_44 {strides = array<i32>} : memref<31104xf32, #tpu.memory_space<vmem>>, vector<16xf32>,
    %get3A_47 = arith.constant 96 : index
    %get3A_48 = tpu.vector_load %arg5[%get3A_47] {strides = array<i32>} : memref<4096xf32, #tpu.memory_space<vmem>>, vector<16xf32>,
    %swap3A_49 = arith.constant 96 : index
    %swap3A_50 = tpu.vector_load %arg6[%swap3A_49] {strides = array<i32>} : memref<31104xf32, #tpu.memory_space<vmem>>, vector<16xf32>,
    tpu.vector_store %arg6[%swap3A_49], %get3A_48 {strides = array<i32>} : memref<31104xf32, #tpu.memory_space<vmem>>, vector<16xf32>,
    %get3A_51 = arith.constant 112 : index
    %get3A_52 = tpu.vector_load %arg5[%get3A_51] {strides = array<i32>} : memref<4096xf32, #tpu.memory_space<vmem>>, vector<16xf32>,
    %swap3A_53 = arith.constant 112 : index
    %swap3A_54 = tpu.vector_load %arg6[%swap3A_53] {strides = array<i32>} : memref<31104xf32, #tpu.memory_space<vmem>>, vector<16xf32>,
    tpu.vector_store %arg6[%swap3A_53], %get3A_52 {strides = array<i32>} : memref<31104xf32, #tpu.memory_space<vmem>>, vector<16xf32>,
    %get3A_55 = arith.constant 128 : index
    %get3A_56 = tpu.vector_load %arg5[%get3A_55] {strides = array<i32>} : memref<4096xf32, #tpu.memory_space<vmem>>, vector<16xf32>,
    %swap3A_57 = arith.constant 128 : index
    %swap3A_58 = tpu.vector_load %arg6[%swap3A_57] {strides = array<i32>} : memref<31104xf32, #tpu.memory_space<vmem>>, vector<16xf32>,
    tpu.vector_store %arg6[%swap3A_57], %get3A_56 {strides = array<i32>} : memref<31104xf32, #tpu.memory_space<vmem>>, vector<16xf32>,
    %get3A_59 = arith.constant 144 : index
    %get3A_60 = tpu.vector_load %arg5[%get3A_59] {strides = array<i32>} : memref<4096xf32, #tpu.memory_space<vmem>>, vector<16xf32>,
    %swap3A_61 = arith.constant 144 : index
    %swap3A_62 = tpu.vector_load %arg6[%swap3A_61] {strides = array<i32>} : memref<31104xf32, #tpu.memory_space<vmem>>, vector<16xf32>,
    tpu.vector_store %arg6[%swap3A_61], %get3A_60 {strides = array<i32>} : memref<31104xf32, #tpu.memory_space<vmem>>, vector<16xf32>,
    %get3A_63 = arith.constant 160 : index
    %get3A_64 = tpu.vector_load %arg5[%get3A_63] {strides = array<i32>} : memref<4096xf32, #tpu.memory_space<vmem>>, vector<16xf32>,
    %swap3A_65 = arith.constant 160 : index
    %swap3A_66 = tpu.vector_load %arg6[%swap3A_65] {strides = array<i32>} : memref<31104xf32, #tpu.memory_space<vmem>>, vector<16xf32>,
    tpu.vector_store %arg6[%swap3A_65], %get3A_64 {strides = array<i32>} : memref<31104xf32, #tpu.memory_space<vmem>>, vector<16xf32>,
    %get3A_67 = arith.constant 176 : index
    %get3A_68 = tpu.vector_load %arg5[%get3A_67] {strides = array<i32>} : memref<4096xf32, #tpu.memory_space<vmem>>, vector<16xf32>,
    %swap3A_69 = arith.constant 176 : index
    %swap3A_70 = tpu.vector_load %arg6[%swap3A_69] {strides = array<i32>} : memref<31104xf32, #tpu.memory_space<vmem>>, vector<16xf32>,
    tpu.vector_store %arg6[%swap3A_69], %get3A_68 {strides = array<i32>} : memref<31104xf32, #tpu.memory_space<vmem>>, vector<16xf32>,
    %get3A_71 = arith.constant 192 : index
    %get3A_72 = tpu.vector_load %arg5[%get3A_71] {strides = array<i32>} : memref<4096xf32, #tpu.memory_space<vmem>>, vector<16xf32>,
    %swap3A_73 = arith.constant 192 : index
    %swap3A_74 = tpu.vector_load %arg6[%swap3A_73] {strides = array<i32>} : memref<31104xf32, #tpu.memory_space<vmem>>, vector<16xf32>,
    tpu.vector_store %arg6[%swap3A_73], %get3A_72 {strides = array<i32>} : memref<31104xf32, #tpu.memory_space<vmem>>, vector<16xf32>,
    %get3A_75 = arith.constant 208 : index
    %get3A_76 = tpu.vector_load %arg5[%get3A_75] {strides = array<i32>} : memref<4096xf32, #tpu.memory_space<vmem>>, vector<16xf32>,
    %swap3A_77 = arith.constant 208 : index
    %swap3A_78 = tpu.vector_load %arg6[%swap3A_77] {strides = array<i32>} : memref<31104xf32, #tpu.memory_space<vmem>>, vector<16xf32>,
    tpu.vector_store %arg6[%swap3A_77], %get3A_76 {strides = array<i32>} : memref<31104xf32, #tpu.memory_space<vmem>>, vector<16xf32>,
    %get3A_79 = arith.constant 224 : index
    %get3A_80 = tpu.vector_load %arg5[%get3A_79] {strides = array<i32>} : memref<4096xf32, #tpu.memory_space<vmem>>, vector<16xf32>,
    %swap3A_81 = arith.constant 224 : index
    %swap3A_82 = tpu.vector_load %arg6[%swap3A_81] {strides = array<i32>} : memref<31104xf32, #tpu.memory_space<vmem>>, vector<16xf32>,
    tpu.vector_store %arg6[%swap3A_81], %get3A_80 {strides = array<i32>} : memref<31104xf32, #tpu.memory_space<vmem>>, vector<16xf32>,
    %get3A_83 = arith.constant 240 : index
    %get3A_84 = tpu.vector_load %arg5[%get3A_83] {strides = array<i32>} : memref<4096xf32, #tpu.memory_space<vmem>>, vector<16xf32>,
    %swap3A_85 = arith.constant 240 : index
    %swap3A_86 = tpu.vector_load %arg6[%swap3A_85] {strides = array<i32>} : memref<31104xf32, #tpu.memory_space<vmem>>, vector<16xf32>,
    tpu.vector_store %arg6[%swap3A_85], %get3A_84 {strides = array<i32>} : memref<31104xf32, #tpu.memory_space<vmem>>, vector<16xf32>,
    %get3A_87 = arith.constant 256 : index
    %get3A_88 = tpu.vector_load %arg5[%get3A_87] {strides = array<i32>} : memref<4096xf32, #tpu.memory_space<vmem>>, vector<16xf32>,
    %swap3A_89 = arith.constant 256 : index
    %swap3A_90 = tpu.vector_load %arg6[%swap3A_89] {strides = array<i32>} : memref<31104xf32, #tpu.memory_space<vmem>>, vector<16xf32>,
    tpu.vector_store %arg6[%swap3A_89], %get3A_88 {strides = array<i32>} : memref<31104xf32, #tpu.memory_space<vmem>>, vector<16xf32>,
    %get3A_91 = arith.constant 272 : index
    %get3A_92 = tpu.vector_load %arg5[%get3A_91] {strides = array<i32>} : memref<4096xf32, #tpu.memory_space<vmem>>, vector<16xf32>,
    %swap3A_93 = arith.constant 272 : index
    %swap3A_94 = tpu.vector_load %arg6[%swap3A_93] {strides = array<i32>} : memref<31104xf32, #tpu.memory_space<vmem>>, vector<16xf32>,
    tpu.vector_store %arg6[%swap3A_93], %get3A_92 {strides = array<i32>} : memref<31104xf32, #tpu.memory_space<vmem>>, vector<16xf32>,
    %get3A_95 = arith.constant 288 : index
    %get3A_96 = tpu.vector_load %arg5[%get3A_95] {strides = array<i32>} : memref<4096xf32, #tpu.memory_space<vmem>>, vector<16xf32>,
    %swap3A_97 = arith.constant 288 : index
    %swap3A_98 = tpu.vector_load %arg6[%swap3A_97] {strides = array<i32>} : memref<31104xf32, #tpu.memory_space<vmem>>, vector<16xf32>,
    tpu.vector_store %arg6[%swap3A_97], %get3A_96 {strides = array<i32>} : memref<31104xf32, #tpu.memory_space<vmem>>, vector<16xf32>,
    %get3A_99 = arith.constant 304 : index
    %get3A_100 = tpu.vector_load %arg5[%get3A_99] {strides = array<i32>} : memref<4096xf32, #tpu.memory_space<vmem>>, vector<16xf32>,
    %swap3A_101 = arith.constant 304 : index
    %swap3A_102 = tpu.vector_load %arg6[%swap3A_101] {strides = array<i32>} : memref<31104xf32, #tpu.memory_space<vmem>>, vector<16xf32>,
    tpu.vector_store %arg6[%swap3A_101], %get3A_100 {strides = array<i32>} : memref<31104xf32, #tpu.memory_space<vmem>>, vector<16xf32>,
    %get3A_103 = arith.constant 320 : index
    %get3A_104 = tpu.vector_load %arg5[%get3A_103] {strides = array<i32>} : memref<4096xf32, #tpu.memory_space<vmem>>, vector<16xf32>,
    %swap3A_105 = arith.constant 320 : index
    %swap3A_106 = tpu.vector_load %arg6[%swap3A_105] {strides = array<i32>} : memref<31104xf32, #tpu.memory_space<vmem>>, vector<16xf32>,
    tpu.vector_store %arg6[%swap3A_105], %get3A_104 {strides = array<i32>} : memref<31104xf32, #tpu.memory_space<vmem>>, vector<16xf32>,
    %get3A_107 = arith.constant 336 : index
    %get3A_108 = tpu.vector_load %arg5[%get3A_107] {strides = array<i32>} : memref<4096xf32, #tpu.memory_space<vmem>>, vector<16xf32>,
    %swap3A_109 = arith.constant 336 : index
    %swap3A_110 = tpu.vector_load %arg6[%swap3A_109] {strides = array<i32>} : memref<31104xf32, #tpu.memory_space<vmem>>, vector<16xf32>,
    tpu.vector_store %arg6[%swap3A_109], %get3A_108 {strides = array<i32>} : memref<31104xf32, #tpu.memory_space<vmem>>, vector<16xf32>,
    %get3A_111 = arith.constant 352 : index
    %get3A_112 = tpu.vector_load %arg5[%get3A_111] {strides = array<i32>} : memref<4096xf32, #tpu.memory_space<vmem>>, vector<16xf32>,
    %swap3A_113 = arith.constant 352 : index
    %swap3A_114 = tpu.vector_load %arg6[%swap3A_113] {strides = array<i32>} : memref<31104xf32, #tpu.memory_space<vmem>>, vector<16xf32>,
    tpu.vector_store %arg6[%swap3A_113], %get3A_112 {strides = array<i32>} : memref<31104xf32, #tpu.memory_space<vmem>>, vector<16xf32>,
    %get3A_115 = arith.constant 368 : index
    %get3A_116 = tpu.vector_load %arg5[%get3A_115] {strides = array<i32>} : memref<4096xf32, #tpu.memory_space<vmem>>, vector<16xf32>,
    %swap3A_117 = arith.constant 368 : index
    %swap3A_118 = tpu.vector_load %arg6[%swap3A_117] {strides = array<i32>} : memref<31104xf32, #tpu.memory_space<vmem>>, vector<16xf32>,
    tpu.vector_store %arg6[%swap3A_117], %get3A_116 {strides = array<i32>} : memref<31104xf32, #tpu.memory_space<vmem>>, vector<16xf32>,
    %get3A_119 = arith.constant 640 : index
    %get3A_120 = tpu.vector_load %arg5[%get3A_119] {strides = array<i32>} : memref<4096xf32, #tpu.memory_space<vmem>>, vector<16xf32>,
    %get3A_121 = arith.constant 656 : index
    %get3A_122 = tpu.vector_load %arg5[%get3A_121] {strides = array<i32>} : memref<4096xf32, #tpu.memory_space<vmem>>, vector<16xf32>,
    %get3A_123 = arith.constant 672 : index
    %get3A_124 = tpu.vector_load %arg5[%get3A_123] {strides = array<i32>} : memref<4096xf32, #tpu.memory_space<vmem>>, vector<16xf32>,
    %get3A_125 = arith.constant 688 : index
    %get3A_126 = tpu.vector_load %arg5[%get3A_125] {strides = array<i32>} : memref<4096xf32, #tpu.memory_space<vmem>>, vector<16xf32>,
    %get3A_127 = arith.constant 704 : index
    %get3A_128 = tpu.vector_load %arg5[%get3A_127] {strides = array<i32>} : memref<4096xf32, #tpu.memory_space<vmem>>, vector<16xf32>,
    %get3A_129 = arith.constant 720 : index
    %get3A_130 = tpu.vector_load %arg5[%get3A_129] {strides = array<i32>} : memref<4096xf32, #tpu.memory_space<vmem>>, vector<16xf32>,
    %get3A_131 = arith.constant 736 : index
    %get3A_132 = tpu.vector_load %arg5[%get3A_131] {strides = array<i32>} : memref<4096xf32, #tpu.memory_space<vmem>>, vector<16xf32>,
    %get3A_133 = arith.constant 752 : index
    %get3A_134 = tpu.vector_load %arg5[%get3A_133] {strides = array<i32>} : memref<4096xf32, #tpu.memory_space<vmem>>, vector<16xf32>,
    %scan3A = arith.constant 0 : i32
    %scan3A_135 = arith.constant 0 : i32
    %scan3A_136 = arith.constant 3 : i32
    %scan3A_137 = arith.addi %scan3A_135, %scan3A_136 : i32
    %scan3A_138 = arith.constant 1 : i32
    scf.for %scan3A_688 = %scan3A_135 to %scan3A_137 step %scan3A_138  : i32 {
      %add3A_689 = arith.constant 6 : i32
      %add3A_690 = arith.addi %add3A_689, %scan3A_688 : i32
      %mul3A_691 = arith.constant 128 : i32
      %mul3A_692 = arith.muli %scan3A_688, %mul3A_691 : i32
      %add3A_693 = vector.broadcast %mul3A_692 : i32 to vector<16xi32>
      %add3A_694 = arith.addi %add3A_693, %add3A_3 : vector<16xi32>
      %gather3A = tpu.vector_load_idx %arg6[%add3A_694] : memref<31104xf32, #tpu.memory_space<vmem>>[vector<16xi32>], vector<16xf32>,
      %add3A_695 = arith.addf %gather3A, %get3A_120 : vector<16xf32>
      %mul3A_696 = arith.constant 128 : i32
      %mul3A_697 = arith.muli %add3A_690, %mul3A_696 : i32
      %add3A_698 = vector.broadcast %mul3A_697 : i32 to vector<16xi32>
      %add3A_699 = arith.addi %add3A_698, %add3A_3 : vector<16xi32>
      tpu.vector_store_idx %arg6[%add3A_699], %add3A_695 : memref<31104xf32, #tpu.memory_space<vmem>>[vector<16xi32>], vector<16xf32>,
      %mul3A_700 = arith.constant 128 : i32
      %mul3A_701 = arith.muli %scan3A_688, %mul3A_700 : i32
      %add3A_702 = vector.broadcast %mul3A_701 : i32 to vector<16xi32>
      %add3A_703 = arith.addi %add3A_702, %add3A_6 : vector<16xi32>
      %gather3A_704 = tpu.vector_load_idx %arg6[%add3A_703] : memref<31104xf32, #tpu.memory_space<vmem>>[vector<16xi32>], vector<16xf32>,
      %add3A_705 = arith.addf %gather3A_704, %get3A_122 : vector<16xf32>
      %mul3A_706 = arith.constant 128 : i32
      %mul3A_707 = arith.muli %add3A_690, %mul3A_706 : i32
      %add3A_708 = vector.broadcast %mul3A_707 : i32 to vector<16xi32>
      %add3A_709 = arith.addi %add3A_708, %add3A_6 : vector<16xi32>
      tpu.vector_store_idx %arg6[%add3A_709], %add3A_705 : memref<31104xf32, #tpu.memory_space<vmem>>[vector<16xi32>], vector<16xf32>,
      %mul3A_710 = arith.constant 128 : i32
      %mul3A_711 = arith.muli %scan3A_688, %mul3A_710 : i32
      %add3A_712 = vector.broadcast %mul3A_711 : i32 to vector<16xi32>
      %add3A_713 = arith.addi %add3A_712, %add3A_9 : vector<16xi32>
      %gather3A_714 = tpu.vector_load_idx %arg6[%add3A_713] : memref<31104xf32, #tpu.memory_space<vmem>>[vector<16xi32>], vector<16xf32>,
      %add3A_715 = arith.addf %gather3A_714, %get3A_124 : vector<16xf32>
      %mul3A_716 = arith.constant 128 : i32
      %mul3A_717 = arith.muli %add3A_690, %mul3A_716 : i32
      %add3A_718 = vector.broadcast %mul3A_717 : i32 to vector<16xi32>
      %add3A_719 = arith.addi %add3A_718, %add3A_9 : vector<16xi32>
      tpu.vector_store_idx %arg6[%add3A_719], %add3A_715 : memref<31104xf32, #tpu.memory_space<vmem>>[vector<16xi32>], vector<16xf32>,
      %mul3A_720 = arith.constant 128 : i32
      %mul3A_721 = arith.muli %scan3A_688, %mul3A_720 : i32
      %add3A_722 = vector.broadcast %mul3A_721 : i32 to vector<16xi32>
      %add3A_723 = arith.addi %add3A_722, %add3A_12 : vector<16xi32>
      %gather3A_724 = tpu.vector_load_idx %arg6[%add3A_723] : memref<31104xf32, #tpu.memory_space<vmem>>[vector<16xi32>], vector<16xf32>,
      %add3A_725 = arith.addf %gather3A_724, %get3A_126 : vector<16xf32>
      %mul3A_726 = arith.constant 128 : i32
      %mul3A_727 = arith.muli %add3A_690, %mul3A_726 : i32
      %add3A_728 = vector.broadcast %mul3A_727 : i32 to vector<16xi32>
      %add3A_729 = arith.addi %add3A_728, %add3A_12 : vector<16xi32>
      tpu.vector_store_idx %arg6[%add3A_729], %add3A_725 : memref<31104xf32, #tpu.memory_space<vmem>>[vector<16xi32>], vector<16xf32>,
      %mul3A_730 = arith.constant 128 : i32
      %mul3A_731 = arith.muli %scan3A_688, %mul3A_730 : i32
      %add3A_732 = vector.broadcast %mul3A_731 : i32 to vector<16xi32>
      %add3A_733 = arith.addi %add3A_732, %add3A_15 : vector<16xi32>
      %gather3A_734 = tpu.vector_load_idx %arg6[%add3A_733] : memref<31104xf32, #tpu.memory_space<vmem>>[vector<16xi32>], vector<16xf32>,
      %add3A_735 = arith.addf %gather3A_734, %get3A_128 : vector<16xf32>
      %mul3A_736 = arith.constant 128 : i32
      %mul3A_737 = arith.muli %add3A_690, %mul3A_736 : i32
      %add3A_738 = vector.broadcast %mul3A_737 : i32 to vector<16xi32>
      %add3A_739 = arith.addi %add3A_738, %add3A_15 : vector<16xi32>
      tpu.vector_store_idx %arg6[%add3A_739], %add3A_735 : memref<31104xf32, #tpu.memory_space<vmem>>[vector<16xi32>], vector<16xf32>,
      %mul3A_740 = arith.constant 128 : i32
      %mul3A_741 = arith.muli %scan3A_688, %mul3A_740 : i32
      %add3A_742 = vector.broadcast %mul3A_741 : i32 to vector<16xi32>
      %add3A_743 = arith.addi %add3A_742, %add3A_18 : vector<16xi32>
      %gather3A_744 = tpu.vector_load_idx %arg6[%add3A_743] : memref<31104xf32, #tpu.memory_space<vmem>>[vector<16xi32>], vector<16xf32>,
      %add3A_745 = arith.addf %gather3A_744, %get3A_130 : vector<16xf32>
      %mul3A_746 = arith.constant 128 : i32
      %mul3A_747 = arith.muli %add3A_690, %mul3A_746 : i32
      %add3A_748 = vector.broadcast %mul3A_747 : i32 to vector<16xi32>
      %add3A_749 = arith.addi %add3A_748, %add3A_18 : vector<16xi32>
      tpu.vector_store_idx %arg6[%add3A_749], %add3A_745 : memref<31104xf32, #tpu.memory_space<vmem>>[vector<16xi32>], vector<16xf32>,
      %mul3A_750 = arith.constant 128 : i32
      %mul3A_751 = arith.muli %scan3A_688, %mul3A_750 : i32
      %add3A_752 = vector.broadcast %mul3A_751 : i32 to vector<16xi32>
      %add3A_753 = arith.addi %add3A_752, %add3A_21 : vector<16xi32>
      %gather3A_754 = tpu.vector_load_idx %arg6[%add3A_753] : memref<31104xf32, #tpu.memory_space<vmem>>[vector<16xi32>], vector<16xf32>,
      %add3A_755 = arith.addf %gather3A_754, %get3A_132 : vector<16xf32>
      %mul3A_756 = arith.constant 128 : i32
      %mul3A_757 = arith.muli %add3A_690, %mul3A_756 : i32
      %add3A_758 = vector.broadcast %mul3A_757 : i32 to vector<16xi32>
      %add3A_759 = arith.addi %add3A_758, %add3A_21 : vector<16xi32>
      tpu.vector_store_idx %arg6[%add3A_759], %add3A_755 : memref<31104xf32, #tpu.memory_space<vmem>>[vector<16xi32>], vector<16xf32>,
      %mul3A_760 = arith.constant 128 : i32
      %mul3A_761 = arith.muli %scan3A_688, %mul3A_760 : i32
      %add3A_762 = vector.broadcast %mul3A_761 : i32 to vector<16xi32>
      %add3A_763 = arith.addi %add3A_762, %add3A_24 : vector<16xi32>
      %gather3A_764 = tpu.vector_load_idx %arg6[%add3A_763] : memref<31104xf32, #tpu.memory_space<vmem>>[vector<16xi32>], vector<16xf32>,
      %add3A_765 = arith.addf %gather3A_764, %get3A_134 : vector<16xf32>
      %mul3A_766 = arith.constant 128 : i32
      %mul3A_767 = arith.muli %add3A_690, %mul3A_766 : i32
      %add3A_768 = vector.broadcast %mul3A_767 : i32 to vector<16xi32>
      %add3A_769 = arith.addi %add3A_768, %add3A_24 : vector<16xi32>
      tpu.vector_store_idx %arg6[%add3A_769], %add3A_765 : memref<31104xf32, #tpu.memory_space<vmem>>[vector<16xi32>], vector<16xf32>,
    }
    %scan3A_139 = arith.constant 3 : i32
    %get3A_140 = arith.constant 512 : index
    %get3A_141 = tpu.vector_load %arg5[%get3A_140] {strides = array<i32>} : memref<4096xf32, #tpu.memory_space<vmem>>, vector<16xf32>,
    %get3A_142 = arith.constant 528 : index
    %get3A_143 = tpu.vector_load %arg5[%get3A_142] {strides = array<i32>} : memref<4096xf32, #tpu.memory_space<vmem>>, vector<16xf32>,
    %get3A_144 = arith.constant 544 : index
    %get3A_145 = tpu.vector_load %arg5[%get3A_144] {strides = array<i32>} : memref<4096xf32, #tpu.memory_space<vmem>>, vector<16xf32>,
    %get3A_146 = arith.constant 560 : index
    %get3A_147 = tpu.vector_load %arg5[%get3A_146] {strides = array<i32>} : memref<4096xf32, #tpu.memory_space<vmem>>, vector<16xf32>,
    %get3A_148 = arith.constant 576 : index
    %get3A_149 = tpu.vector_load %arg5[%get3A_148] {strides = array<i32>} : memref<4096xf32, #tpu.memory_space<vmem>>, vector<16xf32>,
    %get3A_150 = arith.constant 592 : index
    %get3A_151 = tpu.vector_load %arg5[%get3A_150] {strides = array<i32>} : memref<4096xf32, #tpu.memory_space<vmem>>, vector<16xf32>,
    %get3A_152 = arith.constant 608 : index
    %get3A_153 = tpu.vector_load %arg5[%get3A_152] {strides = array<i32>} : memref<4096xf32, #tpu.memory_space<vmem>>, vector<16xf32>,
    %get3A_154 = arith.constant 624 : index
    %get3A_155 = tpu.vector_load %arg5[%get3A_154] {strides = array<i32>} : memref<4096xf32, #tpu.memory_space<vmem>>, vector<16xf32>,
    %scan3A_156 = arith.constant 0 : i32
    %scan3A_157 = arith.constant 0 : i32
    %scan3A_158 = arith.constant 3 : i32
    %scan3A_159 = arith.addi %scan3A_157, %scan3A_158 : i32
    %scan3A_160 = arith.constant 1 : i32
    scf.for %scan3A_688 = %scan3A_157 to %scan3A_159 step %scan3A_160  : i32 {
      %add3A_689 = arith.constant 3 : i32
      %add3A_690 = arith.addi %add3A_689, %scan3A_688 : i32
      %mul3A_691 = arith.constant 128 : i32
      %mul3A_692 = arith.muli %scan3A_688, %mul3A_691 : i32
      %add3A_693 = vector.broadcast %mul3A_692 : i32 to vector<16xi32>
      %add3A_694 = arith.addi %add3A_693, %add3A_3 : vector<16xi32>
      %gather3A = tpu.vector_load_idx %arg6[%add3A_694] : memref<31104xf32, #tpu.memory_space<vmem>>[vector<16xi32>], vector<16xf32>,
      %add3A_695 = arith.addf %gather3A, %get3A_141 : vector<16xf32>
      %mul3A_696 = arith.constant 128 : i32
      %mul3A_697 = arith.muli %add3A_690, %mul3A_696 : i32
      %add3A_698 = vector.broadcast %mul3A_697 : i32 to vector<16xi32>
      %add3A_699 = arith.addi %add3A_698, %add3A_3 : vector<16xi32>
      tpu.vector_store_idx %arg6[%add3A_699], %add3A_695 : memref<31104xf32, #tpu.memory_space<vmem>>[vector<16xi32>], vector<16xf32>,
      %mul3A_700 = arith.constant 128 : i32
      %mul3A_701 = arith.muli %scan3A_688, %mul3A_700 : i32
      %add3A_702 = vector.broadcast %mul3A_701 : i32 to vector<16xi32>
      %add3A_703 = arith.addi %add3A_702, %add3A_6 : vector<16xi32>
      %gather3A_704 = tpu.vector_load_idx %arg6[%add3A_703] : memref<31104xf32, #tpu.memory_space<vmem>>[vector<16xi32>], vector<16xf32>,
      %add3A_705 = arith.addf %gather3A_704, %get3A_143 : vector<16xf32>
      %mul3A_706 = arith.constant 128 : i32
      %mul3A_707 = arith.muli %add3A_690, %mul3A_706 : i32
      %add3A_708 = vector.broadcast %mul3A_707 : i32 to vector<16xi32>
      %add3A_709 = arith.addi %add3A_708, %add3A_6 : vector<16xi32>
      tpu.vector_store_idx %arg6[%add3A_709], %add3A_705 : memref<31104xf32, #tpu.memory_space<vmem>>[vector<16xi32>], vector<16xf32>,
      %mul3A_710 = arith.constant 128 : i32
      %mul3A_711 = arith.muli %scan3A_688, %mul3A_710 : i32
      %add3A_712 = vector.broadcast %mul3A_711 : i32 to vector<16xi32>
      %add3A_713 = arith.addi %add3A_712, %add3A_9 : vector<16xi32>
      %gather3A_714 = tpu.vector_load_idx %arg6[%add3A_713] : memref<31104xf32, #tpu.memory_space<vmem>>[vector<16xi32>], vector<16xf32>,
      %add3A_715 = arith.addf %gather3A_714, %get3A_145 : vector<16xf32>
      %mul3A_716 = arith.constant 128 : i32
      %mul3A_717 = arith.muli %add3A_690, %mul3A_716 : i32
      %add3A_718 = vector.broadcast %mul3A_717 : i32 to vector<16xi32>
      %add3A_719 = arith.addi %add3A_718, %add3A_9 : vector<16xi32>
      tpu.vector_store_idx %arg6[%add3A_719], %add3A_715 : memref<31104xf32, #tpu.memory_space<vmem>>[vector<16xi32>], vector<16xf32>,
      %mul3A_720 = arith.constant 128 : i32
      %mul3A_721 = arith.muli %scan3A_688, %mul3A_720 : i32
      %add3A_722 = vector.broadcast %mul3A_721 : i32 to vector<16xi32>
      %add3A_723 = arith.addi %add3A_722, %add3A_12 : vector<16xi32>
      %gather3A_724 = tpu.vector_load_idx %arg6[%add3A_723] : memref<31104xf32, #tpu.memory_space<vmem>>[vector<16xi32>], vector<16xf32>,
      %add3A_725 = arith.addf %gather3A_724, %get3A_147 : vector<16xf32>
      %mul3A_726 = arith.constant 128 : i32
      %mul3A_727 = arith.muli %add3A_690, %mul3A_726 : i32
      %add3A_728 = vector.broadcast %mul3A_727 : i32 to vector<16xi32>
      %add3A_729 = arith.addi %add3A_728, %add3A_12 : vector<16xi32>
      tpu.vector_store_idx %arg6[%add3A_729], %add3A_725 : memref<31104xf32, #tpu.memory_space<vmem>>[vector<16xi32>], vector<16xf32>,
      %mul3A_730 = arith.constant 128 : i32
      %mul3A_731 = arith.muli %scan3A_688, %mul3A_730 : i32
      %add3A_732 = vector.broadcast %mul3A_731 : i32 to vector<16xi32>
      %add3A_733 = arith.addi %add3A_732, %add3A_15 : vector<16xi32>
      %gather3A_734 = tpu.vector_load_idx %arg6[%add3A_733] : memref<31104xf32, #tpu.memory_space<vmem>>[vector<16xi32>], vector<16xf32>,
      %add3A_735 = arith.addf %gather3A_734, %get3A_149 : vector<16xf32>
      %mul3A_736 = arith.constant 128 : i32
      %mul3A_737 = arith.muli %add3A_690, %mul3A_736 : i32
      %add3A_738 = vector.broadcast %mul3A_737 : i32 to vector<16xi32>
      %add3A_739 = arith.addi %add3A_738, %add3A_15 : vector<16xi32>
      tpu.vector_store_idx %arg6[%add3A_739], %add3A_735 : memref<31104xf32, #tpu.memory_space<vmem>>[vector<16xi32>], vector<16xf32>,
      %mul3A_740 = arith.constant 128 : i32
      %mul3A_741 = arith.muli %scan3A_688, %mul3A_740 : i32
      %add3A_742 = vector.broadcast %mul3A_741 : i32 to vector<16xi32>
      %add3A_743 = arith.addi %add3A_742, %add3A_18 : vector<16xi32>
      %gather3A_744 = tpu.vector_load_idx %arg6[%add3A_743] : memref<31104xf32, #tpu.memory_space<vmem>>[vector<16xi32>], vector<16xf32>,
      %add3A_745 = arith.addf %gather3A_744, %get3A_151 : vector<16xf32>
      %mul3A_746 = arith.constant 128 : i32
      %mul3A_747 = arith.muli %add3A_690, %mul3A_746 : i32
      %add3A_748 = vector.broadcast %mul3A_747 : i32 to vector<16xi32>
      %add3A_749 = arith.addi %add3A_748, %add3A_18 : vector<16xi32>
      tpu.vector_store_idx %arg6[%add3A_749], %add3A_745 : memref<31104xf32, #tpu.memory_space<vmem>>[vector<16xi32>], vector<16xf32>,
      %mul3A_750 = arith.constant 128 : i32
      %mul3A_751 = arith.muli %scan3A_688, %mul3A_750 : i32
      %add3A_752 = vector.broadcast %mul3A_751 : i32 to vector<16xi32>
      %add3A_753 = arith.addi %add3A_752, %add3A_21 : vector<16xi32>
      %gather3A_754 = tpu.vector_load_idx %arg6[%add3A_753] : memref<31104xf32, #tpu.memory_space<vmem>>[vector<16xi32>], vector<16xf32>,
      %add3A_755 = arith.addf %gather3A_754, %get3A_153 : vector<16xf32>
      %mul3A_756 = arith.constant 128 : i32
      %mul3A_757 = arith.muli %add3A_690, %mul3A_756 : i32
      %add3A_758 = vector.broadcast %mul3A_757 : i32 to vector<16xi32>
      %add3A_759 = arith.addi %add3A_758, %add3A_21 : vector<16xi32>
      tpu.vector_store_idx %arg6[%add3A_759], %add3A_755 : memref<31104xf32, #tpu.memory_space<vmem>>[vector<16xi32>], vector<16xf32>,
      %mul3A_760 = arith.constant 128 : i32
      %mul3A_761 = arith.muli %scan3A_688, %mul3A_760 : i32
      %add3A_762 = vector.broadcast %mul3A_761 : i32 to vector<16xi32>
      %add3A_763 = arith.addi %add3A_762, %add3A_24 : vector<16xi32>
      %gather3A_764 = tpu.vector_load_idx %arg6[%add3A_763] : memref<31104xf32, #tpu.memory_space<vmem>>[vector<16xi32>], vector<16xf32>,
      %add3A_765 = arith.addf %gather3A_764, %get3A_155 : vector<16xf32>
      %mul3A_766 = arith.constant 128 : i32
      %mul3A_767 = arith.muli %add3A_690, %mul3A_766 : i32
      %add3A_768 = vector.broadcast %mul3A_767 : i32 to vector<16xi32>
      %add3A_769 = arith.addi %add3A_768, %add3A_24 : vector<16xi32>
      tpu.vector_store_idx %arg6[%add3A_769], %add3A_765 : memref<31104xf32, #tpu.memory_space<vmem>>[vector<16xi32>], vector<16xf32>,
    }
    %scan3A_161 = arith.constant 3 : i32
    %get3A_162 = arith.constant 384 : index
    %get3A_163 = tpu.vector_load %arg5[%get3A_162] {strides = array<i32>} : memref<4096xf32, #tpu.memory_space<vmem>>, vector<16xf32>,
    %get3A_164 = arith.constant 400 : index
    %get3A_165 = tpu.vector_load %arg5[%get3A_164] {strides = array<i32>} : memref<4096xf32, #tpu.memory_space<vmem>>, vector<16xf32>,
    %get3A_166 = arith.constant 416 : index
    %get3A_167 = tpu.vector_load %arg5[%get3A_166] {strides = array<i32>} : memref<4096xf32, #tpu.memory_space<vmem>>, vector<16xf32>,
    %get3A_168 = arith.constant 432 : index
    %get3A_169 = tpu.vector_load %arg5[%get3A_168] {strides = array<i32>} : memref<4096xf32, #tpu.memory_space<vmem>>, vector<16xf32>,
    %get3A_170 = arith.constant 448 : index
    %get3A_171 = tpu.vector_load %arg5[%get3A_170] {strides = array<i32>} : memref<4096xf32, #tpu.memory_space<vmem>>, vector<16xf32>,
    %get3A_172 = arith.constant 464 : index
    %get3A_173 = tpu.vector_load %arg5[%get3A_172] {strides = array<i32>} : memref<4096xf32, #tpu.memory_space<vmem>>, vector<16xf32>,
    %get3A_174 = arith.constant 480 : index
    %get3A_175 = tpu.vector_load %arg5[%get3A_174] {strides = array<i32>} : memref<4096xf32, #tpu.memory_space<vmem>>, vector<16xf32>,
    %get3A_176 = arith.constant 496 : index
    %get3A_177 = tpu.vector_load %arg5[%get3A_176] {strides = array<i32>} : memref<4096xf32, #tpu.memory_space<vmem>>, vector<16xf32>,
    %scan3A_178 = arith.constant 0 : i32
    %scan3A_179 = arith.constant 0 : i32
    %scan3A_180 = arith.constant 3 : i32
    %scan3A_181 = arith.addi %scan3A_179, %scan3A_180 : i32
    %scan3A_182 = arith.constant 1 : i32
    scf.for %scan3A_688 = %scan3A_179 to %scan3A_181 step %scan3A_182  : i32 {
      %add3A_689 = arith.constant 0 : i32
      %add3A_690 = arith.addi %add3A_689, %scan3A_688 : i32
      %mul3A_691 = arith.constant 128 : i32
      %mul3A_692 = arith.muli %scan3A_688, %mul3A_691 : i32
      %add3A_693 = vector.broadcast %mul3A_692 : i32 to vector<16xi32>
      %add3A_694 = arith.addi %add3A_693, %add3A_3 : vector<16xi32>
      %gather3A = tpu.vector_load_idx %arg6[%add3A_694] : memref<31104xf32, #tpu.memory_space<vmem>>[vector<16xi32>], vector<16xf32>,
      %add3A_695 = arith.addf %gather3A, %get3A_163 : vector<16xf32>
      %mul3A_696 = arith.constant 128 : i32
      %mul3A_697 = arith.muli %add3A_690, %mul3A_696 : i32
      %add3A_698 = vector.broadcast %mul3A_697 : i32 to vector<16xi32>
      %add3A_699 = arith.addi %add3A_698, %add3A_3 : vector<16xi32>
      tpu.vector_store_idx %arg6[%add3A_699], %add3A_695 : memref<31104xf32, #tpu.memory_space<vmem>>[vector<16xi32>], vector<16xf32>,
      %mul3A_700 = arith.constant 128 : i32
      %mul3A_701 = arith.muli %scan3A_688, %mul3A_700 : i32
      %add3A_702 = vector.broadcast %mul3A_701 : i32 to vector<16xi32>
      %add3A_703 = arith.addi %add3A_702, %add3A_6 : vector<16xi32>
      %gather3A_704 = tpu.vector_load_idx %arg6[%add3A_703] : memref<31104xf32, #tpu.memory_space<vmem>>[vector<16xi32>], vector<16xf32>,
      %add3A_705 = arith.addf %gather3A_704, %get3A_165 : vector<16xf32>
      %mul3A_706 = arith.constant 128 : i32
      %mul3A_707 = arith.muli %add3A_690, %mul3A_706 : i32
      %add3A_708 = vector.broadcast %mul3A_707 : i32 to vector<16xi32>
      %add3A_709 = arith.addi %add3A_708, %add3A_6 : vector<16xi32>
      tpu.vector_store_idx %arg6[%add3A_709], %add3A_705 : memref<31104xf32, #tpu.memory_space<vmem>>[vector<16xi32>], vector<16xf32>,
      %mul3A_710 = arith.constant 128 : i32
      %mul3A_711 = arith.muli %scan3A_688, %mul3A_710 : i32
      %add3A_712 = vector.broadcast %mul3A_711 : i32 to vector<16xi32>
      %add3A_713 = arith.addi %add3A_712, %add3A_9 : vector<16xi32>
      %gather3A_714 = tpu.vector_load_idx %arg6[%add3A_713] : memref<31104xf32, #tpu.memory_space<vmem>>[vector<16xi32>], vector<16xf32>,
      %add3A_715 = arith.addf %gather3A_714, %get3A_167 : vector<16xf32>
      %mul3A_716 = arith.constant 128 : i32
      %mul3A_717 = arith.muli %add3A_690, %mul3A_716 : i32
      %add3A_718 = vector.broadcast %mul3A_717 : i32 to vector<16xi32>
      %add3A_719 = arith.addi %add3A_718, %add3A_9 : vector<16xi32>
      tpu.vector_store_idx %arg6[%add3A_719], %add3A_715 : memref<31104xf32, #tpu.memory_space<vmem>>[vector<16xi32>], vector<16xf32>,
      %mul3A_720 = arith.constant 128 : i32
      %mul3A_721 = arith.muli %scan3A_688, %mul3A_720 : i32
      %add3A_722 = vector.broadcast %mul3A_721 : i32 to vector<16xi32>
      %add3A_723 = arith.addi %add3A_722, %add3A_12 : vector<16xi32>
      %gather3A_724 = tpu.vector_load_idx %arg6[%add3A_723] : memref<31104xf32, #tpu.memory_space<vmem>>[vector<16xi32>], vector<16xf32>,
      %add3A_725 = arith.addf %gather3A_724, %get3A_169 : vector<16xf32>
      %mul3A_726 = arith.constant 128 : i32
      %mul3A_727 = arith.muli %add3A_690, %mul3A_726 : i32
      %add3A_728 = vector.broadcast %mul3A_727 : i32 to vector<16xi32>
      %add3A_729 = arith.addi %add3A_728, %add3A_12 : vector<16xi32>
      tpu.vector_store_idx %arg6[%add3A_729], %add3A_725 : memref<31104xf32, #tpu.memory_space<vmem>>[vector<16xi32>], vector<16xf32>,
      %mul3A_730 = arith.constant 128 : i32
      %mul3A_731 = arith.muli %scan3A_688, %mul3A_730 : i32
      %add3A_732 = vector.broadcast %mul3A_731 : i32 to vector<16xi32>
      %add3A_733 = arith.addi %add3A_732, %add3A_15 : vector<16xi32>
      %gather3A_734 = tpu.vector_load_idx %arg6[%add3A_733] : memref<31104xf32, #tpu.memory_space<vmem>>[vector<16xi32>], vector<16xf32>,
      %add3A_735 = arith.addf %gather3A_734, %get3A_171 : vector<16xf32>
      %mul3A_736 = arith.constant 128 : i32
      %mul3A_737 = arith.muli %add3A_690, %mul3A_736 : i32
      %add3A_738 = vector.broadcast %mul3A_737 : i32 to vector<16xi32>
      %add3A_739 = arith.addi %add3A_738, %add3A_15 : vector<16xi32>
      tpu.vector_store_idx %arg6[%add3A_739], %add3A_735 : memref<31104xf32, #tpu.memory_space<vmem>>[vector<16xi32>], vector<16xf32>,
      %mul3A_740 = arith.constant 128 : i32
      %mul3A_741 = arith.muli %scan3A_688, %mul3A_740 : i32
      %add3A_742 = vector.broadcast %mul3A_741 : i32 to vector<16xi32>
      %add3A_743 = arith.addi %add3A_742, %add3A_18 : vector<16xi32>
      %gather3A_744 = tpu.vector_load_idx %arg6[%add3A_743] : memref<31104xf32, #tpu.memory_space<vmem>>[vector<16xi32>], vector<16xf32>,
      %add3A_745 = arith.addf %gather3A_744, %get3A_173 : vector<16xf32>
      %mul3A_746 = arith.constant 128 : i32
      %mul3A_747 = arith.muli %add3A_690, %mul3A_746 : i32
      %add3A_748 = vector.broadcast %mul3A_747 : i32 to vector<16xi32>
      %add3A_749 = arith.addi %add3A_748, %add3A_18 : vector<16xi32>
      tpu.vector_store_idx %arg6[%add3A_749], %add3A_745 : memref<31104xf32, #tpu.memory_space<vmem>>[vector<16xi32>], vector<16xf32>,
      %mul3A_750 = arith.constant 128 : i32
      %mul3A_751 = arith.muli %scan3A_688, %mul3A_750 : i32
      %add3A_752 = vector.broadcast %mul3A_751 : i32 to vector<16xi32>
      %add3A_753 = arith.addi %add3A_752, %add3A_21 : vector<16xi32>
      %gather3A_754 = tpu.vector_load_idx %arg6[%add3A_753] : memref<31104xf32, #tpu.memory_space<vmem>>[vector<16xi32>], vector<16xf32>,
      %add3A_755 = arith.addf %gather3A_754, %get3A_175 : vector<16xf32>
      %mul3A_756 = arith.constant 128 : i32
      %mul3A_757 = arith.muli %add3A_690, %mul3A_756 : i32
      %add3A_758 = vector.broadcast %mul3A_757 : i32 to vector<16xi32>
      %add3A_759 = arith.addi %add3A_758, %add3A_21 : vector<16xi32>
      tpu.vector_store_idx %arg6[%add3A_759], %add3A_755 : memref<31104xf32, #tpu.memory_space<vmem>>[vector<16xi32>], vector<16xf32>,
      %mul3A_760 = arith.constant 128 : i32
      %mul3A_761 = arith.muli %scan3A_688, %mul3A_760 : i32
      %add3A_762 = vector.broadcast %mul3A_761 : i32 to vector<16xi32>
      %add3A_763 = arith.addi %add3A_762, %add3A_24 : vector<16xi32>
      %gather3A_764 = tpu.vector_load_idx %arg6[%add3A_763] : memref<31104xf32, #tpu.memory_space<vmem>>[vector<16xi32>], vector<16xf32>,
      %add3A_765 = arith.addf %gather3A_764, %get3A_177 : vector<16xf32>
      %mul3A_766 = arith.constant 128 : i32
      %mul3A_767 = arith.muli %add3A_690, %mul3A_766 : i32
      %add3A_768 = vector.broadcast %mul3A_767 : i32 to vector<16xi32>
      %add3A_769 = arith.addi %add3A_768, %add3A_24 : vector<16xi32>
      tpu.vector_store_idx %arg6[%add3A_769], %add3A_765 : memref<31104xf32, #tpu.memory_space<vmem>>[vector<16xi32>], vector<16xf32>,
    }
    %scan3A_183 = arith.constant 3 : i32
    %get3A_184 = arith.constant 1024 : index
    %get3A_185 = tpu.vector_load %arg5[%get3A_184] {strides = array<i32>} : memref<4096xf32, #tpu.memory_space<vmem>>, vector<16xf32>,
    %get3A_186 = arith.constant 1040 : index
    %get3A_187 = tpu.vector_load %arg5[%get3A_186] {strides = array<i32>} : memref<4096xf32, #tpu.memory_space<vmem>>, vector<16xf32>,
    %get3A_188 = arith.constant 1056 : index
    %get3A_189 = tpu.vector_load %arg5[%get3A_188] {strides = array<i32>} : memref<4096xf32, #tpu.memory_space<vmem>>, vector<16xf32>,
    %get3A_190 = arith.constant 1072 : index
    %get3A_191 = tpu.vector_load %arg5[%get3A_190] {strides = array<i32>} : memref<4096xf32, #tpu.memory_space<vmem>>, vector<16xf32>,
    %get3A_192 = arith.constant 1088 : index
    %get3A_193 = tpu.vector_load %arg5[%get3A_192] {strides = array<i32>} : memref<4096xf32, #tpu.memory_space<vmem>>, vector<16xf32>,
    %get3A_194 = arith.constant 1104 : index
    %get3A_195 = tpu.vector_load %arg5[%get3A_194] {strides = array<i32>} : memref<4096xf32, #tpu.memory_space<vmem>>, vector<16xf32>,
    %get3A_196 = arith.constant 1120 : index
    %get3A_197 = tpu.vector_load %arg5[%get3A_196] {strides = array<i32>} : memref<4096xf32, #tpu.memory_space<vmem>>, vector<16xf32>,
    %get3A_198 = arith.constant 1136 : index
    %get3A_199 = tpu.vector_load %arg5[%get3A_198] {strides = array<i32>} : memref<4096xf32, #tpu.memory_space<vmem>>, vector<16xf32>,
    %scan3A_200 = arith.constant 0 : i32
    %scan3A_201 = arith.constant 0 : i32
    %scan3A_202 = arith.constant 9 : i32
    %scan3A_203 = arith.addi %scan3A_201, %scan3A_202 : i32
    %scan3A_204 = arith.constant 1 : i32
    scf.for %scan3A_688 = %scan3A_201 to %scan3A_203 step %scan3A_204  : i32 {
      %add3A_689 = arith.constant 18 : i32
      %add3A_690 = arith.addi %add3A_689, %scan3A_688 : i32
      %mul3A_691 = arith.constant 128 : i32
      %mul3A_692 = arith.muli %scan3A_688, %mul3A_691 : i32
      %add3A_693 = vector.broadcast %mul3A_692 : i32 to vector<16xi32>
      %add3A_694 = arith.addi %add3A_693, %add3A_3 : vector<16xi32>
      %gather3A = tpu.vector_load_idx %arg6[%add3A_694] : memref<31104xf32, #tpu.memory_space<vmem>>[vector<16xi32>], vector<16xf32>,
      %add3A_695 = arith.addf %gather3A, %get3A_185 : vector<16xf32>
      %mul3A_696 = arith.constant 128 : i32
      %mul3A_697 = arith.muli %add3A_690, %mul3A_696 : i32
      %add3A_698 = vector.broadcast %mul3A_697 : i32 to vector<16xi32>
      %add3A_699 = arith.addi %add3A_698, %add3A_3 : vector<16xi32>
      tpu.vector_store_idx %arg6[%add3A_699], %add3A_695 : memref<31104xf32, #tpu.memory_space<vmem>>[vector<16xi32>], vector<16xf32>,
      %mul3A_700 = arith.constant 128 : i32
      %mul3A_701 = arith.muli %scan3A_688, %mul3A_700 : i32
      %add3A_702 = vector.broadcast %mul3A_701 : i32 to vector<16xi32>
      %add3A_703 = arith.addi %add3A_702, %add3A_6 : vector<16xi32>
      %gather3A_704 = tpu.vector_load_idx %arg6[%add3A_703] : memref<31104xf32, #tpu.memory_space<vmem>>[vector<16xi32>], vector<16xf32>,
      %add3A_705 = arith.addf %gather3A_704, %get3A_187 : vector<16xf32>
      %mul3A_706 = arith.constant 128 : i32
      %mul3A_707 = arith.muli %add3A_690, %mul3A_706 : i32
      %add3A_708 = vector.broadcast %mul3A_707 : i32 to vector<16xi32>
      %add3A_709 = arith.addi %add3A_708, %add3A_6 : vector<16xi32>
      tpu.vector_store_idx %arg6[%add3A_709], %add3A_705 : memref<31104xf32, #tpu.memory_space<vmem>>[vector<16xi32>], vector<16xf32>,
      %mul3A_710 = arith.constant 128 : i32
      %mul3A_711 = arith.muli %scan3A_688, %mul3A_710 : i32
      %add3A_712 = vector.broadcast %mul3A_711 : i32 to vector<16xi32>
      %add3A_713 = arith.addi %add3A_712, %add3A_9 : vector<16xi32>
      %gather3A_714 = tpu.vector_load_idx %arg6[%add3A_713] : memref<31104xf32, #tpu.memory_space<vmem>>[vector<16xi32>], vector<16xf32>,
      %add3A_715 = arith.addf %gather3A_714, %get3A_189 : vector<16xf32>
      %mul3A_716 = arith.constant 128 : i32
      %mul3A_717 = arith.muli %add3A_690, %mul3A_716 : i32
      %add3A_718 = vector.broadcast %mul3A_717 : i32 to vector<16xi32>
      %add3A_719 = arith.addi %add3A_718, %add3A_9 : vector<16xi32>
      tpu.vector_store_idx %arg6[%add3A_719], %add3A_715 : memref<31104xf32, #tpu.memory_space<vmem>>[vector<16xi32>], vector<16xf32>,
      %mul3A_720 = arith.constant 128 : i32
      %mul3A_721 = arith.muli %scan3A_688, %mul3A_720 : i32
      %add3A_722 = vector.broadcast %mul3A_721 : i32 to vector<16xi32>
      %add3A_723 = arith.addi %add3A_722, %add3A_12 : vector<16xi32>
      %gather3A_724 = tpu.vector_load_idx %arg6[%add3A_723] : memref<31104xf32, #tpu.memory_space<vmem>>[vector<16xi32>], vector<16xf32>,
      %add3A_725 = arith.addf %gather3A_724, %get3A_191 : vector<16xf32>
      %mul3A_726 = arith.constant 128 : i32
      %mul3A_727 = arith.muli %add3A_690, %mul3A_726 : i32
      %add3A_728 = vector.broadcast %mul3A_727 : i32 to vector<16xi32>
      %add3A_729 = arith.addi %add3A_728, %add3A_12 : vector<16xi32>
      tpu.vector_store_idx %arg6[%add3A_729], %add3A_725 : memref<31104xf32, #tpu.memory_space<vmem>>[vector<16xi32>], vector<16xf32>,
      %mul3A_730 = arith.constant 128 : i32
      %mul3A_731 = arith.muli %scan3A_688, %mul3A_730 : i32
      %add3A_732 = vector.broadcast %mul3A_731 : i32 to vector<16xi32>
      %add3A_733 = arith.addi %add3A_732, %add3A_15 : vector<16xi32>
      %gather3A_734 = tpu.vector_load_idx %arg6[%add3A_733] : memref<31104xf32, #tpu.memory_space<vmem>>[vector<16xi32>], vector<16xf32>,
      %add3A_735 = arith.addf %gather3A_734, %get3A_193 : vector<16xf32>
      %mul3A_736 = arith.constant 128 : i32
      %mul3A_737 = arith.muli %add3A_690, %mul3A_736 : i32
      %add3A_738 = vector.broadcast %mul3A_737 : i32 to vector<16xi32>
      %add3A_739 = arith.addi %add3A_738, %add3A_15 : vector<16xi32>
      tpu.vector_store_idx %arg6[%add3A_739], %add3A_735 : memref<31104xf32, #tpu.memory_space<vmem>>[vector<16xi32>], vector<16xf32>,
      %mul3A_740 = arith.constant 128 : i32
      %mul3A_741 = arith.muli %scan3A_688, %mul3A_740 : i32
      %add3A_742 = vector.broadcast %mul3A_741 : i32 to vector<16xi32>
      %add3A_743 = arith.addi %add3A_742, %add3A_18 : vector<16xi32>
      %gather3A_744 = tpu.vector_load_idx %arg6[%add3A_743] : memref<31104xf32, #tpu.memory_space<vmem>>[vector<16xi32>], vector<16xf32>,
      %add3A_745 = arith.addf %gather3A_744, %get3A_195 : vector<16xf32>
      %mul3A_746 = arith.constant 128 : i32
      %mul3A_747 = arith.muli %add3A_690, %mul3A_746 : i32
      %add3A_748 = vector.broadcast %mul3A_747 : i32 to vector<16xi32>
      %add3A_749 = arith.addi %add3A_748, %add3A_18 : vector<16xi32>
      tpu.vector_store_idx %arg6[%add3A_749], %add3A_745 : memref<31104xf32, #tpu.memory_space<vmem>>[vector<16xi32>], vector<16xf32>,
      %mul3A_750 = arith.constant 128 : i32
      %mul3A_751 = arith.muli %scan3A_688, %mul3A_750 : i32
      %add3A_752 = vector.broadcast %mul3A_751 : i32 to vector<16xi32>
      %add3A_753 = arith.addi %add3A_752, %add3A_21 : vector<16xi32>
      %gather3A_754 = tpu.vector_load_idx %arg6[%add3A_753] : memref<31104xf32, #tpu.memory_space<vmem>>[vector<16xi32>], vector<16xf32>,
      %add3A_755 = arith.addf %gather3A_754, %get3A_197 : vector<16xf32>
      %mul3A_756 = arith.constant 128 : i32
      %mul3A_757 = arith.muli %add3A_690, %mul3A_756 : i32
      %add3A_758 = vector.broadcast %mul3A_757 : i32 to vector<16xi32>
      %add3A_759 = arith.addi %add3A_758, %add3A_21 : vector<16xi32>
      tpu.vector_store_idx %arg6[%add3A_759], %add3A_755 : memref<31104xf32, #tpu.memory_space<vmem>>[vector<16xi32>], vector<16xf32>,
      %mul3A_760 = arith.constant 128 : i32
      %mul3A_761 = arith.muli %scan3A_688, %mul3A_760 : i32
      %add3A_762 = vector.broadcast %mul3A_761 : i32 to vector<16xi32>
      %add3A_763 = arith.addi %add3A_762, %add3A_24 : vector<16xi32>
      %gather3A_764 = tpu.vector_load_idx %arg6[%add3A_763] : memref<31104xf32, #tpu.memory_space<vmem>>[vector<16xi32>], vector<16xf32>,
      %add3A_765 = arith.addf %gather3A_764, %get3A_199 : vector<16xf32>
      %mul3A_766 = arith.constant 128 : i32
      %mul3A_767 = arith.muli %add3A_690, %mul3A_766 : i32
      %add3A_768 = vector.broadcast %mul3A_767 : i32 to vector<16xi32>
      %add3A_769 = arith.addi %add3A_768, %add3A_24 : vector<16xi32>
      tpu.vector_store_idx %arg6[%add3A_769], %add3A_765 : memref<31104xf32, #tpu.memory_space<vmem>>[vector<16xi32>], vector<16xf32>,
    }
    %scan3A_205 = arith.constant 9 : i32
    %get3A_206 = arith.constant 896 : index
    %get3A_207 = tpu.vector_load %arg5[%get3A_206] {strides = array<i32>} : memref<4096xf32, #tpu.memory_space<vmem>>, vector<16xf32>,
    %get3A_208 = arith.constant 912 : index
    %get3A_209 = tpu.vector_load %arg5[%get3A_208] {strides = array<i32>} : memref<4096xf32, #tpu.memory_space<vmem>>, vector<16xf32>,
    %get3A_210 = arith.constant 928 : index
    %get3A_211 = tpu.vector_load %arg5[%get3A_210] {strides = array<i32>} : memref<4096xf32, #tpu.memory_space<vmem>>, vector<16xf32>,
    %get3A_212 = arith.constant 944 : index
    %get3A_213 = tpu.vector_load %arg5[%get3A_212] {strides = array<i32>} : memref<4096xf32, #tpu.memory_space<vmem>>, vector<16xf32>,
    %get3A_214 = arith.constant 960 : index
    %get3A_215 = tpu.vector_load %arg5[%get3A_214] {strides = array<i32>} : memref<4096xf32, #tpu.memory_space<vmem>>, vector<16xf32>,
    %get3A_216 = arith.constant 976 : index
    %get3A_217 = tpu.vector_load %arg5[%get3A_216] {strides = array<i32>} : memref<4096xf32, #tpu.memory_space<vmem>>, vector<16xf32>,
    %get3A_218 = arith.constant 992 : index
    %get3A_219 = tpu.vector_load %arg5[%get3A_218] {strides = array<i32>} : memref<4096xf32, #tpu.memory_space<vmem>>, vector<16xf32>,
    %get3A_220 = arith.constant 1008 : index
    %get3A_221 = tpu.vector_load %arg5[%get3A_220] {strides = array<i32>} : memref<4096xf32, #tpu.memory_space<vmem>>, vector<16xf32>,
    %scan3A_222 = arith.constant 0 : i32
    %scan3A_223 = arith.constant 0 : i32
    %scan3A_224 = arith.constant 9 : i32
    %scan3A_225 = arith.addi %scan3A_223, %scan3A_224 : i32
    %scan3A_226 = arith.constant 1 : i32
    scf.for %scan3A_688 = %scan3A_223 to %scan3A_225 step %scan3A_226  : i32 {
      %add3A_689 = arith.constant 9 : i32
      %add3A_690 = arith.addi %add3A_689, %scan3A_688 : i32
      %mul3A_691 = arith.constant 128 : i32
      %mul3A_692 = arith.muli %scan3A_688, %mul3A_691 : i32
      %add3A_693 = vector.broadcast %mul3A_692 : i32 to vector<16xi32>
      %add3A_694 = arith.addi %add3A_693, %add3A_3 : vector<16xi32>
      %gather3A = tpu.vector_load_idx %arg6[%add3A_694] : memref<31104xf32, #tpu.memory_space<vmem>>[vector<16xi32>], vector<16xf32>,
      %add3A_695 = arith.addf %gather3A, %get3A_207 : vector<16xf32>
      %mul3A_696 = arith.constant 128 : i32
      %mul3A_697 = arith.muli %add3A_690, %mul3A_696 : i32
      %add3A_698 = vector.broadcast %mul3A_697 : i32 to vector<16xi32>
      %add3A_699 = arith.addi %add3A_698, %add3A_3 : vector<16xi32>
      tpu.vector_store_idx %arg6[%add3A_699], %add3A_695 : memref<31104xf32, #tpu.memory_space<vmem>>[vector<16xi32>], vector<16xf32>,
      %mul3A_700 = arith.constant 128 : i32
      %mul3A_701 = arith.muli %scan3A_688, %mul3A_700 : i32
      %add3A_702 = vector.broadcast %mul3A_701 : i32 to vector<16xi32>
      %add3A_703 = arith.addi %add3A_702, %add3A_6 : vector<16xi32>
      %gather3A_704 = tpu.vector_load_idx %arg6[%add3A_703] : memref<31104xf32, #tpu.memory_space<vmem>>[vector<16xi32>], vector<16xf32>,
      %add3A_705 = arith.addf %gather3A_704, %get3A_209 : vector<16xf32>
      %mul3A_706 = arith.constant 128 : i32
      %mul3A_707 = arith.muli %add3A_690, %mul3A_706 : i32
      %add3A_708 = vector.broadcast %mul3A_707 : i32 to vector<16xi32>
      %add3A_709 = arith.addi %add3A_708, %add3A_6 : vector<16xi32>
      tpu.vector_store_idx %arg6[%add3A_709], %add3A_705 : memref<31104xf32, #tpu.memory_space<vmem>>[vector<16xi32>], vector<16xf32>,
      %mul3A_710 = arith.constant 128 : i32
      %mul3A_711 = arith.muli %scan3A_688, %mul3A_710 : i32
      %add3A_712 = vector.broadcast %mul3A_711 : i32 to vector<16xi32>
      %add3A_713 = arith.addi %add3A_712, %add3A_9 : vector<16xi32>
      %gather3A_714 = tpu.vector_load_idx %arg6[%add3A_713] : memref<31104xf32, #tpu.memory_space<vmem>>[vector<16xi32>], vector<16xf32>,
      %add3A_715 = arith.addf %gather3A_714, %get3A_211 : vector<16xf32>
      %mul3A_716 = arith.constant 128 : i32
      %mul3A_717 = arith.muli %add3A_690, %mul3A_716 : i32
      %add3A_718 = vector.broadcast %mul3A_717 : i32 to vector<16xi32>
      %add3A_719 = arith.addi %add3A_718, %add3A_9 : vector<16xi32>
      tpu.vector_store_idx %arg6[%add3A_719], %add3A_715 : memref<31104xf32, #tpu.memory_space<vmem>>[vector<16xi32>], vector<16xf32>,
      %mul3A_720 = arith.constant 128 : i32
      %mul3A_721 = arith.muli %scan3A_688, %mul3A_720 : i32
      %add3A_722 = vector.broadcast %mul3A_721 : i32 to vector<16xi32>
      %add3A_723 = arith.addi %add3A_722, %add3A_12 : vector<16xi32>
      %gather3A_724 = tpu.vector_load_idx %arg6[%add3A_723] : memref<31104xf32, #tpu.memory_space<vmem>>[vector<16xi32>], vector<16xf32>,
      %add3A_725 = arith.addf %gather3A_724, %get3A_213 : vector<16xf32>
      %mul3A_726 = arith.constant 128 : i32
      %mul3A_727 = arith.muli %add3A_690, %mul3A_726 : i32
      %add3A_728 = vector.broadcast %mul3A_727 : i32 to vector<16xi32>
      %add3A_729 = arith.addi %add3A_728, %add3A_12 : vector<16xi32>
      tpu.vector_store_idx %arg6[%add3A_729], %add3A_725 : memref<31104xf32, #tpu.memory_space<vmem>>[vector<16xi32>], vector<16xf32>,
      %mul3A_730 = arith.constant 128 : i32
      %mul3A_731 = arith.muli %scan3A_688, %mul3A_730 : i32
      %add3A_732 = vector.broadcast %mul3A_731 : i32 to vector<16xi32>
      %add3A_733 = arith.addi %add3A_732, %add3A_15 : vector<16xi32>
      %gather3A_734 = tpu.vector_load_idx %arg6[%add3A_733] : memref<31104xf32, #tpu.memory_space<vmem>>[vector<16xi32>], vector<16xf32>,
      %add3A_735 = arith.addf %gather3A_734, %get3A_215 : vector<16xf32>
      %mul3A_736 = arith.constant 128 : i32
      %mul3A_737 = arith.muli %add3A_690, %mul3A_736 : i32
      %add3A_738 = vector.broadcast %mul3A_737 : i32 to vector<16xi32>
      %add3A_739 = arith.addi %add3A_738, %add3A_15 : vector<16xi32>
      tpu.vector_store_idx %arg6[%add3A_739], %add3A_735 : memref<31104xf32, #tpu.memory_space<vmem>>[vector<16xi32>], vector<16xf32>,
      %mul3A_740 = arith.constant 128 : i32
      %mul3A_741 = arith.muli %scan3A_688, %mul3A_740 : i32
      %add3A_742 = vector.broadcast %mul3A_741 : i32 to vector<16xi32>
      %add3A_743 = arith.addi %add3A_742, %add3A_18 : vector<16xi32>
      %gather3A_744 = tpu.vector_load_idx %arg6[%add3A_743] : memref<31104xf32, #tpu.memory_space<vmem>>[vector<16xi32>], vector<16xf32>,
      %add3A_745 = arith.addf %gather3A_744, %get3A_217 : vector<16xf32>
      %mul3A_746 = arith.constant 128 : i32
      %mul3A_747 = arith.muli %add3A_690, %mul3A_746 : i32
      %add3A_748 = vector.broadcast %mul3A_747 : i32 to vector<16xi32>
      %add3A_749 = arith.addi %add3A_748, %add3A_18 : vector<16xi32>
      tpu.vector_store_idx %arg6[%add3A_749], %add3A_745 : memref<31104xf32, #tpu.memory_space<vmem>>[vector<16xi32>], vector<16xf32>,
      %mul3A_750 = arith.constant 128 : i32
      %mul3A_751 = arith.muli %scan3A_688, %mul3A_750 : i32
      %add3A_752 = vector.broadcast %mul3A_751 : i32 to vector<16xi32>
      %add3A_753 = arith.addi %add3A_752, %add3A_21 : vector<16xi32>
      %gather3A_754 = tpu.vector_load_idx %arg6[%add3A_753] : memref<31104xf32, #tpu.memory_space<vmem>>[vector<16xi32>], vector<16xf32>,
      %add3A_755 = arith.addf %gather3A_754, %get3A_219 : vector<16xf32>
      %mul3A_756 = arith.constant 128 : i32
      %mul3A_757 = arith.muli %add3A_690, %mul3A_756 : i32
      %add3A_758 = vector.broadcast %mul3A_757 : i32 to vector<16xi32>
      %add3A_759 = arith.addi %add3A_758, %add3A_21 : vector<16xi32>
      tpu.vector_store_idx %arg6[%add3A_759], %add3A_755 : memref<31104xf32, #tpu.memory_space<vmem>>[vector<16xi32>], vector<16xf32>,
      %mul3A_760 = arith.constant 128 : i32
      %mul3A_761 = arith.muli %scan3A_688, %mul3A_760 : i32
      %add3A_762 = vector.broadcast %mul3A_761 : i32 to vector<16xi32>
      %add3A_763 = arith.addi %add3A_762, %add3A_24 : vector<16xi32>
      %gather3A_764 = tpu.vector_load_idx %arg6[%add3A_763] : memref<31104xf32, #tpu.memory_space<vmem>>[vector<16xi32>], vector<16xf32>,
      %add3A_765 = arith.addf %gather3A_764, %get3A_221 : vector<16xf32>
      %mul3A_766 = arith.constant 128 : i32
      %mul3A_767 = arith.muli %add3A_690, %mul3A_766 : i32
      %add3A_768 = vector.broadcast %mul3A_767 : i32 to vector<16xi32>
      %add3A_769 = arith.addi %add3A_768, %add3A_24 : vector<16xi32>
      tpu.vector_store_idx %arg6[%add3A_769], %add3A_765 : memref<31104xf32, #tpu.memory_space<vmem>>[vector<16xi32>], vector<16xf32>,
    }
    %scan3A_227 = arith.constant 9 : i32
    %get3A_228 = arith.constant 768 : index
    %get3A_229 = tpu.vector_load %arg5[%get3A_228] {strides = array<i32>} : memref<4096xf32, #tpu.memory_space<vmem>>, vector<16xf32>,
    %get3A_230 = arith.constant 784 : index
    %get3A_231 = tpu.vector_load %arg5[%get3A_230] {strides = array<i32>} : memref<4096xf32, #tpu.memory_space<vmem>>, vector<16xf32>,
    %get3A_232 = arith.constant 800 : index
    %get3A_233 = tpu.vector_load %arg5[%get3A_232] {strides = array<i32>} : memref<4096xf32, #tpu.memory_space<vmem>>, vector<16xf32>,
    %get3A_234 = arith.constant 816 : index
    %get3A_235 = tpu.vector_load %arg5[%get3A_234] {strides = array<i32>} : memref<4096xf32, #tpu.memory_space<vmem>>, vector<16xf32>,
    %get3A_236 = arith.constant 832 : index
    %get3A_237 = tpu.vector_load %arg5[%get3A_236] {strides = array<i32>} : memref<4096xf32, #tpu.memory_space<vmem>>, vector<16xf32>,
    %get3A_238 = arith.constant 848 : index
    %get3A_239 = tpu.vector_load %arg5[%get3A_238] {strides = array<i32>} : memref<4096xf32, #tpu.memory_space<vmem>>, vector<16xf32>,
    %get3A_240 = arith.constant 864 : index
    %get3A_241 = tpu.vector_load %arg5[%get3A_240] {strides = array<i32>} : memref<4096xf32, #tpu.memory_space<vmem>>, vector<16xf32>,
    %get3A_242 = arith.constant 880 : index
    %get3A_243 = tpu.vector_load %arg5[%get3A_242] {strides = array<i32>} : memref<4096xf32, #tpu.memory_space<vmem>>, vector<16xf32>,
    %scan3A_244 = arith.constant 0 : i32
    %scan3A_245 = arith.constant 0 : i32
    %scan3A_246 = arith.constant 9 : i32
    %scan3A_247 = arith.addi %scan3A_245, %scan3A_246 : i32
    %scan3A_248 = arith.constant 1 : i32
    scf.for %scan3A_688 = %scan3A_245 to %scan3A_247 step %scan3A_248  : i32 {
      %add3A_689 = arith.constant 0 : i32
      %add3A_690 = arith.addi %add3A_689, %scan3A_688 : i32
      %mul3A_691 = arith.constant 128 : i32
      %mul3A_692 = arith.muli %scan3A_688, %mul3A_691 : i32
      %add3A_693 = vector.broadcast %mul3A_692 : i32 to vector<16xi32>
      %add3A_694 = arith.addi %add3A_693, %add3A_3 : vector<16xi32>
      %gather3A = tpu.vector_load_idx %arg6[%add3A_694] : memref<31104xf32, #tpu.memory_space<vmem>>[vector<16xi32>], vector<16xf32>,
      %add3A_695 = arith.addf %gather3A, %get3A_229 : vector<16xf32>
      %mul3A_696 = arith.constant 128 : i32
      %mul3A_697 = arith.muli %add3A_690, %mul3A_696 : i32
      %add3A_698 = vector.broadcast %mul3A_697 : i32 to vector<16xi32>
      %add3A_699 = arith.addi %add3A_698, %add3A_3 : vector<16xi32>
      tpu.vector_store_idx %arg6[%add3A_699], %add3A_695 : memref<31104xf32, #tpu.memory_space<vmem>>[vector<16xi32>], vector<16xf32>,
      %mul3A_700 = arith.constant 128 : i32
      %mul3A_701 = arith.muli %scan3A_688, %mul3A_700 : i32
      %add3A_702 = vector.broadcast %mul3A_701 : i32 to vector<16xi32>
      %add3A_703 = arith.addi %add3A_702, %add3A_6 : vector<16xi32>
      %gather3A_704 = tpu.vector_load_idx %arg6[%add3A_703] : memref<31104xf32, #tpu.memory_space<vmem>>[vector<16xi32>], vector<16xf32>,
      %add3A_705 = arith.addf %gather3A_704, %get3A_231 : vector<16xf32>
      %mul3A_706 = arith.constant 128 : i32
      %mul3A_707 = arith.muli %add3A_690, %mul3A_706 : i32
      %add3A_708 = vector.broadcast %mul3A_707 : i32 to vector<16xi32>
      %add3A_709 = arith.addi %add3A_708, %add3A_6 : vector<16xi32>
      tpu.vector_store_idx %arg6[%add3A_709], %add3A_705 : memref<31104xf32, #tpu.memory_space<vmem>>[vector<16xi32>], vector<16xf32>,
      %mul3A_710 = arith.constant 128 : i32
      %mul3A_711 = arith.muli %scan3A_688, %mul3A_710 : i32
      %add3A_712 = vector.broadcast %mul3A_711 : i32 to vector<16xi32>
      %add3A_713 = arith.addi %add3A_712, %add3A_9 : vector<16xi32>
      %gather3A_714 = tpu.vector_load_idx %arg6[%add3A_713] : memref<31104xf32, #tpu.memory_space<vmem>>[vector<16xi32>], vector<16xf32>,
      %add3A_715 = arith.addf %gather3A_714, %get3A_233 : vector<16xf32>
      %mul3A_716 = arith.constant 128 : i32
      %mul3A_717 = arith.muli %add3A_690, %mul3A_716 : i32
      %add3A_718 = vector.broadcast %mul3A_717 : i32 to vector<16xi32>
      %add3A_719 = arith.addi %add3A_718, %add3A_9 : vector<16xi32>
      tpu.vector_store_idx %arg6[%add3A_719], %add3A_715 : memref<31104xf32, #tpu.memory_space<vmem>>[vector<16xi32>], vector<16xf32>,
      %mul3A_720 = arith.constant 128 : i32
      %mul3A_721 = arith.muli %scan3A_688, %mul3A_720 : i32
      %add3A_722 = vector.broadcast %mul3A_721 : i32 to vector<16xi32>
      %add3A_723 = arith.addi %add3A_722, %add3A_12 : vector<16xi32>
      %gather3A_724 = tpu.vector_load_idx %arg6[%add3A_723] : memref<31104xf32, #tpu.memory_space<vmem>>[vector<16xi32>], vector<16xf32>,
      %add3A_725 = arith.addf %gather3A_724, %get3A_235 : vector<16xf32>
      %mul3A_726 = arith.constant 128 : i32
      %mul3A_727 = arith.muli %add3A_690, %mul3A_726 : i32
      %add3A_728 = vector.broadcast %mul3A_727 : i32 to vector<16xi32>
      %add3A_729 = arith.addi %add3A_728, %add3A_12 : vector<16xi32>
      tpu.vector_store_idx %arg6[%add3A_729], %add3A_725 : memref<31104xf32, #tpu.memory_space<vmem>>[vector<16xi32>], vector<16xf32>,
      %mul3A_730 = arith.constant 128 : i32
      %mul3A_731 = arith.muli %scan3A_688, %mul3A_730 : i32
      %add3A_732 = vector.broadcast %mul3A_731 : i32 to vector<16xi32>
      %add3A_733 = arith.addi %add3A_732, %add3A_15 : vector<16xi32>
      %gather3A_734 = tpu.vector_load_idx %arg6[%add3A_733] : memref<31104xf32, #tpu.memory_space<vmem>>[vector<16xi32>], vector<16xf32>,
      %add3A_735 = arith.addf %gather3A_734, %get3A_237 : vector<16xf32>
      %mul3A_736 = arith.constant 128 : i32
      %mul3A_737 = arith.muli %add3A_690, %mul3A_736 : i32
      %add3A_738 = vector.broadcast %mul3A_737 : i32 to vector<16xi32>
      %add3A_739 = arith.addi %add3A_738, %add3A_15 : vector<16xi32>
      tpu.vector_store_idx %arg6[%add3A_739], %add3A_735 : memref<31104xf32, #tpu.memory_space<vmem>>[vector<16xi32>], vector<16xf32>,
      %mul3A_740 = arith.constant 128 : i32
      %mul3A_741 = arith.muli %scan3A_688, %mul3A_740 : i32
      %add3A_742 = vector.broadcast %mul3A_741 : i32 to vector<16xi32>
      %add3A_743 = arith.addi %add3A_742, %add3A_18 : vector<16xi32>
      %gather3A_744 = tpu.vector_load_idx %arg6[%add3A_743] : memref<31104xf32, #tpu.memory_space<vmem>>[vector<16xi32>], vector<16xf32>,
      %add3A_745 = arith.addf %gather3A_744, %get3A_239 : vector<16xf32>
      %mul3A_746 = arith.constant 128 : i32
      %mul3A_747 = arith.muli %add3A_690, %mul3A_746 : i32
      %add3A_748 = vector.broadcast %mul3A_747 : i32 to vector<16xi32>
      %add3A_749 = arith.addi %add3A_748, %add3A_18 : vector<16xi32>
      tpu.vector_store_idx %arg6[%add3A_749], %add3A_745 : memref<31104xf32, #tpu.memory_space<vmem>>[vector<16xi32>], vector<16xf32>,
      %mul3A_750 = arith.constant 128 : i32
      %mul3A_751 = arith.muli %scan3A_688, %mul3A_750 : i32
      %add3A_752 = vector.broadcast %mul3A_751 : i32 to vector<16xi32>
      %add3A_753 = arith.addi %add3A_752, %add3A_21 : vector<16xi32>
      %gather3A_754 = tpu.vector_load_idx %arg6[%add3A_753] : memref<31104xf32, #tpu.memory_space<vmem>>[vector<16xi32>], vector<16xf32>,
      %add3A_755 = arith.addf %gather3A_754, %get3A_241 : vector<16xf32>
      %mul3A_756 = arith.constant 128 : i32
      %mul3A_757 = arith.muli %add3A_690, %mul3A_756 : i32
      %add3A_758 = vector.broadcast %mul3A_757 : i32 to vector<16xi32>
      %add3A_759 = arith.addi %add3A_758, %add3A_21 : vector<16xi32>
      tpu.vector_store_idx %arg6[%add3A_759], %add3A_755 : memref<31104xf32, #tpu.memory_space<vmem>>[vector<16xi32>], vector<16xf32>,
      %mul3A_760 = arith.constant 128 : i32
      %mul3A_761 = arith.muli %scan3A_688, %mul3A_760 : i32
      %add3A_762 = vector.broadcast %mul3A_761 : i32 to vector<16xi32>
      %add3A_763 = arith.addi %add3A_762, %add3A_24 : vector<16xi32>
      %gather3A_764 = tpu.vector_load_idx %arg6[%add3A_763] : memref<31104xf32, #tpu.memory_space<vmem>>[vector<16xi32>], vector<16xf32>,
      %add3A_765 = arith.addf %gather3A_764, %get3A_243 : vector<16xf32>
      %mul3A_766 = arith.constant 128 : i32
      %mul3A_767 = arith.muli %add3A_690, %mul3A_766 : i32
      %add3A_768 = vector.broadcast %mul3A_767 : i32 to vector<16xi32>
      %add3A_769 = arith.addi %add3A_768, %add3A_24 : vector<16xi32>
      tpu.vector_store_idx %arg6[%add3A_769], %add3A_765 : memref<31104xf32, #tpu.memory_space<vmem>>[vector<16xi32>], vector<16xf32>,
    }
    %scan3A_249 = arith.constant 9 : i32
    %get3A_250 = arith.constant 1408 : index
    %get3A_251 = tpu.vector_load %arg5[%get3A_250] {strides = array<i32>} : memref<4096xf32, #tpu.memory_space<vmem>>, vector<16xf32>,
    %get3A_252 = arith.constant 1424 : index
    %get3A_253 = tpu.vector_load %arg5[%get3A_252] {strides = array<i32>} : memref<4096xf32, #tpu.memory_space<vmem>>, vector<16xf32>,
    %get3A_254 = arith.constant 1440 : index
    %get3A_255 = tpu.vector_load %arg5[%get3A_254] {strides = array<i32>} : memref<4096xf32, #tpu.memory_space<vmem>>, vector<16xf32>,
    %get3A_256 = arith.constant 1456 : index
    %get3A_257 = tpu.vector_load %arg5[%get3A_256] {strides = array<i32>} : memref<4096xf32, #tpu.memory_space<vmem>>, vector<16xf32>,
    %get3A_258 = arith.constant 1472 : index
    %get3A_259 = tpu.vector_load %arg5[%get3A_258] {strides = array<i32>} : memref<4096xf32, #tpu.memory_space<vmem>>, vector<16xf32>,
    %get3A_260 = arith.constant 1488 : index
    %get3A_261 = tpu.vector_load %arg5[%get3A_260] {strides = array<i32>} : memref<4096xf32, #tpu.memory_space<vmem>>, vector<16xf32>,
    %get3A_262 = arith.constant 1504 : index
    %get3A_263 = tpu.vector_load %arg5[%get3A_262] {strides = array<i32>} : memref<4096xf32, #tpu.memory_space<vmem>>, vector<16xf32>,
    %get3A_264 = arith.constant 1520 : index
    %get3A_265 = tpu.vector_load %arg5[%get3A_264] {strides = array<i32>} : memref<4096xf32, #tpu.memory_space<vmem>>, vector<16xf32>,
    %scan3A_266 = arith.constant 0 : i32
    %scan3A_267 = arith.constant 0 : i32
    %scan3A_268 = arith.constant 27 : i32
    %scan3A_269 = arith.addi %scan3A_267, %scan3A_268 : i32
    %scan3A_270 = arith.constant 1 : i32
    scf.for %scan3A_688 = %scan3A_267 to %scan3A_269 step %scan3A_270  : i32 {
      %add3A_689 = arith.constant 54 : i32
      %add3A_690 = arith.addi %add3A_689, %scan3A_688 : i32
      %mul3A_691 = arith.constant 128 : i32
      %mul3A_692 = arith.muli %scan3A_688, %mul3A_691 : i32
      %add3A_693 = vector.broadcast %mul3A_692 : i32 to vector<16xi32>
      %add3A_694 = arith.addi %add3A_693, %add3A_3 : vector<16xi32>
      %gather3A = tpu.vector_load_idx %arg6[%add3A_694] : memref<31104xf32, #tpu.memory_space<vmem>>[vector<16xi32>], vector<16xf32>,
      %add3A_695 = arith.addf %gather3A, %get3A_251 : vector<16xf32>
      %mul3A_696 = arith.constant 128 : i32
      %mul3A_697 = arith.muli %add3A_690, %mul3A_696 : i32
      %add3A_698 = vector.broadcast %mul3A_697 : i32 to vector<16xi32>
      %add3A_699 = arith.addi %add3A_698, %add3A_3 : vector<16xi32>
      tpu.vector_store_idx %arg6[%add3A_699], %add3A_695 : memref<31104xf32, #tpu.memory_space<vmem>>[vector<16xi32>], vector<16xf32>,
      %mul3A_700 = arith.constant 128 : i32
      %mul3A_701 = arith.muli %scan3A_688, %mul3A_700 : i32
      %add3A_702 = vector.broadcast %mul3A_701 : i32 to vector<16xi32>
      %add3A_703 = arith.addi %add3A_702, %add3A_6 : vector<16xi32>
      %gather3A_704 = tpu.vector_load_idx %arg6[%add3A_703] : memref<31104xf32, #tpu.memory_space<vmem>>[vector<16xi32>], vector<16xf32>,
      %add3A_705 = arith.addf %gather3A_704, %get3A_253 : vector<16xf32>
      %mul3A_706 = arith.constant 128 : i32
      %mul3A_707 = arith.muli %add3A_690, %mul3A_706 : i32
      %add3A_708 = vector.broadcast %mul3A_707 : i32 to vector<16xi32>
      %add3A_709 = arith.addi %add3A_708, %add3A_6 : vector<16xi32>
      tpu.vector_store_idx %arg6[%add3A_709], %add3A_705 : memref<31104xf32, #tpu.memory_space<vmem>>[vector<16xi32>], vector<16xf32>,
      %mul3A_710 = arith.constant 128 : i32
      %mul3A_711 = arith.muli %scan3A_688, %mul3A_710 : i32
      %add3A_712 = vector.broadcast %mul3A_711 : i32 to vector<16xi32>
      %add3A_713 = arith.addi %add3A_712, %add3A_9 : vector<16xi32>
      %gather3A_714 = tpu.vector_load_idx %arg6[%add3A_713] : memref<31104xf32, #tpu.memory_space<vmem>>[vector<16xi32>], vector<16xf32>,
      %add3A_715 = arith.addf %gather3A_714, %get3A_255 : vector<16xf32>
      %mul3A_716 = arith.constant 128 : i32
      %mul3A_717 = arith.muli %add3A_690, %mul3A_716 : i32
      %add3A_718 = vector.broadcast %mul3A_717 : i32 to vector<16xi32>
      %add3A_719 = arith.addi %add3A_718, %add3A_9 : vector<16xi32>
      tpu.vector_store_idx %arg6[%add3A_719], %add3A_715 : memref<31104xf32, #tpu.memory_space<vmem>>[vector<16xi32>], vector<16xf32>,
      %mul3A_720 = arith.constant 128 : i32
      %mul3A_721 = arith.muli %scan3A_688, %mul3A_720 : i32
      %add3A_722 = vector.broadcast %mul3A_721 : i32 to vector<16xi32>
      %add3A_723 = arith.addi %add3A_722, %add3A_12 : vector<16xi32>
      %gather3A_724 = tpu.vector_load_idx %arg6[%add3A_723] : memref<31104xf32, #tpu.memory_space<vmem>>[vector<16xi32>], vector<16xf32>,
      %add3A_725 = arith.addf %gather3A_724, %get3A_257 : vector<16xf32>
      %mul3A_726 = arith.constant 128 : i32
      %mul3A_727 = arith.muli %add3A_690, %mul3A_726 : i32
      %add3A_728 = vector.broadcast %mul3A_727 : i32 to vector<16xi32>
      %add3A_729 = arith.addi %add3A_728, %add3A_12 : vector<16xi32>
      tpu.vector_store_idx %arg6[%add3A_729], %add3A_725 : memref<31104xf32, #tpu.memory_space<vmem>>[vector<16xi32>], vector<16xf32>,
      %mul3A_730 = arith.constant 128 : i32
      %mul3A_731 = arith.muli %scan3A_688, %mul3A_730 : i32
      %add3A_732 = vector.broadcast %mul3A_731 : i32 to vector<16xi32>
      %add3A_733 = arith.addi %add3A_732, %add3A_15 : vector<16xi32>
      %gather3A_734 = tpu.vector_load_idx %arg6[%add3A_733] : memref<31104xf32, #tpu.memory_space<vmem>>[vector<16xi32>], vector<16xf32>,
      %add3A_735 = arith.addf %gather3A_734, %get3A_259 : vector<16xf32>
      %mul3A_736 = arith.constant 128 : i32
      %mul3A_737 = arith.muli %add3A_690, %mul3A_736 : i32
      %add3A_738 = vector.broadcast %mul3A_737 : i32 to vector<16xi32>
      %add3A_739 = arith.addi %add3A_738, %add3A_15 : vector<16xi32>
      tpu.vector_store_idx %arg6[%add3A_739], %add3A_735 : memref<31104xf32, #tpu.memory_space<vmem>>[vector<16xi32>], vector<16xf32>,
      %mul3A_740 = arith.constant 128 : i32
      %mul3A_741 = arith.muli %scan3A_688, %mul3A_740 : i32
      %add3A_742 = vector.broadcast %mul3A_741 : i32 to vector<16xi32>
      %add3A_743 = arith.addi %add3A_742, %add3A_18 : vector<16xi32>
      %gather3A_744 = tpu.vector_load_idx %arg6[%add3A_743] : memref<31104xf32, #tpu.memory_space<vmem>>[vector<16xi32>], vector<16xf32>,
      %add3A_745 = arith.addf %gather3A_744, %get3A_261 : vector<16xf32>
      %mul3A_746 = arith.constant 128 : i32
      %mul3A_747 = arith.muli %add3A_690, %mul3A_746 : i32
      %add3A_748 = vector.broadcast %mul3A_747 : i32 to vector<16xi32>
      %add3A_749 = arith.addi %add3A_748, %add3A_18 : vector<16xi32>
      tpu.vector_store_idx %arg6[%add3A_749], %add3A_745 : memref<31104xf32, #tpu.memory_space<vmem>>[vector<16xi32>], vector<16xf32>,
      %mul3A_750 = arith.constant 128 : i32
      %mul3A_751 = arith.muli %scan3A_688, %mul3A_750 : i32
      %add3A_752 = vector.broadcast %mul3A_751 : i32 to vector<16xi32>
      %add3A_753 = arith.addi %add3A_752, %add3A_21 : vector<16xi32>
      %gather3A_754 = tpu.vector_load_idx %arg6[%add3A_753] : memref<31104xf32, #tpu.memory_space<vmem>>[vector<16xi32>], vector<16xf32>,
      %add3A_755 = arith.addf %gather3A_754, %get3A_263 : vector<16xf32>
      %mul3A_756 = arith.constant 128 : i32
      %mul3A_757 = arith.muli %add3A_690, %mul3A_756 : i32
      %add3A_758 = vector.broadcast %mul3A_757 : i32 to vector<16xi32>
      %add3A_759 = arith.addi %add3A_758, %add3A_21 : vector<16xi32>
      tpu.vector_store_idx %arg6[%add3A_759], %add3A_755 : memref<31104xf32, #tpu.memory_space<vmem>>[vector<16xi32>], vector<16xf32>,
      %mul3A_760 = arith.constant 128 : i32
      %mul3A_761 = arith.muli %scan3A_688, %mul3A_760 : i32
      %add3A_762 = vector.broadcast %mul3A_761 : i32 to vector<16xi32>
      %add3A_763 = arith.addi %add3A_762, %add3A_24 : vector<16xi32>
      %gather3A_764 = tpu.vector_load_idx %arg6[%add3A_763] : memref<31104xf32, #tpu.memory_space<vmem>>[vector<16xi32>], vector<16xf32>,
      %add3A_765 = arith.addf %gather3A_764, %get3A_265 : vector<16xf32>
      %mul3A_766 = arith.constant 128 : i32
      %mul3A_767 = arith.muli %add3A_690, %mul3A_766 : i32
      %add3A_768 = vector.broadcast %mul3A_767 : i32 to vector<16xi32>
      %add3A_769 = arith.addi %add3A_768, %add3A_24 : vector<16xi32>
      tpu.vector_store_idx %arg6[%add3A_769], %add3A_765 : memref<31104xf32, #tpu.memory_space<vmem>>[vector<16xi32>], vector<16xf32>,
    }
    %scan3A_271 = arith.constant 27 : i32
    %get3A_272 = arith.constant 1280 : index
    %get3A_273 = tpu.vector_load %arg5[%get3A_272] {strides = array<i32>} : memref<4096xf32, #tpu.memory_space<vmem>>, vector<16xf32>,
    %get3A_274 = arith.constant 1296 : index
    %get3A_275 = tpu.vector_load %arg5[%get3A_274] {strides = array<i32>} : memref<4096xf32, #tpu.memory_space<vmem>>, vector<16xf32>,
    %get3A_276 = arith.constant 1312 : index
    %get3A_277 = tpu.vector_load %arg5[%get3A_276] {strides = array<i32>} : memref<4096xf32, #tpu.memory_space<vmem>>, vector<16xf32>,
    %get3A_278 = arith.constant 1328 : index
    %get3A_279 = tpu.vector_load %arg5[%get3A_278] {strides = array<i32>} : memref<4096xf32, #tpu.memory_space<vmem>>, vector<16xf32>,
    %get3A_280 = arith.constant 1344 : index
    %get3A_281 = tpu.vector_load %arg5[%get3A_280] {strides = array<i32>} : memref<4096xf32, #tpu.memory_space<vmem>>, vector<16xf32>,
    %get3A_282 = arith.constant 1360 : index
    %get3A_283 = tpu.vector_load %arg5[%get3A_282] {strides = array<i32>} : memref<4096xf32, #tpu.memory_space<vmem>>, vector<16xf32>,
    %get3A_284 = arith.constant 1376 : index
    %get3A_285 = tpu.vector_load %arg5[%get3A_284] {strides = array<i32>} : memref<4096xf32, #tpu.memory_space<vmem>>, vector<16xf32>,
    %get3A_286 = arith.constant 1392 : index
    %get3A_287 = tpu.vector_load %arg5[%get3A_286] {strides = array<i32>} : memref<4096xf32, #tpu.memory_space<vmem>>, vector<16xf32>,
    %scan3A_288 = arith.constant 0 : i32
    %scan3A_289 = arith.constant 0 : i32
    %scan3A_290 = arith.constant 27 : i32
    %scan3A_291 = arith.addi %scan3A_289, %scan3A_290 : i32
    %scan3A_292 = arith.constant 1 : i32
    scf.for %scan3A_688 = %scan3A_289 to %scan3A_291 step %scan3A_292  : i32 {
      %add3A_689 = arith.constant 27 : i32
      %add3A_690 = arith.addi %add3A_689, %scan3A_688 : i32
      %mul3A_691 = arith.constant 128 : i32
      %mul3A_692 = arith.muli %scan3A_688, %mul3A_691 : i32
      %add3A_693 = vector.broadcast %mul3A_692 : i32 to vector<16xi32>
      %add3A_694 = arith.addi %add3A_693, %add3A_3 : vector<16xi32>
      %gather3A = tpu.vector_load_idx %arg6[%add3A_694] : memref<31104xf32, #tpu.memory_space<vmem>>[vector<16xi32>], vector<16xf32>,
      %add3A_695 = arith.addf %gather3A, %get3A_273 : vector<16xf32>
      %mul3A_696 = arith.constant 128 : i32
      %mul3A_697 = arith.muli %add3A_690, %mul3A_696 : i32
      %add3A_698 = vector.broadcast %mul3A_697 : i32 to vector<16xi32>
      %add3A_699 = arith.addi %add3A_698, %add3A_3 : vector<16xi32>
      tpu.vector_store_idx %arg6[%add3A_699], %add3A_695 : memref<31104xf32, #tpu.memory_space<vmem>>[vector<16xi32>], vector<16xf32>,
      %mul3A_700 = arith.constant 128 : i32
      %mul3A_701 = arith.muli %scan3A_688, %mul3A_700 : i32
      %add3A_702 = vector.broadcast %mul3A_701 : i32 to vector<16xi32>
      %add3A_703 = arith.addi %add3A_702, %add3A_6 : vector<16xi32>
      %gather3A_704 = tpu.vector_load_idx %arg6[%add3A_703] : memref<31104xf32, #tpu.memory_space<vmem>>[vector<16xi32>], vector<16xf32>,
      %add3A_705 = arith.addf %gather3A_704, %get3A_275 : vector<16xf32>
      %mul3A_706 = arith.constant 128 : i32
      %mul3A_707 = arith.muli %add3A_690, %mul3A_706 : i32
      %add3A_708 = vector.broadcast %mul3A_707 : i32 to vector<16xi32>
      %add3A_709 = arith.addi %add3A_708, %add3A_6 : vector<16xi32>
      tpu.vector_store_idx %arg6[%add3A_709], %add3A_705 : memref<31104xf32, #tpu.memory_space<vmem>>[vector<16xi32>], vector<16xf32>,
      %mul3A_710 = arith.constant 128 : i32
      %mul3A_711 = arith.muli %scan3A_688, %mul3A_710 : i32
      %add3A_712 = vector.broadcast %mul3A_711 : i32 to vector<16xi32>
      %add3A_713 = arith.addi %add3A_712, %add3A_9 : vector<16xi32>
      %gather3A_714 = tpu.vector_load_idx %arg6[%add3A_713] : memref<31104xf32, #tpu.memory_space<vmem>>[vector<16xi32>], vector<16xf32>,
      %add3A_715 = arith.addf %gather3A_714, %get3A_277 : vector<16xf32>
      %mul3A_716 = arith.constant 128 : i32
      %mul3A_717 = arith.muli %add3A_690, %mul3A_716 : i32
      %add3A_718 = vector.broadcast %mul3A_717 : i32 to vector<16xi32>
      %add3A_719 = arith.addi %add3A_718, %add3A_9 : vector<16xi32>
      tpu.vector_store_idx %arg6[%add3A_719], %add3A_715 : memref<31104xf32, #tpu.memory_space<vmem>>[vector<16xi32>], vector<16xf32>,
      %mul3A_720 = arith.constant 128 : i32
      %mul3A_721 = arith.muli %scan3A_688, %mul3A_720 : i32
      %add3A_722 = vector.broadcast %mul3A_721 : i32 to vector<16xi32>
      %add3A_723 = arith.addi %add3A_722, %add3A_12 : vector<16xi32>
      %gather3A_724 = tpu.vector_load_idx %arg6[%add3A_723] : memref<31104xf32, #tpu.memory_space<vmem>>[vector<16xi32>], vector<16xf32>,
      %add3A_725 = arith.addf %gather3A_724, %get3A_279 : vector<16xf32>
      %mul3A_726 = arith.constant 128 : i32
      %mul3A_727 = arith.muli %add3A_690, %mul3A_726 : i32
      %add3A_728 = vector.broadcast %mul3A_727 : i32 to vector<16xi32>
      %add3A_729 = arith.addi %add3A_728, %add3A_12 : vector<16xi32>
      tpu.vector_store_idx %arg6[%add3A_729], %add3A_725 : memref<31104xf32, #tpu.memory_space<vmem>>[vector<16xi32>], vector<16xf32>,
      %mul3A_730 = arith.constant 128 : i32
      %mul3A_731 = arith.muli %scan3A_688, %mul3A_730 : i32
      %add3A_732 = vector.broadcast %mul3A_731 : i32 to vector<16xi32>
      %add3A_733 = arith.addi %add3A_732, %add3A_15 : vector<16xi32>
      %gather3A_734 = tpu.vector_load_idx %arg6[%add3A_733] : memref<31104xf32, #tpu.memory_space<vmem>>[vector<16xi32>], vector<16xf32>,
      %add3A_735 = arith.addf %gather3A_734, %get3A_281 : vector<16xf32>
      %mul3A_736 = arith.constant 128 : i32
      %mul3A_737 = arith.muli %add3A_690, %mul3A_736 : i32
      %add3A_738 = vector.broadcast %mul3A_737 : i32 to vector<16xi32>
      %add3A_739 = arith.addi %add3A_738, %add3A_15 : vector<16xi32>
      tpu.vector_store_idx %arg6[%add3A_739], %add3A_735 : memref<31104xf32, #tpu.memory_space<vmem>>[vector<16xi32>], vector<16xf32>,
      %mul3A_740 = arith.constant 128 : i32
      %mul3A_741 = arith.muli %scan3A_688, %mul3A_740 : i32
      %add3A_742 = vector.broadcast %mul3A_741 : i32 to vector<16xi32>
      %add3A_743 = arith.addi %add3A_742, %add3A_18 : vector<16xi32>
      %gather3A_744 = tpu.vector_load_idx %arg6[%add3A_743] : memref<31104xf32, #tpu.memory_space<vmem>>[vector<16xi32>], vector<16xf32>,
      %add3A_745 = arith.addf %gather3A_744, %get3A_283 : vector<16xf32>
      %mul3A_746 = arith.constant 128 : i32
      %mul3A_747 = arith.muli %add3A_690, %mul3A_746 : i32
      %add3A_748 = vector.broadcast %mul3A_747 : i32 to vector<16xi32>
      %add3A_749 = arith.addi %add3A_748, %add3A_18 : vector<16xi32>
      tpu.vector_store_idx %arg6[%add3A_749], %add3A_745 : memref<31104xf32, #tpu.memory_space<vmem>>[vector<16xi32>], vector<16xf32>,
      %mul3A_750 = arith.constant 128 : i32
      %mul3A_751 = arith.muli %scan3A_688, %mul3A_750 : i32
      %add3A_752 = vector.broadcast %mul3A_751 : i32 to vector<16xi32>
      %add3A_753 = arith.addi %add3A_752, %add3A_21 : vector<16xi32>
      %gather3A_754 = tpu.vector_load_idx %arg6[%add3A_753] : memref<31104xf32, #tpu.memory_space<vmem>>[vector<16xi32>], vector<16xf32>,
      %add3A_755 = arith.addf %gather3A_754, %get3A_285 : vector<16xf32>
      %mul3A_756 = arith.constant 128 : i32
      %mul3A_757 = arith.muli %add3A_690, %mul3A_756 : i32
      %add3A_758 = vector.broadcast %mul3A_757 : i32 to vector<16xi32>
      %add3A_759 = arith.addi %add3A_758, %add3A_21 : vector<16xi32>
      tpu.vector_store_idx %arg6[%add3A_759], %add3A_755 : memref<31104xf32, #tpu.memory_space<vmem>>[vector<16xi32>], vector<16xf32>,
      %mul3A_760 = arith.constant 128 : i32
      %mul3A_761 = arith.muli %scan3A_688, %mul3A_760 : i32
      %add3A_762 = vector.broadcast %mul3A_761 : i32 to vector<16xi32>
      %add3A_763 = arith.addi %add3A_762, %add3A_24 : vector<16xi32>
      %gather3A_764 = tpu.vector_load_idx %arg6[%add3A_763] : memref<31104xf32, #tpu.memory_space<vmem>>[vector<16xi32>], vector<16xf32>,
      %add3A_765 = arith.addf %gather3A_764, %get3A_287 : vector<16xf32>
      %mul3A_766 = arith.constant 128 : i32
      %mul3A_767 = arith.muli %add3A_690, %mul3A_766 : i32
      %add3A_768 = vector.broadcast %mul3A_767 : i32 to vector<16xi32>
      %add3A_769 = arith.addi %add3A_768, %add3A_24 : vector<16xi32>
      tpu.vector_store_idx %arg6[%add3A_769], %add3A_765 : memref<31104xf32, #tpu.memory_space<vmem>>[vector<16xi32>], vector<16xf32>,
    }
    %scan3A_293 = arith.constant 27 : i32
    %get3A_294 = arith.constant 1152 : index
    %get3A_295 = tpu.vector_load %arg5[%get3A_294] {strides = array<i32>} : memref<4096xf32, #tpu.memory_space<vmem>>, vector<16xf32>,
    %get3A_296 = arith.constant 1168 : index
    %get3A_297 = tpu.vector_load %arg5[%get3A_296] {strides = array<i32>} : memref<4096xf32, #tpu.memory_space<vmem>>, vector<16xf32>,
    %get3A_298 = arith.constant 1184 : index
    %get3A_299 = tpu.vector_load %arg5[%get3A_298] {strides = array<i32>} : memref<4096xf32, #tpu.memory_space<vmem>>, vector<16xf32>,
    %get3A_300 = arith.constant 1200 : index
    %get3A_301 = tpu.vector_load %arg5[%get3A_300] {strides = array<i32>} : memref<4096xf32, #tpu.memory_space<vmem>>, vector<16xf32>,
    %get3A_302 = arith.constant 1216 : index
    %get3A_303 = tpu.vector_load %arg5[%get3A_302] {strides = array<i32>} : memref<4096xf32, #tpu.memory_space<vmem>>, vector<16xf32>,
    %get3A_304 = arith.constant 1232 : index
    %get3A_305 = tpu.vector_load %arg5[%get3A_304] {strides = array<i32>} : memref<4096xf32, #tpu.memory_space<vmem>>, vector<16xf32>,
    %get3A_306 = arith.constant 1248 : index
    %get3A_307 = tpu.vector_load %arg5[%get3A_306] {strides = array<i32>} : memref<4096xf32, #tpu.memory_space<vmem>>, vector<16xf32>,
    %get3A_308 = arith.constant 1264 : index
    %get3A_309 = tpu.vector_load %arg5[%get3A_308] {strides = array<i32>} : memref<4096xf32, #tpu.memory_space<vmem>>, vector<16xf32>,
    %scan3A_310 = arith.constant 0 : i32
    %scan3A_311 = arith.constant 0 : i32
    %scan3A_312 = arith.constant 27 : i32
    %scan3A_313 = arith.addi %scan3A_311, %scan3A_312 : i32
    %scan3A_314 = arith.constant 1 : i32
    scf.for %scan3A_688 = %scan3A_311 to %scan3A_313 step %scan3A_314  : i32 {
      %add3A_689 = arith.constant 0 : i32
      %add3A_690 = arith.addi %add3A_689, %scan3A_688 : i32
      %mul3A_691 = arith.constant 128 : i32
      %mul3A_692 = arith.muli %scan3A_688, %mul3A_691 : i32
      %add3A_693 = vector.broadcast %mul3A_692 : i32 to vector<16xi32>
      %add3A_694 = arith.addi %add3A_693, %add3A_3 : vector<16xi32>
      %gather3A = tpu.vector_load_idx %arg6[%add3A_694] : memref<31104xf32, #tpu.memory_space<vmem>>[vector<16xi32>], vector<16xf32>,
      %add3A_695 = arith.addf %gather3A, %get3A_295 : vector<16xf32>
      %mul3A_696 = arith.constant 128 : i32
      %mul3A_697 = arith.muli %add3A_690, %mul3A_696 : i32
      %add3A_698 = vector.broadcast %mul3A_697 : i32 to vector<16xi32>
      %add3A_699 = arith.addi %add3A_698, %add3A_3 : vector<16xi32>
      tpu.vector_store_idx %arg6[%add3A_699], %add3A_695 : memref<31104xf32, #tpu.memory_space<vmem>>[vector<16xi32>], vector<16xf32>,
      %mul3A_700 = arith.constant 128 : i32
      %mul3A_701 = arith.muli %scan3A_688, %mul3A_700 : i32
      %add3A_702 = vector.broadcast %mul3A_701 : i32 to vector<16xi32>
      %add3A_703 = arith.addi %add3A_702, %add3A_6 : vector<16xi32>
      %gather3A_704 = tpu.vector_load_idx %arg6[%add3A_703] : memref<31104xf32, #tpu.memory_space<vmem>>[vector<16xi32>], vector<16xf32>,
      %add3A_705 = arith.addf %gather3A_704, %get3A_297 : vector<16xf32>
      %mul3A_706 = arith.constant 128 : i32
      %mul3A_707 = arith.muli %add3A_690, %mul3A_706 : i32
      %add3A_708 = vector.broadcast %mul3A_707 : i32 to vector<16xi32>
      %add3A_709 = arith.addi %add3A_708, %add3A_6 : vector<16xi32>
      tpu.vector_store_idx %arg6[%add3A_709], %add3A_705 : memref<31104xf32, #tpu.memory_space<vmem>>[vector<16xi32>], vector<16xf32>,
      %mul3A_710 = arith.constant 128 : i32
      %mul3A_711 = arith.muli %scan3A_688, %mul3A_710 : i32
      %add3A_712 = vector.broadcast %mul3A_711 : i32 to vector<16xi32>
      %add3A_713 = arith.addi %add3A_712, %add3A_9 : vector<16xi32>
      %gather3A_714 = tpu.vector_load_idx %arg6[%add3A_713] : memref<31104xf32, #tpu.memory_space<vmem>>[vector<16xi32>], vector<16xf32>,
      %add3A_715 = arith.addf %gather3A_714, %get3A_299 : vector<16xf32>
      %mul3A_716 = arith.constant 128 : i32
      %mul3A_717 = arith.muli %add3A_690, %mul3A_716 : i32
      %add3A_718 = vector.broadcast %mul3A_717 : i32 to vector<16xi32>
      %add3A_719 = arith.addi %add3A_718, %add3A_9 : vector<16xi32>
      tpu.vector_store_idx %arg6[%add3A_719], %add3A_715 : memref<31104xf32, #tpu.memory_space<vmem>>[vector<16xi32>], vector<16xf32>,
      %mul3A_720 = arith.constant 128 : i32
      %mul3A_721 = arith.muli %scan3A_688, %mul3A_720 : i32
      %add3A_722 = vector.broadcast %mul3A_721 : i32 to vector<16xi32>
      %add3A_723 = arith.addi %add3A_722, %add3A_12 : vector<16xi32>
      %gather3A_724 = tpu.vector_load_idx %arg6[%add3A_723] : memref<31104xf32, #tpu.memory_space<vmem>>[vector<16xi32>], vector<16xf32>,
      %add3A_725 = arith.addf %gather3A_724, %get3A_301 : vector<16xf32>
      %mul3A_726 = arith.constant 128 : i32
      %mul3A_727 = arith.muli %add3A_690, %mul3A_726 : i32
      %add3A_728 = vector.broadcast %mul3A_727 : i32 to vector<16xi32>
      %add3A_729 = arith.addi %add3A_728, %add3A_12 : vector<16xi32>
      tpu.vector_store_idx %arg6[%add3A_729], %add3A_725 : memref<31104xf32, #tpu.memory_space<vmem>>[vector<16xi32>], vector<16xf32>,
      %mul3A_730 = arith.constant 128 : i32
      %mul3A_731 = arith.muli %scan3A_688, %mul3A_730 : i32
      %add3A_732 = vector.broadcast %mul3A_731 : i32 to vector<16xi32>
      %add3A_733 = arith.addi %add3A_732, %add3A_15 : vector<16xi32>
      %gather3A_734 = tpu.vector_load_idx %arg6[%add3A_733] : memref<31104xf32, #tpu.memory_space<vmem>>[vector<16xi32>], vector<16xf32>,
      %add3A_735 = arith.addf %gather3A_734, %get3A_303 : vector<16xf32>
      %mul3A_736 = arith.constant 128 : i32
      %mul3A_737 = arith.muli %add3A_690, %mul3A_736 : i32
      %add3A_738 = vector.broadcast %mul3A_737 : i32 to vector<16xi32>
      %add3A_739 = arith.addi %add3A_738, %add3A_15 : vector<16xi32>
      tpu.vector_store_idx %arg6[%add3A_739], %add3A_735 : memref<31104xf32, #tpu.memory_space<vmem>>[vector<16xi32>], vector<16xf32>,
      %mul3A_740 = arith.constant 128 : i32
      %mul3A_741 = arith.muli %scan3A_688, %mul3A_740 : i32
      %add3A_742 = vector.broadcast %mul3A_741 : i32 to vector<16xi32>
      %add3A_743 = arith.addi %add3A_742, %add3A_18 : vector<16xi32>
      %gather3A_744 = tpu.vector_load_idx %arg6[%add3A_743] : memref<31104xf32, #tpu.memory_space<vmem>>[vector<16xi32>], vector<16xf32>,
      %add3A_745 = arith.addf %gather3A_744, %get3A_305 : vector<16xf32>
      %mul3A_746 = arith.constant 128 : i32
      %mul3A_747 = arith.muli %add3A_690, %mul3A_746 : i32
      %add3A_748 = vector.broadcast %mul3A_747 : i32 to vector<16xi32>
      %add3A_749 = arith.addi %add3A_748, %add3A_18 : vector<16xi32>
      tpu.vector_store_idx %arg6[%add3A_749], %add3A_745 : memref<31104xf32, #tpu.memory_space<vmem>>[vector<16xi32>], vector<16xf32>,
      %mul3A_750 = arith.constant 128 : i32
      %mul3A_751 = arith.muli %scan3A_688, %mul3A_750 : i32
      %add3A_752 = vector.broadcast %mul3A_751 : i32 to vector<16xi32>
      %add3A_753 = arith.addi %add3A_752, %add3A_21 : vector<16xi32>
      %gather3A_754 = tpu.vector_load_idx %arg6[%add3A_753] : memref<31104xf32, #tpu.memory_space<vmem>>[vector<16xi32>], vector<16xf32>,
      %add3A_755 = arith.addf %gather3A_754, %get3A_307 : vector<16xf32>
      %mul3A_756 = arith.constant 128 : i32
      %mul3A_757 = arith.muli %add3A_690, %mul3A_756 : i32
      %add3A_758 = vector.broadcast %mul3A_757 : i32 to vector<16xi32>
      %add3A_759 = arith.addi %add3A_758, %add3A_21 : vector<16xi32>
      tpu.vector_store_idx %arg6[%add3A_759], %add3A_755 : memref<31104xf32, #tpu.memory_space<vmem>>[vector<16xi32>], vector<16xf32>,
      %mul3A_760 = arith.constant 128 : i32
      %mul3A_761 = arith.muli %scan3A_688, %mul3A_760 : i32
      %add3A_762 = vector.broadcast %mul3A_761 : i32 to vector<16xi32>
      %add3A_763 = arith.addi %add3A_762, %add3A_24 : vector<16xi32>
      %gather3A_764 = tpu.vector_load_idx %arg6[%add3A_763] : memref<31104xf32, #tpu.memory_space<vmem>>[vector<16xi32>], vector<16xf32>,
      %add3A_765 = arith.addf %gather3A_764, %get3A_309 : vector<16xf32>
      %mul3A_766 = arith.constant 128 : i32
      %mul3A_767 = arith.muli %add3A_690, %mul3A_766 : i32
      %add3A_768 = vector.broadcast %mul3A_767 : i32 to vector<16xi32>
      %add3A_769 = arith.addi %add3A_768, %add3A_24 : vector<16xi32>
      tpu.vector_store_idx %arg6[%add3A_769], %add3A_765 : memref<31104xf32, #tpu.memory_space<vmem>>[vector<16xi32>], vector<16xf32>,
    }
    %scan3A_315 = arith.constant 27 : i32
    %get3A_316 = arith.constant 1792 : index
    %get3A_317 = tpu.vector_load %arg5[%get3A_316] {strides = array<i32>} : memref<4096xf32, #tpu.memory_space<vmem>>, vector<16xf32>,
    %get3A_318 = arith.constant 1808 : index
    %get3A_319 = tpu.vector_load %arg5[%get3A_318] {strides = array<i32>} : memref<4096xf32, #tpu.memory_space<vmem>>, vector<16xf32>,
    %get3A_320 = arith.constant 1824 : index
    %get3A_321 = tpu.vector_load %arg5[%get3A_320] {strides = array<i32>} : memref<4096xf32, #tpu.memory_space<vmem>>, vector<16xf32>,
    %get3A_322 = arith.constant 1840 : index
    %get3A_323 = tpu.vector_load %arg5[%get3A_322] {strides = array<i32>} : memref<4096xf32, #tpu.memory_space<vmem>>, vector<16xf32>,
    %get3A_324 = arith.constant 1856 : index
    %get3A_325 = tpu.vector_load %arg5[%get3A_324] {strides = array<i32>} : memref<4096xf32, #tpu.memory_space<vmem>>, vector<16xf32>,
    %get3A_326 = arith.constant 1872 : index
    %get3A_327 = tpu.vector_load %arg5[%get3A_326] {strides = array<i32>} : memref<4096xf32, #tpu.memory_space<vmem>>, vector<16xf32>,
    %get3A_328 = arith.constant 1888 : index
    %get3A_329 = tpu.vector_load %arg5[%get3A_328] {strides = array<i32>} : memref<4096xf32, #tpu.memory_space<vmem>>, vector<16xf32>,
    %get3A_330 = arith.constant 1904 : index
    %get3A_331 = tpu.vector_load %arg5[%get3A_330] {strides = array<i32>} : memref<4096xf32, #tpu.memory_space<vmem>>, vector<16xf32>,
    %scan3A_332 = arith.constant 0 : i32
    %scan3A_333 = arith.constant 0.111111112 : f32
    %scan3A_334 = arith.constant 0 : i32
    %scan3A_335 = arith.constant 81 : i32
    %scan3A_336 = arith.addi %scan3A_334, %scan3A_335 : i32
    %scan3A_337 = arith.constant 1 : i32
    scf.for %scan3A_688 = %scan3A_334 to %scan3A_336 step %scan3A_337  : i32 {
      %add3A_689 = arith.constant 162 : i32
      %add3A_690 = arith.addi %add3A_689, %scan3A_688 : i32
      %mul3A_691 = arith.constant 128 : i32
      %mul3A_692 = arith.muli %scan3A_688, %mul3A_691 : i32
      %add3A_693 = vector.broadcast %mul3A_692 : i32 to vector<16xi32>
      %add3A_694 = arith.addi %add3A_693, %add3A_3 : vector<16xi32>
      %gather3A = tpu.vector_load_idx %arg6[%add3A_694] : memref<31104xf32, #tpu.memory_space<vmem>>[vector<16xi32>], vector<16xf32>,
      %add3A_695 = arith.addf %gather3A, %get3A_317 : vector<16xf32>
      %mul3A_696 = vector.broadcast %scan3A_333 : f32 to vector<16xf32>
      %mul3A_697 = arith.mulf %add3A_695, %mul3A_696 : vector<16xf32>
      %mul3A_698 = arith.constant 128 : i32
      %mul3A_699 = arith.muli %add3A_690, %mul3A_698 : i32
      %add3A_700 = vector.broadcast %mul3A_699 : i32 to vector<16xi32>
      %add3A_701 = arith.addi %add3A_700, %add3A_3 : vector<16xi32>
      tpu.vector_store_idx %arg6[%add3A_701], %mul3A_697 : memref<31104xf32, #tpu.memory_space<vmem>>[vector<16xi32>], vector<16xf32>,
      %mul3A_702 = arith.constant 128 : i32
      %mul3A_703 = arith.muli %scan3A_688, %mul3A_702 : i32
      %add3A_704 = vector.broadcast %mul3A_703 : i32 to vector<16xi32>
      %add3A_705 = arith.addi %add3A_704, %add3A_6 : vector<16xi32>
      %gather3A_706 = tpu.vector_load_idx %arg6[%add3A_705] : memref<31104xf32, #tpu.memory_space<vmem>>[vector<16xi32>], vector<16xf32>,
      %add3A_707 = arith.addf %gather3A_706, %get3A_319 : vector<16xf32>
      %mul3A_708 = vector.broadcast %scan3A_333 : f32 to vector<16xf32>
      %mul3A_709 = arith.mulf %add3A_707, %mul3A_708 : vector<16xf32>
      %mul3A_710 = arith.constant 128 : i32
      %mul3A_711 = arith.muli %add3A_690, %mul3A_710 : i32
      %add3A_712 = vector.broadcast %mul3A_711 : i32 to vector<16xi32>
      %add3A_713 = arith.addi %add3A_712, %add3A_6 : vector<16xi32>
      tpu.vector_store_idx %arg6[%add3A_713], %mul3A_709 : memref<31104xf32, #tpu.memory_space<vmem>>[vector<16xi32>], vector<16xf32>,
      %mul3A_714 = arith.constant 128 : i32
      %mul3A_715 = arith.muli %scan3A_688, %mul3A_714 : i32
      %add3A_716 = vector.broadcast %mul3A_715 : i32 to vector<16xi32>
      %add3A_717 = arith.addi %add3A_716, %add3A_9 : vector<16xi32>
      %gather3A_718 = tpu.vector_load_idx %arg6[%add3A_717] : memref<31104xf32, #tpu.memory_space<vmem>>[vector<16xi32>], vector<16xf32>,
      %add3A_719 = arith.addf %gather3A_718, %get3A_321 : vector<16xf32>
      %mul3A_720 = vector.broadcast %scan3A_333 : f32 to vector<16xf32>
      %mul3A_721 = arith.mulf %add3A_719, %mul3A_720 : vector<16xf32>
      %mul3A_722 = arith.constant 128 : i32
      %mul3A_723 = arith.muli %add3A_690, %mul3A_722 : i32
      %add3A_724 = vector.broadcast %mul3A_723 : i32 to vector<16xi32>
      %add3A_725 = arith.addi %add3A_724, %add3A_9 : vector<16xi32>
      tpu.vector_store_idx %arg6[%add3A_725], %mul3A_721 : memref<31104xf32, #tpu.memory_space<vmem>>[vector<16xi32>], vector<16xf32>,
      %mul3A_726 = arith.constant 128 : i32
      %mul3A_727 = arith.muli %scan3A_688, %mul3A_726 : i32
      %add3A_728 = vector.broadcast %mul3A_727 : i32 to vector<16xi32>
      %add3A_729 = arith.addi %add3A_728, %add3A_12 : vector<16xi32>
      %gather3A_730 = tpu.vector_load_idx %arg6[%add3A_729] : memref<31104xf32, #tpu.memory_space<vmem>>[vector<16xi32>], vector<16xf32>,
      %add3A_731 = arith.addf %gather3A_730, %get3A_323 : vector<16xf32>
      %mul3A_732 = vector.broadcast %scan3A_333 : f32 to vector<16xf32>
      %mul3A_733 = arith.mulf %add3A_731, %mul3A_732 : vector<16xf32>
      %mul3A_734 = arith.constant 128 : i32
      %mul3A_735 = arith.muli %add3A_690, %mul3A_734 : i32
      %add3A_736 = vector.broadcast %mul3A_735 : i32 to vector<16xi32>
      %add3A_737 = arith.addi %add3A_736, %add3A_12 : vector<16xi32>
      tpu.vector_store_idx %arg6[%add3A_737], %mul3A_733 : memref<31104xf32, #tpu.memory_space<vmem>>[vector<16xi32>], vector<16xf32>,
      %mul3A_738 = arith.constant 128 : i32
      %mul3A_739 = arith.muli %scan3A_688, %mul3A_738 : i32
      %add3A_740 = vector.broadcast %mul3A_739 : i32 to vector<16xi32>
      %add3A_741 = arith.addi %add3A_740, %add3A_15 : vector<16xi32>
      %gather3A_742 = tpu.vector_load_idx %arg6[%add3A_741] : memref<31104xf32, #tpu.memory_space<vmem>>[vector<16xi32>], vector<16xf32>,
      %add3A_743 = arith.addf %gather3A_742, %get3A_325 : vector<16xf32>
      %mul3A_744 = vector.broadcast %scan3A_333 : f32 to vector<16xf32>
      %mul3A_745 = arith.mulf %add3A_743, %mul3A_744 : vector<16xf32>
      %mul3A_746 = arith.constant 128 : i32
      %mul3A_747 = arith.muli %add3A_690, %mul3A_746 : i32
      %add3A_748 = vector.broadcast %mul3A_747 : i32 to vector<16xi32>
      %add3A_749 = arith.addi %add3A_748, %add3A_15 : vector<16xi32>
      tpu.vector_store_idx %arg6[%add3A_749], %mul3A_745 : memref<31104xf32, #tpu.memory_space<vmem>>[vector<16xi32>], vector<16xf32>,
      %mul3A_750 = arith.constant 128 : i32
      %mul3A_751 = arith.muli %scan3A_688, %mul3A_750 : i32
      %add3A_752 = vector.broadcast %mul3A_751 : i32 to vector<16xi32>
      %add3A_753 = arith.addi %add3A_752, %add3A_18 : vector<16xi32>
      %gather3A_754 = tpu.vector_load_idx %arg6[%add3A_753] : memref<31104xf32, #tpu.memory_space<vmem>>[vector<16xi32>], vector<16xf32>,
      %add3A_755 = arith.addf %gather3A_754, %get3A_327 : vector<16xf32>
      %mul3A_756 = vector.broadcast %scan3A_333 : f32 to vector<16xf32>
      %mul3A_757 = arith.mulf %add3A_755, %mul3A_756 : vector<16xf32>
      %mul3A_758 = arith.constant 128 : i32
      %mul3A_759 = arith.muli %add3A_690, %mul3A_758 : i32
      %add3A_760 = vector.broadcast %mul3A_759 : i32 to vector<16xi32>
      %add3A_761 = arith.addi %add3A_760, %add3A_18 : vector<16xi32>
      tpu.vector_store_idx %arg6[%add3A_761], %mul3A_757 : memref<31104xf32, #tpu.memory_space<vmem>>[vector<16xi32>], vector<16xf32>,
      %mul3A_762 = arith.constant 128 : i32
      %mul3A_763 = arith.muli %scan3A_688, %mul3A_762 : i32
      %add3A_764 = vector.broadcast %mul3A_763 : i32 to vector<16xi32>
      %add3A_765 = arith.addi %add3A_764, %add3A_21 : vector<16xi32>
      %gather3A_766 = tpu.vector_load_idx %arg6[%add3A_765] : memref<31104xf32, #tpu.memory_space<vmem>>[vector<16xi32>], vector<16xf32>,
      %add3A_767 = arith.addf %gather3A_766, %get3A_329 : vector<16xf32>
      %mul3A_768 = vector.broadcast %scan3A_333 : f32 to vector<16xf32>
      %mul3A_769 = arith.mulf %add3A_767, %mul3A_768 : vector<16xf32>
      %mul3A_770 = arith.constant 128 : i32
      %mul3A_771 = arith.muli %add3A_690, %mul3A_770 : i32
      %add3A_772 = vector.broadcast %mul3A_771 : i32 to vector<16xi32>
      %add3A_773 = arith.addi %add3A_772, %add3A_21 : vector<16xi32>
      tpu.vector_store_idx %arg6[%add3A_773], %mul3A_769 : memref<31104xf32, #tpu.memory_space<vmem>>[vector<16xi32>], vector<16xf32>,
      %mul3A_774 = arith.constant 128 : i32
      %mul3A_775 = arith.muli %scan3A_688, %mul3A_774 : i32
      %add3A_776 = vector.broadcast %mul3A_775 : i32 to vector<16xi32>
      %add3A_777 = arith.addi %add3A_776, %add3A_24 : vector<16xi32>
      %gather3A_778 = tpu.vector_load_idx %arg6[%add3A_777] : memref<31104xf32, #tpu.memory_space<vmem>>[vector<16xi32>], vector<16xf32>,
      %add3A_779 = arith.addf %gather3A_778, %get3A_331 : vector<16xf32>
      %mul3A_780 = vector.broadcast %scan3A_333 : f32 to vector<16xf32>
      %mul3A_781 = arith.mulf %add3A_779, %mul3A_780 : vector<16xf32>
      %mul3A_782 = arith.constant 128 : i32
      %mul3A_783 = arith.muli %add3A_690, %mul3A_782 : i32
      %add3A_784 = vector.broadcast %mul3A_783 : i32 to vector<16xi32>
      %add3A_785 = arith.addi %add3A_784, %add3A_24 : vector<16xi32>
      tpu.vector_store_idx %arg6[%add3A_785], %mul3A_781 : memref<31104xf32, #tpu.memory_space<vmem>>[vector<16xi32>], vector<16xf32>,
    }
    %scan3A_338 = arith.constant 81 : i32
    %get3A_339 = arith.constant 1664 : index
    %get3A_340 = tpu.vector_load %arg5[%get3A_339] {strides = array<i32>} : memref<4096xf32, #tpu.memory_space<vmem>>, vector<16xf32>,
    %get3A_341 = arith.constant 1680 : index
    %get3A_342 = tpu.vector_load %arg5[%get3A_341] {strides = array<i32>} : memref<4096xf32, #tpu.memory_space<vmem>>, vector<16xf32>,
    %get3A_343 = arith.constant 1696 : index
    %get3A_344 = tpu.vector_load %arg5[%get3A_343] {strides = array<i32>} : memref<4096xf32, #tpu.memory_space<vmem>>, vector<16xf32>,
    %get3A_345 = arith.constant 1712 : index
    %get3A_346 = tpu.vector_load %arg5[%get3A_345] {strides = array<i32>} : memref<4096xf32, #tpu.memory_space<vmem>>, vector<16xf32>,
    %get3A_347 = arith.constant 1728 : index
    %get3A_348 = tpu.vector_load %arg5[%get3A_347] {strides = array<i32>} : memref<4096xf32, #tpu.memory_space<vmem>>, vector<16xf32>,
    %get3A_349 = arith.constant 1744 : index
    %get3A_350 = tpu.vector_load %arg5[%get3A_349] {strides = array<i32>} : memref<4096xf32, #tpu.memory_space<vmem>>, vector<16xf32>,
    %get3A_351 = arith.constant 1760 : index
    %get3A_352 = tpu.vector_load %arg5[%get3A_351] {strides = array<i32>} : memref<4096xf32, #tpu.memory_space<vmem>>, vector<16xf32>,
    %get3A_353 = arith.constant 1776 : index
    %get3A_354 = tpu.vector_load %arg5[%get3A_353] {strides = array<i32>} : memref<4096xf32, #tpu.memory_space<vmem>>, vector<16xf32>,
    %scan3A_355 = arith.constant 0 : i32
    %scan3A_356 = arith.constant 0.111111112 : f32
    %scan3A_357 = arith.constant 0 : i32
    %scan3A_358 = arith.constant 81 : i32
    %scan3A_359 = arith.addi %scan3A_357, %scan3A_358 : i32
    %scan3A_360 = arith.constant 1 : i32
    scf.for %scan3A_688 = %scan3A_357 to %scan3A_359 step %scan3A_360  : i32 {
      %add3A_689 = arith.constant 81 : i32
      %add3A_690 = arith.addi %add3A_689, %scan3A_688 : i32
      %mul3A_691 = arith.constant 128 : i32
      %mul3A_692 = arith.muli %scan3A_688, %mul3A_691 : i32
      %add3A_693 = vector.broadcast %mul3A_692 : i32 to vector<16xi32>
      %add3A_694 = arith.addi %add3A_693, %add3A_3 : vector<16xi32>
      %gather3A = tpu.vector_load_idx %arg6[%add3A_694] : memref<31104xf32, #tpu.memory_space<vmem>>[vector<16xi32>], vector<16xf32>,
      %add3A_695 = arith.addf %gather3A, %get3A_340 : vector<16xf32>
      %mul3A_696 = vector.broadcast %scan3A_356 : f32 to vector<16xf32>
      %mul3A_697 = arith.mulf %add3A_695, %mul3A_696 : vector<16xf32>
      %mul3A_698 = arith.constant 128 : i32
      %mul3A_699 = arith.muli %add3A_690, %mul3A_698 : i32
      %add3A_700 = vector.broadcast %mul3A_699 : i32 to vector<16xi32>
      %add3A_701 = arith.addi %add3A_700, %add3A_3 : vector<16xi32>
      tpu.vector_store_idx %arg6[%add3A_701], %mul3A_697 : memref<31104xf32, #tpu.memory_space<vmem>>[vector<16xi32>], vector<16xf32>,
      %mul3A_702 = arith.constant 128 : i32
      %mul3A_703 = arith.muli %scan3A_688, %mul3A_702 : i32
      %add3A_704 = vector.broadcast %mul3A_703 : i32 to vector<16xi32>
      %add3A_705 = arith.addi %add3A_704, %add3A_6 : vector<16xi32>
      %gather3A_706 = tpu.vector_load_idx %arg6[%add3A_705] : memref<31104xf32, #tpu.memory_space<vmem>>[vector<16xi32>], vector<16xf32>,
      %add3A_707 = arith.addf %gather3A_706, %get3A_342 : vector<16xf32>
      %mul3A_708 = vector.broadcast %scan3A_356 : f32 to vector<16xf32>
      %mul3A_709 = arith.mulf %add3A_707, %mul3A_708 : vector<16xf32>
      %mul3A_710 = arith.constant 128 : i32
      %mul3A_711 = arith.muli %add3A_690, %mul3A_710 : i32
      %add3A_712 = vector.broadcast %mul3A_711 : i32 to vector<16xi32>
      %add3A_713 = arith.addi %add3A_712, %add3A_6 : vector<16xi32>
      tpu.vector_store_idx %arg6[%add3A_713], %mul3A_709 : memref<31104xf32, #tpu.memory_space<vmem>>[vector<16xi32>], vector<16xf32>,
      %mul3A_714 = arith.constant 128 : i32
      %mul3A_715 = arith.muli %scan3A_688, %mul3A_714 : i32
      %add3A_716 = vector.broadcast %mul3A_715 : i32 to vector<16xi32>
      %add3A_717 = arith.addi %add3A_716, %add3A_9 : vector<16xi32>
      %gather3A_718 = tpu.vector_load_idx %arg6[%add3A_717] : memref<31104xf32, #tpu.memory_space<vmem>>[vector<16xi32>], vector<16xf32>,
      %add3A_719 = arith.addf %gather3A_718, %get3A_344 : vector<16xf32>
      %mul3A_720 = vector.broadcast %scan3A_356 : f32 to vector<16xf32>
      %mul3A_721 = arith.mulf %add3A_719, %mul3A_720 : vector<16xf32>
      %mul3A_722 = arith.constant 128 : i32
      %mul3A_723 = arith.muli %add3A_690, %mul3A_722 : i32
      %add3A_724 = vector.broadcast %mul3A_723 : i32 to vector<16xi32>
      %add3A_725 = arith.addi %add3A_724, %add3A_9 : vector<16xi32>
      tpu.vector_store_idx %arg6[%add3A_725], %mul3A_721 : memref<31104xf32, #tpu.memory_space<vmem>>[vector<16xi32>], vector<16xf32>,
      %mul3A_726 = arith.constant 128 : i32
      %mul3A_727 = arith.muli %scan3A_688, %mul3A_726 : i32
      %add3A_728 = vector.broadcast %mul3A_727 : i32 to vector<16xi32>
      %add3A_729 = arith.addi %add3A_728, %add3A_12 : vector<16xi32>
      %gather3A_730 = tpu.vector_load_idx %arg6[%add3A_729] : memref<31104xf32, #tpu.memory_space<vmem>>[vector<16xi32>], vector<16xf32>,
      %add3A_731 = arith.addf %gather3A_730, %get3A_346 : vector<16xf32>
      %mul3A_732 = vector.broadcast %scan3A_356 : f32 to vector<16xf32>
      %mul3A_733 = arith.mulf %add3A_731, %mul3A_732 : vector<16xf32>
      %mul3A_734 = arith.constant 128 : i32
      %mul3A_735 = arith.muli %add3A_690, %mul3A_734 : i32
      %add3A_736 = vector.broadcast %mul3A_735 : i32 to vector<16xi32>
      %add3A_737 = arith.addi %add3A_736, %add3A_12 : vector<16xi32>
      tpu.vector_store_idx %arg6[%add3A_737], %mul3A_733 : memref<31104xf32, #tpu.memory_space<vmem>>[vector<16xi32>], vector<16xf32>,
      %mul3A_738 = arith.constant 128 : i32
      %mul3A_739 = arith.muli %scan3A_688, %mul3A_738 : i32
      %add3A_740 = vector.broadcast %mul3A_739 : i32 to vector<16xi32>
      %add3A_741 = arith.addi %add3A_740, %add3A_15 : vector<16xi32>
      %gather3A_742 = tpu.vector_load_idx %arg6[%add3A_741] : memref<31104xf32, #tpu.memory_space<vmem>>[vector<16xi32>], vector<16xf32>,
      %add3A_743 = arith.addf %gather3A_742, %get3A_348 : vector<16xf32>
      %mul3A_744 = vector.broadcast %scan3A_356 : f32 to vector<16xf32>
      %mul3A_745 = arith.mulf %add3A_743, %mul3A_744 : vector<16xf32>
      %mul3A_746 = arith.constant 128 : i32
      %mul3A_747 = arith.muli %add3A_690, %mul3A_746 : i32
      %add3A_748 = vector.broadcast %mul3A_747 : i32 to vector<16xi32>
      %add3A_749 = arith.addi %add3A_748, %add3A_15 : vector<16xi32>
      tpu.vector_store_idx %arg6[%add3A_749], %mul3A_745 : memref<31104xf32, #tpu.memory_space<vmem>>[vector<16xi32>], vector<16xf32>,
      %mul3A_750 = arith.constant 128 : i32
      %mul3A_751 = arith.muli %scan3A_688, %mul3A_750 : i32
      %add3A_752 = vector.broadcast %mul3A_751 : i32 to vector<16xi32>
      %add3A_753 = arith.addi %add3A_752, %add3A_18 : vector<16xi32>
      %gather3A_754 = tpu.vector_load_idx %arg6[%add3A_753] : memref<31104xf32, #tpu.memory_space<vmem>>[vector<16xi32>], vector<16xf32>,
      %add3A_755 = arith.addf %gather3A_754, %get3A_350 : vector<16xf32>
      %mul3A_756 = vector.broadcast %scan3A_356 : f32 to vector<16xf32>
      %mul3A_757 = arith.mulf %add3A_755, %mul3A_756 : vector<16xf32>
      %mul3A_758 = arith.constant 128 : i32
      %mul3A_759 = arith.muli %add3A_690, %mul3A_758 : i32
      %add3A_760 = vector.broadcast %mul3A_759 : i32 to vector<16xi32>
      %add3A_761 = arith.addi %add3A_760, %add3A_18 : vector<16xi32>
      tpu.vector_store_idx %arg6[%add3A_761], %mul3A_757 : memref<31104xf32, #tpu.memory_space<vmem>>[vector<16xi32>], vector<16xf32>,
      %mul3A_762 = arith.constant 128 : i32
      %mul3A_763 = arith.muli %scan3A_688, %mul3A_762 : i32
      %add3A_764 = vector.broadcast %mul3A_763 : i32 to vector<16xi32>
      %add3A_765 = arith.addi %add3A_764, %add3A_21 : vector<16xi32>
      %gather3A_766 = tpu.vector_load_idx %arg6[%add3A_765] : memref<31104xf32, #tpu.memory_space<vmem>>[vector<16xi32>], vector<16xf32>,
      %add3A_767 = arith.addf %gather3A_766, %get3A_352 : vector<16xf32>
      %mul3A_768 = vector.broadcast %scan3A_356 : f32 to vector<16xf32>
      %mul3A_769 = arith.mulf %add3A_767, %mul3A_768 : vector<16xf32>
      %mul3A_770 = arith.constant 128 : i32
      %mul3A_771 = arith.muli %add3A_690, %mul3A_770 : i32
      %add3A_772 = vector.broadcast %mul3A_771 : i32 to vector<16xi32>
      %add3A_773 = arith.addi %add3A_772, %add3A_21 : vector<16xi32>
      tpu.vector_store_idx %arg6[%add3A_773], %mul3A_769 : memref<31104xf32, #tpu.memory_space<vmem>>[vector<16xi32>], vector<16xf32>,
      %mul3A_774 = arith.constant 128 : i32
      %mul3A_775 = arith.muli %scan3A_688, %mul3A_774 : i32
      %add3A_776 = vector.broadcast %mul3A_775 : i32 to vector<16xi32>
      %add3A_777 = arith.addi %add3A_776, %add3A_24 : vector<16xi32>
      %gather3A_778 = tpu.vector_load_idx %arg6[%add3A_777] : memref<31104xf32, #tpu.memory_space<vmem>>[vector<16xi32>], vector<16xf32>,
      %add3A_779 = arith.addf %gather3A_778, %get3A_354 : vector<16xf32>
      %mul3A_780 = vector.broadcast %scan3A_356 : f32 to vector<16xf32>
      %mul3A_781 = arith.mulf %add3A_779, %mul3A_780 : vector<16xf32>
      %mul3A_782 = arith.constant 128 : i32
      %mul3A_783 = arith.muli %add3A_690, %mul3A_782 : i32
      %add3A_784 = vector.broadcast %mul3A_783 : i32 to vector<16xi32>
      %add3A_785 = arith.addi %add3A_784, %add3A_24 : vector<16xi32>
      tpu.vector_store_idx %arg6[%add3A_785], %mul3A_781 : memref<31104xf32, #tpu.memory_space<vmem>>[vector<16xi32>], vector<16xf32>,
    }
    %scan3A_361 = arith.constant 81 : i32
    %get3A_362 = arith.constant 1536 : index
    %get3A_363 = tpu.vector_load %arg5[%get3A_362] {strides = array<i32>} : memref<4096xf32, #tpu.memory_space<vmem>>, vector<16xf32>,
    %get3A_364 = arith.constant 1552 : index
    %get3A_365 = tpu.vector_load %arg5[%get3A_364] {strides = array<i32>} : memref<4096xf32, #tpu.memory_space<vmem>>, vector<16xf32>,
    %get3A_366 = arith.constant 1568 : index
    %get3A_367 = tpu.vector_load %arg5[%get3A_366] {strides = array<i32>} : memref<4096xf32, #tpu.memory_space<vmem>>, vector<16xf32>,
    %get3A_368 = arith.constant 1584 : index
    %get3A_369 = tpu.vector_load %arg5[%get3A_368] {strides = array<i32>} : memref<4096xf32, #tpu.memory_space<vmem>>, vector<16xf32>,
    %get3A_370 = arith.constant 1600 : index
    %get3A_371 = tpu.vector_load %arg5[%get3A_370] {strides = array<i32>} : memref<4096xf32, #tpu.memory_space<vmem>>, vector<16xf32>,
    %get3A_372 = arith.constant 1616 : index
    %get3A_373 = tpu.vector_load %arg5[%get3A_372] {strides = array<i32>} : memref<4096xf32, #tpu.memory_space<vmem>>, vector<16xf32>,
    %get3A_374 = arith.constant 1632 : index
    %get3A_375 = tpu.vector_load %arg5[%get3A_374] {strides = array<i32>} : memref<4096xf32, #tpu.memory_space<vmem>>, vector<16xf32>,
    %get3A_376 = arith.constant 1648 : index
    %get3A_377 = tpu.vector_load %arg5[%get3A_376] {strides = array<i32>} : memref<4096xf32, #tpu.memory_space<vmem>>, vector<16xf32>,
    %scan3A_378 = arith.constant 0 : i32
    %scan3A_379 = arith.constant 0.111111112 : f32
    %scan3A_380 = arith.constant 0 : i32
    %scan3A_381 = arith.constant 81 : i32
    %scan3A_382 = arith.addi %scan3A_380, %scan3A_381 : i32
    %scan3A_383 = arith.constant 1 : i32
    scf.for %scan3A_688 = %scan3A_380 to %scan3A_382 step %scan3A_383  : i32 {
      %add3A_689 = arith.constant 0 : i32
      %add3A_690 = arith.addi %add3A_689, %scan3A_688 : i32
      %mul3A_691 = arith.constant 128 : i32
      %mul3A_692 = arith.muli %scan3A_688, %mul3A_691 : i32
      %add3A_693 = vector.broadcast %mul3A_692 : i32 to vector<16xi32>
      %add3A_694 = arith.addi %add3A_693, %add3A_3 : vector<16xi32>
      %gather3A = tpu.vector_load_idx %arg6[%add3A_694] : memref<31104xf32, #tpu.memory_space<vmem>>[vector<16xi32>], vector<16xf32>,
      %add3A_695 = arith.addf %gather3A, %get3A_363 : vector<16xf32>
      %mul3A_696 = vector.broadcast %scan3A_379 : f32 to vector<16xf32>
      %mul3A_697 = arith.mulf %add3A_695, %mul3A_696 : vector<16xf32>
      %mul3A_698 = arith.constant 128 : i32
      %mul3A_699 = arith.muli %add3A_690, %mul3A_698 : i32
      %add3A_700 = vector.broadcast %mul3A_699 : i32 to vector<16xi32>
      %add3A_701 = arith.addi %add3A_700, %add3A_3 : vector<16xi32>
      tpu.vector_store_idx %arg6[%add3A_701], %mul3A_697 : memref<31104xf32, #tpu.memory_space<vmem>>[vector<16xi32>], vector<16xf32>,
      %mul3A_702 = arith.constant 128 : i32
      %mul3A_703 = arith.muli %scan3A_688, %mul3A_702 : i32
      %add3A_704 = vector.broadcast %mul3A_703 : i32 to vector<16xi32>
      %add3A_705 = arith.addi %add3A_704, %add3A_6 : vector<16xi32>
      %gather3A_706 = tpu.vector_load_idx %arg6[%add3A_705] : memref<31104xf32, #tpu.memory_space<vmem>>[vector<16xi32>], vector<16xf32>,
      %add3A_707 = arith.addf %gather3A_706, %get3A_365 : vector<16xf32>
      %mul3A_708 = vector.broadcast %scan3A_379 : f32 to vector<16xf32>
      %mul3A_709 = arith.mulf %add3A_707, %mul3A_708 : vector<16xf32>
      %mul3A_710 = arith.constant 128 : i32
      %mul3A_711 = arith.muli %add3A_690, %mul3A_710 : i32
      %add3A_712 = vector.broadcast %mul3A_711 : i32 to vector<16xi32>
      %add3A_713 = arith.addi %add3A_712, %add3A_6 : vector<16xi32>
      tpu.vector_store_idx %arg6[%add3A_713], %mul3A_709 : memref<31104xf32, #tpu.memory_space<vmem>>[vector<16xi32>], vector<16xf32>,
      %mul3A_714 = arith.constant 128 : i32
      %mul3A_715 = arith.muli %scan3A_688, %mul3A_714 : i32
      %add3A_716 = vector.broadcast %mul3A_715 : i32 to vector<16xi32>
      %add3A_717 = arith.addi %add3A_716, %add3A_9 : vector<16xi32>
      %gather3A_718 = tpu.vector_load_idx %arg6[%add3A_717] : memref<31104xf32, #tpu.memory_space<vmem>>[vector<16xi32>], vector<16xf32>,
      %add3A_719 = arith.addf %gather3A_718, %get3A_367 : vector<16xf32>
      %mul3A_720 = vector.broadcast %scan3A_379 : f32 to vector<16xf32>
      %mul3A_721 = arith.mulf %add3A_719, %mul3A_720 : vector<16xf32>
      %mul3A_722 = arith.constant 128 : i32
      %mul3A_723 = arith.muli %add3A_690, %mul3A_722 : i32
      %add3A_724 = vector.broadcast %mul3A_723 : i32 to vector<16xi32>
      %add3A_725 = arith.addi %add3A_724, %add3A_9 : vector<16xi32>
      tpu.vector_store_idx %arg6[%add3A_725], %mul3A_721 : memref<31104xf32, #tpu.memory_space<vmem>>[vector<16xi32>], vector<16xf32>,
      %mul3A_726 = arith.constant 128 : i32
      %mul3A_727 = arith.muli %scan3A_688, %mul3A_726 : i32
      %add3A_728 = vector.broadcast %mul3A_727 : i32 to vector<16xi32>
      %add3A_729 = arith.addi %add3A_728, %add3A_12 : vector<16xi32>
      %gather3A_730 = tpu.vector_load_idx %arg6[%add3A_729] : memref<31104xf32, #tpu.memory_space<vmem>>[vector<16xi32>], vector<16xf32>,
      %add3A_731 = arith.addf %gather3A_730, %get3A_369 : vector<16xf32>
      %mul3A_732 = vector.broadcast %scan3A_379 : f32 to vector<16xf32>
      %mul3A_733 = arith.mulf %add3A_731, %mul3A_732 : vector<16xf32>
      %mul3A_734 = arith.constant 128 : i32
      %mul3A_735 = arith.muli %add3A_690, %mul3A_734 : i32
      %add3A_736 = vector.broadcast %mul3A_735 : i32 to vector<16xi32>
      %add3A_737 = arith.addi %add3A_736, %add3A_12 : vector<16xi32>
      tpu.vector_store_idx %arg6[%add3A_737], %mul3A_733 : memref<31104xf32, #tpu.memory_space<vmem>>[vector<16xi32>], vector<16xf32>,
      %mul3A_738 = arith.constant 128 : i32
      %mul3A_739 = arith.muli %scan3A_688, %mul3A_738 : i32
      %add3A_740 = vector.broadcast %mul3A_739 : i32 to vector<16xi32>
      %add3A_741 = arith.addi %add3A_740, %add3A_15 : vector<16xi32>
      %gather3A_742 = tpu.vector_load_idx %arg6[%add3A_741] : memref<31104xf32, #tpu.memory_space<vmem>>[vector<16xi32>], vector<16xf32>,
      %add3A_743 = arith.addf %gather3A_742, %get3A_371 : vector<16xf32>
      %mul3A_744 = vector.broadcast %scan3A_379 : f32 to vector<16xf32>
      %mul3A_745 = arith.mulf %add3A_743, %mul3A_744 : vector<16xf32>
      %mul3A_746 = arith.constant 128 : i32
      %mul3A_747 = arith.muli %add3A_690, %mul3A_746 : i32
      %add3A_748 = vector.broadcast %mul3A_747 : i32 to vector<16xi32>
      %add3A_749 = arith.addi %add3A_748, %add3A_15 : vector<16xi32>
      tpu.vector_store_idx %arg6[%add3A_749], %mul3A_745 : memref<31104xf32, #tpu.memory_space<vmem>>[vector<16xi32>], vector<16xf32>,
      %mul3A_750 = arith.constant 128 : i32
      %mul3A_751 = arith.muli %scan3A_688, %mul3A_750 : i32
      %add3A_752 = vector.broadcast %mul3A_751 : i32 to vector<16xi32>
      %add3A_753 = arith.addi %add3A_752, %add3A_18 : vector<16xi32>
      %gather3A_754 = tpu.vector_load_idx %arg6[%add3A_753] : memref<31104xf32, #tpu.memory_space<vmem>>[vector<16xi32>], vector<16xf32>,
      %add3A_755 = arith.addf %gather3A_754, %get3A_373 : vector<16xf32>
      %mul3A_756 = vector.broadcast %scan3A_379 : f32 to vector<16xf32>
      %mul3A_757 = arith.mulf %add3A_755, %mul3A_756 : vector<16xf32>
      %mul3A_758 = arith.constant 128 : i32
      %mul3A_759 = arith.muli %add3A_690, %mul3A_758 : i32
      %add3A_760 = vector.broadcast %mul3A_759 : i32 to vector<16xi32>
      %add3A_761 = arith.addi %add3A_760, %add3A_18 : vector<16xi32>
      tpu.vector_store_idx %arg6[%add3A_761], %mul3A_757 : memref<31104xf32, #tpu.memory_space<vmem>>[vector<16xi32>], vector<16xf32>,
      %mul3A_762 = arith.constant 128 : i32
      %mul3A_763 = arith.muli %scan3A_688, %mul3A_762 : i32
      %add3A_764 = vector.broadcast %mul3A_763 : i32 to vector<16xi32>
      %add3A_765 = arith.addi %add3A_764, %add3A_21 : vector<16xi32>
      %gather3A_766 = tpu.vector_load_idx %arg6[%add3A_765] : memref<31104xf32, #tpu.memory_space<vmem>>[vector<16xi32>], vector<16xf32>,
      %add3A_767 = arith.addf %gather3A_766, %get3A_375 : vector<16xf32>
      %mul3A_768 = vector.broadcast %scan3A_379 : f32 to vector<16xf32>
      %mul3A_769 = arith.mulf %add3A_767, %mul3A_768 : vector<16xf32>
      %mul3A_770 = arith.constant 128 : i32
      %mul3A_771 = arith.muli %add3A_690, %mul3A_770 : i32
      %add3A_772 = vector.broadcast %mul3A_771 : i32 to vector<16xi32>
      %add3A_773 = arith.addi %add3A_772, %add3A_21 : vector<16xi32>
      tpu.vector_store_idx %arg6[%add3A_773], %mul3A_769 : memref<31104xf32, #tpu.memory_space<vmem>>[vector<16xi32>], vector<16xf32>,
      %mul3A_774 = arith.constant 128 : i32
      %mul3A_775 = arith.muli %scan3A_688, %mul3A_774 : i32
      %add3A_776 = vector.broadcast %mul3A_775 : i32 to vector<16xi32>
      %add3A_777 = arith.addi %add3A_776, %add3A_24 : vector<16xi32>
      %gather3A_778 = tpu.vector_load_idx %arg6[%add3A_777] : memref<31104xf32, #tpu.memory_space<vmem>>[vector<16xi32>], vector<16xf32>,
      %add3A_779 = arith.addf %gather3A_778, %get3A_377 : vector<16xf32>
      %mul3A_780 = vector.broadcast %scan3A_379 : f32 to vector<16xf32>
      %mul3A_781 = arith.mulf %add3A_779, %mul3A_780 : vector<16xf32>
      %mul3A_782 = arith.constant 128 : i32
      %mul3A_783 = arith.muli %add3A_690, %mul3A_782 : i32
      %add3A_784 = vector.broadcast %mul3A_783 : i32 to vector<16xi32>
      %add3A_785 = arith.addi %add3A_784, %add3A_24 : vector<16xi32>
      tpu.vector_store_idx %arg6[%add3A_785], %mul3A_781 : memref<31104xf32, #tpu.memory_space<vmem>>[vector<16xi32>], vector<16xf32>,
    }
    %scan3A_384 = arith.constant 81 : i32
    %get3A_385 = arith.constant 1920 : index
    %get3A_386 = tpu.vector_load %arg5[%get3A_385] {strides = array<i32>} : memref<4096xf32, #tpu.memory_space<vmem>>, vector<16xf32>,
    %swap3A_387 = arith.constant 0 : index
    %swap3A_388 = tpu.vector_load %arg7[%swap3A_387] {strides = array<i32>} : memref<10368xf32, #tpu.memory_space<vmem>>, vector<16xf32>,
    tpu.vector_store %arg7[%swap3A_387], %get3A_386 {strides = array<i32>} : memref<10368xf32, #tpu.memory_space<vmem>>, vector<16xf32>,
    %get3A_389 = arith.constant 1936 : index
    %get3A_390 = tpu.vector_load %arg5[%get3A_389] {strides = array<i32>} : memref<4096xf32, #tpu.memory_space<vmem>>, vector<16xf32>,
    %swap3A_391 = arith.constant 16 : index
    %swap3A_392 = tpu.vector_load %arg7[%swap3A_391] {strides = array<i32>} : memref<10368xf32, #tpu.memory_space<vmem>>, vector<16xf32>,
    tpu.vector_store %arg7[%swap3A_391], %get3A_390 {strides = array<i32>} : memref<10368xf32, #tpu.memory_space<vmem>>, vector<16xf32>,
    %get3A_393 = arith.constant 1952 : index
    %get3A_394 = tpu.vector_load %arg5[%get3A_393] {strides = array<i32>} : memref<4096xf32, #tpu.memory_space<vmem>>, vector<16xf32>,
    %swap3A_395 = arith.constant 32 : index
    %swap3A_396 = tpu.vector_load %arg7[%swap3A_395] {strides = array<i32>} : memref<10368xf32, #tpu.memory_space<vmem>>, vector<16xf32>,
    tpu.vector_store %arg7[%swap3A_395], %get3A_394 {strides = array<i32>} : memref<10368xf32, #tpu.memory_space<vmem>>, vector<16xf32>,
    %get3A_397 = arith.constant 1968 : index
    %get3A_398 = tpu.vector_load %arg5[%get3A_397] {strides = array<i32>} : memref<4096xf32, #tpu.memory_space<vmem>>, vector<16xf32>,
    %swap3A_399 = arith.constant 48 : index
    %swap3A_400 = tpu.vector_load %arg7[%swap3A_399] {strides = array<i32>} : memref<10368xf32, #tpu.memory_space<vmem>>, vector<16xf32>,
    tpu.vector_store %arg7[%swap3A_399], %get3A_398 {strides = array<i32>} : memref<10368xf32, #tpu.memory_space<vmem>>, vector<16xf32>,
    %get3A_401 = arith.constant 1984 : index
    %get3A_402 = tpu.vector_load %arg5[%get3A_401] {strides = array<i32>} : memref<4096xf32, #tpu.memory_space<vmem>>, vector<16xf32>,
    %swap3A_403 = arith.constant 64 : index
    %swap3A_404 = tpu.vector_load %arg7[%swap3A_403] {strides = array<i32>} : memref<10368xf32, #tpu.memory_space<vmem>>, vector<16xf32>,
    tpu.vector_store %arg7[%swap3A_403], %get3A_402 {strides = array<i32>} : memref<10368xf32, #tpu.memory_space<vmem>>, vector<16xf32>,
    %get3A_405 = arith.constant 2000 : index
    %get3A_406 = tpu.vector_load %arg5[%get3A_405] {strides = array<i32>} : memref<4096xf32, #tpu.memory_space<vmem>>, vector<16xf32>,
    %swap3A_407 = arith.constant 80 : index
    %swap3A_408 = tpu.vector_load %arg7[%swap3A_407] {strides = array<i32>} : memref<10368xf32, #tpu.memory_space<vmem>>, vector<16xf32>,
    tpu.vector_store %arg7[%swap3A_407], %get3A_406 {strides = array<i32>} : memref<10368xf32, #tpu.memory_space<vmem>>, vector<16xf32>,
    %get3A_409 = arith.constant 2016 : index
    %get3A_410 = tpu.vector_load %arg5[%get3A_409] {strides = array<i32>} : memref<4096xf32, #tpu.memory_space<vmem>>, vector<16xf32>,
    %swap3A_411 = arith.constant 96 : index
    %swap3A_412 = tpu.vector_load %arg7[%swap3A_411] {strides = array<i32>} : memref<10368xf32, #tpu.memory_space<vmem>>, vector<16xf32>,
    tpu.vector_store %arg7[%swap3A_411], %get3A_410 {strides = array<i32>} : memref<10368xf32, #tpu.memory_space<vmem>>, vector<16xf32>,
    %get3A_413 = arith.constant 2032 : index
    %get3A_414 = tpu.vector_load %arg5[%get3A_413] {strides = array<i32>} : memref<4096xf32, #tpu.memory_space<vmem>>, vector<16xf32>,
    %swap3A_415 = arith.constant 112 : index
    %swap3A_416 = tpu.vector_load %arg7[%swap3A_415] {strides = array<i32>} : memref<10368xf32, #tpu.memory_space<vmem>>, vector<16xf32>,
    tpu.vector_store %arg7[%swap3A_415], %get3A_414 {strides = array<i32>} : memref<10368xf32, #tpu.memory_space<vmem>>, vector<16xf32>,
    %get3A_417 = arith.constant 2048 : index
    %get3A_418 = tpu.vector_load %arg5[%get3A_417] {strides = array<i32>} : memref<4096xf32, #tpu.memory_space<vmem>>, vector<16xf32>,
    %swap3A_419 = arith.constant 128 : index
    %swap3A_420 = tpu.vector_load %arg7[%swap3A_419] {strides = array<i32>} : memref<10368xf32, #tpu.memory_space<vmem>>, vector<16xf32>,
    tpu.vector_store %arg7[%swap3A_419], %get3A_418 {strides = array<i32>} : memref<10368xf32, #tpu.memory_space<vmem>>, vector<16xf32>,
    %get3A_421 = arith.constant 2064 : index
    %get3A_422 = tpu.vector_load %arg5[%get3A_421] {strides = array<i32>} : memref<4096xf32, #tpu.memory_space<vmem>>, vector<16xf32>,
    %swap3A_423 = arith.constant 144 : index
    %swap3A_424 = tpu.vector_load %arg7[%swap3A_423] {strides = array<i32>} : memref<10368xf32, #tpu.memory_space<vmem>>, vector<16xf32>,
    tpu.vector_store %arg7[%swap3A_423], %get3A_422 {strides = array<i32>} : memref<10368xf32, #tpu.memory_space<vmem>>, vector<16xf32>,
    %get3A_425 = arith.constant 2080 : index
    %get3A_426 = tpu.vector_load %arg5[%get3A_425] {strides = array<i32>} : memref<4096xf32, #tpu.memory_space<vmem>>, vector<16xf32>,
    %swap3A_427 = arith.constant 160 : index
    %swap3A_428 = tpu.vector_load %arg7[%swap3A_427] {strides = array<i32>} : memref<10368xf32, #tpu.memory_space<vmem>>, vector<16xf32>,
    tpu.vector_store %arg7[%swap3A_427], %get3A_426 {strides = array<i32>} : memref<10368xf32, #tpu.memory_space<vmem>>, vector<16xf32>,
    %get3A_429 = arith.constant 2096 : index
    %get3A_430 = tpu.vector_load %arg5[%get3A_429] {strides = array<i32>} : memref<4096xf32, #tpu.memory_space<vmem>>, vector<16xf32>,
    %swap3A_431 = arith.constant 176 : index
    %swap3A_432 = tpu.vector_load %arg7[%swap3A_431] {strides = array<i32>} : memref<10368xf32, #tpu.memory_space<vmem>>, vector<16xf32>,
    tpu.vector_store %arg7[%swap3A_431], %get3A_430 {strides = array<i32>} : memref<10368xf32, #tpu.memory_space<vmem>>, vector<16xf32>,
    %get3A_433 = arith.constant 2112 : index
    %get3A_434 = tpu.vector_load %arg5[%get3A_433] {strides = array<i32>} : memref<4096xf32, #tpu.memory_space<vmem>>, vector<16xf32>,
    %swap3A_435 = arith.constant 192 : index
    %swap3A_436 = tpu.vector_load %arg7[%swap3A_435] {strides = array<i32>} : memref<10368xf32, #tpu.memory_space<vmem>>, vector<16xf32>,
    tpu.vector_store %arg7[%swap3A_435], %get3A_434 {strides = array<i32>} : memref<10368xf32, #tpu.memory_space<vmem>>, vector<16xf32>,
    %get3A_437 = arith.constant 2128 : index
    %get3A_438 = tpu.vector_load %arg5[%get3A_437] {strides = array<i32>} : memref<4096xf32, #tpu.memory_space<vmem>>, vector<16xf32>,
    %swap3A_439 = arith.constant 208 : index
    %swap3A_440 = tpu.vector_load %arg7[%swap3A_439] {strides = array<i32>} : memref<10368xf32, #tpu.memory_space<vmem>>, vector<16xf32>,
    tpu.vector_store %arg7[%swap3A_439], %get3A_438 {strides = array<i32>} : memref<10368xf32, #tpu.memory_space<vmem>>, vector<16xf32>,
    %get3A_441 = arith.constant 2144 : index
    %get3A_442 = tpu.vector_load %arg5[%get3A_441] {strides = array<i32>} : memref<4096xf32, #tpu.memory_space<vmem>>, vector<16xf32>,
    %swap3A_443 = arith.constant 224 : index
    %swap3A_444 = tpu.vector_load %arg7[%swap3A_443] {strides = array<i32>} : memref<10368xf32, #tpu.memory_space<vmem>>, vector<16xf32>,
    tpu.vector_store %arg7[%swap3A_443], %get3A_442 {strides = array<i32>} : memref<10368xf32, #tpu.memory_space<vmem>>, vector<16xf32>,
    %get3A_445 = arith.constant 2160 : index
    %get3A_446 = tpu.vector_load %arg5[%get3A_445] {strides = array<i32>} : memref<4096xf32, #tpu.memory_space<vmem>>, vector<16xf32>,
    %swap3A_447 = arith.constant 240 : index
    %swap3A_448 = tpu.vector_load %arg7[%swap3A_447] {strides = array<i32>} : memref<10368xf32, #tpu.memory_space<vmem>>, vector<16xf32>,
    tpu.vector_store %arg7[%swap3A_447], %get3A_446 {strides = array<i32>} : memref<10368xf32, #tpu.memory_space<vmem>>, vector<16xf32>,
    %get3A_449 = arith.constant 2176 : index
    %get3A_450 = tpu.vector_load %arg5[%get3A_449] {strides = array<i32>} : memref<4096xf32, #tpu.memory_space<vmem>>, vector<16xf32>,
    %swap3A_451 = arith.constant 256 : index
    %swap3A_452 = tpu.vector_load %arg7[%swap3A_451] {strides = array<i32>} : memref<10368xf32, #tpu.memory_space<vmem>>, vector<16xf32>,
    tpu.vector_store %arg7[%swap3A_451], %get3A_450 {strides = array<i32>} : memref<10368xf32, #tpu.memory_space<vmem>>, vector<16xf32>,
    %get3A_453 = arith.constant 2192 : index
    %get3A_454 = tpu.vector_load %arg5[%get3A_453] {strides = array<i32>} : memref<4096xf32, #tpu.memory_space<vmem>>, vector<16xf32>,
    %swap3A_455 = arith.constant 272 : index
    %swap3A_456 = tpu.vector_load %arg7[%swap3A_455] {strides = array<i32>} : memref<10368xf32, #tpu.memory_space<vmem>>, vector<16xf32>,
    tpu.vector_store %arg7[%swap3A_455], %get3A_454 {strides = array<i32>} : memref<10368xf32, #tpu.memory_space<vmem>>, vector<16xf32>,
    %get3A_457 = arith.constant 2208 : index
    %get3A_458 = tpu.vector_load %arg5[%get3A_457] {strides = array<i32>} : memref<4096xf32, #tpu.memory_space<vmem>>, vector<16xf32>,
    %swap3A_459 = arith.constant 288 : index
    %swap3A_460 = tpu.vector_load %arg7[%swap3A_459] {strides = array<i32>} : memref<10368xf32, #tpu.memory_space<vmem>>, vector<16xf32>,
    tpu.vector_store %arg7[%swap3A_459], %get3A_458 {strides = array<i32>} : memref<10368xf32, #tpu.memory_space<vmem>>, vector<16xf32>,
    %get3A_461 = arith.constant 2224 : index
    %get3A_462 = tpu.vector_load %arg5[%get3A_461] {strides = array<i32>} : memref<4096xf32, #tpu.memory_space<vmem>>, vector<16xf32>,
    %swap3A_463 = arith.constant 304 : index
    %swap3A_464 = tpu.vector_load %arg7[%swap3A_463] {strides = array<i32>} : memref<10368xf32, #tpu.memory_space<vmem>>, vector<16xf32>,
    tpu.vector_store %arg7[%swap3A_463], %get3A_462 {strides = array<i32>} : memref<10368xf32, #tpu.memory_space<vmem>>, vector<16xf32>,
    %get3A_465 = arith.constant 2240 : index
    %get3A_466 = tpu.vector_load %arg5[%get3A_465] {strides = array<i32>} : memref<4096xf32, #tpu.memory_space<vmem>>, vector<16xf32>,
    %swap3A_467 = arith.constant 320 : index
    %swap3A_468 = tpu.vector_load %arg7[%swap3A_467] {strides = array<i32>} : memref<10368xf32, #tpu.memory_space<vmem>>, vector<16xf32>,
    tpu.vector_store %arg7[%swap3A_467], %get3A_466 {strides = array<i32>} : memref<10368xf32, #tpu.memory_space<vmem>>, vector<16xf32>,
    %get3A_469 = arith.constant 2256 : index
    %get3A_470 = tpu.vector_load %arg5[%get3A_469] {strides = array<i32>} : memref<4096xf32, #tpu.memory_space<vmem>>, vector<16xf32>,
    %swap3A_471 = arith.constant 336 : index
    %swap3A_472 = tpu.vector_load %arg7[%swap3A_471] {strides = array<i32>} : memref<10368xf32, #tpu.memory_space<vmem>>, vector<16xf32>,
    tpu.vector_store %arg7[%swap3A_471], %get3A_470 {strides = array<i32>} : memref<10368xf32, #tpu.memory_space<vmem>>, vector<16xf32>,
    %get3A_473 = arith.constant 2272 : index
    %get3A_474 = tpu.vector_load %arg5[%get3A_473] {strides = array<i32>} : memref<4096xf32, #tpu.memory_space<vmem>>, vector<16xf32>,
    %swap3A_475 = arith.constant 352 : index
    %swap3A_476 = tpu.vector_load %arg7[%swap3A_475] {strides = array<i32>} : memref<10368xf32, #tpu.memory_space<vmem>>, vector<16xf32>,
    tpu.vector_store %arg7[%swap3A_475], %get3A_474 {strides = array<i32>} : memref<10368xf32, #tpu.memory_space<vmem>>, vector<16xf32>,
    %get3A_477 = arith.constant 2288 : index
    %get3A_478 = tpu.vector_load %arg5[%get3A_477] {strides = array<i32>} : memref<4096xf32, #tpu.memory_space<vmem>>, vector<16xf32>,
    %swap3A_479 = arith.constant 368 : index
    %swap3A_480 = tpu.vector_load %arg7[%swap3A_479] {strides = array<i32>} : memref<10368xf32, #tpu.memory_space<vmem>>, vector<16xf32>,
    tpu.vector_store %arg7[%swap3A_479], %get3A_478 {strides = array<i32>} : memref<10368xf32, #tpu.memory_space<vmem>>, vector<16xf32>,
    %get3A_481 = arith.constant 2560 : index
    %get3A_482 = tpu.vector_load %arg5[%get3A_481] {strides = array<i32>} : memref<4096xf32, #tpu.memory_space<vmem>>, vector<16xf32>,
    %get3A_483 = arith.constant 2576 : index
    %get3A_484 = tpu.vector_load %arg5[%get3A_483] {strides = array<i32>} : memref<4096xf32, #tpu.memory_space<vmem>>, vector<16xf32>,
    %get3A_485 = arith.constant 2592 : index
    %get3A_486 = tpu.vector_load %arg5[%get3A_485] {strides = array<i32>} : memref<4096xf32, #tpu.memory_space<vmem>>, vector<16xf32>,
    %get3A_487 = arith.constant 2608 : index
    %get3A_488 = tpu.vector_load %arg5[%get3A_487] {strides = array<i32>} : memref<4096xf32, #tpu.memory_space<vmem>>, vector<16xf32>,
    %get3A_489 = arith.constant 2624 : index
    %get3A_490 = tpu.vector_load %arg5[%get3A_489] {strides = array<i32>} : memref<4096xf32, #tpu.memory_space<vmem>>, vector<16xf32>,
    %get3A_491 = arith.constant 2640 : index
    %get3A_492 = tpu.vector_load %arg5[%get3A_491] {strides = array<i32>} : memref<4096xf32, #tpu.memory_space<vmem>>, vector<16xf32>,
    %get3A_493 = arith.constant 2656 : index
    %get3A_494 = tpu.vector_load %arg5[%get3A_493] {strides = array<i32>} : memref<4096xf32, #tpu.memory_space<vmem>>, vector<16xf32>,
    %get3A_495 = arith.constant 2672 : index
    %get3A_496 = tpu.vector_load %arg5[%get3A_495] {strides = array<i32>} : memref<4096xf32, #tpu.memory_space<vmem>>, vector<16xf32>,
    %scan3A_497 = arith.constant 0 : i32
    %scan3A_498 = arith.constant 0 : i32
    %scan3A_499 = arith.constant 3 : i32
    %scan3A_500 = arith.addi %scan3A_498, %scan3A_499 : i32
    %scan3A_501 = arith.constant 1 : i32
    scf.for %scan3A_688 = %scan3A_498 to %scan3A_500 step %scan3A_501  : i32 {
      %add3A_689 = arith.constant 6 : i32
      %add3A_690 = arith.addi %add3A_689, %scan3A_688 : i32
      %mul3A_691 = arith.constant 128 : i32
      %mul3A_692 = arith.muli %scan3A_688, %mul3A_691 : i32
      %add3A_693 = vector.broadcast %mul3A_692 : i32 to vector<16xi32>
      %add3A_694 = arith.addi %add3A_693, %add3A_3 : vector<16xi32>
      %gather3A = tpu.vector_load_idx %arg7[%add3A_694] : memref<10368xf32, #tpu.memory_space<vmem>>[vector<16xi32>], vector<16xf32>,
      %add3A_695 = arith.addf %gather3A, %get3A_482 : vector<16xf32>
      %mul3A_696 = arith.constant 128 : i32
      %mul3A_697 = arith.muli %add3A_690, %mul3A_696 : i32
      %add3A_698 = vector.broadcast %mul3A_697 : i32 to vector<16xi32>
      %add3A_699 = arith.addi %add3A_698, %add3A_3 : vector<16xi32>
      tpu.vector_store_idx %arg7[%add3A_699], %add3A_695 : memref<10368xf32, #tpu.memory_space<vmem>>[vector<16xi32>], vector<16xf32>,
      %mul3A_700 = arith.constant 128 : i32
      %mul3A_701 = arith.muli %scan3A_688, %mul3A_700 : i32
      %add3A_702 = vector.broadcast %mul3A_701 : i32 to vector<16xi32>
      %add3A_703 = arith.addi %add3A_702, %add3A_6 : vector<16xi32>
      %gather3A_704 = tpu.vector_load_idx %arg7[%add3A_703] : memref<10368xf32, #tpu.memory_space<vmem>>[vector<16xi32>], vector<16xf32>,
      %add3A_705 = arith.addf %gather3A_704, %get3A_484 : vector<16xf32>
      %mul3A_706 = arith.constant 128 : i32
      %mul3A_707 = arith.muli %add3A_690, %mul3A_706 : i32
      %add3A_708 = vector.broadcast %mul3A_707 : i32 to vector<16xi32>
      %add3A_709 = arith.addi %add3A_708, %add3A_6 : vector<16xi32>
      tpu.vector_store_idx %arg7[%add3A_709], %add3A_705 : memref<10368xf32, #tpu.memory_space<vmem>>[vector<16xi32>], vector<16xf32>,
      %mul3A_710 = arith.constant 128 : i32
      %mul3A_711 = arith.muli %scan3A_688, %mul3A_710 : i32
      %add3A_712 = vector.broadcast %mul3A_711 : i32 to vector<16xi32>
      %add3A_713 = arith.addi %add3A_712, %add3A_9 : vector<16xi32>
      %gather3A_714 = tpu.vector_load_idx %arg7[%add3A_713] : memref<10368xf32, #tpu.memory_space<vmem>>[vector<16xi32>], vector<16xf32>,
      %add3A_715 = arith.addf %gather3A_714, %get3A_486 : vector<16xf32>
      %mul3A_716 = arith.constant 128 : i32
      %mul3A_717 = arith.muli %add3A_690, %mul3A_716 : i32
      %add3A_718 = vector.broadcast %mul3A_717 : i32 to vector<16xi32>
      %add3A_719 = arith.addi %add3A_718, %add3A_9 : vector<16xi32>
      tpu.vector_store_idx %arg7[%add3A_719], %add3A_715 : memref<10368xf32, #tpu.memory_space<vmem>>[vector<16xi32>], vector<16xf32>,
      %mul3A_720 = arith.constant 128 : i32
      %mul3A_721 = arith.muli %scan3A_688, %mul3A_720 : i32
      %add3A_722 = vector.broadcast %mul3A_721 : i32 to vector<16xi32>
      %add3A_723 = arith.addi %add3A_722, %add3A_12 : vector<16xi32>
      %gather3A_724 = tpu.vector_load_idx %arg7[%add3A_723] : memref<10368xf32, #tpu.memory_space<vmem>>[vector<16xi32>], vector<16xf32>,
      %add3A_725 = arith.addf %gather3A_724, %get3A_488 : vector<16xf32>
      %mul3A_726 = arith.constant 128 : i32
      %mul3A_727 = arith.muli %add3A_690, %mul3A_726 : i32
      %add3A_728 = vector.broadcast %mul3A_727 : i32 to vector<16xi32>
      %add3A_729 = arith.addi %add3A_728, %add3A_12 : vector<16xi32>
      tpu.vector_store_idx %arg7[%add3A_729], %add3A_725 : memref<10368xf32, #tpu.memory_space<vmem>>[vector<16xi32>], vector<16xf32>,
      %mul3A_730 = arith.constant 128 : i32
      %mul3A_731 = arith.muli %scan3A_688, %mul3A_730 : i32
      %add3A_732 = vector.broadcast %mul3A_731 : i32 to vector<16xi32>
      %add3A_733 = arith.addi %add3A_732, %add3A_15 : vector<16xi32>
      %gather3A_734 = tpu.vector_load_idx %arg7[%add3A_733] : memref<10368xf32, #tpu.memory_space<vmem>>[vector<16xi32>], vector<16xf32>,
      %add3A_735 = arith.addf %gather3A_734, %get3A_490 : vector<16xf32>
      %mul3A_736 = arith.constant 128 : i32
      %mul3A_737 = arith.muli %add3A_690, %mul3A_736 : i32
      %add3A_738 = vector.broadcast %mul3A_737 : i32 to vector<16xi32>
      %add3A_739 = arith.addi %add3A_738, %add3A_15 : vector<16xi32>
      tpu.vector_store_idx %arg7[%add3A_739], %add3A_735 : memref<10368xf32, #tpu.memory_space<vmem>>[vector<16xi32>], vector<16xf32>,
      %mul3A_740 = arith.constant 128 : i32
      %mul3A_741 = arith.muli %scan3A_688, %mul3A_740 : i32
      %add3A_742 = vector.broadcast %mul3A_741 : i32 to vector<16xi32>
      %add3A_743 = arith.addi %add3A_742, %add3A_18 : vector<16xi32>
      %gather3A_744 = tpu.vector_load_idx %arg7[%add3A_743] : memref<10368xf32, #tpu.memory_space<vmem>>[vector<16xi32>], vector<16xf32>,
      %add3A_745 = arith.addf %gather3A_744, %get3A_492 : vector<16xf32>
      %mul3A_746 = arith.constant 128 : i32
      %mul3A_747 = arith.muli %add3A_690, %mul3A_746 : i32
      %add3A_748 = vector.broadcast %mul3A_747 : i32 to vector<16xi32>
      %add3A_749 = arith.addi %add3A_748, %add3A_18 : vector<16xi32>
      tpu.vector_store_idx %arg7[%add3A_749], %add3A_745 : memref<10368xf32, #tpu.memory_space<vmem>>[vector<16xi32>], vector<16xf32>,
      %mul3A_750 = arith.constant 128 : i32
      %mul3A_751 = arith.muli %scan3A_688, %mul3A_750 : i32
      %add3A_752 = vector.broadcast %mul3A_751 : i32 to vector<16xi32>
      %add3A_753 = arith.addi %add3A_752, %add3A_21 : vector<16xi32>
      %gather3A_754 = tpu.vector_load_idx %arg7[%add3A_753] : memref<10368xf32, #tpu.memory_space<vmem>>[vector<16xi32>], vector<16xf32>,
      %add3A_755 = arith.addf %gather3A_754, %get3A_494 : vector<16xf32>
      %mul3A_756 = arith.constant 128 : i32
      %mul3A_757 = arith.muli %add3A_690, %mul3A_756 : i32
      %add3A_758 = vector.broadcast %mul3A_757 : i32 to vector<16xi32>
      %add3A_759 = arith.addi %add3A_758, %add3A_21 : vector<16xi32>
      tpu.vector_store_idx %arg7[%add3A_759], %add3A_755 : memref<10368xf32, #tpu.memory_space<vmem>>[vector<16xi32>], vector<16xf32>,
      %mul3A_760 = arith.constant 128 : i32
      %mul3A_761 = arith.muli %scan3A_688, %mul3A_760 : i32
      %add3A_762 = vector.broadcast %mul3A_761 : i32 to vector<16xi32>
      %add3A_763 = arith.addi %add3A_762, %add3A_24 : vector<16xi32>
      %gather3A_764 = tpu.vector_load_idx %arg7[%add3A_763] : memref<10368xf32, #tpu.memory_space<vmem>>[vector<16xi32>], vector<16xf32>,
      %add3A_765 = arith.addf %gather3A_764, %get3A_496 : vector<16xf32>
      %mul3A_766 = arith.constant 128 : i32
      %mul3A_767 = arith.muli %add3A_690, %mul3A_766 : i32
      %add3A_768 = vector.broadcast %mul3A_767 : i32 to vector<16xi32>
      %add3A_769 = arith.addi %add3A_768, %add3A_24 : vector<16xi32>
      tpu.vector_store_idx %arg7[%add3A_769], %add3A_765 : memref<10368xf32, #tpu.memory_space<vmem>>[vector<16xi32>], vector<16xf32>,
    }
    %scan3A_502 = arith.constant 3 : i32
    %get3A_503 = arith.constant 2432 : index
    %get3A_504 = tpu.vector_load %arg5[%get3A_503] {strides = array<i32>} : memref<4096xf32, #tpu.memory_space<vmem>>, vector<16xf32>,
    %get3A_505 = arith.constant 2448 : index
    %get3A_506 = tpu.vector_load %arg5[%get3A_505] {strides = array<i32>} : memref<4096xf32, #tpu.memory_space<vmem>>, vector<16xf32>,
    %get3A_507 = arith.constant 2464 : index
    %get3A_508 = tpu.vector_load %arg5[%get3A_507] {strides = array<i32>} : memref<4096xf32, #tpu.memory_space<vmem>>, vector<16xf32>,
    %get3A_509 = arith.constant 2480 : index
    %get3A_510 = tpu.vector_load %arg5[%get3A_509] {strides = array<i32>} : memref<4096xf32, #tpu.memory_space<vmem>>, vector<16xf32>,
    %get3A_511 = arith.constant 2496 : index
    %get3A_512 = tpu.vector_load %arg5[%get3A_511] {strides = array<i32>} : memref<4096xf32, #tpu.memory_space<vmem>>, vector<16xf32>,
    %get3A_513 = arith.constant 2512 : index
    %get3A_514 = tpu.vector_load %arg5[%get3A_513] {strides = array<i32>} : memref<4096xf32, #tpu.memory_space<vmem>>, vector<16xf32>,
    %get3A_515 = arith.constant 2528 : index
    %get3A_516 = tpu.vector_load %arg5[%get3A_515] {strides = array<i32>} : memref<4096xf32, #tpu.memory_space<vmem>>, vector<16xf32>,
    %get3A_517 = arith.constant 2544 : index
    %get3A_518 = tpu.vector_load %arg5[%get3A_517] {strides = array<i32>} : memref<4096xf32, #tpu.memory_space<vmem>>, vector<16xf32>,
    %scan3A_519 = arith.constant 0 : i32
    %scan3A_520 = arith.constant 0 : i32
    %scan3A_521 = arith.constant 3 : i32
    %scan3A_522 = arith.addi %scan3A_520, %scan3A_521 : i32
    %scan3A_523 = arith.constant 1 : i32
    scf.for %scan3A_688 = %scan3A_520 to %scan3A_522 step %scan3A_523  : i32 {
      %add3A_689 = arith.constant 3 : i32
      %add3A_690 = arith.addi %add3A_689, %scan3A_688 : i32
      %mul3A_691 = arith.constant 128 : i32
      %mul3A_692 = arith.muli %scan3A_688, %mul3A_691 : i32
      %add3A_693 = vector.broadcast %mul3A_692 : i32 to vector<16xi32>
      %add3A_694 = arith.addi %add3A_693, %add3A_3 : vector<16xi32>
      %gather3A = tpu.vector_load_idx %arg7[%add3A_694] : memref<10368xf32, #tpu.memory_space<vmem>>[vector<16xi32>], vector<16xf32>,
      %add3A_695 = arith.addf %gather3A, %get3A_504 : vector<16xf32>
      %mul3A_696 = arith.constant 128 : i32
      %mul3A_697 = arith.muli %add3A_690, %mul3A_696 : i32
      %add3A_698 = vector.broadcast %mul3A_697 : i32 to vector<16xi32>
      %add3A_699 = arith.addi %add3A_698, %add3A_3 : vector<16xi32>
      tpu.vector_store_idx %arg7[%add3A_699], %add3A_695 : memref<10368xf32, #tpu.memory_space<vmem>>[vector<16xi32>], vector<16xf32>,
      %mul3A_700 = arith.constant 128 : i32
      %mul3A_701 = arith.muli %scan3A_688, %mul3A_700 : i32
      %add3A_702 = vector.broadcast %mul3A_701 : i32 to vector<16xi32>
      %add3A_703 = arith.addi %add3A_702, %add3A_6 : vector<16xi32>
      %gather3A_704 = tpu.vector_load_idx %arg7[%add3A_703] : memref<10368xf32, #tpu.memory_space<vmem>>[vector<16xi32>], vector<16xf32>,
      %add3A_705 = arith.addf %gather3A_704, %get3A_506 : vector<16xf32>
      %mul3A_706 = arith.constant 128 : i32
      %mul3A_707 = arith.muli %add3A_690, %mul3A_706 : i32
      %add3A_708 = vector.broadcast %mul3A_707 : i32 to vector<16xi32>
      %add3A_709 = arith.addi %add3A_708, %add3A_6 : vector<16xi32>
      tpu.vector_store_idx %arg7[%add3A_709], %add3A_705 : memref<10368xf32, #tpu.memory_space<vmem>>[vector<16xi32>], vector<16xf32>,
      %mul3A_710 = arith.constant 128 : i32
      %mul3A_711 = arith.muli %scan3A_688, %mul3A_710 : i32
      %add3A_712 = vector.broadcast %mul3A_711 : i32 to vector<16xi32>
      %add3A_713 = arith.addi %add3A_712, %add3A_9 : vector<16xi32>
      %gather3A_714 = tpu.vector_load_idx %arg7[%add3A_713] : memref<10368xf32, #tpu.memory_space<vmem>>[vector<16xi32>], vector<16xf32>,
      %add3A_715 = arith.addf %gather3A_714, %get3A_508 : vector<16xf32>
      %mul3A_716 = arith.constant 128 : i32
      %mul3A_717 = arith.muli %add3A_690, %mul3A_716 : i32
      %add3A_718 = vector.broadcast %mul3A_717 : i32 to vector<16xi32>
      %add3A_719 = arith.addi %add3A_718, %add3A_9 : vector<16xi32>
      tpu.vector_store_idx %arg7[%add3A_719], %add3A_715 : memref<10368xf32, #tpu.memory_space<vmem>>[vector<16xi32>], vector<16xf32>,
      %mul3A_720 = arith.constant 128 : i32
      %mul3A_721 = arith.muli %scan3A_688, %mul3A_720 : i32
      %add3A_722 = vector.broadcast %mul3A_721 : i32 to vector<16xi32>
      %add3A_723 = arith.addi %add3A_722, %add3A_12 : vector<16xi32>
      %gather3A_724 = tpu.vector_load_idx %arg7[%add3A_723] : memref<10368xf32, #tpu.memory_space<vmem>>[vector<16xi32>], vector<16xf32>,
      %add3A_725 = arith.addf %gather3A_724, %get3A_510 : vector<16xf32>
      %mul3A_726 = arith.constant 128 : i32
      %mul3A_727 = arith.muli %add3A_690, %mul3A_726 : i32
      %add3A_728 = vector.broadcast %mul3A_727 : i32 to vector<16xi32>
      %add3A_729 = arith.addi %add3A_728, %add3A_12 : vector<16xi32>
      tpu.vector_store_idx %arg7[%add3A_729], %add3A_725 : memref<10368xf32, #tpu.memory_space<vmem>>[vector<16xi32>], vector<16xf32>,
      %mul3A_730 = arith.constant 128 : i32
      %mul3A_731 = arith.muli %scan3A_688, %mul3A_730 : i32
      %add3A_732 = vector.broadcast %mul3A_731 : i32 to vector<16xi32>
      %add3A_733 = arith.addi %add3A_732, %add3A_15 : vector<16xi32>
      %gather3A_734 = tpu.vector_load_idx %arg7[%add3A_733] : memref<10368xf32, #tpu.memory_space<vmem>>[vector<16xi32>], vector<16xf32>,
      %add3A_735 = arith.addf %gather3A_734, %get3A_512 : vector<16xf32>
      %mul3A_736 = arith.constant 128 : i32
      %mul3A_737 = arith.muli %add3A_690, %mul3A_736 : i32
      %add3A_738 = vector.broadcast %mul3A_737 : i32 to vector<16xi32>
      %add3A_739 = arith.addi %add3A_738, %add3A_15 : vector<16xi32>
      tpu.vector_store_idx %arg7[%add3A_739], %add3A_735 : memref<10368xf32, #tpu.memory_space<vmem>>[vector<16xi32>], vector<16xf32>,
      %mul3A_740 = arith.constant 128 : i32
      %mul3A_741 = arith.muli %scan3A_688, %mul3A_740 : i32
      %add3A_742 = vector.broadcast %mul3A_741 : i32 to vector<16xi32>
      %add3A_743 = arith.addi %add3A_742, %add3A_18 : vector<16xi32>
      %gather3A_744 = tpu.vector_load_idx %arg7[%add3A_743] : memref<10368xf32, #tpu.memory_space<vmem>>[vector<16xi32>], vector<16xf32>,
      %add3A_745 = arith.addf %gather3A_744, %get3A_514 : vector<16xf32>
      %mul3A_746 = arith.constant 128 : i32
      %mul3A_747 = arith.muli %add3A_690, %mul3A_746 : i32
      %add3A_748 = vector.broadcast %mul3A_747 : i32 to vector<16xi32>
      %add3A_749 = arith.addi %add3A_748, %add3A_18 : vector<16xi32>
      tpu.vector_store_idx %arg7[%add3A_749], %add3A_745 : memref<10368xf32, #tpu.memory_space<vmem>>[vector<16xi32>], vector<16xf32>,
      %mul3A_750 = arith.constant 128 : i32
      %mul3A_751 = arith.muli %scan3A_688, %mul3A_750 : i32
      %add3A_752 = vector.broadcast %mul3A_751 : i32 to vector<16xi32>
      %add3A_753 = arith.addi %add3A_752, %add3A_21 : vector<16xi32>
      %gather3A_754 = tpu.vector_load_idx %arg7[%add3A_753] : memref<10368xf32, #tpu.memory_space<vmem>>[vector<16xi32>], vector<16xf32>,
      %add3A_755 = arith.addf %gather3A_754, %get3A_516 : vector<16xf32>
      %mul3A_756 = arith.constant 128 : i32
      %mul3A_757 = arith.muli %add3A_690, %mul3A_756 : i32
      %add3A_758 = vector.broadcast %mul3A_757 : i32 to vector<16xi32>
      %add3A_759 = arith.addi %add3A_758, %add3A_21 : vector<16xi32>
      tpu.vector_store_idx %arg7[%add3A_759], %add3A_755 : memref<10368xf32, #tpu.memory_space<vmem>>[vector<16xi32>], vector<16xf32>,
      %mul3A_760 = arith.constant 128 : i32
      %mul3A_761 = arith.muli %scan3A_688, %mul3A_760 : i32
      %add3A_762 = vector.broadcast %mul3A_761 : i32 to vector<16xi32>
      %add3A_763 = arith.addi %add3A_762, %add3A_24 : vector<16xi32>
      %gather3A_764 = tpu.vector_load_idx %arg7[%add3A_763] : memref<10368xf32, #tpu.memory_space<vmem>>[vector<16xi32>], vector<16xf32>,
      %add3A_765 = arith.addf %gather3A_764, %get3A_518 : vector<16xf32>
      %mul3A_766 = arith.constant 128 : i32
      %mul3A_767 = arith.muli %add3A_690, %mul3A_766 : i32
      %add3A_768 = vector.broadcast %mul3A_767 : i32 to vector<16xi32>
      %add3A_769 = arith.addi %add3A_768, %add3A_24 : vector<16xi32>
      tpu.vector_store_idx %arg7[%add3A_769], %add3A_765 : memref<10368xf32, #tpu.memory_space<vmem>>[vector<16xi32>], vector<16xf32>,
    }
    %scan3A_524 = arith.constant 3 : i32
    %get3A_525 = arith.constant 2304 : index
    %get3A_526 = tpu.vector_load %arg5[%get3A_525] {strides = array<i32>} : memref<4096xf32, #tpu.memory_space<vmem>>, vector<16xf32>,
    %get3A_527 = arith.constant 2320 : index
    %get3A_528 = tpu.vector_load %arg5[%get3A_527] {strides = array<i32>} : memref<4096xf32, #tpu.memory_space<vmem>>, vector<16xf32>,
    %get3A_529 = arith.constant 2336 : index
    %get3A_530 = tpu.vector_load %arg5[%get3A_529] {strides = array<i32>} : memref<4096xf32, #tpu.memory_space<vmem>>, vector<16xf32>,
    %get3A_531 = arith.constant 2352 : index
    %get3A_532 = tpu.vector_load %arg5[%get3A_531] {strides = array<i32>} : memref<4096xf32, #tpu.memory_space<vmem>>, vector<16xf32>,
    %get3A_533 = arith.constant 2368 : index
    %get3A_534 = tpu.vector_load %arg5[%get3A_533] {strides = array<i32>} : memref<4096xf32, #tpu.memory_space<vmem>>, vector<16xf32>,
    %get3A_535 = arith.constant 2384 : index
    %get3A_536 = tpu.vector_load %arg5[%get3A_535] {strides = array<i32>} : memref<4096xf32, #tpu.memory_space<vmem>>, vector<16xf32>,
    %get3A_537 = arith.constant 2400 : index
    %get3A_538 = tpu.vector_load %arg5[%get3A_537] {strides = array<i32>} : memref<4096xf32, #tpu.memory_space<vmem>>, vector<16xf32>,
    %get3A_539 = arith.constant 2416 : index
    %get3A_540 = tpu.vector_load %arg5[%get3A_539] {strides = array<i32>} : memref<4096xf32, #tpu.memory_space<vmem>>, vector<16xf32>,
    %scan3A_541 = arith.constant 0 : i32
    %scan3A_542 = arith.constant 0 : i32
    %scan3A_543 = arith.constant 3 : i32
    %scan3A_544 = arith.addi %scan3A_542, %scan3A_543 : i32
    %scan3A_545 = arith.constant 1 : i32
    scf.for %scan3A_688 = %scan3A_542 to %scan3A_544 step %scan3A_545  : i32 {
      %add3A_689 = arith.constant 0 : i32
      %add3A_690 = arith.addi %add3A_689, %scan3A_688 : i32
      %mul3A_691 = arith.constant 128 : i32
      %mul3A_692 = arith.muli %scan3A_688, %mul3A_691 : i32
      %add3A_693 = vector.broadcast %mul3A_692 : i32 to vector<16xi32>
      %add3A_694 = arith.addi %add3A_693, %add3A_3 : vector<16xi32>
      %gather3A = tpu.vector_load_idx %arg7[%add3A_694] : memref<10368xf32, #tpu.memory_space<vmem>>[vector<16xi32>], vector<16xf32>,
      %add3A_695 = arith.addf %gather3A, %get3A_526 : vector<16xf32>
      %mul3A_696 = arith.constant 128 : i32
      %mul3A_697 = arith.muli %add3A_690, %mul3A_696 : i32
      %add3A_698 = vector.broadcast %mul3A_697 : i32 to vector<16xi32>
      %add3A_699 = arith.addi %add3A_698, %add3A_3 : vector<16xi32>
      tpu.vector_store_idx %arg7[%add3A_699], %add3A_695 : memref<10368xf32, #tpu.memory_space<vmem>>[vector<16xi32>], vector<16xf32>,
      %mul3A_700 = arith.constant 128 : i32
      %mul3A_701 = arith.muli %scan3A_688, %mul3A_700 : i32
      %add3A_702 = vector.broadcast %mul3A_701 : i32 to vector<16xi32>
      %add3A_703 = arith.addi %add3A_702, %add3A_6 : vector<16xi32>
      %gather3A_704 = tpu.vector_load_idx %arg7[%add3A_703] : memref<10368xf32, #tpu.memory_space<vmem>>[vector<16xi32>], vector<16xf32>,
      %add3A_705 = arith.addf %gather3A_704, %get3A_528 : vector<16xf32>
      %mul3A_706 = arith.constant 128 : i32
      %mul3A_707 = arith.muli %add3A_690, %mul3A_706 : i32
      %add3A_708 = vector.broadcast %mul3A_707 : i32 to vector<16xi32>
      %add3A_709 = arith.addi %add3A_708, %add3A_6 : vector<16xi32>
      tpu.vector_store_idx %arg7[%add3A_709], %add3A_705 : memref<10368xf32, #tpu.memory_space<vmem>>[vector<16xi32>], vector<16xf32>,
      %mul3A_710 = arith.constant 128 : i32
      %mul3A_711 = arith.muli %scan3A_688, %mul3A_710 : i32
      %add3A_712 = vector.broadcast %mul3A_711 : i32 to vector<16xi32>
      %add3A_713 = arith.addi %add3A_712, %add3A_9 : vector<16xi32>
      %gather3A_714 = tpu.vector_load_idx %arg7[%add3A_713] : memref<10368xf32, #tpu.memory_space<vmem>>[vector<16xi32>], vector<16xf32>,
      %add3A_715 = arith.addf %gather3A_714, %get3A_530 : vector<16xf32>
      %mul3A_716 = arith.constant 128 : i32
      %mul3A_717 = arith.muli %add3A_690, %mul3A_716 : i32
      %add3A_718 = vector.broadcast %mul3A_717 : i32 to vector<16xi32>
      %add3A_719 = arith.addi %add3A_718, %add3A_9 : vector<16xi32>
      tpu.vector_store_idx %arg7[%add3A_719], %add3A_715 : memref<10368xf32, #tpu.memory_space<vmem>>[vector<16xi32>], vector<16xf32>,
      %mul3A_720 = arith.constant 128 : i32
      %mul3A_721 = arith.muli %scan3A_688, %mul3A_720 : i32
      %add3A_722 = vector.broadcast %mul3A_721 : i32 to vector<16xi32>
      %add3A_723 = arith.addi %add3A_722, %add3A_12 : vector<16xi32>
      %gather3A_724 = tpu.vector_load_idx %arg7[%add3A_723] : memref<10368xf32, #tpu.memory_space<vmem>>[vector<16xi32>], vector<16xf32>,
      %add3A_725 = arith.addf %gather3A_724, %get3A_532 : vector<16xf32>
      %mul3A_726 = arith.constant 128 : i32
      %mul3A_727 = arith.muli %add3A_690, %mul3A_726 : i32
      %add3A_728 = vector.broadcast %mul3A_727 : i32 to vector<16xi32>
      %add3A_729 = arith.addi %add3A_728, %add3A_12 : vector<16xi32>
      tpu.vector_store_idx %arg7[%add3A_729], %add3A_725 : memref<10368xf32, #tpu.memory_space<vmem>>[vector<16xi32>], vector<16xf32>,
      %mul3A_730 = arith.constant 128 : i32
      %mul3A_731 = arith.muli %scan3A_688, %mul3A_730 : i32
      %add3A_732 = vector.broadcast %mul3A_731 : i32 to vector<16xi32>
      %add3A_733 = arith.addi %add3A_732, %add3A_15 : vector<16xi32>
      %gather3A_734 = tpu.vector_load_idx %arg7[%add3A_733] : memref<10368xf32, #tpu.memory_space<vmem>>[vector<16xi32>], vector<16xf32>,
      %add3A_735 = arith.addf %gather3A_734, %get3A_534 : vector<16xf32>
      %mul3A_736 = arith.constant 128 : i32
      %mul3A_737 = arith.muli %add3A_690, %mul3A_736 : i32
      %add3A_738 = vector.broadcast %mul3A_737 : i32 to vector<16xi32>
      %add3A_739 = arith.addi %add3A_738, %add3A_15 : vector<16xi32>
      tpu.vector_store_idx %arg7[%add3A_739], %add3A_735 : memref<10368xf32, #tpu.memory_space<vmem>>[vector<16xi32>], vector<16xf32>,
      %mul3A_740 = arith.constant 128 : i32
      %mul3A_741 = arith.muli %scan3A_688, %mul3A_740 : i32
      %add3A_742 = vector.broadcast %mul3A_741 : i32 to vector<16xi32>
      %add3A_743 = arith.addi %add3A_742, %add3A_18 : vector<16xi32>
      %gather3A_744 = tpu.vector_load_idx %arg7[%add3A_743] : memref<10368xf32, #tpu.memory_space<vmem>>[vector<16xi32>], vector<16xf32>,
      %add3A_745 = arith.addf %gather3A_744, %get3A_536 : vector<16xf32>
      %mul3A_746 = arith.constant 128 : i32
      %mul3A_747 = arith.muli %add3A_690, %mul3A_746 : i32
      %add3A_748 = vector.broadcast %mul3A_747 : i32 to vector<16xi32>
      %add3A_749 = arith.addi %add3A_748, %add3A_18 : vector<16xi32>
      tpu.vector_store_idx %arg7[%add3A_749], %add3A_745 : memref<10368xf32, #tpu.memory_space<vmem>>[vector<16xi32>], vector<16xf32>,
      %mul3A_750 = arith.constant 128 : i32
      %mul3A_751 = arith.muli %scan3A_688, %mul3A_750 : i32
      %add3A_752 = vector.broadcast %mul3A_751 : i32 to vector<16xi32>
      %add3A_753 = arith.addi %add3A_752, %add3A_21 : vector<16xi32>
      %gather3A_754 = tpu.vector_load_idx %arg7[%add3A_753] : memref<10368xf32, #tpu.memory_space<vmem>>[vector<16xi32>], vector<16xf32>,
      %add3A_755 = arith.addf %gather3A_754, %get3A_538 : vector<16xf32>
      %mul3A_756 = arith.constant 128 : i32
      %mul3A_757 = arith.muli %add3A_690, %mul3A_756 : i32
      %add3A_758 = vector.broadcast %mul3A_757 : i32 to vector<16xi32>
      %add3A_759 = arith.addi %add3A_758, %add3A_21 : vector<16xi32>
      tpu.vector_store_idx %arg7[%add3A_759], %add3A_755 : memref<10368xf32, #tpu.memory_space<vmem>>[vector<16xi32>], vector<16xf32>,
      %mul3A_760 = arith.constant 128 : i32
      %mul3A_761 = arith.muli %scan3A_688, %mul3A_760 : i32
      %add3A_762 = vector.broadcast %mul3A_761 : i32 to vector<16xi32>
      %add3A_763 = arith.addi %add3A_762, %add3A_24 : vector<16xi32>
      %gather3A_764 = tpu.vector_load_idx %arg7[%add3A_763] : memref<10368xf32, #tpu.memory_space<vmem>>[vector<16xi32>], vector<16xf32>,
      %add3A_765 = arith.addf %gather3A_764, %get3A_540 : vector<16xf32>
      %mul3A_766 = arith.constant 128 : i32
      %mul3A_767 = arith.muli %add3A_690, %mul3A_766 : i32
      %add3A_768 = vector.broadcast %mul3A_767 : i32 to vector<16xi32>
      %add3A_769 = arith.addi %add3A_768, %add3A_24 : vector<16xi32>
      tpu.vector_store_idx %arg7[%add3A_769], %add3A_765 : memref<10368xf32, #tpu.memory_space<vmem>>[vector<16xi32>], vector<16xf32>,
    }
    %scan3A_546 = arith.constant 3 : i32
    %get3A_547 = arith.constant 2944 : index
    %get3A_548 = tpu.vector_load %arg5[%get3A_547] {strides = array<i32>} : memref<4096xf32, #tpu.memory_space<vmem>>, vector<16xf32>,
    %get3A_549 = arith.constant 2960 : index
    %get3A_550 = tpu.vector_load %arg5[%get3A_549] {strides = array<i32>} : memref<4096xf32, #tpu.memory_space<vmem>>, vector<16xf32>,
    %get3A_551 = arith.constant 2976 : index
    %get3A_552 = tpu.vector_load %arg5[%get3A_551] {strides = array<i32>} : memref<4096xf32, #tpu.memory_space<vmem>>, vector<16xf32>,
    %get3A_553 = arith.constant 2992 : index
    %get3A_554 = tpu.vector_load %arg5[%get3A_553] {strides = array<i32>} : memref<4096xf32, #tpu.memory_space<vmem>>, vector<16xf32>,
    %get3A_555 = arith.constant 3008 : index
    %get3A_556 = tpu.vector_load %arg5[%get3A_555] {strides = array<i32>} : memref<4096xf32, #tpu.memory_space<vmem>>, vector<16xf32>,
    %get3A_557 = arith.constant 3024 : index
    %get3A_558 = tpu.vector_load %arg5[%get3A_557] {strides = array<i32>} : memref<4096xf32, #tpu.memory_space<vmem>>, vector<16xf32>,
    %get3A_559 = arith.constant 3040 : index
    %get3A_560 = tpu.vector_load %arg5[%get3A_559] {strides = array<i32>} : memref<4096xf32, #tpu.memory_space<vmem>>, vector<16xf32>,
    %get3A_561 = arith.constant 3056 : index
    %get3A_562 = tpu.vector_load %arg5[%get3A_561] {strides = array<i32>} : memref<4096xf32, #tpu.memory_space<vmem>>, vector<16xf32>,
    %scan3A_563 = arith.constant 0 : i32
    %scan3A_564 = arith.constant 0 : i32
    %scan3A_565 = arith.constant 9 : i32
    %scan3A_566 = arith.addi %scan3A_564, %scan3A_565 : i32
    %scan3A_567 = arith.constant 1 : i32
    scf.for %scan3A_688 = %scan3A_564 to %scan3A_566 step %scan3A_567  : i32 {
      %add3A_689 = arith.constant 18 : i32
      %add3A_690 = arith.addi %add3A_689, %scan3A_688 : i32
      %mul3A_691 = arith.constant 128 : i32
      %mul3A_692 = arith.muli %scan3A_688, %mul3A_691 : i32
      %add3A_693 = vector.broadcast %mul3A_692 : i32 to vector<16xi32>
      %add3A_694 = arith.addi %add3A_693, %add3A_3 : vector<16xi32>
      %gather3A = tpu.vector_load_idx %arg7[%add3A_694] : memref<10368xf32, #tpu.memory_space<vmem>>[vector<16xi32>], vector<16xf32>,
      %add3A_695 = arith.addf %gather3A, %get3A_548 : vector<16xf32>
      %mul3A_696 = arith.constant 128 : i32
      %mul3A_697 = arith.muli %add3A_690, %mul3A_696 : i32
      %add3A_698 = vector.broadcast %mul3A_697 : i32 to vector<16xi32>
      %add3A_699 = arith.addi %add3A_698, %add3A_3 : vector<16xi32>
      tpu.vector_store_idx %arg7[%add3A_699], %add3A_695 : memref<10368xf32, #tpu.memory_space<vmem>>[vector<16xi32>], vector<16xf32>,
      %mul3A_700 = arith.constant 128 : i32
      %mul3A_701 = arith.muli %scan3A_688, %mul3A_700 : i32
      %add3A_702 = vector.broadcast %mul3A_701 : i32 to vector<16xi32>
      %add3A_703 = arith.addi %add3A_702, %add3A_6 : vector<16xi32>
      %gather3A_704 = tpu.vector_load_idx %arg7[%add3A_703] : memref<10368xf32, #tpu.memory_space<vmem>>[vector<16xi32>], vector<16xf32>,
      %add3A_705 = arith.addf %gather3A_704, %get3A_550 : vector<16xf32>
      %mul3A_706 = arith.constant 128 : i32
      %mul3A_707 = arith.muli %add3A_690, %mul3A_706 : i32
      %add3A_708 = vector.broadcast %mul3A_707 : i32 to vector<16xi32>
      %add3A_709 = arith.addi %add3A_708, %add3A_6 : vector<16xi32>
      tpu.vector_store_idx %arg7[%add3A_709], %add3A_705 : memref<10368xf32, #tpu.memory_space<vmem>>[vector<16xi32>], vector<16xf32>,
      %mul3A_710 = arith.constant 128 : i32
      %mul3A_711 = arith.muli %scan3A_688, %mul3A_710 : i32
      %add3A_712 = vector.broadcast %mul3A_711 : i32 to vector<16xi32>
      %add3A_713 = arith.addi %add3A_712, %add3A_9 : vector<16xi32>
      %gather3A_714 = tpu.vector_load_idx %arg7[%add3A_713] : memref<10368xf32, #tpu.memory_space<vmem>>[vector<16xi32>], vector<16xf32>,
      %add3A_715 = arith.addf %gather3A_714, %get3A_552 : vector<16xf32>
      %mul3A_716 = arith.constant 128 : i32
      %mul3A_717 = arith.muli %add3A_690, %mul3A_716 : i32
      %add3A_718 = vector.broadcast %mul3A_717 : i32 to vector<16xi32>
      %add3A_719 = arith.addi %add3A_718, %add3A_9 : vector<16xi32>
      tpu.vector_store_idx %arg7[%add3A_719], %add3A_715 : memref<10368xf32, #tpu.memory_space<vmem>>[vector<16xi32>], vector<16xf32>,
      %mul3A_720 = arith.constant 128 : i32
      %mul3A_721 = arith.muli %scan3A_688, %mul3A_720 : i32
      %add3A_722 = vector.broadcast %mul3A_721 : i32 to vector<16xi32>
      %add3A_723 = arith.addi %add3A_722, %add3A_12 : vector<16xi32>
      %gather3A_724 = tpu.vector_load_idx %arg7[%add3A_723] : memref<10368xf32, #tpu.memory_space<vmem>>[vector<16xi32>], vector<16xf32>,
      %add3A_725 = arith.addf %gather3A_724, %get3A_554 : vector<16xf32>
      %mul3A_726 = arith.constant 128 : i32
      %mul3A_727 = arith.muli %add3A_690, %mul3A_726 : i32
      %add3A_728 = vector.broadcast %mul3A_727 : i32 to vector<16xi32>
      %add3A_729 = arith.addi %add3A_728, %add3A_12 : vector<16xi32>
      tpu.vector_store_idx %arg7[%add3A_729], %add3A_725 : memref<10368xf32, #tpu.memory_space<vmem>>[vector<16xi32>], vector<16xf32>,
      %mul3A_730 = arith.constant 128 : i32
      %mul3A_731 = arith.muli %scan3A_688, %mul3A_730 : i32
      %add3A_732 = vector.broadcast %mul3A_731 : i32 to vector<16xi32>
      %add3A_733 = arith.addi %add3A_732, %add3A_15 : vector<16xi32>
      %gather3A_734 = tpu.vector_load_idx %arg7[%add3A_733] : memref<10368xf32, #tpu.memory_space<vmem>>[vector<16xi32>], vector<16xf32>,
      %add3A_735 = arith.addf %gather3A_734, %get3A_556 : vector<16xf32>
      %mul3A_736 = arith.constant 128 : i32
      %mul3A_737 = arith.muli %add3A_690, %mul3A_736 : i32
      %add3A_738 = vector.broadcast %mul3A_737 : i32 to vector<16xi32>
      %add3A_739 = arith.addi %add3A_738, %add3A_15 : vector<16xi32>
      tpu.vector_store_idx %arg7[%add3A_739], %add3A_735 : memref<10368xf32, #tpu.memory_space<vmem>>[vector<16xi32>], vector<16xf32>,
      %mul3A_740 = arith.constant 128 : i32
      %mul3A_741 = arith.muli %scan3A_688, %mul3A_740 : i32
      %add3A_742 = vector.broadcast %mul3A_741 : i32 to vector<16xi32>
      %add3A_743 = arith.addi %add3A_742, %add3A_18 : vector<16xi32>
      %gather3A_744 = tpu.vector_load_idx %arg7[%add3A_743] : memref<10368xf32, #tpu.memory_space<vmem>>[vector<16xi32>], vector<16xf32>,
      %add3A_745 = arith.addf %gather3A_744, %get3A_558 : vector<16xf32>
      %mul3A_746 = arith.constant 128 : i32
      %mul3A_747 = arith.muli %add3A_690, %mul3A_746 : i32
      %add3A_748 = vector.broadcast %mul3A_747 : i32 to vector<16xi32>
      %add3A_749 = arith.addi %add3A_748, %add3A_18 : vector<16xi32>
      tpu.vector_store_idx %arg7[%add3A_749], %add3A_745 : memref<10368xf32, #tpu.memory_space<vmem>>[vector<16xi32>], vector<16xf32>,
      %mul3A_750 = arith.constant 128 : i32
      %mul3A_751 = arith.muli %scan3A_688, %mul3A_750 : i32
      %add3A_752 = vector.broadcast %mul3A_751 : i32 to vector<16xi32>
      %add3A_753 = arith.addi %add3A_752, %add3A_21 : vector<16xi32>
      %gather3A_754 = tpu.vector_load_idx %arg7[%add3A_753] : memref<10368xf32, #tpu.memory_space<vmem>>[vector<16xi32>], vector<16xf32>,
      %add3A_755 = arith.addf %gather3A_754, %get3A_560 : vector<16xf32>
      %mul3A_756 = arith.constant 128 : i32
      %mul3A_757 = arith.muli %add3A_690, %mul3A_756 : i32
      %add3A_758 = vector.broadcast %mul3A_757 : i32 to vector<16xi32>
      %add3A_759 = arith.addi %add3A_758, %add3A_21 : vector<16xi32>
      tpu.vector_store_idx %arg7[%add3A_759], %add3A_755 : memref<10368xf32, #tpu.memory_space<vmem>>[vector<16xi32>], vector<16xf32>,
      %mul3A_760 = arith.constant 128 : i32
      %mul3A_761 = arith.muli %scan3A_688, %mul3A_760 : i32
      %add3A_762 = vector.broadcast %mul3A_761 : i32 to vector<16xi32>
      %add3A_763 = arith.addi %add3A_762, %add3A_24 : vector<16xi32>
      %gather3A_764 = tpu.vector_load_idx %arg7[%add3A_763] : memref<10368xf32, #tpu.memory_space<vmem>>[vector<16xi32>], vector<16xf32>,
      %add3A_765 = arith.addf %gather3A_764, %get3A_562 : vector<16xf32>
      %mul3A_766 = arith.constant 128 : i32
      %mul3A_767 = arith.muli %add3A_690, %mul3A_766 : i32
      %add3A_768 = vector.broadcast %mul3A_767 : i32 to vector<16xi32>
      %add3A_769 = arith.addi %add3A_768, %add3A_24 : vector<16xi32>
      tpu.vector_store_idx %arg7[%add3A_769], %add3A_765 : memref<10368xf32, #tpu.memory_space<vmem>>[vector<16xi32>], vector<16xf32>,
    }
    %scan3A_568 = arith.constant 9 : i32
    %get3A_569 = arith.constant 2816 : index
    %get3A_570 = tpu.vector_load %arg5[%get3A_569] {strides = array<i32>} : memref<4096xf32, #tpu.memory_space<vmem>>, vector<16xf32>,
    %get3A_571 = arith.constant 2832 : index
    %get3A_572 = tpu.vector_load %arg5[%get3A_571] {strides = array<i32>} : memref<4096xf32, #tpu.memory_space<vmem>>, vector<16xf32>,
    %get3A_573 = arith.constant 2848 : index
    %get3A_574 = tpu.vector_load %arg5[%get3A_573] {strides = array<i32>} : memref<4096xf32, #tpu.memory_space<vmem>>, vector<16xf32>,
    %get3A_575 = arith.constant 2864 : index
    %get3A_576 = tpu.vector_load %arg5[%get3A_575] {strides = array<i32>} : memref<4096xf32, #tpu.memory_space<vmem>>, vector<16xf32>,
    %get3A_577 = arith.constant 2880 : index
    %get3A_578 = tpu.vector_load %arg5[%get3A_577] {strides = array<i32>} : memref<4096xf32, #tpu.memory_space<vmem>>, vector<16xf32>,
    %get3A_579 = arith.constant 2896 : index
    %get3A_580 = tpu.vector_load %arg5[%get3A_579] {strides = array<i32>} : memref<4096xf32, #tpu.memory_space<vmem>>, vector<16xf32>,
    %get3A_581 = arith.constant 2912 : index
    %get3A_582 = tpu.vector_load %arg5[%get3A_581] {strides = array<i32>} : memref<4096xf32, #tpu.memory_space<vmem>>, vector<16xf32>,
    %get3A_583 = arith.constant 2928 : index
    %get3A_584 = tpu.vector_load %arg5[%get3A_583] {strides = array<i32>} : memref<4096xf32, #tpu.memory_space<vmem>>, vector<16xf32>,
    %scan3A_585 = arith.constant 0 : i32
    %scan3A_586 = arith.constant 0 : i32
    %scan3A_587 = arith.constant 9 : i32
    %scan3A_588 = arith.addi %scan3A_586, %scan3A_587 : i32
    %scan3A_589 = arith.constant 1 : i32
    scf.for %scan3A_688 = %scan3A_586 to %scan3A_588 step %scan3A_589  : i32 {
      %add3A_689 = arith.constant 9 : i32
      %add3A_690 = arith.addi %add3A_689, %scan3A_688 : i32
      %mul3A_691 = arith.constant 128 : i32
      %mul3A_692 = arith.muli %scan3A_688, %mul3A_691 : i32
      %add3A_693 = vector.broadcast %mul3A_692 : i32 to vector<16xi32>
      %add3A_694 = arith.addi %add3A_693, %add3A_3 : vector<16xi32>
      %gather3A = tpu.vector_load_idx %arg7[%add3A_694] : memref<10368xf32, #tpu.memory_space<vmem>>[vector<16xi32>], vector<16xf32>,
      %add3A_695 = arith.addf %gather3A, %get3A_570 : vector<16xf32>
      %mul3A_696 = arith.constant 128 : i32
      %mul3A_697 = arith.muli %add3A_690, %mul3A_696 : i32
      %add3A_698 = vector.broadcast %mul3A_697 : i32 to vector<16xi32>
      %add3A_699 = arith.addi %add3A_698, %add3A_3 : vector<16xi32>
      tpu.vector_store_idx %arg7[%add3A_699], %add3A_695 : memref<10368xf32, #tpu.memory_space<vmem>>[vector<16xi32>], vector<16xf32>,
      %mul3A_700 = arith.constant 128 : i32
      %mul3A_701 = arith.muli %scan3A_688, %mul3A_700 : i32
      %add3A_702 = vector.broadcast %mul3A_701 : i32 to vector<16xi32>
      %add3A_703 = arith.addi %add3A_702, %add3A_6 : vector<16xi32>
      %gather3A_704 = tpu.vector_load_idx %arg7[%add3A_703] : memref<10368xf32, #tpu.memory_space<vmem>>[vector<16xi32>], vector<16xf32>,
      %add3A_705 = arith.addf %gather3A_704, %get3A_572 : vector<16xf32>
      %mul3A_706 = arith.constant 128 : i32
      %mul3A_707 = arith.muli %add3A_690, %mul3A_706 : i32
      %add3A_708 = vector.broadcast %mul3A_707 : i32 to vector<16xi32>
      %add3A_709 = arith.addi %add3A_708, %add3A_6 : vector<16xi32>
      tpu.vector_store_idx %arg7[%add3A_709], %add3A_705 : memref<10368xf32, #tpu.memory_space<vmem>>[vector<16xi32>], vector<16xf32>,
      %mul3A_710 = arith.constant 128 : i32
      %mul3A_711 = arith.muli %scan3A_688, %mul3A_710 : i32
      %add3A_712 = vector.broadcast %mul3A_711 : i32 to vector<16xi32>
      %add3A_713 = arith.addi %add3A_712, %add3A_9 : vector<16xi32>
      %gather3A_714 = tpu.vector_load_idx %arg7[%add3A_713] : memref<10368xf32, #tpu.memory_space<vmem>>[vector<16xi32>], vector<16xf32>,
      %add3A_715 = arith.addf %gather3A_714, %get3A_574 : vector<16xf32>
      %mul3A_716 = arith.constant 128 : i32
      %mul3A_717 = arith.muli %add3A_690, %mul3A_716 : i32
      %add3A_718 = vector.broadcast %mul3A_717 : i32 to vector<16xi32>
      %add3A_719 = arith.addi %add3A_718, %add3A_9 : vector<16xi32>
      tpu.vector_store_idx %arg7[%add3A_719], %add3A_715 : memref<10368xf32, #tpu.memory_space<vmem>>[vector<16xi32>], vector<16xf32>,
      %mul3A_720 = arith.constant 128 : i32
      %mul3A_721 = arith.muli %scan3A_688, %mul3A_720 : i32
      %add3A_722 = vector.broadcast %mul3A_721 : i32 to vector<16xi32>
      %add3A_723 = arith.addi %add3A_722, %add3A_12 : vector<16xi32>
      %gather3A_724 = tpu.vector_load_idx %arg7[%add3A_723] : memref<10368xf32, #tpu.memory_space<vmem>>[vector<16xi32>], vector<16xf32>,
      %add3A_725 = arith.addf %gather3A_724, %get3A_576 : vector<16xf32>
      %mul3A_726 = arith.constant 128 : i32
      %mul3A_727 = arith.muli %add3A_690, %mul3A_726 : i32
      %add3A_728 = vector.broadcast %mul3A_727 : i32 to vector<16xi32>
      %add3A_729 = arith.addi %add3A_728, %add3A_12 : vector<16xi32>
      tpu.vector_store_idx %arg7[%add3A_729], %add3A_725 : memref<10368xf32, #tpu.memory_space<vmem>>[vector<16xi32>], vector<16xf32>,
      %mul3A_730 = arith.constant 128 : i32
      %mul3A_731 = arith.muli %scan3A_688, %mul3A_730 : i32
      %add3A_732 = vector.broadcast %mul3A_731 : i32 to vector<16xi32>
      %add3A_733 = arith.addi %add3A_732, %add3A_15 : vector<16xi32>
      %gather3A_734 = tpu.vector_load_idx %arg7[%add3A_733] : memref<10368xf32, #tpu.memory_space<vmem>>[vector<16xi32>], vector<16xf32>,
      %add3A_735 = arith.addf %gather3A_734, %get3A_578 : vector<16xf32>
      %mul3A_736 = arith.constant 128 : i32
      %mul3A_737 = arith.muli %add3A_690, %mul3A_736 : i32
      %add3A_738 = vector.broadcast %mul3A_737 : i32 to vector<16xi32>
      %add3A_739 = arith.addi %add3A_738, %add3A_15 : vector<16xi32>
      tpu.vector_store_idx %arg7[%add3A_739], %add3A_735 : memref<10368xf32, #tpu.memory_space<vmem>>[vector<16xi32>], vector<16xf32>,
      %mul3A_740 = arith.constant 128 : i32
      %mul3A_741 = arith.muli %scan3A_688, %mul3A_740 : i32
      %add3A_742 = vector.broadcast %mul3A_741 : i32 to vector<16xi32>
      %add3A_743 = arith.addi %add3A_742, %add3A_18 : vector<16xi32>
      %gather3A_744 = tpu.vector_load_idx %arg7[%add3A_743] : memref<10368xf32, #tpu.memory_space<vmem>>[vector<16xi32>], vector<16xf32>,
      %add3A_745 = arith.addf %gather3A_744, %get3A_580 : vector<16xf32>
      %mul3A_746 = arith.constant 128 : i32
      %mul3A_747 = arith.muli %add3A_690, %mul3A_746 : i32
      %add3A_748 = vector.broadcast %mul3A_747 : i32 to vector<16xi32>
      %add3A_749 = arith.addi %add3A_748, %add3A_18 : vector<16xi32>
      tpu.vector_store_idx %arg7[%add3A_749], %add3A_745 : memref<10368xf32, #tpu.memory_space<vmem>>[vector<16xi32>], vector<16xf32>,
      %mul3A_750 = arith.constant 128 : i32
      %mul3A_751 = arith.muli %scan3A_688, %mul3A_750 : i32
      %add3A_752 = vector.broadcast %mul3A_751 : i32 to vector<16xi32>
      %add3A_753 = arith.addi %add3A_752, %add3A_21 : vector<16xi32>
      %gather3A_754 = tpu.vector_load_idx %arg7[%add3A_753] : memref<10368xf32, #tpu.memory_space<vmem>>[vector<16xi32>], vector<16xf32>,
      %add3A_755 = arith.addf %gather3A_754, %get3A_582 : vector<16xf32>
      %mul3A_756 = arith.constant 128 : i32
      %mul3A_757 = arith.muli %add3A_690, %mul3A_756 : i32
      %add3A_758 = vector.broadcast %mul3A_757 : i32 to vector<16xi32>
      %add3A_759 = arith.addi %add3A_758, %add3A_21 : vector<16xi32>
      tpu.vector_store_idx %arg7[%add3A_759], %add3A_755 : memref<10368xf32, #tpu.memory_space<vmem>>[vector<16xi32>], vector<16xf32>,
      %mul3A_760 = arith.constant 128 : i32
      %mul3A_761 = arith.muli %scan3A_688, %mul3A_760 : i32
      %add3A_762 = vector.broadcast %mul3A_761 : i32 to vector<16xi32>
      %add3A_763 = arith.addi %add3A_762, %add3A_24 : vector<16xi32>
      %gather3A_764 = tpu.vector_load_idx %arg7[%add3A_763] : memref<10368xf32, #tpu.memory_space<vmem>>[vector<16xi32>], vector<16xf32>,
      %add3A_765 = arith.addf %gather3A_764, %get3A_584 : vector<16xf32>
      %mul3A_766 = arith.constant 128 : i32
      %mul3A_767 = arith.muli %add3A_690, %mul3A_766 : i32
      %add3A_768 = vector.broadcast %mul3A_767 : i32 to vector<16xi32>
      %add3A_769 = arith.addi %add3A_768, %add3A_24 : vector<16xi32>
      tpu.vector_store_idx %arg7[%add3A_769], %add3A_765 : memref<10368xf32, #tpu.memory_space<vmem>>[vector<16xi32>], vector<16xf32>,
    }
    %scan3A_590 = arith.constant 9 : i32
    %get3A_591 = arith.constant 2688 : index
    %get3A_592 = tpu.vector_load %arg5[%get3A_591] {strides = array<i32>} : memref<4096xf32, #tpu.memory_space<vmem>>, vector<16xf32>,
    %get3A_593 = arith.constant 2704 : index
    %get3A_594 = tpu.vector_load %arg5[%get3A_593] {strides = array<i32>} : memref<4096xf32, #tpu.memory_space<vmem>>, vector<16xf32>,
    %get3A_595 = arith.constant 2720 : index
    %get3A_596 = tpu.vector_load %arg5[%get3A_595] {strides = array<i32>} : memref<4096xf32, #tpu.memory_space<vmem>>, vector<16xf32>,
    %get3A_597 = arith.constant 2736 : index
    %get3A_598 = tpu.vector_load %arg5[%get3A_597] {strides = array<i32>} : memref<4096xf32, #tpu.memory_space<vmem>>, vector<16xf32>,
    %get3A_599 = arith.constant 2752 : index
    %get3A_600 = tpu.vector_load %arg5[%get3A_599] {strides = array<i32>} : memref<4096xf32, #tpu.memory_space<vmem>>, vector<16xf32>,
    %get3A_601 = arith.constant 2768 : index
    %get3A_602 = tpu.vector_load %arg5[%get3A_601] {strides = array<i32>} : memref<4096xf32, #tpu.memory_space<vmem>>, vector<16xf32>,
    %get3A_603 = arith.constant 2784 : index
    %get3A_604 = tpu.vector_load %arg5[%get3A_603] {strides = array<i32>} : memref<4096xf32, #tpu.memory_space<vmem>>, vector<16xf32>,
    %get3A_605 = arith.constant 2800 : index
    %get3A_606 = tpu.vector_load %arg5[%get3A_605] {strides = array<i32>} : memref<4096xf32, #tpu.memory_space<vmem>>, vector<16xf32>,
    %scan3A_607 = arith.constant 0 : i32
    %scan3A_608 = arith.constant 0 : i32
    %scan3A_609 = arith.constant 9 : i32
    %scan3A_610 = arith.addi %scan3A_608, %scan3A_609 : i32
    %scan3A_611 = arith.constant 1 : i32
    scf.for %scan3A_688 = %scan3A_608 to %scan3A_610 step %scan3A_611  : i32 {
      %add3A_689 = arith.constant 0 : i32
      %add3A_690 = arith.addi %add3A_689, %scan3A_688 : i32
      %mul3A_691 = arith.constant 128 : i32
      %mul3A_692 = arith.muli %scan3A_688, %mul3A_691 : i32
      %add3A_693 = vector.broadcast %mul3A_692 : i32 to vector<16xi32>
      %add3A_694 = arith.addi %add3A_693, %add3A_3 : vector<16xi32>
      %gather3A = tpu.vector_load_idx %arg7[%add3A_694] : memref<10368xf32, #tpu.memory_space<vmem>>[vector<16xi32>], vector<16xf32>,
      %add3A_695 = arith.addf %gather3A, %get3A_592 : vector<16xf32>
      %mul3A_696 = arith.constant 128 : i32
      %mul3A_697 = arith.muli %add3A_690, %mul3A_696 : i32
      %add3A_698 = vector.broadcast %mul3A_697 : i32 to vector<16xi32>
      %add3A_699 = arith.addi %add3A_698, %add3A_3 : vector<16xi32>
      tpu.vector_store_idx %arg7[%add3A_699], %add3A_695 : memref<10368xf32, #tpu.memory_space<vmem>>[vector<16xi32>], vector<16xf32>,
      %mul3A_700 = arith.constant 128 : i32
      %mul3A_701 = arith.muli %scan3A_688, %mul3A_700 : i32
      %add3A_702 = vector.broadcast %mul3A_701 : i32 to vector<16xi32>
      %add3A_703 = arith.addi %add3A_702, %add3A_6 : vector<16xi32>
      %gather3A_704 = tpu.vector_load_idx %arg7[%add3A_703] : memref<10368xf32, #tpu.memory_space<vmem>>[vector<16xi32>], vector<16xf32>,
      %add3A_705 = arith.addf %gather3A_704, %get3A_594 : vector<16xf32>
      %mul3A_706 = arith.constant 128 : i32
      %mul3A_707 = arith.muli %add3A_690, %mul3A_706 : i32
      %add3A_708 = vector.broadcast %mul3A_707 : i32 to vector<16xi32>
      %add3A_709 = arith.addi %add3A_708, %add3A_6 : vector<16xi32>
      tpu.vector_store_idx %arg7[%add3A_709], %add3A_705 : memref<10368xf32, #tpu.memory_space<vmem>>[vector<16xi32>], vector<16xf32>,
      %mul3A_710 = arith.constant 128 : i32
      %mul3A_711 = arith.muli %scan3A_688, %mul3A_710 : i32
      %add3A_712 = vector.broadcast %mul3A_711 : i32 to vector<16xi32>
      %add3A_713 = arith.addi %add3A_712, %add3A_9 : vector<16xi32>
      %gather3A_714 = tpu.vector_load_idx %arg7[%add3A_713] : memref<10368xf32, #tpu.memory_space<vmem>>[vector<16xi32>], vector<16xf32>,
      %add3A_715 = arith.addf %gather3A_714, %get3A_596 : vector<16xf32>
      %mul3A_716 = arith.constant 128 : i32
      %mul3A_717 = arith.muli %add3A_690, %mul3A_716 : i32
      %add3A_718 = vector.broadcast %mul3A_717 : i32 to vector<16xi32>
      %add3A_719 = arith.addi %add3A_718, %add3A_9 : vector<16xi32>
      tpu.vector_store_idx %arg7[%add3A_719], %add3A_715 : memref<10368xf32, #tpu.memory_space<vmem>>[vector<16xi32>], vector<16xf32>,
      %mul3A_720 = arith.constant 128 : i32
      %mul3A_721 = arith.muli %scan3A_688, %mul3A_720 : i32
      %add3A_722 = vector.broadcast %mul3A_721 : i32 to vector<16xi32>
      %add3A_723 = arith.addi %add3A_722, %add3A_12 : vector<16xi32>
      %gather3A_724 = tpu.vector_load_idx %arg7[%add3A_723] : memref<10368xf32, #tpu.memory_space<vmem>>[vector<16xi32>], vector<16xf32>,
      %add3A_725 = arith.addf %gather3A_724, %get3A_598 : vector<16xf32>
      %mul3A_726 = arith.constant 128 : i32
      %mul3A_727 = arith.muli %add3A_690, %mul3A_726 : i32
      %add3A_728 = vector.broadcast %mul3A_727 : i32 to vector<16xi32>
      %add3A_729 = arith.addi %add3A_728, %add3A_12 : vector<16xi32>
      tpu.vector_store_idx %arg7[%add3A_729], %add3A_725 : memref<10368xf32, #tpu.memory_space<vmem>>[vector<16xi32>], vector<16xf32>,
      %mul3A_730 = arith.constant 128 : i32
      %mul3A_731 = arith.muli %scan3A_688, %mul3A_730 : i32
      %add3A_732 = vector.broadcast %mul3A_731 : i32 to vector<16xi32>
      %add3A_733 = arith.addi %add3A_732, %add3A_15 : vector<16xi32>
      %gather3A_734 = tpu.vector_load_idx %arg7[%add3A_733] : memref<10368xf32, #tpu.memory_space<vmem>>[vector<16xi32>], vector<16xf32>,
      %add3A_735 = arith.addf %gather3A_734, %get3A_600 : vector<16xf32>
      %mul3A_736 = arith.constant 128 : i32
      %mul3A_737 = arith.muli %add3A_690, %mul3A_736 : i32
      %add3A_738 = vector.broadcast %mul3A_737 : i32 to vector<16xi32>
      %add3A_739 = arith.addi %add3A_738, %add3A_15 : vector<16xi32>
      tpu.vector_store_idx %arg7[%add3A_739], %add3A_735 : memref<10368xf32, #tpu.memory_space<vmem>>[vector<16xi32>], vector<16xf32>,
      %mul3A_740 = arith.constant 128 : i32
      %mul3A_741 = arith.muli %scan3A_688, %mul3A_740 : i32
      %add3A_742 = vector.broadcast %mul3A_741 : i32 to vector<16xi32>
      %add3A_743 = arith.addi %add3A_742, %add3A_18 : vector<16xi32>
      %gather3A_744 = tpu.vector_load_idx %arg7[%add3A_743] : memref<10368xf32, #tpu.memory_space<vmem>>[vector<16xi32>], vector<16xf32>,
      %add3A_745 = arith.addf %gather3A_744, %get3A_602 : vector<16xf32>
      %mul3A_746 = arith.constant 128 : i32
      %mul3A_747 = arith.muli %add3A_690, %mul3A_746 : i32
      %add3A_748 = vector.broadcast %mul3A_747 : i32 to vector<16xi32>
      %add3A_749 = arith.addi %add3A_748, %add3A_18 : vector<16xi32>
      tpu.vector_store_idx %arg7[%add3A_749], %add3A_745 : memref<10368xf32, #tpu.memory_space<vmem>>[vector<16xi32>], vector<16xf32>,
      %mul3A_750 = arith.constant 128 : i32
      %mul3A_751 = arith.muli %scan3A_688, %mul3A_750 : i32
      %add3A_752 = vector.broadcast %mul3A_751 : i32 to vector<16xi32>
      %add3A_753 = arith.addi %add3A_752, %add3A_21 : vector<16xi32>
      %gather3A_754 = tpu.vector_load_idx %arg7[%add3A_753] : memref<10368xf32, #tpu.memory_space<vmem>>[vector<16xi32>], vector<16xf32>,
      %add3A_755 = arith.addf %gather3A_754, %get3A_604 : vector<16xf32>
      %mul3A_756 = arith.constant 128 : i32
      %mul3A_757 = arith.muli %add3A_690, %mul3A_756 : i32
      %add3A_758 = vector.broadcast %mul3A_757 : i32 to vector<16xi32>
      %add3A_759 = arith.addi %add3A_758, %add3A_21 : vector<16xi32>
      tpu.vector_store_idx %arg7[%add3A_759], %add3A_755 : memref<10368xf32, #tpu.memory_space<vmem>>[vector<16xi32>], vector<16xf32>,
      %mul3A_760 = arith.constant 128 : i32
      %mul3A_761 = arith.muli %scan3A_688, %mul3A_760 : i32
      %add3A_762 = vector.broadcast %mul3A_761 : i32 to vector<16xi32>
      %add3A_763 = arith.addi %add3A_762, %add3A_24 : vector<16xi32>
      %gather3A_764 = tpu.vector_load_idx %arg7[%add3A_763] : memref<10368xf32, #tpu.memory_space<vmem>>[vector<16xi32>], vector<16xf32>,
      %add3A_765 = arith.addf %gather3A_764, %get3A_606 : vector<16xf32>
      %mul3A_766 = arith.constant 128 : i32
      %mul3A_767 = arith.muli %add3A_690, %mul3A_766 : i32
      %add3A_768 = vector.broadcast %mul3A_767 : i32 to vector<16xi32>
      %add3A_769 = arith.addi %add3A_768, %add3A_24 : vector<16xi32>
      tpu.vector_store_idx %arg7[%add3A_769], %add3A_765 : memref<10368xf32, #tpu.memory_space<vmem>>[vector<16xi32>], vector<16xf32>,
    }
    %scan3A_612 = arith.constant 9 : i32
    %get3A_613 = arith.constant 3328 : index
    %get3A_614 = tpu.vector_load %arg5[%get3A_613] {strides = array<i32>} : memref<4096xf32, #tpu.memory_space<vmem>>, vector<16xf32>,
    %get3A_615 = arith.constant 3344 : index
    %get3A_616 = tpu.vector_load %arg5[%get3A_615] {strides = array<i32>} : memref<4096xf32, #tpu.memory_space<vmem>>, vector<16xf32>,
    %get3A_617 = arith.constant 3360 : index
    %get3A_618 = tpu.vector_load %arg5[%get3A_617] {strides = array<i32>} : memref<4096xf32, #tpu.memory_space<vmem>>, vector<16xf32>,
    %get3A_619 = arith.constant 3376 : index
    %get3A_620 = tpu.vector_load %arg5[%get3A_619] {strides = array<i32>} : memref<4096xf32, #tpu.memory_space<vmem>>, vector<16xf32>,
    %get3A_621 = arith.constant 3392 : index
    %get3A_622 = tpu.vector_load %arg5[%get3A_621] {strides = array<i32>} : memref<4096xf32, #tpu.memory_space<vmem>>, vector<16xf32>,
    %get3A_623 = arith.constant 3408 : index
    %get3A_624 = tpu.vector_load %arg5[%get3A_623] {strides = array<i32>} : memref<4096xf32, #tpu.memory_space<vmem>>, vector<16xf32>,
    %get3A_625 = arith.constant 3424 : index
    %get3A_626 = tpu.vector_load %arg5[%get3A_625] {strides = array<i32>} : memref<4096xf32, #tpu.memory_space<vmem>>, vector<16xf32>,
    %get3A_627 = arith.constant 3440 : index
    %get3A_628 = tpu.vector_load %arg5[%get3A_627] {strides = array<i32>} : memref<4096xf32, #tpu.memory_space<vmem>>, vector<16xf32>,
    %scan3A_629 = arith.constant 0 : i32
    %scan3A_630 = arith.constant 0.111111112 : f32
    %scan3A_631 = arith.constant 0 : i32
    %scan3A_632 = arith.constant 27 : i32
    %scan3A_633 = arith.addi %scan3A_631, %scan3A_632 : i32
    %scan3A_634 = arith.constant 1 : i32
    scf.for %scan3A_688 = %scan3A_631 to %scan3A_633 step %scan3A_634  : i32 {
      %add3A_689 = arith.constant 54 : i32
      %add3A_690 = arith.addi %add3A_689, %scan3A_688 : i32
      %mul3A_691 = arith.constant 128 : i32
      %mul3A_692 = arith.muli %scan3A_688, %mul3A_691 : i32
      %add3A_693 = vector.broadcast %mul3A_692 : i32 to vector<16xi32>
      %add3A_694 = arith.addi %add3A_693, %add3A_3 : vector<16xi32>
      %gather3A = tpu.vector_load_idx %arg7[%add3A_694] : memref<10368xf32, #tpu.memory_space<vmem>>[vector<16xi32>], vector<16xf32>,
      %add3A_695 = arith.addf %gather3A, %get3A_614 : vector<16xf32>
      %mul3A_696 = vector.broadcast %scan3A_630 : f32 to vector<16xf32>
      %mul3A_697 = arith.mulf %add3A_695, %mul3A_696 : vector<16xf32>
      %mul3A_698 = arith.constant 128 : i32
      %mul3A_699 = arith.muli %add3A_690, %mul3A_698 : i32
      %add3A_700 = vector.broadcast %mul3A_699 : i32 to vector<16xi32>
      %add3A_701 = arith.addi %add3A_700, %add3A_3 : vector<16xi32>
      tpu.vector_store_idx %arg7[%add3A_701], %mul3A_697 : memref<10368xf32, #tpu.memory_space<vmem>>[vector<16xi32>], vector<16xf32>,
      %mul3A_702 = arith.constant 128 : i32
      %mul3A_703 = arith.muli %scan3A_688, %mul3A_702 : i32
      %add3A_704 = vector.broadcast %mul3A_703 : i32 to vector<16xi32>
      %add3A_705 = arith.addi %add3A_704, %add3A_6 : vector<16xi32>
      %gather3A_706 = tpu.vector_load_idx %arg7[%add3A_705] : memref<10368xf32, #tpu.memory_space<vmem>>[vector<16xi32>], vector<16xf32>,
      %add3A_707 = arith.addf %gather3A_706, %get3A_616 : vector<16xf32>
      %mul3A_708 = vector.broadcast %scan3A_630 : f32 to vector<16xf32>
      %mul3A_709 = arith.mulf %add3A_707, %mul3A_708 : vector<16xf32>
      %mul3A_710 = arith.constant 128 : i32
      %mul3A_711 = arith.muli %add3A_690, %mul3A_710 : i32
      %add3A_712 = vector.broadcast %mul3A_711 : i32 to vector<16xi32>
      %add3A_713 = arith.addi %add3A_712, %add3A_6 : vector<16xi32>
      tpu.vector_store_idx %arg7[%add3A_713], %mul3A_709 : memref<10368xf32, #tpu.memory_space<vmem>>[vector<16xi32>], vector<16xf32>,
      %mul3A_714 = arith.constant 128 : i32
      %mul3A_715 = arith.muli %scan3A_688, %mul3A_714 : i32
      %add3A_716 = vector.broadcast %mul3A_715 : i32 to vector<16xi32>
      %add3A_717 = arith.addi %add3A_716, %add3A_9 : vector<16xi32>
      %gather3A_718 = tpu.vector_load_idx %arg7[%add3A_717] : memref<10368xf32, #tpu.memory_space<vmem>>[vector<16xi32>], vector<16xf32>,
      %add3A_719 = arith.addf %gather3A_718, %get3A_618 : vector<16xf32>
      %mul3A_720 = vector.broadcast %scan3A_630 : f32 to vector<16xf32>
      %mul3A_721 = arith.mulf %add3A_719, %mul3A_720 : vector<16xf32>
      %mul3A_722 = arith.constant 128 : i32
      %mul3A_723 = arith.muli %add3A_690, %mul3A_722 : i32
      %add3A_724 = vector.broadcast %mul3A_723 : i32 to vector<16xi32>
      %add3A_725 = arith.addi %add3A_724, %add3A_9 : vector<16xi32>
      tpu.vector_store_idx %arg7[%add3A_725], %mul3A_721 : memref<10368xf32, #tpu.memory_space<vmem>>[vector<16xi32>], vector<16xf32>,
      %mul3A_726 = arith.constant 128 : i32
      %mul3A_727 = arith.muli %scan3A_688, %mul3A_726 : i32
      %add3A_728 = vector.broadcast %mul3A_727 : i32 to vector<16xi32>
      %add3A_729 = arith.addi %add3A_728, %add3A_12 : vector<16xi32>
      %gather3A_730 = tpu.vector_load_idx %arg7[%add3A_729] : memref<10368xf32, #tpu.memory_space<vmem>>[vector<16xi32>], vector<16xf32>,
      %add3A_731 = arith.addf %gather3A_730, %get3A_620 : vector<16xf32>
      %mul3A_732 = vector.broadcast %scan3A_630 : f32 to vector<16xf32>
      %mul3A_733 = arith.mulf %add3A_731, %mul3A_732 : vector<16xf32>
      %mul3A_734 = arith.constant 128 : i32
      %mul3A_735 = arith.muli %add3A_690, %mul3A_734 : i32
      %add3A_736 = vector.broadcast %mul3A_735 : i32 to vector<16xi32>
      %add3A_737 = arith.addi %add3A_736, %add3A_12 : vector<16xi32>
      tpu.vector_store_idx %arg7[%add3A_737], %mul3A_733 : memref<10368xf32, #tpu.memory_space<vmem>>[vector<16xi32>], vector<16xf32>,
      %mul3A_738 = arith.constant 128 : i32
      %mul3A_739 = arith.muli %scan3A_688, %mul3A_738 : i32
      %add3A_740 = vector.broadcast %mul3A_739 : i32 to vector<16xi32>
      %add3A_741 = arith.addi %add3A_740, %add3A_15 : vector<16xi32>
      %gather3A_742 = tpu.vector_load_idx %arg7[%add3A_741] : memref<10368xf32, #tpu.memory_space<vmem>>[vector<16xi32>], vector<16xf32>,
      %add3A_743 = arith.addf %gather3A_742, %get3A_622 : vector<16xf32>
      %mul3A_744 = vector.broadcast %scan3A_630 : f32 to vector<16xf32>
      %mul3A_745 = arith.mulf %add3A_743, %mul3A_744 : vector<16xf32>
      %mul3A_746 = arith.constant 128 : i32
      %mul3A_747 = arith.muli %add3A_690, %mul3A_746 : i32
      %add3A_748 = vector.broadcast %mul3A_747 : i32 to vector<16xi32>
      %add3A_749 = arith.addi %add3A_748, %add3A_15 : vector<16xi32>
      tpu.vector_store_idx %arg7[%add3A_749], %mul3A_745 : memref<10368xf32, #tpu.memory_space<vmem>>[vector<16xi32>], vector<16xf32>,
      %mul3A_750 = arith.constant 128 : i32
      %mul3A_751 = arith.muli %scan3A_688, %mul3A_750 : i32
      %add3A_752 = vector.broadcast %mul3A_751 : i32 to vector<16xi32>
      %add3A_753 = arith.addi %add3A_752, %add3A_18 : vector<16xi32>
      %gather3A_754 = tpu.vector_load_idx %arg7[%add3A_753] : memref<10368xf32, #tpu.memory_space<vmem>>[vector<16xi32>], vector<16xf32>,
      %add3A_755 = arith.addf %gather3A_754, %get3A_624 : vector<16xf32>
      %mul3A_756 = vector.broadcast %scan3A_630 : f32 to vector<16xf32>
      %mul3A_757 = arith.mulf %add3A_755, %mul3A_756 : vector<16xf32>
      %mul3A_758 = arith.constant 128 : i32
      %mul3A_759 = arith.muli %add3A_690, %mul3A_758 : i32
      %add3A_760 = vector.broadcast %mul3A_759 : i32 to vector<16xi32>
      %add3A_761 = arith.addi %add3A_760, %add3A_18 : vector<16xi32>
      tpu.vector_store_idx %arg7[%add3A_761], %mul3A_757 : memref<10368xf32, #tpu.memory_space<vmem>>[vector<16xi32>], vector<16xf32>,
      %mul3A_762 = arith.constant 128 : i32
      %mul3A_763 = arith.muli %scan3A_688, %mul3A_762 : i32
      %add3A_764 = vector.broadcast %mul3A_763 : i32 to vector<16xi32>
      %add3A_765 = arith.addi %add3A_764, %add3A_21 : vector<16xi32>
      %gather3A_766 = tpu.vector_load_idx %arg7[%add3A_765] : memref<10368xf32, #tpu.memory_space<vmem>>[vector<16xi32>], vector<16xf32>,
      %add3A_767 = arith.addf %gather3A_766, %get3A_626 : vector<16xf32>
      %mul3A_768 = vector.broadcast %scan3A_630 : f32 to vector<16xf32>
      %mul3A_769 = arith.mulf %add3A_767, %mul3A_768 : vector<16xf32>
      %mul3A_770 = arith.constant 128 : i32
      %mul3A_771 = arith.muli %add3A_690, %mul3A_770 : i32
      %add3A_772 = vector.broadcast %mul3A_771 : i32 to vector<16xi32>
      %add3A_773 = arith.addi %add3A_772, %add3A_21 : vector<16xi32>
      tpu.vector_store_idx %arg7[%add3A_773], %mul3A_769 : memref<10368xf32, #tpu.memory_space<vmem>>[vector<16xi32>], vector<16xf32>,
      %mul3A_774 = arith.constant 128 : i32
      %mul3A_775 = arith.muli %scan3A_688, %mul3A_774 : i32
      %add3A_776 = vector.broadcast %mul3A_775 : i32 to vector<16xi32>
      %add3A_777 = arith.addi %add3A_776, %add3A_24 : vector<16xi32>
      %gather3A_778 = tpu.vector_load_idx %arg7[%add3A_777] : memref<10368xf32, #tpu.memory_space<vmem>>[vector<16xi32>], vector<16xf32>,
      %add3A_779 = arith.addf %gather3A_778, %get3A_628 : vector<16xf32>
      %mul3A_780 = vector.broadcast %scan3A_630 : f32 to vector<16xf32>
      %mul3A_781 = arith.mulf %add3A_779, %mul3A_780 : vector<16xf32>
      %mul3A_782 = arith.constant 128 : i32
      %mul3A_783 = arith.muli %add3A_690, %mul3A_782 : i32
      %add3A_784 = vector.broadcast %mul3A_783 : i32 to vector<16xi32>
      %add3A_785 = arith.addi %add3A_784, %add3A_24 : vector<16xi32>
      tpu.vector_store_idx %arg7[%add3A_785], %mul3A_781 : memref<10368xf32, #tpu.memory_space<vmem>>[vector<16xi32>], vector<16xf32>,
    }
    %scan3A_635 = arith.constant 27 : i32
    %get3A_636 = arith.constant 3200 : index
    %get3A_637 = tpu.vector_load %arg5[%get3A_636] {strides = array<i32>} : memref<4096xf32, #tpu.memory_space<vmem>>, vector<16xf32>,
    %get3A_638 = arith.constant 3216 : index
    %get3A_639 = tpu.vector_load %arg5[%get3A_638] {strides = array<i32>} : memref<4096xf32, #tpu.memory_space<vmem>>, vector<16xf32>,
    %get3A_640 = arith.constant 3232 : index
    %get3A_641 = tpu.vector_load %arg5[%get3A_640] {strides = array<i32>} : memref<4096xf32, #tpu.memory_space<vmem>>, vector<16xf32>,
    %get3A_642 = arith.constant 3248 : index
    %get3A_643 = tpu.vector_load %arg5[%get3A_642] {strides = array<i32>} : memref<4096xf32, #tpu.memory_space<vmem>>, vector<16xf32>,
    %get3A_644 = arith.constant 3264 : index
    %get3A_645 = tpu.vector_load %arg5[%get3A_644] {strides = array<i32>} : memref<4096xf32, #tpu.memory_space<vmem>>, vector<16xf32>,
    %get3A_646 = arith.constant 3280 : index
    %get3A_647 = tpu.vector_load %arg5[%get3A_646] {strides = array<i32>} : memref<4096xf32, #tpu.memory_space<vmem>>, vector<16xf32>,
    %get3A_648 = arith.constant 3296 : index
    %get3A_649 = tpu.vector_load %arg5[%get3A_648] {strides = array<i32>} : memref<4096xf32, #tpu.memory_space<vmem>>, vector<16xf32>,
    %get3A_650 = arith.constant 3312 : index
    %get3A_651 = tpu.vector_load %arg5[%get3A_650] {strides = array<i32>} : memref<4096xf32, #tpu.memory_space<vmem>>, vector<16xf32>,
    %scan3A_652 = arith.constant 0 : i32
    %scan3A_653 = arith.constant 0.111111112 : f32
    %scan3A_654 = arith.constant 0 : i32
    %scan3A_655 = arith.constant 27 : i32
    %scan3A_656 = arith.addi %scan3A_654, %scan3A_655 : i32
    %scan3A_657 = arith.constant 1 : i32
    scf.for %scan3A_688 = %scan3A_654 to %scan3A_656 step %scan3A_657  : i32 {
      %add3A_689 = arith.constant 27 : i32
      %add3A_690 = arith.addi %add3A_689, %scan3A_688 : i32
      %mul3A_691 = arith.constant 128 : i32
      %mul3A_692 = arith.muli %scan3A_688, %mul3A_691 : i32
      %add3A_693 = vector.broadcast %mul3A_692 : i32 to vector<16xi32>
      %add3A_694 = arith.addi %add3A_693, %add3A_3 : vector<16xi32>
      %gather3A = tpu.vector_load_idx %arg7[%add3A_694] : memref<10368xf32, #tpu.memory_space<vmem>>[vector<16xi32>], vector<16xf32>,
      %add3A_695 = arith.addf %gather3A, %get3A_637 : vector<16xf32>
      %mul3A_696 = vector.broadcast %scan3A_653 : f32 to vector<16xf32>
      %mul3A_697 = arith.mulf %add3A_695, %mul3A_696 : vector<16xf32>
      %mul3A_698 = arith.constant 128 : i32
      %mul3A_699 = arith.muli %add3A_690, %mul3A_698 : i32
      %add3A_700 = vector.broadcast %mul3A_699 : i32 to vector<16xi32>
      %add3A_701 = arith.addi %add3A_700, %add3A_3 : vector<16xi32>
      tpu.vector_store_idx %arg7[%add3A_701], %mul3A_697 : memref<10368xf32, #tpu.memory_space<vmem>>[vector<16xi32>], vector<16xf32>,
      %mul3A_702 = arith.constant 128 : i32
      %mul3A_703 = arith.muli %scan3A_688, %mul3A_702 : i32
      %add3A_704 = vector.broadcast %mul3A_703 : i32 to vector<16xi32>
      %add3A_705 = arith.addi %add3A_704, %add3A_6 : vector<16xi32>
      %gather3A_706 = tpu.vector_load_idx %arg7[%add3A_705] : memref<10368xf32, #tpu.memory_space<vmem>>[vector<16xi32>], vector<16xf32>,
      %add3A_707 = arith.addf %gather3A_706, %get3A_639 : vector<16xf32>
      %mul3A_708 = vector.broadcast %scan3A_653 : f32 to vector<16xf32>
      %mul3A_709 = arith.mulf %add3A_707, %mul3A_708 : vector<16xf32>
      %mul3A_710 = arith.constant 128 : i32
      %mul3A_711 = arith.muli %add3A_690, %mul3A_710 : i32
      %add3A_712 = vector.broadcast %mul3A_711 : i32 to vector<16xi32>
      %add3A_713 = arith.addi %add3A_712, %add3A_6 : vector<16xi32>
      tpu.vector_store_idx %arg7[%add3A_713], %mul3A_709 : memref<10368xf32, #tpu.memory_space<vmem>>[vector<16xi32>], vector<16xf32>,
      %mul3A_714 = arith.constant 128 : i32
      %mul3A_715 = arith.muli %scan3A_688, %mul3A_714 : i32
      %add3A_716 = vector.broadcast %mul3A_715 : i32 to vector<16xi32>
      %add3A_717 = arith.addi %add3A_716, %add3A_9 : vector<16xi32>
      %gather3A_718 = tpu.vector_load_idx %arg7[%add3A_717] : memref<10368xf32, #tpu.memory_space<vmem>>[vector<16xi32>], vector<16xf32>,
      %add3A_719 = arith.addf %gather3A_718, %get3A_641 : vector<16xf32>
      %mul3A_720 = vector.broadcast %scan3A_653 : f32 to vector<16xf32>
      %mul3A_721 = arith.mulf %add3A_719, %mul3A_720 : vector<16xf32>
      %mul3A_722 = arith.constant 128 : i32
      %mul3A_723 = arith.muli %add3A_690, %mul3A_722 : i32
      %add3A_724 = vector.broadcast %mul3A_723 : i32 to vector<16xi32>
      %add3A_725 = arith.addi %add3A_724, %add3A_9 : vector<16xi32>
      tpu.vector_store_idx %arg7[%add3A_725], %mul3A_721 : memref<10368xf32, #tpu.memory_space<vmem>>[vector<16xi32>], vector<16xf32>,
      %mul3A_726 = arith.constant 128 : i32
      %mul3A_727 = arith.muli %scan3A_688, %mul3A_726 : i32
      %add3A_728 = vector.broadcast %mul3A_727 : i32 to vector<16xi32>
      %add3A_729 = arith.addi %add3A_728, %add3A_12 : vector<16xi32>
      %gather3A_730 = tpu.vector_load_idx %arg7[%add3A_729] : memref<10368xf32, #tpu.memory_space<vmem>>[vector<16xi32>], vector<16xf32>,
      %add3A_731 = arith.addf %gather3A_730, %get3A_643 : vector<16xf32>
      %mul3A_732 = vector.broadcast %scan3A_653 : f32 to vector<16xf32>
      %mul3A_733 = arith.mulf %add3A_731, %mul3A_732 : vector<16xf32>
      %mul3A_734 = arith.constant 128 : i32
      %mul3A_735 = arith.muli %add3A_690, %mul3A_734 : i32
      %add3A_736 = vector.broadcast %mul3A_735 : i32 to vector<16xi32>
      %add3A_737 = arith.addi %add3A_736, %add3A_12 : vector<16xi32>
      tpu.vector_store_idx %arg7[%add3A_737], %mul3A_733 : memref<10368xf32, #tpu.memory_space<vmem>>[vector<16xi32>], vector<16xf32>,
      %mul3A_738 = arith.constant 128 : i32
      %mul3A_739 = arith.muli %scan3A_688, %mul3A_738 : i32
      %add3A_740 = vector.broadcast %mul3A_739 : i32 to vector<16xi32>
      %add3A_741 = arith.addi %add3A_740, %add3A_15 : vector<16xi32>
      %gather3A_742 = tpu.vector_load_idx %arg7[%add3A_741] : memref<10368xf32, #tpu.memory_space<vmem>>[vector<16xi32>], vector<16xf32>,
      %add3A_743 = arith.addf %gather3A_742, %get3A_645 : vector<16xf32>
      %mul3A_744 = vector.broadcast %scan3A_653 : f32 to vector<16xf32>
      %mul3A_745 = arith.mulf %add3A_743, %mul3A_744 : vector<16xf32>
      %mul3A_746 = arith.constant 128 : i32
      %mul3A_747 = arith.muli %add3A_690, %mul3A_746 : i32
      %add3A_748 = vector.broadcast %mul3A_747 : i32 to vector<16xi32>
      %add3A_749 = arith.addi %add3A_748, %add3A_15 : vector<16xi32>
      tpu.vector_store_idx %arg7[%add3A_749], %mul3A_745 : memref<10368xf32, #tpu.memory_space<vmem>>[vector<16xi32>], vector<16xf32>,
      %mul3A_750 = arith.constant 128 : i32
      %mul3A_751 = arith.muli %scan3A_688, %mul3A_750 : i32
      %add3A_752 = vector.broadcast %mul3A_751 : i32 to vector<16xi32>
      %add3A_753 = arith.addi %add3A_752, %add3A_18 : vector<16xi32>
      %gather3A_754 = tpu.vector_load_idx %arg7[%add3A_753] : memref<10368xf32, #tpu.memory_space<vmem>>[vector<16xi32>], vector<16xf32>,
      %add3A_755 = arith.addf %gather3A_754, %get3A_647 : vector<16xf32>
      %mul3A_756 = vector.broadcast %scan3A_653 : f32 to vector<16xf32>
      %mul3A_757 = arith.mulf %add3A_755, %mul3A_756 : vector<16xf32>
      %mul3A_758 = arith.constant 128 : i32
      %mul3A_759 = arith.muli %add3A_690, %mul3A_758 : i32
      %add3A_760 = vector.broadcast %mul3A_759 : i32 to vector<16xi32>
      %add3A_761 = arith.addi %add3A_760, %add3A_18 : vector<16xi32>
      tpu.vector_store_idx %arg7[%add3A_761], %mul3A_757 : memref<10368xf32, #tpu.memory_space<vmem>>[vector<16xi32>], vector<16xf32>,
      %mul3A_762 = arith.constant 128 : i32
      %mul3A_763 = arith.muli %scan3A_688, %mul3A_762 : i32
      %add3A_764 = vector.broadcast %mul3A_763 : i32 to vector<16xi32>
      %add3A_765 = arith.addi %add3A_764, %add3A_21 : vector<16xi32>
      %gather3A_766 = tpu.vector_load_idx %arg7[%add3A_765] : memref<10368xf32, #tpu.memory_space<vmem>>[vector<16xi32>], vector<16xf32>,
      %add3A_767 = arith.addf %gather3A_766, %get3A_649 : vector<16xf32>
      %mul3A_768 = vector.broadcast %scan3A_653 : f32 to vector<16xf32>
      %mul3A_769 = arith.mulf %add3A_767, %mul3A_768 : vector<16xf32>
      %mul3A_770 = arith.constant 128 : i32
      %mul3A_771 = arith.muli %add3A_690, %mul3A_770 : i32
      %add3A_772 = vector.broadcast %mul3A_771 : i32 to vector<16xi32>
      %add3A_773 = arith.addi %add3A_772, %add3A_21 : vector<16xi32>
      tpu.vector_store_idx %arg7[%add3A_773], %mul3A_769 : memref<10368xf32, #tpu.memory_space<vmem>>[vector<16xi32>], vector<16xf32>,
      %mul3A_774 = arith.constant 128 : i32
      %mul3A_775 = arith.muli %scan3A_688, %mul3A_774 : i32
      %add3A_776 = vector.broadcast %mul3A_775 : i32 to vector<16xi32>
      %add3A_777 = arith.addi %add3A_776, %add3A_24 : vector<16xi32>
      %gather3A_778 = tpu.vector_load_idx %arg7[%add3A_777] : memref<10368xf32, #tpu.memory_space<vmem>>[vector<16xi32>], vector<16xf32>,
      %add3A_779 = arith.addf %gather3A_778, %get3A_651 : vector<16xf32>
      %mul3A_780 = vector.broadcast %scan3A_653 : f32 to vector<16xf32>
      %mul3A_781 = arith.mulf %add3A_779, %mul3A_780 : vector<16xf32>
      %mul3A_782 = arith.constant 128 : i32
      %mul3A_783 = arith.muli %add3A_690, %mul3A_782 : i32
      %add3A_784 = vector.broadcast %mul3A_783 : i32 to vector<16xi32>
      %add3A_785 = arith.addi %add3A_784, %add3A_24 : vector<16xi32>
      tpu.vector_store_idx %arg7[%add3A_785], %mul3A_781 : memref<10368xf32, #tpu.memory_space<vmem>>[vector<16xi32>], vector<16xf32>,
    }
    %scan3A_658 = arith.constant 27 : i32
    %get3A_659 = arith.constant 3072 : index
    %get3A_660 = tpu.vector_load %arg5[%get3A_659] {strides = array<i32>} : memref<4096xf32, #tpu.memory_space<vmem>>, vector<16xf32>,
    %get3A_661 = arith.constant 3088 : index
    %get3A_662 = tpu.vector_load %arg5[%get3A_661] {strides = array<i32>} : memref<4096xf32, #tpu.memory_space<vmem>>, vector<16xf32>,
    %get3A_663 = arith.constant 3104 : index
    %get3A_664 = tpu.vector_load %arg5[%get3A_663] {strides = array<i32>} : memref<4096xf32, #tpu.memory_space<vmem>>, vector<16xf32>,
    %get3A_665 = arith.constant 3120 : index
    %get3A_666 = tpu.vector_load %arg5[%get3A_665] {strides = array<i32>} : memref<4096xf32, #tpu.memory_space<vmem>>, vector<16xf32>,
    %get3A_667 = arith.constant 3136 : index
    %get3A_668 = tpu.vector_load %arg5[%get3A_667] {strides = array<i32>} : memref<4096xf32, #tpu.memory_space<vmem>>, vector<16xf32>,
    %get3A_669 = arith.constant 3152 : index
    %get3A_670 = tpu.vector_load %arg5[%get3A_669] {strides = array<i32>} : memref<4096xf32, #tpu.memory_space<vmem>>, vector<16xf32>,
    %get3A_671 = arith.constant 3168 : index
    %get3A_672 = tpu.vector_load %arg5[%get3A_671] {strides = array<i32>} : memref<4096xf32, #tpu.memory_space<vmem>>, vector<16xf32>,
    %get3A_673 = arith.constant 3184 : index
    %get3A_674 = tpu.vector_load %arg5[%get3A_673] {strides = array<i32>} : memref<4096xf32, #tpu.memory_space<vmem>>, vector<16xf32>,
    %scan3A_675 = arith.constant 0 : i32
    %scan3A_676 = arith.constant 0.111111112 : f32
    %scan3A_677 = arith.constant 0 : i32
    %scan3A_678 = arith.constant 27 : i32
    %scan3A_679 = arith.addi %scan3A_677, %scan3A_678 : i32
    %scan3A_680 = arith.constant 1 : i32
    scf.for %scan3A_688 = %scan3A_677 to %scan3A_679 step %scan3A_680  : i32 {
      %add3A_689 = arith.constant 0 : i32
      %add3A_690 = arith.addi %add3A_689, %scan3A_688 : i32
      %mul3A_691 = arith.constant 128 : i32
      %mul3A_692 = arith.muli %scan3A_688, %mul3A_691 : i32
      %add3A_693 = vector.broadcast %mul3A_692 : i32 to vector<16xi32>
      %add3A_694 = arith.addi %add3A_693, %add3A_3 : vector<16xi32>
      %gather3A = tpu.vector_load_idx %arg7[%add3A_694] : memref<10368xf32, #tpu.memory_space<vmem>>[vector<16xi32>], vector<16xf32>,
      %add3A_695 = arith.addf %gather3A, %get3A_660 : vector<16xf32>
      %mul3A_696 = vector.broadcast %scan3A_676 : f32 to vector<16xf32>
      %mul3A_697 = arith.mulf %add3A_695, %mul3A_696 : vector<16xf32>
      %mul3A_698 = arith.constant 128 : i32
      %mul3A_699 = arith.muli %add3A_690, %mul3A_698 : i32
      %add3A_700 = vector.broadcast %mul3A_699 : i32 to vector<16xi32>
      %add3A_701 = arith.addi %add3A_700, %add3A_3 : vector<16xi32>
      tpu.vector_store_idx %arg7[%add3A_701], %mul3A_697 : memref<10368xf32, #tpu.memory_space<vmem>>[vector<16xi32>], vector<16xf32>,
      %mul3A_702 = arith.constant 128 : i32
      %mul3A_703 = arith.muli %scan3A_688, %mul3A_702 : i32
      %add3A_704 = vector.broadcast %mul3A_703 : i32 to vector<16xi32>
      %add3A_705 = arith.addi %add3A_704, %add3A_6 : vector<16xi32>
      %gather3A_706 = tpu.vector_load_idx %arg7[%add3A_705] : memref<10368xf32, #tpu.memory_space<vmem>>[vector<16xi32>], vector<16xf32>,
      %add3A_707 = arith.addf %gather3A_706, %get3A_662 : vector<16xf32>
      %mul3A_708 = vector.broadcast %scan3A_676 : f32 to vector<16xf32>
      %mul3A_709 = arith.mulf %add3A_707, %mul3A_708 : vector<16xf32>
      %mul3A_710 = arith.constant 128 : i32
      %mul3A_711 = arith.muli %add3A_690, %mul3A_710 : i32
      %add3A_712 = vector.broadcast %mul3A_711 : i32 to vector<16xi32>
      %add3A_713 = arith.addi %add3A_712, %add3A_6 : vector<16xi32>
      tpu.vector_store_idx %arg7[%add3A_713], %mul3A_709 : memref<10368xf32, #tpu.memory_space<vmem>>[vector<16xi32>], vector<16xf32>,
      %mul3A_714 = arith.constant 128 : i32
      %mul3A_715 = arith.muli %scan3A_688, %mul3A_714 : i32
      %add3A_716 = vector.broadcast %mul3A_715 : i32 to vector<16xi32>
      %add3A_717 = arith.addi %add3A_716, %add3A_9 : vector<16xi32>
      %gather3A_718 = tpu.vector_load_idx %arg7[%add3A_717] : memref<10368xf32, #tpu.memory_space<vmem>>[vector<16xi32>], vector<16xf32>,
      %add3A_719 = arith.addf %gather3A_718, %get3A_664 : vector<16xf32>
      %mul3A_720 = vector.broadcast %scan3A_676 : f32 to vector<16xf32>
      %mul3A_721 = arith.mulf %add3A_719, %mul3A_720 : vector<16xf32>
      %mul3A_722 = arith.constant 128 : i32
      %mul3A_723 = arith.muli %add3A_690, %mul3A_722 : i32
      %add3A_724 = vector.broadcast %mul3A_723 : i32 to vector<16xi32>
      %add3A_725 = arith.addi %add3A_724, %add3A_9 : vector<16xi32>
      tpu.vector_store_idx %arg7[%add3A_725], %mul3A_721 : memref<10368xf32, #tpu.memory_space<vmem>>[vector<16xi32>], vector<16xf32>,
      %mul3A_726 = arith.constant 128 : i32
      %mul3A_727 = arith.muli %scan3A_688, %mul3A_726 : i32
      %add3A_728 = vector.broadcast %mul3A_727 : i32 to vector<16xi32>
      %add3A_729 = arith.addi %add3A_728, %add3A_12 : vector<16xi32>
      %gather3A_730 = tpu.vector_load_idx %arg7[%add3A_729] : memref<10368xf32, #tpu.memory_space<vmem>>[vector<16xi32>], vector<16xf32>,
      %add3A_731 = arith.addf %gather3A_730, %get3A_666 : vector<16xf32>
      %mul3A_732 = vector.broadcast %scan3A_676 : f32 to vector<16xf32>
      %mul3A_733 = arith.mulf %add3A_731, %mul3A_732 : vector<16xf32>
      %mul3A_734 = arith.constant 128 : i32
      %mul3A_735 = arith.muli %add3A_690, %mul3A_734 : i32
      %add3A_736 = vector.broadcast %mul3A_735 : i32 to vector<16xi32>
      %add3A_737 = arith.addi %add3A_736, %add3A_12 : vector<16xi32>
      tpu.vector_store_idx %arg7[%add3A_737], %mul3A_733 : memref<10368xf32, #tpu.memory_space<vmem>>[vector<16xi32>], vector<16xf32>,
      %mul3A_738 = arith.constant 128 : i32
      %mul3A_739 = arith.muli %scan3A_688, %mul3A_738 : i32
      %add3A_740 = vector.broadcast %mul3A_739 : i32 to vector<16xi32>
      %add3A_741 = arith.addi %add3A_740, %add3A_15 : vector<16xi32>
      %gather3A_742 = tpu.vector_load_idx %arg7[%add3A_741] : memref<10368xf32, #tpu.memory_space<vmem>>[vector<16xi32>], vector<16xf32>,
      %add3A_743 = arith.addf %gather3A_742, %get3A_668 : vector<16xf32>
      %mul3A_744 = vector.broadcast %scan3A_676 : f32 to vector<16xf32>
      %mul3A_745 = arith.mulf %add3A_743, %mul3A_744 : vector<16xf32>
      %mul3A_746 = arith.constant 128 : i32
      %mul3A_747 = arith.muli %add3A_690, %mul3A_746 : i32
      %add3A_748 = vector.broadcast %mul3A_747 : i32 to vector<16xi32>
      %add3A_749 = arith.addi %add3A_748, %add3A_15 : vector<16xi32>
      tpu.vector_store_idx %arg7[%add3A_749], %mul3A_745 : memref<10368xf32, #tpu.memory_space<vmem>>[vector<16xi32>], vector<16xf32>,
      %mul3A_750 = arith.constant 128 : i32
      %mul3A_751 = arith.muli %scan3A_688, %mul3A_750 : i32
      %add3A_752 = vector.broadcast %mul3A_751 : i32 to vector<16xi32>
      %add3A_753 = arith.addi %add3A_752, %add3A_18 : vector<16xi32>
      %gather3A_754 = tpu.vector_load_idx %arg7[%add3A_753] : memref<10368xf32, #tpu.memory_space<vmem>>[vector<16xi32>], vector<16xf32>,
      %add3A_755 = arith.addf %gather3A_754, %get3A_670 : vector<16xf32>
      %mul3A_756 = vector.broadcast %scan3A_676 : f32 to vector<16xf32>
      %mul3A_757 = arith.mulf %add3A_755, %mul3A_756 : vector<16xf32>
      %mul3A_758 = arith.constant 128 : i32
      %mul3A_759 = arith.muli %add3A_690, %mul3A_758 : i32
      %add3A_760 = vector.broadcast %mul3A_759 : i32 to vector<16xi32>
      %add3A_761 = arith.addi %add3A_760, %add3A_18 : vector<16xi32>
      tpu.vector_store_idx %arg7[%add3A_761], %mul3A_757 : memref<10368xf32, #tpu.memory_space<vmem>>[vector<16xi32>], vector<16xf32>,
      %mul3A_762 = arith.constant 128 : i32
      %mul3A_763 = arith.muli %scan3A_688, %mul3A_762 : i32
      %add3A_764 = vector.broadcast %mul3A_763 : i32 to vector<16xi32>
      %add3A_765 = arith.addi %add3A_764, %add3A_21 : vector<16xi32>
      %gather3A_766 = tpu.vector_load_idx %arg7[%add3A_765] : memref<10368xf32, #tpu.memory_space<vmem>>[vector<16xi32>], vector<16xf32>,
      %add3A_767 = arith.addf %gather3A_766, %get3A_672 : vector<16xf32>
      %mul3A_768 = vector.broadcast %scan3A_676 : f32 to vector<16xf32>
      %mul3A_769 = arith.mulf %add3A_767, %mul3A_768 : vector<16xf32>
      %mul3A_770 = arith.constant 128 : i32
      %mul3A_771 = arith.muli %add3A_690, %mul3A_770 : i32
      %add3A_772 = vector.broadcast %mul3A_771 : i32 to vector<16xi32>
      %add3A_773 = arith.addi %add3A_772, %add3A_21 : vector<16xi32>
      tpu.vector_store_idx %arg7[%add3A_773], %mul3A_769 : memref<10368xf32, #tpu.memory_space<vmem>>[vector<16xi32>], vector<16xf32>,
      %mul3A_774 = arith.constant 128 : i32
      %mul3A_775 = arith.muli %scan3A_688, %mul3A_774 : i32
      %add3A_776 = vector.broadcast %mul3A_775 : i32 to vector<16xi32>
      %add3A_777 = arith.addi %add3A_776, %add3A_24 : vector<16xi32>
      %gather3A_778 = tpu.vector_load_idx %arg7[%add3A_777] : memref<10368xf32, #tpu.memory_space<vmem>>[vector<16xi32>], vector<16xf32>,
      %add3A_779 = arith.addf %gather3A_778, %get3A_674 : vector<16xf32>
      %mul3A_780 = vector.broadcast %scan3A_676 : f32 to vector<16xf32>
      %mul3A_781 = arith.mulf %add3A_779, %mul3A_780 : vector<16xf32>
      %mul3A_782 = arith.constant 128 : i32
      %mul3A_783 = arith.muli %add3A_690, %mul3A_782 : i32
      %add3A_784 = vector.broadcast %mul3A_783 : i32 to vector<16xi32>
      %add3A_785 = arith.addi %add3A_784, %add3A_24 : vector<16xi32>
      tpu.vector_store_idx %arg7[%add3A_785], %mul3A_781 : memref<10368xf32, #tpu.memory_space<vmem>>[vector<16xi32>], vector<16xf32>,
    }
    %scan3A_681 = arith.constant 27 : i32
    %scan3A_682 = arith.constant 0 : i32
    %scan3A_683 = arith.constant 0 : i32
    %scan3A_684 = arith.constant 8 : i32
    %scan3A_685 = arith.addi %scan3A_683, %scan3A_684 : i32
    %scan3A_686 = arith.constant 1 : i32
    scf.for %scan3A_688 = %scan3A_683 to %scan3A_685 step %scan3A_686  : i32 {
      %mul3A_689 = arith.constant 32 : i32
      %mul3A_690 = arith.muli %scan3A_688, %mul3A_689 : i32
      %add3A_691 = arith.addi %mul3A_690, %add3A : i32
      %mul3A_692 = arith.constant 400 : i32
      %mul3A_693 = arith.muli %add3A_691, %mul3A_692 : i32
      %lt3A = arith.constant 250 : i32
      %lt3A_694 = arith.cmpi slt, %add3A_691, %lt3A : i32
      %convert_element_type3A = arith.extui %lt3A_694 : i1 to i32
      %cond3A = arith.constant 0 : i32
      %cond3A_695 = arith.cmpi ne, %convert_element_type3A, %cond3A : i32
      scf.if %cond3A_695 {
        %mul3A_696 = arith.constant 16 : i32
        %mul3A_697 = arith.muli %mul3A_693, %mul3A_696 : i32
        "tpu.region"() ({
          %run_scoped3A = tpu.sem_alloc : memref<!tpu.dma_semaphore, #tpu.memory_space<semaphore_mem>>
          %dma_start3A = tpu.memref_slice %arg2[%mul3A_697] : memref<1600000xi32, #tpu.memory_space<hbm>> -> memref<6400xi32, #tpu.memory_space<hbm>>
          %dma_start3A_703 = tpu.memref_slice %arg2[%mul3A_697] : memref<1600000xi32, #tpu.memory_space<hbm>> -> memref<6400xi32, #tpu.memory_space<hbm>>
          tpu.enqueue_dma source(%dma_start3A_703 : memref<6400xi32, #tpu.memory_space<hbm>>) target(%arg8 : memref<6400xi32, #tpu.memory_space<vmem>>) target_semaphore(%run_scoped3A : memref<!tpu.dma_semaphore, #tpu.memory_space<semaphore_mem>>)
          %dma_wait3A = tpu.memref_slice %arg2[%mul3A_697] : memref<1600000xi32, #tpu.memory_space<hbm>> -> memref<6400xi32, #tpu.memory_space<hbm>>
          %dma_wait3A_704 = tpu.memref_slice %arg2[%mul3A_697] : memref<1600000xi32, #tpu.memory_space<hbm>> -> memref<6400xi32, #tpu.memory_space<hbm>>
          tpu.wait_dma2 semaphore(%run_scoped3A : memref<!tpu.dma_semaphore, #tpu.memory_space<semaphore_mem>>) src(%dma_wait3A_704 : memref<6400xi32, #tpu.memory_space<hbm>>) dst(%arg8 : memref<6400xi32, #tpu.memory_space<vmem>>)
          tpu.yield
        }) : () -> ()
        %mul3A_698 = arith.constant 0 : i32
        %mul3A_699 = vector.broadcast %mul3A_698 : i32 to vector<16xi32>
        %mul3A_700 = arith.muli %iota3A, %mul3A_699 : vector<16xi32>
        %parallel_loop3A = arith.constant 0 : i32
        %parallel_loop3A_701 = arith.constant 400 : i32
        %parallel_loop3A_702 = arith.constant 1 : i32
        scf.for %parallel_loop3A_703 = %parallel_loop3A to %parallel_loop3A_701 step %parallel_loop3A_702  : i32 {
          %parallel_loop3A_704 = arith.constant 16 : i32
          %parallel_loop3A_705 = arith.muli %parallel_loop3A_703, %parallel_loop3A_704 : i32
          %parallel_loop3A_706 = vector.broadcast %parallel_loop3A_705 : i32 to vector<16xi32>
          %parallel_loop3A_707 = arith.addi %parallel_loop3A_706, %iota3A : vector<16xi32>
          %parallel_loop3A_708 = tpu.vector_load_idx %arg8[%parallel_loop3A_707] : memref<6400xi32, #tpu.memory_space<vmem>>[vector<16xi32>], vector<16xi32>,
          %parallel_loop3A_709 = arith.constant 0 : i32
          %parallel_loop3A_710 = arith.muli %parallel_loop3A_703, %parallel_loop3A_709 : i32
          %parallel_loop3A_711 = arith.constant 0 : i32
          %parallel_loop3A_712 = arith.muli %parallel_loop3A_703, %parallel_loop3A_711 : i32
          %parallel_loop3A_713 = vector.broadcast %parallel_loop3A_703 : i32 to vector<16xi32>
          %parallel_loop3A_714 = arith.addi %mul3A_700, %parallel_loop3A_713 : vector<16xi32>
          %parallel_loop3A_715 = vector.broadcast %parallel_loop3A_710 : i32 to vector<16xi32>
          %parallel_loop3A_716 = arith.addi %parallel_loop3A_715, %add3A_3 : vector<16xi32>
          %parallel_loop3A_717 = tpu.vector_load_idx %arg6[%parallel_loop3A_716] : memref<31104xf32, #tpu.memory_space<vmem>>[vector<16xi32>], vector<16xf32>,
          %parallel_loop3A_718 = vector.broadcast %parallel_loop3A_712 : i32 to vector<16xi32>
          %parallel_loop3A_719 = arith.addi %parallel_loop3A_718, %add3A_3 : vector<16xi32>
          %parallel_loop3A_720 = tpu.vector_load_idx %arg7[%parallel_loop3A_719] : memref<10368xf32, #tpu.memory_space<vmem>>[vector<16xi32>], vector<16xf32>,
          %parallel_loop3A_721 = arith.addf %parallel_loop3A_717, %parallel_loop3A_720 : vector<16xf32>
          tpu.vector_store_idx %arg9[%parallel_loop3A_714, %add3A_3], %parallel_loop3A_721 : memref<400x128xf32, #tpu.memory_space<vmem>>[vector<16xi32>, vector<16xi32>], vector<16xf32>,
          %parallel_loop3A_722 = vector.broadcast %parallel_loop3A_710 : i32 to vector<16xi32>
          %parallel_loop3A_723 = arith.addi %parallel_loop3A_722, %add3A_6 : vector<16xi32>
          %parallel_loop3A_724 = tpu.vector_load_idx %arg6[%parallel_loop3A_723] : memref<31104xf32, #tpu.memory_space<vmem>>[vector<16xi32>], vector<16xf32>,
          %parallel_loop3A_725 = vector.broadcast %parallel_loop3A_712 : i32 to vector<16xi32>
          %parallel_loop3A_726 = arith.addi %parallel_loop3A_725, %add3A_6 : vector<16xi32>
          %parallel_loop3A_727 = tpu.vector_load_idx %arg7[%parallel_loop3A_726] : memref<10368xf32, #tpu.memory_space<vmem>>[vector<16xi32>], vector<16xf32>,
          %parallel_loop3A_728 = arith.addf %parallel_loop3A_724, %parallel_loop3A_727 : vector<16xf32>
          tpu.vector_store_idx %arg9[%parallel_loop3A_714, %add3A_6], %parallel_loop3A_728 : memref<400x128xf32, #tpu.memory_space<vmem>>[vector<16xi32>, vector<16xi32>], vector<16xf32>,
          %parallel_loop3A_729 = vector.broadcast %parallel_loop3A_710 : i32 to vector<16xi32>
          %parallel_loop3A_730 = arith.addi %parallel_loop3A_729, %add3A_9 : vector<16xi32>
          %parallel_loop3A_731 = tpu.vector_load_idx %arg6[%parallel_loop3A_730] : memref<31104xf32, #tpu.memory_space<vmem>>[vector<16xi32>], vector<16xf32>,
          %parallel_loop3A_732 = vector.broadcast %parallel_loop3A_712 : i32 to vector<16xi32>
          %parallel_loop3A_733 = arith.addi %parallel_loop3A_732, %add3A_9 : vector<16xi32>
          %parallel_loop3A_734 = tpu.vector_load_idx %arg7[%parallel_loop3A_733] : memref<10368xf32, #tpu.memory_space<vmem>>[vector<16xi32>], vector<16xf32>,
          %parallel_loop3A_735 = arith.addf %parallel_loop3A_731, %parallel_loop3A_734 : vector<16xf32>
          tpu.vector_store_idx %arg9[%parallel_loop3A_714, %add3A_9], %parallel_loop3A_735 : memref<400x128xf32, #tpu.memory_space<vmem>>[vector<16xi32>, vector<16xi32>], vector<16xf32>,
          %parallel_loop3A_736 = vector.broadcast %parallel_loop3A_710 : i32 to vector<16xi32>
          %parallel_loop3A_737 = arith.addi %parallel_loop3A_736, %add3A_12 : vector<16xi32>
          %parallel_loop3A_738 = tpu.vector_load_idx %arg6[%parallel_loop3A_737] : memref<31104xf32, #tpu.memory_space<vmem>>[vector<16xi32>], vector<16xf32>,
          %parallel_loop3A_739 = vector.broadcast %parallel_loop3A_712 : i32 to vector<16xi32>
          %parallel_loop3A_740 = arith.addi %parallel_loop3A_739, %add3A_12 : vector<16xi32>
          %parallel_loop3A_741 = tpu.vector_load_idx %arg7[%parallel_loop3A_740] : memref<10368xf32, #tpu.memory_space<vmem>>[vector<16xi32>], vector<16xf32>,
          %parallel_loop3A_742 = arith.addf %parallel_loop3A_738, %parallel_loop3A_741 : vector<16xf32>
          tpu.vector_store_idx %arg9[%parallel_loop3A_714, %add3A_12], %parallel_loop3A_742 : memref<400x128xf32, #tpu.memory_space<vmem>>[vector<16xi32>, vector<16xi32>], vector<16xf32>,
          %parallel_loop3A_743 = vector.broadcast %parallel_loop3A_710 : i32 to vector<16xi32>
          %parallel_loop3A_744 = arith.addi %parallel_loop3A_743, %add3A_15 : vector<16xi32>
          %parallel_loop3A_745 = tpu.vector_load_idx %arg6[%parallel_loop3A_744] : memref<31104xf32, #tpu.memory_space<vmem>>[vector<16xi32>], vector<16xf32>,
          %parallel_loop3A_746 = vector.broadcast %parallel_loop3A_712 : i32 to vector<16xi32>
          %parallel_loop3A_747 = arith.addi %parallel_loop3A_746, %add3A_15 : vector<16xi32>
          %parallel_loop3A_748 = tpu.vector_load_idx %arg7[%parallel_loop3A_747] : memref<10368xf32, #tpu.memory_space<vmem>>[vector<16xi32>], vector<16xf32>,
          %parallel_loop3A_749 = arith.addf %parallel_loop3A_745, %parallel_loop3A_748 : vector<16xf32>
          tpu.vector_store_idx %arg9[%parallel_loop3A_714, %add3A_15], %parallel_loop3A_749 : memref<400x128xf32, #tpu.memory_space<vmem>>[vector<16xi32>, vector<16xi32>], vector<16xf32>,
          %parallel_loop3A_750 = vector.broadcast %parallel_loop3A_710 : i32 to vector<16xi32>
          %parallel_loop3A_751 = arith.addi %parallel_loop3A_750, %add3A_18 : vector<16xi32>
          %parallel_loop3A_752 = tpu.vector_load_idx %arg6[%parallel_loop3A_751] : memref<31104xf32, #tpu.memory_space<vmem>>[vector<16xi32>], vector<16xf32>,
          %parallel_loop3A_753 = vector.broadcast %parallel_loop3A_712 : i32 to vector<16xi32>
          %parallel_loop3A_754 = arith.addi %parallel_loop3A_753, %add3A_18 : vector<16xi32>
          %parallel_loop3A_755 = tpu.vector_load_idx %arg7[%parallel_loop3A_754] : memref<10368xf32, #tpu.memory_space<vmem>>[vector<16xi32>], vector<16xf32>,
          %parallel_loop3A_756 = arith.addf %parallel_loop3A_752, %parallel_loop3A_755 : vector<16xf32>
          tpu.vector_store_idx %arg9[%parallel_loop3A_714, %add3A_18], %parallel_loop3A_756 : memref<400x128xf32, #tpu.memory_space<vmem>>[vector<16xi32>, vector<16xi32>], vector<16xf32>,
          %parallel_loop3A_757 = vector.broadcast %parallel_loop3A_710 : i32 to vector<16xi32>
          %parallel_loop3A_758 = arith.addi %parallel_loop3A_757, %add3A_21 : vector<16xi32>
          %parallel_loop3A_759 = tpu.vector_load_idx %arg6[%parallel_loop3A_758] : memref<31104xf32, #tpu.memory_space<vmem>>[vector<16xi32>], vector<16xf32>,
          %parallel_loop3A_760 = vector.broadcast %parallel_loop3A_712 : i32 to vector<16xi32>
          %parallel_loop3A_761 = arith.addi %parallel_loop3A_760, %add3A_21 : vector<16xi32>
          %parallel_loop3A_762 = tpu.vector_load_idx %arg7[%parallel_loop3A_761] : memref<10368xf32, #tpu.memory_space<vmem>>[vector<16xi32>], vector<16xf32>,
          %parallel_loop3A_763 = arith.addf %parallel_loop3A_759, %parallel_loop3A_762 : vector<16xf32>
          tpu.vector_store_idx %arg9[%parallel_loop3A_714, %add3A_21], %parallel_loop3A_763 : memref<400x128xf32, #tpu.memory_space<vmem>>[vector<16xi32>, vector<16xi32>], vector<16xf32>,
          %parallel_loop3A_764 = vector.broadcast %parallel_loop3A_710 : i32 to vector<16xi32>
          %parallel_loop3A_765 = arith.addi %parallel_loop3A_764, %add3A_24 : vector<16xi32>
          %parallel_loop3A_766 = tpu.vector_load_idx %arg6[%parallel_loop3A_765] : memref<31104xf32, #tpu.memory_space<vmem>>[vector<16xi32>], vector<16xf32>,
          %parallel_loop3A_767 = vector.broadcast %parallel_loop3A_712 : i32 to vector<16xi32>
          %parallel_loop3A_768 = arith.addi %parallel_loop3A_767, %add3A_24 : vector<16xi32>
          %parallel_loop3A_769 = tpu.vector_load_idx %arg7[%parallel_loop3A_768] : memref<10368xf32, #tpu.memory_space<vmem>>[vector<16xi32>], vector<16xf32>,
          %parallel_loop3A_770 = arith.addf %parallel_loop3A_766, %parallel_loop3A_769 : vector<16xf32>
          tpu.vector_store_idx %arg9[%parallel_loop3A_714, %add3A_24], %parallel_loop3A_770 : memref<400x128xf32, #tpu.memory_space<vmem>>[vector<16xi32>, vector<16xi32>], vector<16xf32>,
        } {sc.loop_unroll_factor = 8 : i64, sc.parallel_access}
        "tpu.region"() ({
          %run_scoped3A = tpu.sem_alloc : memref<!tpu.dma_semaphore, #tpu.memory_space<semaphore_mem>>
          %dma_start3A = arith.constant 0 : i32
          %dma_start3A_703 = tpu.memref_slice %arg4[%mul3A_693, %dma_start3A] : memref<100000x128xf32, #tpu.memory_space<hbm>> -> memref<400x128xf32, #tpu.memory_space<hbm>>
          %dma_start3A_704 = arith.constant 0 : i32
          %dma_start3A_705 = tpu.memref_slice %arg4[%mul3A_693, %dma_start3A_704] : memref<100000x128xf32, #tpu.memory_space<hbm>> -> memref<400x128xf32, #tpu.memory_space<hbm>>
          tpu.enqueue_dma source(%arg9 : memref<400x128xf32, #tpu.memory_space<vmem>>) target(%dma_start3A_705 : memref<400x128xf32, #tpu.memory_space<hbm>>) target_semaphore(%run_scoped3A : memref<!tpu.dma_semaphore, #tpu.memory_space<semaphore_mem>>)
          %dma_wait3A = arith.constant 0 : i32
          %dma_wait3A_706 = tpu.memref_slice %arg4[%mul3A_693, %dma_wait3A] : memref<100000x128xf32, #tpu.memory_space<hbm>> -> memref<400x128xf32, #tpu.memory_space<hbm>>
          %dma_wait3A_707 = arith.constant 0 : i32
          %dma_wait3A_708 = tpu.memref_slice %arg4[%mul3A_693, %dma_wait3A_707] : memref<100000x128xf32, #tpu.memory_space<hbm>> -> memref<400x128xf32, #tpu.memory_space<hbm>>
          tpu.wait_dma2 semaphore(%run_scoped3A : memref<!tpu.dma_semaphore, #tpu.memory_space<semaphore_mem>>) src(%arg9 : memref<400x128xf32, #tpu.memory_space<vmem>>) dst(%dma_wait3A_708 : memref<400x128xf32, #tpu.memory_space<hbm>>)
          tpu.yield
        }) : () -> ()
      } else {
      }
    }
    %scan3A_687 = arith.constant 8 : i32
    return
  }
}

</mosaic_0001>

<sc_bundles>
// kernel: kernel.3.cloned.1.call-start
scs
__scs_entry_jumppad:
0x0: {  	(pc) =	sbr.rel $0x88, $3  }
0x1: {  	(tag) =	ssettag $0x0;
	lr =	simm.s32 $0x1  }
0x2: {  	[smem:$0x3F97] =	sst lr;
	_ =	strace $0xD0000000  }
0x3: {  	_ = 	snop  }
0x4: {  	_ = 	snop  }
0x5: {  	_ = 	snop  }
0x6: {  	_ = 	snop  }
0x7: {  	_ = 	snop  }
__scs_overlays_trampoline_lowered:
0x8: {  	[smem:$0x3FA6] =	sst s0  }
0x9: {  	[smem:$0x3FA7] =	sst s1  }
0xa: {  	[smem:$0x3FA8] =	sst s2  }
0xb: {  	[smem:$0x3FA9] =	sst s3  }
0xc: {  	[smem:$0x3FAA] =	sst s4  }
0xd: {  	[smem:$0x3FAB] =	sst s5  }
0xe: {  	[smem:$0x3FAC] =	sst s6  }
0xf: {  	[smem:$0x3FAD] =	sst s7  }
0x10: {  	[smem:$0x3FAE] =	sst s8  }
0x11: {  	[smem:$0x3FAF] =	sst s9;
	s0 =	simm.s32 @!p0 $0x0  }
0x12: {  	s1 =	sld [smem:$0x3F95];
	s0 =	simm.s32 @p0 $0x1  }
0x13: {  	[smem:$0x3FB0] =	sst s0;
	s0 =	simm.s32 @!p1 $0x0  }
0x14: {  	s2 =	sld [smem:$0x3F94];
	s0 =	simm.s32 @p1 $0x1  }
0x15: {  	[smem:$0x3FB1] =	sst s0;
	s0 =	simm.s32 @!p2 $0x0  }
0x16: {  	s3 =	sld [smem:$0x3FDB];
	s0 =	simm.s32 @p2 $0x1  }
0x17: {  	s4 =	simm.s32 $0x1BF5;
	[smem:$0x3FB3] =	sst s0  }
0x18: {  	s0 =	sld [smem:$0x3F96];
	_ =	swait.ge [sflag:s4], $0x0  }
0x19: {  	s7 =	sld [smem:$0x3F97]  }
0x1a: {  	s8 =	sadd.s32 $0xFFFFE003, lr  }
0x1b: {  	s9 =	sadd.s32 $0xFFFFFEF7, lr;
	s5 =	simm.s32 $0xFFFFFFFF;
	p2 =	slt.u32 s8, $0xFFFFF086  }
0x1c: {  	p1 =	slt.u32 s9, $0xF7A;
	s5 =	simm.s32 @!p2 $0x0  }
0x1d: {  	s5 =	simm.s32 @p1 $0x1;
	p0 =	seq.s32 s7, s2  }
0x1e: {  	s7 =	smul.u32 @!p0 $0xF7A, s2;
	p2 =	seq.s32 @!p0 s5, $0x0  }
0x1f: {  	s9 =	smul.u32 $0xF7A, s1;
	s8 =	simm.s32 @!p0 $0x1BF5;
	p2 =	por !p2, p0  }
0x20: {  	[sflag:s8] =	ssyncset.s32 @!p0 $0xFFFFF086;
	s6 =	sadd.s32 @!p0 s3, s7;
	s7 =	simm.s32 @!p0 $0x108  }
0x21: {  	s3 =	sadd.s32 s3, s9;
	s6 =	sadd.s32 @!p0 $0x88, s6;
	s7 =	simm.s32 @p2 $0x1082  }
0x22: {  	[simem:s7], [sflag:s8] =	dma.local @!p0 [hbm:s6], $0xF7A  }
0x23: {  	s9 =	sor.u32 $0xD0000000, s2;
	s6 =	simm.s32 $0x108;
	_ =	swait.ge @!p0 [sflag:s8], $0x0  }
0x24: {  	s3 =	sadd.s32 $0x88, s3;
	s6 =	simm.s32 @!p1 $0x1082;
	[sflag:s4] =	ssyncset.s32 $0xFFFFF086  }
0x25: {  	[simem:s6], [sflag:s4] =	dma.local [hbm:s3], $0xF7A  }
0x26: {  	[smem:$0x3F97] =	sst s1;
	(tag) =	ssettag s2;
	_ =	strace s9  }
0x27: {  	s1 =	sld [smem:$0x3FA7]  }
0x28: {  	s2 =	sld [smem:$0x3FA8]  }
0x29: {  	s4 =	sld [smem:$0x3FAA]  }
0x2a: {  	p0 =	seq.s32 s5, $0x0;
	s5 =	sld [smem:$0x3FAB]  }
0x2b: {  	s6 =	sld [smem:$0x3FAC]  }
0x2c: {  	s7 =	sld [smem:$0x3FAD]  }
0x2d: {  	s3 =	simm.s32 $0x108;
	s8 =	sld [smem:$0x3FAE]  }
0x2e: {  	s3 =	simm.s32 @!p0 $0x1082;
	s9 =	sld [smem:$0x3FAF]  }
0x2f: {  	lr =	sadd.s32 s0, s3;
	s0 =	sld [smem:$0x3FA6]  }
0x30: {  	s3 =	sld [smem:$0x3FA9]  }
0x31: {  	[smem:$0x3FB2] =	sst s10  }
0x32: {  	s10 =	sld [smem:$0x3FB0];
	_ =	sdelay $0x3  }
0x33: {  	p0 =	seq.s32 s10, $0x1;
	s10 =	sld [smem:$0x3FB2];
	_ =	sdelay $0x3  }
0x34: {  	[smem:$0x3FB2] =	sst s10  }
0x35: {  	s10 =	sld [smem:$0x3FB1];
	_ =	sdelay $0x3  }
0x36: {  	p1 =	seq.s32 s10, $0x1;
	s10 =	sld [smem:$0x3FB2];
	_ =	sdelay $0x3  }
0x37: {  	[smem:$0x3FB2] =	sst s10  }
0x38: {  	s10 =	sld [smem:$0x3FB3]  }
0x39: {  	_ = 	snop;
	(pc) =	sbr.ind lr, $3  }
0x3a: {  	_ = 	snop  }
0x3b: {  	_ = 	snop  }
0x3c: {  	p2 =	seq.s32 s10, $0x1;
	s10 =	sld [smem:$0x3FB2]  }
0x3d: {  	_ =	shalt  }
0x3e: {  	_ =	shalt  }
0x3f: {  	_ =	shalt  }
0x40: {  	_ =	shalt  }
0x41: {  	_ =	shalt  }
0x42: {  	_ =	shalt  }
0x43: {  	_ =	shalt  }
0x44: {  	_ =	shalt  }
0x45: {  	_ =	shalt  }
0x46: {  	_ =	shalt  }
0x47: {  	_ =	shalt  }
0x48: {  	_ =	shalt  }
0x49: {  	_ =	shalt  }
0x4a: {  	_ =	shalt  }
0x4b: {  	_ =	shalt  }
0x4c: {  	_ =	shalt  }
0x4d: {  	_ =	shalt  }
0x4e: {  	_ =	shalt  }
0x4f: {  	_ =	shalt  }
0x50: {  	_ =	shalt  }
0x51: {  	_ =	shalt  }
0x52: {  	_ =	shalt  }
0x53: {  	_ =	shalt  }
0x54: {  	_ =	shalt  }
0x55: {  	_ =	shalt  }
0x56: {  	_ =	shalt  }
0x57: {  	_ =	shalt  }
0x58: {  	_ =	shalt  }
0x59: {  	_ =	shalt  }
0x5a: {  	_ =	shalt  }
0x5b: {  	_ =	shalt  }
0x5c: {  	_ =	shalt  }
0x5d: {  	_ =	shalt  }
0x5e: {  	_ =	shalt  }
0x5f: {  	_ =	shalt  }
0x60: {  	_ =	shalt  }
0x61: {  	_ =	shalt  }
0x62: {  	_ =	shalt  }
0x63: {  	_ =	shalt  }
0x64: {  	_ =	shalt  }
0x65: {  	_ =	shalt  }
0x66: {  	_ =	shalt  }
0x67: {  	_ =	shalt  }
0x68: {  	_ =	shalt  }
0x69: {  	_ =	shalt  }
0x6a: {  	_ =	shalt  }
0x6b: {  	_ =	shalt  }
0x6c: {  	_ =	shalt  }
0x6d: {  	_ =	shalt  }
0x6e: {  	_ =	shalt  }
0x6f: {  	_ =	shalt  }
0x70: {  	_ =	shalt  }
0x71: {  	_ =	shalt  }
0x72: {  	_ =	shalt  }
0x73: {  	_ =	shalt  }
0x74: {  	_ =	shalt  }
0x75: {  	_ =	shalt  }
0x76: {  	_ =	shalt  }
0x77: {  	_ =	shalt  }
0x78: {  	_ =	shalt  }
0x79: {  	_ =	shalt  }
0x7a: {  	_ =	shalt  }
0x7b: {  	_ =	shalt  }
0x7c: {  	_ =	shalt  }
0x7d: {  	_ =	shalt  }
0x7e: {  	_ =	shalt  }
0x7f: {  	_ =	shalt  }
0x80: {  	_ =	shalt  }
0x81: {  	_ =	shalt  }
0x82: {  	_ =	shalt  }
0x83: {  	_ =	shalt  }
0x84: {  	_ =	shalt  }
0x85: {  	_ =	shalt  }
0x86: {  	_ =	shalt  }
0x87: {  	_ =	shalt  }
.Lfunc_end0:
.L_simem_size_0:
called_computation_lowered:
.L_overlay_start_0:
0x88: {  	s2 =	sld [smem:$0x3FD9]  }
0x89: {  	s3 =	sld [smem:$0x3FFE];
	_ =	sdelay $0x1  }
0x8a: {  	s1 =	srdreg.scid  }
0x8b: {  	s0 =	sand.u32 $0x1, s1  }
0x8c: {  	s17 =	sshll.u32 s0, $0xA;
	s2 =	sadd.s32 s3, s2  }
0x8d: {  	s2 =	sadd.s32 s2, s17  }
0x8e: {  	[smem:$0x3FBE] =	sst s2  }
0x8f: {  	_ = 	snop  }
0x90: {  	s2 =	sld [smem:$0x3FD0];
	(tm) =	ssettm $0x1  }
0x91: {  	s18 =	sld [smem:$0x3FFB];
	_ =	sdelay $0x3  }
0x92: {  	_ =	strace s18  }
0x93: {  	s3 =	sld [smem:$0x3FFC];
	_ =	sdelay $0x3  }
0x94: {  	_ =	strace s3  }
0x95: {  	s3 =	sld [smem:$0x3FFD];
	_ =	sdelay $0x3  }
0x96: {  	_ =	strace s3  }
0x97: {  	_ =	strace $0x8FFFFFFF  }
0x98: {  	s19 =	sld [smem:$0x3FDB];
	_ =	sdelay $0x1  }
0x99: {  	s4 =	simm.s32 $_scs_section_size  }
0x9a: {  	s5 =	simm.s32 $_size__tile_overlayer_lowered;
	s6 =	simm.s32 $_tile_overlayer_lowered  }
0x9b: {  	s22 =	simm.s32 $0x1BFF;
	s21 =	sshll.u32 s6, $0x1;
	s3 =	sadd.s32 s4, s19  }
0x9c: {  	s7 =	simm.s32 $0x0;
	s20 =	sshll.u32 s5, $0x1;
	s5 =	sadd.s32 s21, s3  }
0x9d: {  	[timem:s7], [sflag:s22] =	dma.local [hbm:s5], s20  }
0x9e: {  	_ =	swait.ge [sflag:s22], s20  }
0x9f: {  	s4 =	ssub.s32 $0x0, s20;
	[sflag:s22] =	ssyncset.done $0x0  }
0xa0: {  	[sflag:s22] =	ssyncadd.s32 s4;
	_ =	sdelay $0x1  }
0xa1: {  	s23 =	simm.s32 $0x1B8B  }
0xa2: {  	_ =	swait.ge [sflag:s23], $0x1  }
0xa3: {  	[sflag:s23] =	ssyncset.done $0x0  }
0xa4: {  	s25 =	simm.s32 $0x1B8E;
	s24 =	sld [smem:$0x3FFE];
	[sflag:s23] =	ssyncadd.s32 $0xFFFFFFFF  }
0xa5: {  	s26 =	simm.s32 $execute0_lowered;
	[smem:$0x3FD2] =	sst s25  }
0xa6: {  	s5 =	sshll.u32 s26, $0x1;
	_ =	strace $0x80000046;
	[dreg:$0x1] =	wrdreg $0xFFFFFFFF  }
0xa7: {  	s28 =	simm.s32 $_size_execute0_lowered;
	s3 =	sadd.s32 s3, s5;
	[dreg:$0x0] =	wrdreg $0x0  }
0xa8: {  	s5 =	sshll.u32 s28, $0x1;
	[dreg:$0x2] =	wrdreg s3  }
0xa9: {  	[dreg:$0x3] =	wrdreg s5  }
0xaa: {  	[dreg:$0x4] =	wrdreg $0xC0  }
0xab: {  	_ =	task [dreg:s7], $0x5FFFF  }
0xac: {  	[dreg:$0x1] =	wrdreg $0xFFFFFFFF  }
0xad: {  	[dreg:$0x0] =	wrdreg $0x60  }
0xae: {  	[dreg:$0x2] =	wrdreg s24  }
0xaf: {  	[dreg:$0x3] =	wrdreg s2  }
0xb0: {  	[dreg:$0x4] =	wrdreg $0x9  }
0xb1: {  	_ =	task.clear_ibuf [dreg:s7], $0x5FFFF;
	_ =	strace $0x90000046  }
0xb2: {  	s29 =	simm.s32 $0x9;
	_ =	strace $0x80000048  }
0xb3: {  	_ =	swait.ge [sflag:s29], $0x1  }
0xb4: {  	[sflag:s29] =	ssyncadd.s32 $0xFFFFFFFF  }
0xb5: {  	_ =	strace $0x90000048  }
0xb6: {  	_ =	sfence  }
0xb7: {  	s30 =	sld [smem:$0x0];
	_ =	sdelay $0x2  }
0xb8: {  	s31 =	sshll.u32 s1, $0xD;
	s1 =	sshrl.u32 s1, $0x2  }
0xb9: {  	s3 =	sand.u32 $0x4000, s31;
	s1 =	sadd.s32 s1, s30  }
0xba: {  	s0 =	sor.u32 s3, s0;
	s1 =	sshll.u32 s1, $0x11  }
0xbb: {  	s0 =	sor.u32 s1, s0  }
0xbc: {  	s0 =	sadd.s32 $0x8F2B, s0  }
0xbd: {  	[sflag:s0] =	ssyncadd.remote.s32 $0x1  }
0xbe: {  	_ =	sfence.sel $0xFFFF  }
0xbf: {  	[dreg:$0x0] =	wrdreg $0xFFFFFFFF;
	(pc) =	sbr.abs _section_cstart, $3  }
0xc0: {  	[dreg:$0x1] =	wrdreg $0xFFFFFFFF  }
0xc1: {  	_ =	task.clear_ibuf [dreg:s7], $0x2FFFF;
	_ =	strace $0x9FFFFFFF  }
0xc2: {  	(tm) =	ssettm $0x7FFFFFFF  }
0xc3: {  	_ =	shalt  }
tec
execute0_lowered:
.L_overlay_start_1:
0x0: {  	(tag) =	ssettag $0x1  }
0x1: {  	s5 =	rddreg [dreg:$0x0]  }
0x2: {  	s1 =	rddreg [dreg:$0x1];
	v44 =	vlaneseq.u32;
	s2 =	simm.s32 $0x0  }
0x3: {  	[smem:$0x7FF] =	sst s2;
	v0 =	vor.u32 $0x80, v44  }
0x4: {  	s0 =	rddreg [dreg:$0x2];
	_ =	strace $0x80000047;
	[tilespmem:$0x1FF00] =	vst v0;
	v0 =	vor.u32 $0x90, v44  }
0x5: {  	[tilespmem:$0x1FF10] =	vst v0;
	v0 =	vor.u32 $0xA0, v44  }
0x6: {  	[tilespmem:$0x1FF20] =	vst v0;
	v0 =	vor.u32 $0xB0, v44  }
0x7: {  	[tilespmem:$0x1FF30] =	vst v0;
	v0 =	vor.u32 $0xC0, v44  }
0x8: {  	[tilespmem:$0x1FF40] =	vst v0;
	v0 =	vor.u32 $0xD0, v44  }
0x9: {  	[tilespmem:$0x1FF50] =	vst v0;
	v0 =	vor.u32 $0xE0, v44  }
0xa: {  	[tilespmem:$0x1FF60] =	vst v0;
	v0 =	vor.u32 $0xF0, v44  }
0xb: {  	[tilespmem:$0x1FF70] =	vst v0;
	v0 =	vor.u32 $0x100, v44  }
0xc: {  	[tilespmem:$0x1FF80] =	vst v0;
	v0 =	vor.u32 $0x110, v44  }
0xd: {  	[tilespmem:$0x1FF90] =	vst v0;
	v0 =	vor.u32 $0x120, v44  }
0xe: {  	s3 =	srdreg.scid;
	s9 =	simm.s32 $0x1;
	s10 =	simm.s32 $0x1000;
	[tilespmem:$0x1FFA0] =	vst v0;
	v0 =	vor.u32 $0x130, v44  }
.Ltmp0:
0xf: {  	s11 =	simm.s32 $0x8980;
	s3 =	sand.u32 $0x1, s3;
	[tilespmem:$0x1FFB0] =	vst v0;
	v0 =	vor.u32 $0x140, v44;
	(pc) =	sbr.rel .LBB2_1-.Ltmp0, $4  }
0x10: {  	s12 =	simm.s32 $0xB200;
	s14 =	simm.s32 $0xCB00;
	s7 =	ssub.s32 $0x2, s3;
	[tilespmem:$0x1FFC0] =	vst v0;
	v0 =	vor.u32 $0x150, v44  }
0x11: {  	s13 =	simm.s32 $0x2;
	v39 =	vor.u32 $0x10, v44;
	v45 =	vor.u32 $0x20, v44;
	s4 =	sadd.s32 $0x188E00, s5;
	s8 =	sshrl.u32 s7, $0x1;
	[tilespmem:$0x1FFD0] =	vst v0;
	v0 =	vor.u32 $0x160, v44  }
0x12: {  	v2 =	vor.u32 $0x30, v44;
	v59 =	vor.u32 $0x40, v44;
	s6 =	sadd.s32 $0x2400, s5;
	s5 =	stileid.u32;
	s8 =	ssub.s32 s7, s8;
	[tilespmem:$0x1FFE0] =	vst v0;
	v0 =	vor.u32 $0x170, v44  }
0x13: {  	s15 =	simm.s32 $0x0;
	v49 =	vor.u32 $0x50, v44;
	v47 =	vor.u32 $0x60, v44;
	v46 =	vor.u32 $0x70, v44;
	s7 =	sshll.u32 s5, $0x1;
	s8 =	smax.u32 s8, $0x1;
	[tilespmem:$0x1FFF0] =	vst v0  }
.LBB2_45:
0x14: {  	s15 =	sadd.s32 $0x1, s15  }
0x15: {  	p0 =	sne.s32 s15, s8  }
.Ltmp1:
0x16: {  	_ = 	snop;
	(pc) =	sbr.rel @!p0 .LBB2_46-.Ltmp1, $1  }
0x17: {  	_ =	sdelay $0x3  }
.LBB2_1:
0x18: {  	[tilespmem:s2], [sflag:$0x1] =	stream.linear.gather [hbm4b:s6+s2], $0x1000, $0x38;
	[tilespmem:$0x19300] =	vst v63  }
0x19: {  	_ =	swait.ge [sflag:s9], $0x1000  }
0x1a: {  	[sflag:s9] =	ssyncset.done $0x0  }
0x1b: {  	[sflag:s9] =	ssyncadd.s32 $0xFFFFF000  }
0x1c: {  	v0 =	vld [tilespmem:$0x0]  }
0x1d: {  	v1 =	vld [tilespmem:$0x10]  }
0x1e: {  	v8 =	vld [tilespmem:$0x20]  }
0x1f: {  	v9 =	vld [tilespmem:$0x30]  }
0x20: {  	v10 =	vld [tilespmem:$0x40]  }
0x21: {  	[tilespmem:$0x1000] =	vst v0;
	v0 =	vld [tilespmem:$0x50]  }
0x22: {  	[tilespmem:$0x1010] =	vst v1;
	v1 =	vld [tilespmem:$0x60]  }
0x23: {  	[tilespmem:$0x1020] =	vst v8;
	v8 =	vld [tilespmem:$0x70]  }
0x24: {  	[tilespmem:$0x1030] =	vst v9;
	v9 =	vld [tilespmem:$0x80]  }
0x25: {  	[tilespmem:$0x1040] =	vst v10;
	v10 =	vld [tilespmem:$0x90]  }
0x26: {  	[tilespmem:$0x1050] =	vst v0;
	v0 =	vld [tilespmem:$0xA0]  }
0x27: {  	[tilespmem:$0x1060] =	vst v1;
	v1 =	vld [tilespmem:$0xB0]  }
0x28: {  	[tilespmem:$0x1070] =	vst v8;
	v8 =	vld [tilespmem:$0xC0]  }
0x29: {  	[tilespmem:$0x1080] =	vst v9;
	v9 =	vld [tilespmem:$0xD0]  }
0x2a: {  	[tilespmem:$0x1090] =	vst v10;
	v10 =	vld [tilespmem:$0xE0]  }
0x2b: {  	[tilespmem:$0x10A0] =	vst v0;
	v0 =	vld [tilespmem:$0xF0]  }
0x2c: {  	[tilespmem:$0x10B0] =	vst v1;
	v1 =	vld [tilespmem:$0x100]  }
0x2d: {  	[tilespmem:$0x10C0] =	vst v8;
	v8 =	vld [tilespmem:$0x110]  }
0x2e: {  	[tilespmem:$0x10D0] =	vst v9;
	v9 =	vld [tilespmem:$0x120]  }
0x2f: {  	[tilespmem:$0x10E0] =	vst v10;
	v10 =	vld [tilespmem:$0x130]  }
0x30: {  	[tilespmem:$0x10F0] =	vst v0;
	v0 =	vld [tilespmem:$0x140]  }
0x31: {  	[tilespmem:$0x1100] =	vst v1;
	v1 =	vld [tilespmem:$0x150]  }
0x32: {  	[tilespmem:$0x1110] =	vst v8;
	v8 =	vld [tilespmem:$0x160]  }
0x33: {  	[tilespmem:$0x1120] =	vst v9;
	v9 =	vld [tilespmem:$0x170]  }
0x34: {  	[tilespmem:$0x1130] =	vst v10;
	v10 =	vor.u32 s2, v44  }
0x35: {  	[tilespmem:$0x1140] =	vst v0  }
0x36: {  	[tilespmem:$0x1150] =	vst v1  }
0x37: {  	[tilespmem:$0x1160] =	vst v8  }
0x38: {  	v8 =	vld [tilespmem:$0x280];
	[tilespmem:$0x1170] =	vst v9  }
0x39: {  	v0 =	vld.idx.msk [tilespmem:v10+s10+$0x0], $0xffff  }
0x3a: {  	s17 =	simm.s32 $0x300;
	v11 =	vld [tilespmem:$0x2B0]  }
0x3b: {  	v12 =	vld [tilespmem:$0x2C0];
	v1 =	vor.u32 s17, v44  }
0x3c: {  	v16 =	vor.u32 s2, v39;
	v13 =	vld [tilespmem:$0x2D0]  }
0x3d: {  	v14 =	vld [tilespmem:$0x2E0]  }
0x3e: {  	v15 =	vld [tilespmem:$0x2F0];
	v0 =	vadd.f32 v0, v8  }
0x3f: {  	v9 =	vld [tilespmem:$0x290]  }
0x40: {  	v10 =	vld [tilespmem:$0x2A0];
	[tilespmem:v1+s10+$0x0] =	vst.idx.msk $0xffff, v0  }
0x41: {  	v0 =	vld.idx.msk [tilespmem:v16+s10+$0x0], $0xffff;
	_ =	sdelay $0x1  }
0x42: {  	v1 =	vor.u32 s17, v39  }
0x43: {  	v16 =	vor.u32 s2, v45;
	_ =	sdelay $0x1  }
0x44: {  	v0 =	vadd.f32 v0, v9;
	_ =	sdelay $0x1  }
0x45: {  	[tilespmem:v1+s10+$0x0] =	vst.idx.msk $0xffff, v0  }
0x46: {  	v0 =	vld.idx.msk [tilespmem:v16+s10+$0x0], $0xffff;
	_ =	sdelay $0x1  }
0x47: {  	v1 =	vor.u32 s17, v45  }
0x48: {  	v16 =	vor.u32 s2, v2;
	_ =	sdelay $0x1  }
0x49: {  	v0 =	vadd.f32 v0, v10;
	_ =	sdelay $0x1  }
0x4a: {  	[tilespmem:v1+s10+$0x0] =	vst.idx.msk $0xffff, v0  }
0x4b: {  	v0 =	vld.idx.msk [tilespmem:v16+s10+$0x0], $0xffff;
	_ =	sdelay $0x1  }
0x4c: {  	v1 =	vor.u32 s17, v2  }
0x4d: {  	v16 =	vor.u32 s2, v59;
	_ =	sdelay $0x1  }
0x4e: {  	v0 =	vadd.f32 v0, v11;
	_ =	sdelay $0x1  }
0x4f: {  	[tilespmem:v1+s10+$0x0] =	vst.idx.msk $0xffff, v0  }
0x50: {  	v0 =	vld.idx.msk [tilespmem:v16+s10+$0x0], $0xffff;
	_ =	sdelay $0x1  }
0x51: {  	v1 =	vor.u32 s17, v59  }
0x52: {  	v16 =	vor.u32 s2, v49;
	_ =	sdelay $0x1  }
0x53: {  	v0 =	vadd.f32 v0, v12;
	_ =	sdelay $0x1  }
0x54: {  	[tilespmem:v1+s10+$0x0] =	vst.idx.msk $0xffff, v0  }
0x55: {  	v0 =	vld.idx.msk [tilespmem:v16+s10+$0x0], $0xffff;
	_ =	sdelay $0x1  }
0x56: {  	v1 =	vor.u32 s17, v49  }
0x57: {  	v16 =	vor.u32 s2, v47;
	_ =	sdelay $0x1  }
0x58: {  	v0 =	vadd.f32 v0, v13;
	_ =	sdelay $0x1  }
0x59: {  	[tilespmem:v1+s10+$0x0] =	vst.idx.msk $0xffff, v0  }
0x5a: {  	v0 =	vld.idx.msk [tilespmem:v16+s10+$0x0], $0xffff;
	_ =	sdelay $0x1  }
0x5b: {  	v1 =	vor.u32 s17, v47  }
0x5c: {  	v16 =	vor.u32 s2, v46;
	_ =	sdelay $0x1  }
0x5d: {  	v0 =	vadd.f32 v0, v14;
	_ =	sdelay $0x1  }
0x5e: {  	[tilespmem:v1+s10+$0x0] =	vst.idx.msk $0xffff, v0  }
0x5f: {  	v1 =	vld.idx.msk [tilespmem:v16+s10+$0x0], $0xffff;
	_ =	sdelay $0x1  }
0x60: {  	v0 =	vor.u32 s17, v46;
	_ =	sdelay $0x2  }
0x61: {  	s16 =	simm.s32 $0x80;
	v1 =	vadd.f32 v1, v15  }
.LBB2_2:
0x62: {  	_ = 	snop  }
0x63: {  	p0 =	sne.s32 s16, $0x100;
	s17 =	smov.u32 s16;
	s16 =	sadd.s32 $0x80, s16;
	[tilespmem:v0+s10+$0x0] =	vst.idx.msk $0xffff, v1  }
0x64: {  	v0 =	vor.u32 s17, v44;
	_ =	sdelay $0x4  }
0x65: {  	v0 =	vld.idx.msk [tilespmem:v0+s10+$0x0], $0xffff;
	_ =	sdelay $0x1  }
0x66: {  	s18 =	sadd.s32 $0x300, s17  }
0x67: {  	v1 =	vor.u32 s18, v44  }
0x68: {  	v16 =	vor.u32 s17, v39;
	_ =	sdelay $0x1  }
0x69: {  	v0 =	vadd.f32 v0, v8;
	_ =	sdelay $0x1  }
0x6a: {  	[tilespmem:v1+s10+$0x0] =	vst.idx.msk $0xffff, v0  }
0x6b: {  	v0 =	vld.idx.msk [tilespmem:v16+s10+$0x0], $0xffff;
	_ =	sdelay $0x2  }
0x6c: {  	v1 =	vor.u32 s18, v39  }
0x6d: {  	v16 =	vor.u32 s17, v45;
	_ =	sdelay $0x1  }
0x6e: {  	v0 =	vadd.f32 v0, v9;
	_ =	sdelay $0x1  }
0x6f: {  	[tilespmem:v1+s10+$0x0] =	vst.idx.msk $0xffff, v0  }
0x70: {  	v0 =	vld.idx.msk [tilespmem:v16+s10+$0x0], $0xffff;
	_ =	sdelay $0x2  }
0x71: {  	v1 =	vor.u32 s18, v45  }
0x72: {  	v16 =	vor.u32 s17, v2;
	_ =	sdelay $0x1  }
0x73: {  	v0 =	vadd.f32 v0, v10;
	_ =	sdelay $0x1  }
0x74: {  	[tilespmem:v1+s10+$0x0] =	vst.idx.msk $0xffff, v0  }
0x75: {  	v0 =	vld.idx.msk [tilespmem:v16+s10+$0x0], $0xffff;
	_ =	sdelay $0x2  }
0x76: {  	v1 =	vor.u32 s18, v2  }
0x77: {  	v16 =	vor.u32 s17, v59;
	_ =	sdelay $0x1  }
0x78: {  	v0 =	vadd.f32 v0, v11;
	_ =	sdelay $0x1  }
0x79: {  	[tilespmem:v1+s10+$0x0] =	vst.idx.msk $0xffff, v0  }
0x7a: {  	v0 =	vld.idx.msk [tilespmem:v16+s10+$0x0], $0xffff;
	_ =	sdelay $0x2  }
0x7b: {  	v1 =	vor.u32 s18, v59  }
0x7c: {  	v16 =	vor.u32 s17, v49;
	_ =	sdelay $0x1  }
0x7d: {  	v0 =	vadd.f32 v0, v12;
	_ =	sdelay $0x1  }
0x7e: {  	[tilespmem:v1+s10+$0x0] =	vst.idx.msk $0xffff, v0  }
0x7f: {  	v0 =	vld.idx.msk [tilespmem:v16+s10+$0x0], $0xffff;
	_ =	sdelay $0x2  }
0x80: {  	v1 =	vor.u32 s18, v49  }
0x81: {  	v16 =	vor.u32 s17, v47;
	_ =	sdelay $0x1  }
0x82: {  	v0 =	vadd.f32 v0, v13;
	_ =	sdelay $0x1  }
0x83: {  	[tilespmem:v1+s10+$0x0] =	vst.idx.msk $0xffff, v0  }
0x84: {  	v0 =	vld.idx.msk [tilespmem:v16+s10+$0x0], $0xffff;
	_ =	sdelay $0x2  }
0x85: {  	v1 =	vor.u32 s18, v47  }
0x86: {  	v16 =	vor.u32 s17, v46;
	_ =	sdelay $0x1  }
0x87: {  	v0 =	vadd.f32 v0, v14;
	_ =	sdelay $0x1  }
0x88: {  	[tilespmem:v1+s10+$0x0] =	vst.idx.msk $0xffff, v0  }
0x89: {  	v1 =	vld.idx.msk [tilespmem:v16+s10+$0x0], $0xffff;
	_ =	sdelay $0x1  }
.Ltmp2:
0x8a: {  	(pc) =	sbr.rel @p0 .LBB2_2-.Ltmp2, $2  }
0x8b: {  	v0 =	vor.u32 s18, v46;
	_ =	sdelay $0x2  }
0x8c: {  	v1 =	vadd.f32 v1, v15  }
0x8d: {  	s16 =	simm.s32 $0x0  }
0x8e: {  	v10 =	vor.u32 s16, v44;
	_ =	sdelay $0x2  }
0x8f: {  	[tilespmem:v0+s10+$0x0] =	vst.idx.msk $0xffff, v1  }
0x90: {  	v8 =	vld [tilespmem:$0x200]  }
0x91: {  	v0 =	vld.idx.msk [tilespmem:v10+s10+$0x0], $0xffff  }
0x92: {  	s17 =	simm.s32 $0x180;
	v9 =	vld [tilespmem:$0x210]  }
0x93: {  	v1 =	vor.u32 s17, v44;
	v11 =	vld [tilespmem:$0x230]  }
0x94: {  	v16 =	vor.u32 s16, v39;
	v12 =	vld [tilespmem:$0x240]  }
0x95: {  	v13 =	vld [tilespmem:$0x250]  }
0x96: {  	v14 =	vld [tilespmem:$0x260];
	v0 =	vadd.f32 v0, v8  }
0x97: {  	v15 =	vld [tilespmem:$0x270]  }
0x98: {  	v10 =	vld [tilespmem:$0x220];
	[tilespmem:v1+s10+$0x0] =	vst.idx.msk $0xffff, v0  }
0x99: {  	v0 =	vld.idx.msk [tilespmem:v16+s10+$0x0], $0xffff;
	_ =	sdelay $0x1  }
0x9a: {  	v1 =	vor.u32 s17, v39  }
0x9b: {  	v16 =	vor.u32 s16, v45;
	_ =	sdelay $0x1  }
0x9c: {  	v0 =	vadd.f32 v0, v9;
	_ =	sdelay $0x1  }
0x9d: {  	[tilespmem:v1+s10+$0x0] =	vst.idx.msk $0xffff, v0  }
0x9e: {  	v0 =	vld.idx.msk [tilespmem:v16+s10+$0x0], $0xffff;
	_ =	sdelay $0x1  }
0x9f: {  	v1 =	vor.u32 s17, v45  }
0xa0: {  	v16 =	vor.u32 s16, v2;
	_ =	sdelay $0x1  }
0xa1: {  	v0 =	vadd.f32 v0, v10;
	_ =	sdelay $0x1  }
0xa2: {  	[tilespmem:v1+s10+$0x0] =	vst.idx.msk $0xffff, v0  }
0xa3: {  	v0 =	vld.idx.msk [tilespmem:v16+s10+$0x0], $0xffff;
	_ =	sdelay $0x1  }
0xa4: {  	v1 =	vor.u32 s17, v2  }
0xa5: {  	v16 =	vor.u32 s16, v59;
	_ =	sdelay $0x1  }
0xa6: {  	v0 =	vadd.f32 v0, v11;
	_ =	sdelay $0x1  }
0xa7: {  	[tilespmem:v1+s10+$0x0] =	vst.idx.msk $0xffff, v0  }
0xa8: {  	v0 =	vld.idx.msk [tilespmem:v16+s10+$0x0], $0xffff;
	_ =	sdelay $0x1  }
0xa9: {  	v1 =	vor.u32 s17, v59  }
0xaa: {  	v16 =	vor.u32 s16, v49;
	_ =	sdelay $0x1  }
0xab: {  	v0 =	vadd.f32 v0, v12;
	_ =	sdelay $0x1  }
0xac: {  	[tilespmem:v1+s10+$0x0] =	vst.idx.msk $0xffff, v0  }
0xad: {  	v0 =	vld.idx.msk [tilespmem:v16+s10+$0x0], $0xffff;
	_ =	sdelay $0x1  }
0xae: {  	v1 =	vor.u32 s17, v49  }
0xaf: {  	v16 =	vor.u32 s16, v47;
	_ =	sdelay $0x1  }
0xb0: {  	v0 =	vadd.f32 v0, v13;
	_ =	sdelay $0x1  }
0xb1: {  	[tilespmem:v1+s10+$0x0] =	vst.idx.msk $0xffff, v0  }
0xb2: {  	v0 =	vld.idx.msk [tilespmem:v16+s10+$0x0], $0xffff;
	_ =	sdelay $0x1  }
0xb3: {  	v1 =	vor.u32 s17, v47  }
0xb4: {  	v16 =	vor.u32 s16, v46;
	_ =	sdelay $0x1  }
0xb5: {  	v0 =	vadd.f32 v0, v14;
	_ =	sdelay $0x1  }
0xb6: {  	[tilespmem:v1+s10+$0x0] =	vst.idx.msk $0xffff, v0  }
0xb7: {  	v1 =	vld.idx.msk [tilespmem:v16+s10+$0x0], $0xffff;
	_ =	sdelay $0x1  }
0xb8: {  	v0 =	vor.u32 s17, v46;
	_ =	sdelay $0x2  }
0xb9: {  	s16 =	simm.s32 $0x80;
	v1 =	vadd.f32 v1, v15  }
.LBB2_4:
0xba: {  	_ = 	snop  }
0xbb: {  	p0 =	sne.s32 s16, $0x100;
	s17 =	smov.u32 s16;
	s16 =	sadd.s32 $0x80, s16;
	[tilespmem:v0+s10+$0x0] =	vst.idx.msk $0xffff, v1  }
0xbc: {  	v0 =	vor.u32 s17, v44;
	_ =	sdelay $0x4  }
0xbd: {  	v0 =	vld.idx.msk [tilespmem:v0+s10+$0x0], $0xffff;
	_ =	sdelay $0x1  }
0xbe: {  	s18 =	sadd.s32 $0x180, s17  }
0xbf: {  	v1 =	vor.u32 s18, v44  }
0xc0: {  	v16 =	vor.u32 s17, v39;
	_ =	sdelay $0x1  }
0xc1: {  	v0 =	vadd.f32 v0, v8;
	_ =	sdelay $0x1  }
0xc2: {  	[tilespmem:v1+s10+$0x0] =	vst.idx.msk $0xffff, v0  }
0xc3: {  	v0 =	vld.idx.msk [tilespmem:v16+s10+$0x0], $0xffff;
	_ =	sdelay $0x2  }
0xc4: {  	v1 =	vor.u32 s18, v39  }
0xc5: {  	v16 =	vor.u32 s17, v45;
	_ =	sdelay $0x1  }
0xc6: {  	v0 =	vadd.f32 v0, v9;
	_ =	sdelay $0x1  }
0xc7: {  	[tilespmem:v1+s10+$0x0] =	vst.idx.msk $0xffff, v0  }
0xc8: {  	v0 =	vld.idx.msk [tilespmem:v16+s10+$0x0], $0xffff;
	_ =	sdelay $0x2  }
0xc9: {  	v1 =	vor.u32 s18, v45  }
0xca: {  	v16 =	vor.u32 s17, v2;
	_ =	sdelay $0x1  }
0xcb: {  	v0 =	vadd.f32 v0, v10;
	_ =	sdelay $0x1  }
0xcc: {  	[tilespmem:v1+s10+$0x0] =	vst.idx.msk $0xffff, v0  }
0xcd: {  	v0 =	vld.idx.msk [tilespmem:v16+s10+$0x0], $0xffff;
	_ =	sdelay $0x2  }
0xce: {  	v1 =	vor.u32 s18, v2  }
0xcf: {  	v16 =	vor.u32 s17, v59;
	_ =	sdelay $0x1  }
0xd0: {  	v0 =	vadd.f32 v0, v11;
	_ =	sdelay $0x1  }
0xd1: {  	[tilespmem:v1+s10+$0x0] =	vst.idx.msk $0xffff, v0  }
0xd2: {  	v0 =	vld.idx.msk [tilespmem:v16+s10+$0x0], $0xffff;
	_ =	sdelay $0x2  }
0xd3: {  	v1 =	vor.u32 s18, v59  }
0xd4: {  	v16 =	vor.u32 s17, v49;
	_ =	sdelay $0x1  }
0xd5: {  	v0 =	vadd.f32 v0, v12;
	_ =	sdelay $0x1  }
0xd6: {  	[tilespmem:v1+s10+$0x0] =	vst.idx.msk $0xffff, v0  }
0xd7: {  	v0 =	vld.idx.msk [tilespmem:v16+s10+$0x0], $0xffff;
	_ =	sdelay $0x2  }
0xd8: {  	v1 =	vor.u32 s18, v49  }
0xd9: {  	v16 =	vor.u32 s17, v47;
	_ =	sdelay $0x1  }
0xda: {  	v0 =	vadd.f32 v0, v13;
	_ =	sdelay $0x1  }
0xdb: {  	[tilespmem:v1+s10+$0x0] =	vst.idx.msk $0xffff, v0  }
0xdc: {  	v0 =	vld.idx.msk [tilespmem:v16+s10+$0x0], $0xffff;
	_ =	sdelay $0x2  }
0xdd: {  	v1 =	vor.u32 s18, v47  }
0xde: {  	v16 =	vor.u32 s17, v46;
	_ =	sdelay $0x1  }
0xdf: {  	v0 =	vadd.f32 v0, v14;
	_ =	sdelay $0x1  }
0xe0: {  	[tilespmem:v1+s10+$0x0] =	vst.idx.msk $0xffff, v0  }
0xe1: {  	v1 =	vld.idx.msk [tilespmem:v16+s10+$0x0], $0xffff;
	_ =	sdelay $0x1  }
.Ltmp3:
0xe2: {  	(pc) =	sbr.rel @p0 .LBB2_4-.Ltmp3, $2  }
0xe3: {  	v0 =	vor.u32 s18, v46;
	_ =	sdelay $0x2  }
0xe4: {  	v1 =	vadd.f32 v1, v15  }
0xe5: {  	_ =	sdelay $0x3  }
0xe6: {  	[tilespmem:v0+s10+$0x0] =	vst.idx.msk $0xffff, v1  }
0xe7: {  	v0 =	vld [tilespmem:$0x180]  }
0xe8: {  	v8 =	vld.idx.msk [tilespmem:v44+s10+$0x0], $0xffff  }
0xe9: {  	v1 =	vld [tilespmem:$0x190]  }
0xea: {  	v9 =	vld [tilespmem:$0x1A0]  }
0xeb: {  	v10 =	vld [tilespmem:$0x1B0]  }
0xec: {  	v11 =	vld [tilespmem:$0x1C0]  }
0xed: {  	v12 =	vld [tilespmem:$0x1D0];
	v8 =	vadd.f32 v8, v0  }
0xee: {  	v13 =	vld [tilespmem:$0x1E0]  }
0xef: {  	v14 =	vld [tilespmem:$0x1F0];
	[tilespmem:v44+s10+$0x0] =	vst.idx.msk $0xffff, v8  }
0xf0: {  	v8 =	vld.idx.msk [tilespmem:v39+s10+$0x0], $0xffff;
	_ =	sdelay $0x4  }
0xf1: {  	v8 =	vadd.f32 v8, v1;
	_ =	sdelay $0x1  }
0xf2: {  	[tilespmem:v39+s10+$0x0] =	vst.idx.msk $0xffff, v8  }
0xf3: {  	v8 =	vld.idx.msk [tilespmem:v45+s10+$0x0], $0xffff;
	_ =	sdelay $0x4  }
0xf4: {  	v8 =	vadd.f32 v8, v9;
	_ =	sdelay $0x1  }
0xf5: {  	[tilespmem:v45+s10+$0x0] =	vst.idx.msk $0xffff, v8  }
0xf6: {  	v8 =	vld.idx.msk [tilespmem:v2+s10+$0x0], $0xffff;
	_ =	sdelay $0x4  }
0xf7: {  	v8 =	vadd.f32 v8, v10;
	_ =	sdelay $0x1  }
0xf8: {  	[tilespmem:v2+s10+$0x0] =	vst.idx.msk $0xffff, v8  }
0xf9: {  	v8 =	vld.idx.msk [tilespmem:v59+s10+$0x0], $0xffff;
	_ =	sdelay $0x4  }
0xfa: {  	v8 =	vadd.f32 v8, v11;
	_ =	sdelay $0x1  }
0xfb: {  	[tilespmem:v59+s10+$0x0] =	vst.idx.msk $0xffff, v8  }
0xfc: {  	v8 =	vld.idx.msk [tilespmem:v49+s10+$0x0], $0xffff;
	_ =	sdelay $0x4  }
0xfd: {  	v8 =	vadd.f32 v8, v12;
	_ =	sdelay $0x1  }
0xfe: {  	[tilespmem:v49+s10+$0x0] =	vst.idx.msk $0xffff, v8  }
0xff: {  	v8 =	vld.idx.msk [tilespmem:v47+s10+$0x0], $0xffff;
	_ =	sdelay $0x4  }
0x100: {  	v8 =	vadd.f32 v8, v13;
	_ =	sdelay $0x1  }
0x101: {  	v4 =	vld [tilespmem:$0x1FF00];
	[tilespmem:v47+s10+$0x0] =	vst.idx.msk $0xffff, v8  }
0x102: {  	v8 =	vld.idx.msk [tilespmem:v46+s10+$0x0], $0xffff;
	_ =	sdelay $0x4  }
0x103: {  	v8 =	vadd.f32 v8, v14;
	_ =	sdelay $0x1  }
0x104: {  	v53 =	vld [tilespmem:$0x1FF10];
	[tilespmem:v46+s10+$0x0] =	vst.idx.msk $0xffff, v8  }
0x105: {  	v8 =	vld.idx.msk [tilespmem:v4+s10+$0x0], $0xffff;
	_ =	sdelay $0x4  }
0x106: {  	v8 =	vadd.f32 v8, v0;
	_ =	sdelay $0x1  }
0x107: {  	v54 =	vld [tilespmem:$0x1FF20];
	[tilespmem:v4+s10+$0x0] =	vst.idx.msk $0xffff, v8  }
0x108: {  	v8 =	vld.idx.msk [tilespmem:v53+s10+$0x0], $0xffff;
	_ =	sdelay $0x4  }
0x109: {  	v8 =	vadd.f32 v8, v1;
	_ =	sdelay $0x1  }
0x10a: {  	v55 =	vld [tilespmem:$0x1FF30];
	[tilespmem:v53+s10+$0x0] =	vst.idx.msk $0xffff, v8  }
0x10b: {  	v8 =	vld.idx.msk [tilespmem:v54+s10+$0x0], $0xffff;
	_ =	sdelay $0x4  }
0x10c: {  	v8 =	vadd.f32 v8, v9;
	_ =	sdelay $0x1  }
0x10d: {  	v56 =	vld [tilespmem:$0x1FF40];
	[tilespmem:v54+s10+$0x0] =	vst.idx.msk $0xffff, v8  }
0x10e: {  	v8 =	vld.idx.msk [tilespmem:v55+s10+$0x0], $0xffff;
	_ =	sdelay $0x4  }
0x10f: {  	v8 =	vadd.f32 v8, v10;
	_ =	sdelay $0x1  }
0x110: {  	v57 =	vld [tilespmem:$0x1FF50];
	[tilespmem:v55+s10+$0x0] =	vst.idx.msk $0xffff, v8  }
0x111: {  	v8 =	vld.idx.msk [tilespmem:v56+s10+$0x0], $0xffff;
	_ =	sdelay $0x4  }
0x112: {  	v8 =	vadd.f32 v8, v11;
	_ =	sdelay $0x1  }
0x113: {  	v58 =	vld [tilespmem:$0x1FF60];
	[tilespmem:v56+s10+$0x0] =	vst.idx.msk $0xffff, v8  }
0x114: {  	v8 =	vld.idx.msk [tilespmem:v57+s10+$0x0], $0xffff;
	_ =	sdelay $0x4  }
0x115: {  	v8 =	vadd.f32 v8, v12;
	_ =	sdelay $0x1  }
0x116: {  	v60 =	vld [tilespmem:$0x1FF70];
	[tilespmem:v57+s10+$0x0] =	vst.idx.msk $0xffff, v8  }
0x117: {  	v8 =	vld.idx.msk [tilespmem:v58+s10+$0x0], $0xffff;
	_ =	sdelay $0x4  }
0x118: {  	v8 =	vadd.f32 v8, v13;
	_ =	sdelay $0x1  }
0x119: {  	v61 =	vld [tilespmem:$0x1FF80];
	[tilespmem:v58+s10+$0x0] =	vst.idx.msk $0xffff, v8  }
0x11a: {  	v8 =	vld.idx.msk [tilespmem:v60+s10+$0x0], $0xffff;
	_ =	sdelay $0x4  }
0x11b: {  	v8 =	vadd.f32 v8, v14;
	_ =	sdelay $0x1  }
0x11c: {  	v62 =	vld [tilespmem:$0x1FF90];
	[tilespmem:v60+s10+$0x0] =	vst.idx.msk $0xffff, v8  }
0x11d: {  	v8 =	vld.idx.msk [tilespmem:v61+s10+$0x0], $0xffff;
	_ =	sdelay $0x4  }
0x11e: {  	v0 =	vadd.f32 v8, v0;
	_ =	sdelay $0x1  }
0x11f: {  	[tilespmem:v61+s10+$0x0] =	vst.idx.msk $0xffff, v0  }
0x120: {  	v0 =	vld.idx.msk [tilespmem:v62+s10+$0x0], $0xffff;
	_ =	sdelay $0x4  }
0x121: {  	v0 =	vadd.f32 v0, v1;
	v1 =	vld [tilespmem:$0x1FFA0];
	_ =	sdelay $0x6  }
0x122: {  	[tilespmem:v62+s10+$0x0] =	vst.idx.msk $0xffff, v0  }
0x123: {  	v0 =	vld.idx.msk [tilespmem:v1+s10+$0x0], $0xffff;
	_ =	sdelay $0x4  }
0x124: {  	v0 =	vadd.f32 v0, v9;
	_ =	sdelay $0x1  }
0x125: {  	[tilespmem:v1+s10+$0x0] =	vst.idx.msk $0xffff, v0;
	v1 =	vld [tilespmem:$0x1FFB0];
	_ =	sdelay $0x7  }
0x126: {  	v0 =	vld.idx.msk [tilespmem:v1+s10+$0x0], $0xffff;
	_ =	sdelay $0x4  }
0x127: {  	v0 =	vadd.f32 v0, v10;
	_ =	sdelay $0x1  }
0x128: {  	[tilespmem:v1+s10+$0x0] =	vst.idx.msk $0xffff, v0;
	v1 =	vld [tilespmem:$0x1FFC0];
	_ =	sdelay $0x7  }
0x129: {  	v0 =	vld.idx.msk [tilespmem:v1+s10+$0x0], $0xffff;
	_ =	sdelay $0x4  }
0x12a: {  	v0 =	vadd.f32 v0, v11;
	_ =	sdelay $0x1  }
0x12b: {  	[tilespmem:v1+s10+$0x0] =	vst.idx.msk $0xffff, v0;
	v1 =	vld [tilespmem:$0x1FFD0];
	_ =	sdelay $0x7  }
0x12c: {  	v0 =	vld.idx.msk [tilespmem:v1+s10+$0x0], $0xffff;
	_ =	sdelay $0x4  }
0x12d: {  	v0 =	vadd.f32 v0, v12;
	_ =	sdelay $0x1  }
0x12e: {  	[tilespmem:v1+s10+$0x0] =	vst.idx.msk $0xffff, v0;
	v1 =	vld [tilespmem:$0x1FFE0];
	_ =	sdelay $0x6  }
0x12f: {  	v63 =	vld [tilespmem:$0x1FFF0]  }
0x130: {  	v0 =	vld.idx.msk [tilespmem:v1+s10+$0x0], $0xffff;
	_ =	sdelay $0x4  }
0x131: {  	v0 =	vadd.f32 v0, v13;
	_ =	sdelay $0x1  }
0x132: {  	[tilespmem:v1+s10+$0x0] =	vst.idx.msk $0xffff, v0  }
0x133: {  	v0 =	vld.idx.msk [tilespmem:v63+s10+$0x0], $0xffff;
	_ =	sdelay $0x2  }
0x134: {  	s16 =	simm.s32 $0x0  }
0x135: {  	v1 =	vor.u32 s16, v44  }
0x136: {  	v0 =	vadd.f32 v0, v14;
	_ =	sdelay $0x1  }
0x137: {  	[tilespmem:v63+s10+$0x0] =	vst.idx.msk $0xffff, v0  }
0x138: {  	v15 =	vld [tilespmem:$0x400]  }
0x139: {  	v0 =	vld.idx.msk [tilespmem:v1+s10+$0x0], $0xffff  }
0x13a: {  	s18 =	simm.s32 $0x900;
	v14 =	vld [tilespmem:$0x410]  }
0x13b: {  	v13 =	vld [tilespmem:$0x420];
	v1 =	vor.u32 s18, v44  }
0x13c: {  	v16 =	vor.u32 s16, v39;
	v12 =	vld [tilespmem:$0x430]  }
0x13d: {  	v11 =	vld [tilespmem:$0x440]  }
0x13e: {  	v10 =	vld [tilespmem:$0x450];
	v0 =	vadd.f32 v0, v15  }
0x13f: {  	v9 =	vld [tilespmem:$0x460]  }
0x140: {  	v8 =	vld [tilespmem:$0x470];
	[tilespmem:v1+s10+$0x0] =	vst.idx.msk $0xffff, v0  }
0x141: {  	v0 =	vld.idx.msk [tilespmem:v16+s10+$0x0], $0xffff;
	_ =	sdelay $0x1  }
0x142: {  	v1 =	vor.u32 s18, v39  }
0x143: {  	v16 =	vor.u32 s16, v45;
	_ =	sdelay $0x1  }
0x144: {  	v0 =	vadd.f32 v0, v14;
	_ =	sdelay $0x1  }
0x145: {  	[tilespmem:v1+s10+$0x0] =	vst.idx.msk $0xffff, v0  }
0x146: {  	v0 =	vld.idx.msk [tilespmem:v16+s10+$0x0], $0xffff;
	_ =	sdelay $0x1  }
0x147: {  	v1 =	vor.u32 s18, v45  }
0x148: {  	v16 =	vor.u32 s16, v2;
	_ =	sdelay $0x1  }
0x149: {  	v0 =	vadd.f32 v0, v13;
	_ =	sdelay $0x1  }
0x14a: {  	[tilespmem:v1+s10+$0x0] =	vst.idx.msk $0xffff, v0  }
0x14b: {  	v0 =	vld.idx.msk [tilespmem:v16+s10+$0x0], $0xffff;
	_ =	sdelay $0x1  }
0x14c: {  	v1 =	vor.u32 s18, v2  }
0x14d: {  	v16 =	vor.u32 s16, v59;
	_ =	sdelay $0x1  }
0x14e: {  	v0 =	vadd.f32 v0, v12;
	_ =	sdelay $0x1  }
0x14f: {  	[tilespmem:v1+s10+$0x0] =	vst.idx.msk $0xffff, v0  }
0x150: {  	v0 =	vld.idx.msk [tilespmem:v16+s10+$0x0], $0xffff;
	_ =	sdelay $0x1  }
0x151: {  	v1 =	vor.u32 s18, v59  }
0x152: {  	v16 =	vor.u32 s16, v49;
	_ =	sdelay $0x1  }
0x153: {  	v0 =	vadd.f32 v0, v11;
	_ =	sdelay $0x1  }
0x154: {  	[tilespmem:v1+s10+$0x0] =	vst.idx.msk $0xffff, v0  }
0x155: {  	v0 =	vld.idx.msk [tilespmem:v16+s10+$0x0], $0xffff;
	_ =	sdelay $0x1  }
0x156: {  	v1 =	vor.u32 s18, v49  }
0x157: {  	v16 =	vor.u32 s16, v47;
	_ =	sdelay $0x1  }
0x158: {  	v0 =	vadd.f32 v0, v10;
	_ =	sdelay $0x1  }
0x159: {  	[tilespmem:v1+s10+$0x0] =	vst.idx.msk $0xffff, v0  }
0x15a: {  	v0 =	vld.idx.msk [tilespmem:v16+s10+$0x0], $0xffff;
	_ =	sdelay $0x1  }
0x15b: {  	v1 =	vor.u32 s18, v47  }
0x15c: {  	v16 =	vor.u32 s16, v46;
	_ =	sdelay $0x1  }
0x15d: {  	v0 =	vadd.f32 v0, v9;
	_ =	sdelay $0x1  }
0x15e: {  	[tilespmem:v1+s10+$0x0] =	vst.idx.msk $0xffff, v0  }
0x15f: {  	v16 =	vld.idx.msk [tilespmem:v16+s10+$0x0], $0xffff;
	_ =	sdelay $0x1  }
0x160: {  	s16 =	simm.s32 $0x80;
	v1 =	vor.u32 s18, v46  }
0x161: {  	v0 =	vor.u32 s16, v44;
	_ =	sdelay $0x1  }
0x162: {  	s17 =	simm.s32 $0x100;
	v16 =	vadd.f32 v16, v8  }
.LBB2_6:
0x163: {  	_ = 	snop  }
0x164: {  	p0 =	sne.s32 s17, $0x400;
	s19 =	smov.u32 s17;
	s17 =	sadd.s32 $0x80, s17;
	[tilespmem:v1+s10+$0x0] =	vst.idx.msk $0xffff, v16  }
0x165: {  	v0 =	vld.idx.msk [tilespmem:v0+s10+$0x0], $0xffff;
	_ =	sdelay $0x1  }
0x166: {  	s18 =	sadd.s32 $0x900, s16  }
0x167: {  	v1 =	vor.u32 s18, v44  }
0x168: {  	v16 =	vor.u32 s16, v39;
	_ =	sdelay $0x1  }
0x169: {  	v0 =	vadd.f32 v0, v15;
	_ =	sdelay $0x1  }
0x16a: {  	[tilespmem:v1+s10+$0x0] =	vst.idx.msk $0xffff, v0  }
0x16b: {  	v0 =	vld.idx.msk [tilespmem:v16+s10+$0x0], $0xffff;
	_ =	sdelay $0x2  }
0x16c: {  	v1 =	vor.u32 s18, v39  }
0x16d: {  	v16 =	vor.u32 s16, v45;
	_ =	sdelay $0x1  }
0x16e: {  	v0 =	vadd.f32 v0, v14;
	_ =	sdelay $0x1  }
0x16f: {  	[tilespmem:v1+s10+$0x0] =	vst.idx.msk $0xffff, v0  }
0x170: {  	v0 =	vld.idx.msk [tilespmem:v16+s10+$0x0], $0xffff;
	_ =	sdelay $0x2  }
0x171: {  	v1 =	vor.u32 s18, v45  }
0x172: {  	v16 =	vor.u32 s16, v2;
	_ =	sdelay $0x1  }
0x173: {  	v0 =	vadd.f32 v0, v13;
	_ =	sdelay $0x1  }
0x174: {  	[tilespmem:v1+s10+$0x0] =	vst.idx.msk $0xffff, v0  }
0x175: {  	v0 =	vld.idx.msk [tilespmem:v16+s10+$0x0], $0xffff;
	_ =	sdelay $0x2  }
0x176: {  	v1 =	vor.u32 s18, v2  }
0x177: {  	v16 =	vor.u32 s16, v59;
	_ =	sdelay $0x1  }
0x178: {  	v0 =	vadd.f32 v0, v12;
	_ =	sdelay $0x1  }
0x179: {  	[tilespmem:v1+s10+$0x0] =	vst.idx.msk $0xffff, v0  }
0x17a: {  	v0 =	vld.idx.msk [tilespmem:v16+s10+$0x0], $0xffff;
	_ =	sdelay $0x2  }
0x17b: {  	v1 =	vor.u32 s18, v59  }
0x17c: {  	v16 =	vor.u32 s16, v49;
	_ =	sdelay $0x1  }
0x17d: {  	v0 =	vadd.f32 v0, v11;
	_ =	sdelay $0x1  }
0x17e: {  	[tilespmem:v1+s10+$0x0] =	vst.idx.msk $0xffff, v0  }
0x17f: {  	v0 =	vld.idx.msk [tilespmem:v16+s10+$0x0], $0xffff;
	_ =	sdelay $0x2  }
0x180: {  	v1 =	vor.u32 s18, v49  }
0x181: {  	v16 =	vor.u32 s16, v47;
	_ =	sdelay $0x1  }
0x182: {  	v0 =	vadd.f32 v0, v10;
	_ =	sdelay $0x1  }
0x183: {  	[tilespmem:v1+s10+$0x0] =	vst.idx.msk $0xffff, v0  }
0x184: {  	v0 =	vld.idx.msk [tilespmem:v16+s10+$0x0], $0xffff;
	_ =	sdelay $0x2  }
0x185: {  	v1 =	vor.u32 s18, v47  }
0x186: {  	v16 =	vor.u32 s16, v46;
	s16 =	smov.u32 s19;
	_ =	sdelay $0x1  }
0x187: {  	v0 =	vadd.f32 v0, v9;
	_ =	sdelay $0x1  }
0x188: {  	[tilespmem:v1+s10+$0x0] =	vst.idx.msk $0xffff, v0  }
0x189: {  	v16 =	vld.idx.msk [tilespmem:v16+s10+$0x0], $0xffff;
	_ =	sdelay $0x1  }
.Ltmp4:
0x18a: {  	(pc) =	sbr.rel @p0 .LBB2_6-.Ltmp4, $3  }
0x18b: {  	v1 =	vor.u32 s18, v46  }
0x18c: {  	v0 =	vor.u32 s16, v44;
	_ =	sdelay $0x1  }
0x18d: {  	v16 =	vadd.f32 v16, v8  }
0x18e: {  	_ =	sdelay $0x3  }
0x18f: {  	[tilespmem:v1+s10+$0x0] =	vst.idx.msk $0xffff, v16  }
0x190: {  	v0 =	vld.idx.msk [tilespmem:v0+s10+$0x0], $0xffff  }
0x191: {  	s17 =	sadd.s32 $0x900, s16  }
0x192: {  	v1 =	vor.u32 s17, v44  }
0x193: {  	v16 =	vor.u32 s16, v39;
	_ =	sdelay $0x1  }
0x194: {  	v0 =	vadd.f32 v0, v15;
	_ =	sdelay $0x1  }
0x195: {  	[tilespmem:v1+s10+$0x0] =	vst.idx.msk $0xffff, v0  }
0x196: {  	v0 =	vld.idx.msk [tilespmem:v16+s10+$0x0], $0xffff;
	_ =	sdelay $0x1  }
0x197: {  	v1 =	vor.u32 s17, v39  }
0x198: {  	v15 =	vor.u32 s16, v45;
	_ =	sdelay $0x1  }
0x199: {  	v0 =	vadd.f32 v0, v14;
	_ =	sdelay $0x1  }
0x19a: {  	[tilespmem:v1+s10+$0x0] =	vst.idx.msk $0xffff, v0  }
0x19b: {  	v0 =	vld.idx.msk [tilespmem:v15+s10+$0x0], $0xffff;
	_ =	sdelay $0x1  }
0x19c: {  	v1 =	vor.u32 s17, v45  }
0x19d: {  	v14 =	vor.u32 s16, v2;
	_ =	sdelay $0x1  }
0x19e: {  	v0 =	vadd.f32 v0, v13;
	_ =	sdelay $0x1  }
0x19f: {  	[tilespmem:v1+s10+$0x0] =	vst.idx.msk $0xffff, v0  }
0x1a0: {  	v0 =	vld.idx.msk [tilespmem:v14+s10+$0x0], $0xffff;
	_ =	sdelay $0x1  }
0x1a1: {  	v1 =	vor.u32 s17, v2  }
0x1a2: {  	v13 =	vor.u32 s16, v59;
	_ =	sdelay $0x1  }
0x1a3: {  	v0 =	vadd.f32 v0, v12;
	_ =	sdelay $0x1  }
0x1a4: {  	[tilespmem:v1+s10+$0x0] =	vst.idx.msk $0xffff, v0  }
0x1a5: {  	v0 =	vld.idx.msk [tilespmem:v13+s10+$0x0], $0xffff;
	_ =	sdelay $0x1  }
0x1a6: {  	v1 =	vor.u32 s17, v59  }
0x1a7: {  	v12 =	vor.u32 s16, v49;
	_ =	sdelay $0x1  }
0x1a8: {  	v0 =	vadd.f32 v0, v11;
	_ =	sdelay $0x1  }
0x1a9: {  	[tilespmem:v1+s10+$0x0] =	vst.idx.msk $0xffff, v0  }
0x1aa: {  	v0 =	vld.idx.msk [tilespmem:v12+s10+$0x0], $0xffff;
	_ =	sdelay $0x1  }
0x1ab: {  	v1 =	vor.u32 s17, v49  }
0x1ac: {  	v11 =	vor.u32 s16, v47;
	_ =	sdelay $0x1  }
0x1ad: {  	v0 =	vadd.f32 v0, v10;
	_ =	sdelay $0x1  }
0x1ae: {  	[tilespmem:v1+s10+$0x0] =	vst.idx.msk $0xffff, v0  }
0x1af: {  	v0 =	vld.idx.msk [tilespmem:v11+s10+$0x0], $0xffff;
	_ =	sdelay $0x1  }
0x1b0: {  	v1 =	vor.u32 s17, v47  }
0x1b1: {  	v10 =	vor.u32 s16, v46;
	_ =	sdelay $0x1  }
0x1b2: {  	v0 =	vadd.f32 v0, v9;
	_ =	sdelay $0x1  }
0x1b3: {  	[tilespmem:v1+s10+$0x0] =	vst.idx.msk $0xffff, v0  }
0x1b4: {  	v0 =	vld.idx.msk [tilespmem:v10+s10+$0x0], $0xffff;
	_ =	sdelay $0x2  }
0x1b5: {  	v1 =	vor.u32 s17, v46  }
0x1b6: {  	s31 =	simm.s32 $0x0  }
0x1b7: {  	v0 =	vadd.f32 v0, v8;
	v8 =	vor.u32 s31, v44;
	_ =	sdelay $0x2  }
0x1b8: {  	[tilespmem:v1+s10+$0x0] =	vst.idx.msk $0xffff, v0  }
0x1b9: {  	v15 =	vld [tilespmem:$0x380]  }
0x1ba: {  	v0 =	vld.idx.msk [tilespmem:v8+s10+$0x0], $0xffff  }
0x1bb: {  	s18 =	simm.s32 $0x480;
	v14 =	vld [tilespmem:$0x390]  }
0x1bc: {  	v1 =	vor.u32 s18, v44;
	v13 =	vld [tilespmem:$0x3A0]  }
0x1bd: {  	v16 =	vor.u32 s31, v39;
	v12 =	vld [tilespmem:$0x3B0]  }
0x1be: {  	v11 =	vld [tilespmem:$0x3C0]  }
0x1bf: {  	v10 =	vld [tilespmem:$0x3D0];
	v0 =	vadd.f32 v0, v15  }
0x1c0: {  	v9 =	vld [tilespmem:$0x3E0]  }
0x1c1: {  	v8 =	vld [tilespmem:$0x3F0];
	[tilespmem:v1+s10+$0x0] =	vst.idx.msk $0xffff, v0  }
0x1c2: {  	v0 =	vld.idx.msk [tilespmem:v16+s10+$0x0], $0xffff;
	_ =	sdelay $0x1  }
0x1c3: {  	v1 =	vor.u32 s18, v39  }
0x1c4: {  	v16 =	vor.u32 s31, v45;
	_ =	sdelay $0x1  }
0x1c5: {  	v0 =	vadd.f32 v0, v14;
	_ =	sdelay $0x1  }
0x1c6: {  	[tilespmem:v1+s10+$0x0] =	vst.idx.msk $0xffff, v0  }
0x1c7: {  	v0 =	vld.idx.msk [tilespmem:v16+s10+$0x0], $0xffff;
	_ =	sdelay $0x1  }
0x1c8: {  	v1 =	vor.u32 s18, v45  }
0x1c9: {  	v16 =	vor.u32 s31, v2;
	_ =	sdelay $0x1  }
0x1ca: {  	v0 =	vadd.f32 v0, v13;
	_ =	sdelay $0x1  }
0x1cb: {  	[tilespmem:v1+s10+$0x0] =	vst.idx.msk $0xffff, v0  }
0x1cc: {  	v0 =	vld.idx.msk [tilespmem:v16+s10+$0x0], $0xffff;
	_ =	sdelay $0x1  }
0x1cd: {  	v1 =	vor.u32 s18, v2  }
0x1ce: {  	v16 =	vor.u32 s31, v59;
	_ =	sdelay $0x1  }
0x1cf: {  	v0 =	vadd.f32 v0, v12;
	_ =	sdelay $0x1  }
0x1d0: {  	[tilespmem:v1+s10+$0x0] =	vst.idx.msk $0xffff, v0  }
0x1d1: {  	v0 =	vld.idx.msk [tilespmem:v16+s10+$0x0], $0xffff;
	_ =	sdelay $0x1  }
0x1d2: {  	v1 =	vor.u32 s18, v59  }
0x1d3: {  	v16 =	vor.u32 s31, v49;
	_ =	sdelay $0x1  }
0x1d4: {  	v0 =	vadd.f32 v0, v11;
	_ =	sdelay $0x1  }
0x1d5: {  	[tilespmem:v1+s10+$0x0] =	vst.idx.msk $0xffff, v0  }
0x1d6: {  	v0 =	vld.idx.msk [tilespmem:v16+s10+$0x0], $0xffff;
	_ =	sdelay $0x1  }
0x1d7: {  	v1 =	vor.u32 s18, v49  }
0x1d8: {  	v16 =	vor.u32 s31, v47;
	_ =	sdelay $0x1  }
0x1d9: {  	v0 =	vadd.f32 v0, v10;
	_ =	sdelay $0x1  }
0x1da: {  	[tilespmem:v1+s10+$0x0] =	vst.idx.msk $0xffff, v0  }
0x1db: {  	v0 =	vld.idx.msk [tilespmem:v16+s10+$0x0], $0xffff;
	_ =	sdelay $0x1  }
0x1dc: {  	v1 =	vor.u32 s18, v47  }
0x1dd: {  	v16 =	vor.u32 s31, v46;
	_ =	sdelay $0x1  }
0x1de: {  	v0 =	vadd.f32 v0, v9;
	_ =	sdelay $0x1  }
0x1df: {  	[tilespmem:v1+s10+$0x0] =	vst.idx.msk $0xffff, v0  }
0x1e0: {  	v16 =	vld.idx.msk [tilespmem:v16+s10+$0x0], $0xffff;
	_ =	sdelay $0x1  }
0x1e1: {  	s16 =	simm.s32 $0x80;
	v1 =	vor.u32 s18, v46  }
0x1e2: {  	v0 =	vor.u32 s16, v44;
	_ =	sdelay $0x1  }
0x1e3: {  	s17 =	simm.s32 $0x100;
	v16 =	vadd.f32 v16, v8  }
.LBB2_8:
0x1e4: {  	_ = 	snop  }
0x1e5: {  	p0 =	sne.s32 s17, $0x400;
	s19 =	smov.u32 s17;
	s17 =	sadd.s32 $0x80, s17;
	[tilespmem:v1+s10+$0x0] =	vst.idx.msk $0xffff, v16  }
0x1e6: {  	v0 =	vld.idx.msk [tilespmem:v0+s10+$0x0], $0xffff;
	_ =	sdelay $0x1  }
0x1e7: {  	s18 =	sadd.s32 $0x480, s16  }
0x1e8: {  	v1 =	vor.u32 s18, v44  }
0x1e9: {  	v16 =	vor.u32 s16, v39;
	_ =	sdelay $0x1  }
0x1ea: {  	v0 =	vadd.f32 v0, v15;
	_ =	sdelay $0x1  }
0x1eb: {  	[tilespmem:v1+s10+$0x0] =	vst.idx.msk $0xffff, v0  }
0x1ec: {  	v0 =	vld.idx.msk [tilespmem:v16+s10+$0x0], $0xffff;
	_ =	sdelay $0x2  }
0x1ed: {  	v1 =	vor.u32 s18, v39  }
0x1ee: {  	v16 =	vor.u32 s16, v45;
	_ =	sdelay $0x1  }
0x1ef: {  	v0 =	vadd.f32 v0, v14;
	_ =	sdelay $0x1  }
0x1f0: {  	[tilespmem:v1+s10+$0x0] =	vst.idx.msk $0xffff, v0  }
0x1f1: {  	v0 =	vld.idx.msk [tilespmem:v16+s10+$0x0], $0xffff;
	_ =	sdelay $0x2  }
0x1f2: {  	v1 =	vor.u32 s18, v45  }
0x1f3: {  	v16 =	vor.u32 s16, v2;
	_ =	sdelay $0x1  }
0x1f4: {  	v0 =	vadd.f32 v0, v13;
	_ =	sdelay $0x1  }
0x1f5: {  	[tilespmem:v1+s10+$0x0] =	vst.idx.msk $0xffff, v0  }
0x1f6: {  	v0 =	vld.idx.msk [tilespmem:v16+s10+$0x0], $0xffff;
	_ =	sdelay $0x2  }
0x1f7: {  	v1 =	vor.u32 s18, v2  }
0x1f8: {  	v16 =	vor.u32 s16, v59;
	_ =	sdelay $0x1  }
0x1f9: {  	v0 =	vadd.f32 v0, v12;
	_ =	sdelay $0x1  }
0x1fa: {  	[tilespmem:v1+s10+$0x0] =	vst.idx.msk $0xffff, v0  }
0x1fb: {  	v0 =	vld.idx.msk [tilespmem:v16+s10+$0x0], $0xffff;
	_ =	sdelay $0x2  }
0x1fc: {  	v1 =	vor.u32 s18, v59  }
0x1fd: {  	v16 =	vor.u32 s16, v49;
	_ =	sdelay $0x1  }
0x1fe: {  	v0 =	vadd.f32 v0, v11;
	_ =	sdelay $0x1  }
0x1ff: {  	[tilespmem:v1+s10+$0x0] =	vst.idx.msk $0xffff, v0  }
0x200: {  	v0 =	vld.idx.msk [tilespmem:v16+s10+$0x0], $0xffff;
	_ =	sdelay $0x2  }
0x201: {  	v1 =	vor.u32 s18, v49  }
0x202: {  	v16 =	vor.u32 s16, v47;
	_ =	sdelay $0x1  }
0x203: {  	v0 =	vadd.f32 v0, v10;
	_ =	sdelay $0x1  }
0x204: {  	[tilespmem:v1+s10+$0x0] =	vst.idx.msk $0xffff, v0  }
0x205: {  	v0 =	vld.idx.msk [tilespmem:v16+s10+$0x0], $0xffff;
	_ =	sdelay $0x2  }
0x206: {  	v1 =	vor.u32 s18, v47  }
0x207: {  	v16 =	vor.u32 s16, v46;
	s16 =	smov.u32 s19;
	_ =	sdelay $0x1  }
0x208: {  	v0 =	vadd.f32 v0, v9;
	_ =	sdelay $0x1  }
0x209: {  	[tilespmem:v1+s10+$0x0] =	vst.idx.msk $0xffff, v0  }
0x20a: {  	v16 =	vld.idx.msk [tilespmem:v16+s10+$0x0], $0xffff;
	_ =	sdelay $0x1  }
.Ltmp5:
0x20b: {  	(pc) =	sbr.rel @p0 .LBB2_8-.Ltmp5, $3  }
0x20c: {  	v1 =	vor.u32 s18, v46  }
0x20d: {  	v0 =	vor.u32 s16, v44;
	_ =	sdelay $0x1  }
0x20e: {  	v16 =	vadd.f32 v16, v8  }
0x20f: {  	_ =	sdelay $0x3  }
0x210: {  	[tilespmem:v1+s10+$0x0] =	vst.idx.msk $0xffff, v16  }
0x211: {  	v0 =	vld.idx.msk [tilespmem:v0+s10+$0x0], $0xffff  }
0x212: {  	s17 =	sadd.s32 $0x480, s16  }
0x213: {  	v1 =	vor.u32 s17, v44  }
0x214: {  	v16 =	vor.u32 s16, v39;
	_ =	sdelay $0x1  }
0x215: {  	v0 =	vadd.f32 v0, v15;
	_ =	sdelay $0x1  }
0x216: {  	[tilespmem:v1+s10+$0x0] =	vst.idx.msk $0xffff, v0  }
0x217: {  	v0 =	vld.idx.msk [tilespmem:v16+s10+$0x0], $0xffff;
	_ =	sdelay $0x1  }
0x218: {  	v1 =	vor.u32 s17, v39  }
0x219: {  	v15 =	vor.u32 s16, v45;
	_ =	sdelay $0x1  }
0x21a: {  	v0 =	vadd.f32 v0, v14;
	_ =	sdelay $0x1  }
0x21b: {  	[tilespmem:v1+s10+$0x0] =	vst.idx.msk $0xffff, v0  }
0x21c: {  	v0 =	vld.idx.msk [tilespmem:v15+s10+$0x0], $0xffff;
	_ =	sdelay $0x1  }
0x21d: {  	v1 =	vor.u32 s17, v45  }
0x21e: {  	v14 =	vor.u32 s16, v2;
	_ =	sdelay $0x1  }
0x21f: {  	v0 =	vadd.f32 v0, v13;
	_ =	sdelay $0x1  }
0x220: {  	[tilespmem:v1+s10+$0x0] =	vst.idx.msk $0xffff, v0  }
0x221: {  	v0 =	vld.idx.msk [tilespmem:v14+s10+$0x0], $0xffff;
	_ =	sdelay $0x1  }
0x222: {  	v1 =	vor.u32 s17, v2  }
0x223: {  	v13 =	vor.u32 s16, v59;
	_ =	sdelay $0x1  }
0x224: {  	v0 =	vadd.f32 v0, v12;
	_ =	sdelay $0x1  }
0x225: {  	[tilespmem:v1+s10+$0x0] =	vst.idx.msk $0xffff, v0  }
0x226: {  	v0 =	vld.idx.msk [tilespmem:v13+s10+$0x0], $0xffff;
	_ =	sdelay $0x1  }
0x227: {  	v1 =	vor.u32 s17, v59  }
0x228: {  	v12 =	vor.u32 s16, v49;
	_ =	sdelay $0x1  }
0x229: {  	v0 =	vadd.f32 v0, v11;
	_ =	sdelay $0x1  }
0x22a: {  	[tilespmem:v1+s10+$0x0] =	vst.idx.msk $0xffff, v0  }
0x22b: {  	v0 =	vld.idx.msk [tilespmem:v12+s10+$0x0], $0xffff;
	_ =	sdelay $0x1  }
0x22c: {  	v1 =	vor.u32 s17, v49  }
0x22d: {  	v11 =	vor.u32 s16, v47;
	_ =	sdelay $0x1  }
0x22e: {  	v0 =	vadd.f32 v0, v10;
	_ =	sdelay $0x1  }
0x22f: {  	[tilespmem:v1+s10+$0x0] =	vst.idx.msk $0xffff, v0  }
0x230: {  	v0 =	vld.idx.msk [tilespmem:v11+s10+$0x0], $0xffff;
	_ =	sdelay $0x1  }
0x231: {  	v1 =	vor.u32 s17, v47  }
0x232: {  	v10 =	vor.u32 s16, v46;
	_ =	sdelay $0x1  }
0x233: {  	v0 =	vadd.f32 v0, v9;
	_ =	sdelay $0x1  }
0x234: {  	[tilespmem:v1+s10+$0x0] =	vst.idx.msk $0xffff, v0  }
0x235: {  	v0 =	vld.idx.msk [tilespmem:v10+s10+$0x0], $0xffff;
	_ =	sdelay $0x1  }
0x236: {  	v1 =	vor.u32 s17, v46  }
0x237: {  	s31 =	simm.s32 $0x0  }
0x238: {  	v15 =	vor.u32 s31, v44  }
0x239: {  	v0 =	vadd.f32 v0, v8;
	_ =	sdelay $0x1  }
0x23a: {  	[tilespmem:v1+s10+$0x0] =	vst.idx.msk $0xffff, v0  }
0x23b: {  	v0 =	vld [tilespmem:$0x300]  }
0x23c: {  	v1 =	vld.idx.msk [tilespmem:v15+s10+$0x0], $0xffff  }
0x23d: {  	v14 =	vld [tilespmem:$0x310]  }
0x23e: {  	v13 =	vld [tilespmem:$0x320]  }
0x23f: {  	v16 =	vor.u32 s31, v39;
	v12 =	vld [tilespmem:$0x330]  }
0x240: {  	v11 =	vld [tilespmem:$0x340]  }
0x241: {  	v10 =	vld [tilespmem:$0x350];
	v1 =	vadd.f32 v1, v0  }
0x242: {  	v9 =	vld [tilespmem:$0x360]  }
0x243: {  	v8 =	vld [tilespmem:$0x370];
	[tilespmem:v15+s10+$0x0] =	vst.idx.msk $0xffff, v1  }
0x244: {  	v1 =	vld.idx.msk [tilespmem:v16+s10+$0x0], $0xffff;
	_ =	sdelay $0x2  }
0x245: {  	v15 =	vor.u32 s31, v45;
	_ =	sdelay $0x1  }
0x246: {  	v1 =	vadd.f32 v1, v14;
	_ =	sdelay $0x1  }
0x247: {  	[tilespmem:v16+s10+$0x0] =	vst.idx.msk $0xffff, v1  }
0x248: {  	v1 =	vld.idx.msk [tilespmem:v15+s10+$0x0], $0xffff;
	_ =	sdelay $0x2  }
0x249: {  	v16 =	vor.u32 s31, v2;
	_ =	sdelay $0x1  }
0x24a: {  	v1 =	vadd.f32 v1, v13;
	_ =	sdelay $0x1  }
0x24b: {  	[tilespmem:v15+s10+$0x0] =	vst.idx.msk $0xffff, v1  }
0x24c: {  	v1 =	vld.idx.msk [tilespmem:v16+s10+$0x0], $0xffff;
	_ =	sdelay $0x2  }
0x24d: {  	v15 =	vor.u32 s31, v59;
	_ =	sdelay $0x1  }
0x24e: {  	v1 =	vadd.f32 v1, v12;
	_ =	sdelay $0x1  }
0x24f: {  	[tilespmem:v16+s10+$0x0] =	vst.idx.msk $0xffff, v1  }
0x250: {  	v1 =	vld.idx.msk [tilespmem:v15+s10+$0x0], $0xffff;
	_ =	sdelay $0x2  }
0x251: {  	v16 =	vor.u32 s31, v49;
	_ =	sdelay $0x1  }
0x252: {  	v1 =	vadd.f32 v1, v11;
	_ =	sdelay $0x1  }
0x253: {  	[tilespmem:v15+s10+$0x0] =	vst.idx.msk $0xffff, v1  }
0x254: {  	v1 =	vld.idx.msk [tilespmem:v16+s10+$0x0], $0xffff;
	_ =	sdelay $0x2  }
0x255: {  	v15 =	vor.u32 s31, v47;
	_ =	sdelay $0x1  }
0x256: {  	v1 =	vadd.f32 v1, v10;
	_ =	sdelay $0x1  }
0x257: {  	[tilespmem:v16+s10+$0x0] =	vst.idx.msk $0xffff, v1  }
0x258: {  	v16 =	vld.idx.msk [tilespmem:v15+s10+$0x0], $0xffff;
	_ =	sdelay $0x2  }
0x259: {  	v1 =	vor.u32 s31, v46;
	_ =	sdelay $0x1  }
0x25a: {  	v16 =	vadd.f32 v16, v9;
	_ =	sdelay $0x1  }
0x25b: {  	[tilespmem:v15+s10+$0x0] =	vst.idx.msk $0xffff, v16  }
0x25c: {  	v16 =	vld.idx.msk [tilespmem:v1+s10+$0x0], $0xffff;
	_ =	sdelay $0x1  }
0x25d: {  	s16 =	simm.s32 $0x80  }
0x25e: {  	v15 =	vor.u32 s16, v44;
	_ =	sdelay $0x1  }
0x25f: {  	s17 =	simm.s32 $0x100;
	v16 =	vadd.f32 v16, v8  }
.LBB2_10:
0x260: {  	_ = 	snop  }
0x261: {  	p0 =	sne.s32 s17, $0x400;
	s18 =	smov.u32 s17;
	s17 =	sadd.s32 $0x80, s17;
	[tilespmem:v1+s10+$0x0] =	vst.idx.msk $0xffff, v16  }
0x262: {  	v1 =	vld.idx.msk [tilespmem:v15+s10+$0x0], $0xffff;
	_ =	sdelay $0x3  }
0x263: {  	v16 =	vor.u32 s16, v39;
	_ =	sdelay $0x1  }
0x264: {  	v1 =	vadd.f32 v1, v0;
	_ =	sdelay $0x1  }
0x265: {  	[tilespmem:v15+s10+$0x0] =	vst.idx.msk $0xffff, v1  }
0x266: {  	v1 =	vld.idx.msk [tilespmem:v16+s10+$0x0], $0xffff;
	_ =	sdelay $0x3  }
0x267: {  	v15 =	vor.u32 s16, v45;
	_ =	sdelay $0x1  }
0x268: {  	v1 =	vadd.f32 v1, v14;
	_ =	sdelay $0x1  }
0x269: {  	[tilespmem:v16+s10+$0x0] =	vst.idx.msk $0xffff, v1  }
0x26a: {  	v1 =	vld.idx.msk [tilespmem:v15+s10+$0x0], $0xffff;
	_ =	sdelay $0x3  }
0x26b: {  	v16 =	vor.u32 s16, v2;
	_ =	sdelay $0x1  }
0x26c: {  	v1 =	vadd.f32 v1, v13;
	_ =	sdelay $0x1  }
0x26d: {  	[tilespmem:v15+s10+$0x0] =	vst.idx.msk $0xffff, v1  }
0x26e: {  	v1 =	vld.idx.msk [tilespmem:v16+s10+$0x0], $0xffff;
	_ =	sdelay $0x3  }
0x26f: {  	v15 =	vor.u32 s16, v59;
	_ =	sdelay $0x1  }
0x270: {  	v1 =	vadd.f32 v1, v12;
	_ =	sdelay $0x1  }
0x271: {  	[tilespmem:v16+s10+$0x0] =	vst.idx.msk $0xffff, v1  }
0x272: {  	v1 =	vld.idx.msk [tilespmem:v15+s10+$0x0], $0xffff;
	_ =	sdelay $0x3  }
0x273: {  	v16 =	vor.u32 s16, v49;
	_ =	sdelay $0x1  }
0x274: {  	v1 =	vadd.f32 v1, v11;
	_ =	sdelay $0x1  }
0x275: {  	[tilespmem:v15+s10+$0x0] =	vst.idx.msk $0xffff, v1  }
0x276: {  	v1 =	vld.idx.msk [tilespmem:v16+s10+$0x0], $0xffff;
	_ =	sdelay $0x3  }
0x277: {  	v15 =	vor.u32 s16, v47;
	_ =	sdelay $0x1  }
0x278: {  	v1 =	vadd.f32 v1, v10;
	_ =	sdelay $0x1  }
0x279: {  	[tilespmem:v16+s10+$0x0] =	vst.idx.msk $0xffff, v1  }
0x27a: {  	v16 =	vld.idx.msk [tilespmem:v15+s10+$0x0], $0xffff;
	_ =	sdelay $0x3  }
0x27b: {  	v1 =	vor.u32 s16, v46;
	s16 =	smov.u32 s18;
	_ =	sdelay $0x1  }
0x27c: {  	v16 =	vadd.f32 v16, v9;
	_ =	sdelay $0x1  }
0x27d: {  	[tilespmem:v15+s10+$0x0] =	vst.idx.msk $0xffff, v16  }
0x27e: {  	v16 =	vld.idx.msk [tilespmem:v1+s10+$0x0], $0xffff;
	_ =	sdelay $0x1  }
.Ltmp6:
0x27f: {  	(pc) =	sbr.rel @p0 .LBB2_10-.Ltmp6, $3  }
0x280: {  	_ = 	snop  }
0x281: {  	v15 =	vor.u32 s16, v44;
	_ =	sdelay $0x1  }
0x282: {  	v16 =	vadd.f32 v16, v8  }
0x283: {  	_ =	sdelay $0x3  }
0x284: {  	[tilespmem:v1+s10+$0x0] =	vst.idx.msk $0xffff, v16  }
0x285: {  	v1 =	vld.idx.msk [tilespmem:v15+s10+$0x0], $0xffff;
	_ =	sdelay $0x2  }
0x286: {  	v16 =	vor.u32 s16, v39;
	_ =	sdelay $0x1  }
0x287: {  	v0 =	vadd.f32 v1, v0;
	_ =	sdelay $0x1  }
0x288: {  	[tilespmem:v15+s10+$0x0] =	vst.idx.msk $0xffff, v0  }
0x289: {  	v0 =	vld.idx.msk [tilespmem:v16+s10+$0x0], $0xffff;
	_ =	sdelay $0x2  }
0x28a: {  	v1 =	vor.u32 s16, v45;
	_ =	sdelay $0x1  }
0x28b: {  	v0 =	vadd.f32 v0, v14;
	_ =	sdelay $0x1  }
0x28c: {  	[tilespmem:v16+s10+$0x0] =	vst.idx.msk $0xffff, v0  }
0x28d: {  	v0 =	vld.idx.msk [tilespmem:v1+s10+$0x0], $0xffff;
	_ =	sdelay $0x2  }
0x28e: {  	v14 =	vor.u32 s16, v2;
	_ =	sdelay $0x1  }
0x28f: {  	v0 =	vadd.f32 v0, v13;
	_ =	sdelay $0x1  }
0x290: {  	[tilespmem:v1+s10+$0x0] =	vst.idx.msk $0xffff, v0  }
0x291: {  	v0 =	vld.idx.msk [tilespmem:v14+s10+$0x0], $0xffff;
	_ =	sdelay $0x2  }
0x292: {  	v1 =	vor.u32 s16, v59;
	_ =	sdelay $0x1  }
0x293: {  	v0 =	vadd.f32 v0, v12;
	_ =	sdelay $0x1  }
0x294: {  	[tilespmem:v14+s10+$0x0] =	vst.idx.msk $0xffff, v0  }
0x295: {  	v0 =	vld.idx.msk [tilespmem:v1+s10+$0x0], $0xffff;
	_ =	sdelay $0x2  }
0x296: {  	v12 =	vor.u32 s16, v49;
	_ =	sdelay $0x1  }
0x297: {  	v0 =	vadd.f32 v0, v11;
	_ =	sdelay $0x1  }
0x298: {  	[tilespmem:v1+s10+$0x0] =	vst.idx.msk $0xffff, v0  }
0x299: {  	v0 =	vld.idx.msk [tilespmem:v12+s10+$0x0], $0xffff;
	_ =	sdelay $0x2  }
0x29a: {  	v1 =	vor.u32 s16, v47;
	_ =	sdelay $0x1  }
0x29b: {  	v0 =	vadd.f32 v0, v10;
	_ =	sdelay $0x1  }
0x29c: {  	[tilespmem:v12+s10+$0x0] =	vst.idx.msk $0xffff, v0  }
0x29d: {  	v0 =	vld.idx.msk [tilespmem:v1+s10+$0x0], $0xffff;
	_ =	sdelay $0x2  }
0x29e: {  	v10 =	vor.u32 s16, v46;
	_ =	sdelay $0x1  }
0x29f: {  	v0 =	vadd.f32 v0, v9;
	_ =	sdelay $0x1  }
0x2a0: {  	[tilespmem:v1+s10+$0x0] =	vst.idx.msk $0xffff, v0  }
0x2a1: {  	v0 =	vld.idx.msk [tilespmem:v10+s10+$0x0], $0xffff;
	_ =	sdelay $0x2  }
0x2a2: {  	s31 =	simm.s32 $0x0  }
0x2a3: {  	v1 =	vor.u32 s31, v44  }
0x2a4: {  	v0 =	vadd.f32 v0, v8;
	_ =	sdelay $0x1  }
0x2a5: {  	[tilespmem:v10+s10+$0x0] =	vst.idx.msk $0xffff, v0  }
0x2a6: {  	v15 =	vld [tilespmem:$0x580]  }
0x2a7: {  	v0 =	vld.idx.msk [tilespmem:v1+s10+$0x0], $0xffff  }
0x2a8: {  	s18 =	simm.s32 $0x1B00;
	v14 =	vld [tilespmem:$0x590]  }
0x2a9: {  	v13 =	vld [tilespmem:$0x5A0];
	v1 =	vor.u32 s18, v44  }
0x2aa: {  	v16 =	vor.u32 s31, v39;
	v12 =	vld [tilespmem:$0x5B0]  }
0x2ab: {  	v11 =	vld [tilespmem:$0x5C0]  }
0x2ac: {  	v10 =	vld [tilespmem:$0x5D0];
	v0 =	vadd.f32 v0, v15  }
0x2ad: {  	v9 =	vld [tilespmem:$0x5E0]  }
0x2ae: {  	v8 =	vld [tilespmem:$0x5F0];
	[tilespmem:v1+s10+$0x0] =	vst.idx.msk $0xffff, v0  }
0x2af: {  	v0 =	vld.idx.msk [tilespmem:v16+s10+$0x0], $0xffff;
	_ =	sdelay $0x1  }
0x2b0: {  	v1 =	vor.u32 s18, v39  }
0x2b1: {  	v16 =	vor.u32 s31, v45;
	_ =	sdelay $0x1  }
0x2b2: {  	v0 =	vadd.f32 v0, v14;
	_ =	sdelay $0x1  }
0x2b3: {  	[tilespmem:v1+s10+$0x0] =	vst.idx.msk $0xffff, v0  }
0x2b4: {  	v0 =	vld.idx.msk [tilespmem:v16+s10+$0x0], $0xffff;
	_ =	sdelay $0x1  }
0x2b5: {  	v1 =	vor.u32 s18, v45  }
0x2b6: {  	v16 =	vor.u32 s31, v2;
	_ =	sdelay $0x1  }
0x2b7: {  	v0 =	vadd.f32 v0, v13;
	_ =	sdelay $0x1  }
0x2b8: {  	[tilespmem:v1+s10+$0x0] =	vst.idx.msk $0xffff, v0  }
0x2b9: {  	v0 =	vld.idx.msk [tilespmem:v16+s10+$0x0], $0xffff;
	_ =	sdelay $0x1  }
0x2ba: {  	v1 =	vor.u32 s18, v2  }
0x2bb: {  	v16 =	vor.u32 s31, v59;
	_ =	sdelay $0x1  }
0x2bc: {  	v0 =	vadd.f32 v0, v12;
	_ =	sdelay $0x1  }
0x2bd: {  	[tilespmem:v1+s10+$0x0] =	vst.idx.msk $0xffff, v0  }
0x2be: {  	v0 =	vld.idx.msk [tilespmem:v16+s10+$0x0], $0xffff;
	_ =	sdelay $0x1  }
0x2bf: {  	v1 =	vor.u32 s18, v59  }
0x2c0: {  	v16 =	vor.u32 s31, v49;
	_ =	sdelay $0x1  }
0x2c1: {  	v0 =	vadd.f32 v0, v11;
	_ =	sdelay $0x1  }
0x2c2: {  	[tilespmem:v1+s10+$0x0] =	vst.idx.msk $0xffff, v0  }
0x2c3: {  	v0 =	vld.idx.msk [tilespmem:v16+s10+$0x0], $0xffff;
	_ =	sdelay $0x1  }
0x2c4: {  	v1 =	vor.u32 s18, v49  }
0x2c5: {  	v16 =	vor.u32 s31, v47;
	_ =	sdelay $0x1  }
0x2c6: {  	v0 =	vadd.f32 v0, v10;
	_ =	sdelay $0x1  }
0x2c7: {  	[tilespmem:v1+s10+$0x0] =	vst.idx.msk $0xffff, v0  }
0x2c8: {  	v0 =	vld.idx.msk [tilespmem:v16+s10+$0x0], $0xffff;
	_ =	sdelay $0x1  }
0x2c9: {  	v1 =	vor.u32 s18, v47  }
0x2ca: {  	v16 =	vor.u32 s31, v46;
	_ =	sdelay $0x1  }
0x2cb: {  	v0 =	vadd.f32 v0, v9;
	_ =	sdelay $0x1  }
0x2cc: {  	[tilespmem:v1+s10+$0x0] =	vst.idx.msk $0xffff, v0  }
0x2cd: {  	v16 =	vld.idx.msk [tilespmem:v16+s10+$0x0], $0xffff;
	_ =	sdelay $0x1  }
0x2ce: {  	s16 =	simm.s32 $0x80;
	v1 =	vor.u32 s18, v46  }
0x2cf: {  	v0 =	vor.u32 s16, v44;
	_ =	sdelay $0x1  }
0x2d0: {  	s17 =	simm.s32 $0x100;
	v16 =	vadd.f32 v16, v8  }
.LBB2_12:
0x2d1: {  	_ = 	snop  }
0x2d2: {  	p0 =	sne.s32 s17, $0xD00;
	s19 =	smov.u32 s17;
	s17 =	sadd.s32 $0x80, s17;
	[tilespmem:v1+s10+$0x0] =	vst.idx.msk $0xffff, v16  }
0x2d3: {  	v0 =	vld.idx.msk [tilespmem:v0+s10+$0x0], $0xffff;
	_ =	sdelay $0x1  }
0x2d4: {  	s18 =	sadd.s32 $0x1B00, s16  }
0x2d5: {  	v1 =	vor.u32 s18, v44  }
0x2d6: {  	v16 =	vor.u32 s16, v39;
	_ =	sdelay $0x1  }
0x2d7: {  	v0 =	vadd.f32 v0, v15;
	_ =	sdelay $0x1  }
0x2d8: {  	[tilespmem:v1+s10+$0x0] =	vst.idx.msk $0xffff, v0  }
0x2d9: {  	v0 =	vld.idx.msk [tilespmem:v16+s10+$0x0], $0xffff;
	_ =	sdelay $0x2  }
0x2da: {  	v1 =	vor.u32 s18, v39  }
0x2db: {  	v16 =	vor.u32 s16, v45;
	_ =	sdelay $0x1  }
0x2dc: {  	v0 =	vadd.f32 v0, v14;
	_ =	sdelay $0x1  }
0x2dd: {  	[tilespmem:v1+s10+$0x0] =	vst.idx.msk $0xffff, v0  }
0x2de: {  	v0 =	vld.idx.msk [tilespmem:v16+s10+$0x0], $0xffff;
	_ =	sdelay $0x2  }
0x2df: {  	v1 =	vor.u32 s18, v45  }
0x2e0: {  	v16 =	vor.u32 s16, v2;
	_ =	sdelay $0x1  }
0x2e1: {  	v0 =	vadd.f32 v0, v13;
	_ =	sdelay $0x1  }
0x2e2: {  	[tilespmem:v1+s10+$0x0] =	vst.idx.msk $0xffff, v0  }
0x2e3: {  	v0 =	vld.idx.msk [tilespmem:v16+s10+$0x0], $0xffff;
	_ =	sdelay $0x2  }
0x2e4: {  	v1 =	vor.u32 s18, v2  }
0x2e5: {  	v16 =	vor.u32 s16, v59;
	_ =	sdelay $0x1  }
0x2e6: {  	v0 =	vadd.f32 v0, v12;
	_ =	sdelay $0x1  }
0x2e7: {  	[tilespmem:v1+s10+$0x0] =	vst.idx.msk $0xffff, v0  }
0x2e8: {  	v0 =	vld.idx.msk [tilespmem:v16+s10+$0x0], $0xffff;
	_ =	sdelay $0x2  }
0x2e9: {  	v1 =	vor.u32 s18, v59  }
0x2ea: {  	v16 =	vor.u32 s16, v49;
	_ =	sdelay $0x1  }
0x2eb: {  	v0 =	vadd.f32 v0, v11;
	_ =	sdelay $0x1  }
0x2ec: {  	[tilespmem:v1+s10+$0x0] =	vst.idx.msk $0xffff, v0  }
0x2ed: {  	v0 =	vld.idx.msk [tilespmem:v16+s10+$0x0], $0xffff;
	_ =	sdelay $0x2  }
0x2ee: {  	v1 =	vor.u32 s18, v49  }
0x2ef: {  	v16 =	vor.u32 s16, v47;
	_ =	sdelay $0x1  }
0x2f0: {  	v0 =	vadd.f32 v0, v10;
	_ =	sdelay $0x1  }
0x2f1: {  	[tilespmem:v1+s10+$0x0] =	vst.idx.msk $0xffff, v0  }
0x2f2: {  	v0 =	vld.idx.msk [tilespmem:v16+s10+$0x0], $0xffff;
	_ =	sdelay $0x2  }
0x2f3: {  	v1 =	vor.u32 s18, v47  }
0x2f4: {  	v16 =	vor.u32 s16, v46;
	s16 =	smov.u32 s19;
	_ =	sdelay $0x1  }
0x2f5: {  	v0 =	vadd.f32 v0, v9;
	_ =	sdelay $0x1  }
0x2f6: {  	[tilespmem:v1+s10+$0x0] =	vst.idx.msk $0xffff, v0  }
0x2f7: {  	v16 =	vld.idx.msk [tilespmem:v16+s10+$0x0], $0xffff;
	_ =	sdelay $0x1  }
.Ltmp7:
0x2f8: {  	(pc) =	sbr.rel @p0 .LBB2_12-.Ltmp7, $3  }
0x2f9: {  	v1 =	vor.u32 s18, v46  }
0x2fa: {  	v0 =	vor.u32 s16, v44;
	_ =	sdelay $0x1  }
0x2fb: {  	v16 =	vadd.f32 v16, v8  }
0x2fc: {  	_ =	sdelay $0x3  }
0x2fd: {  	[tilespmem:v1+s10+$0x0] =	vst.idx.msk $0xffff, v16  }
0x2fe: {  	v0 =	vld.idx.msk [tilespmem:v0+s10+$0x0], $0xffff  }
0x2ff: {  	s17 =	sadd.s32 $0x1B00, s16  }
0x300: {  	v1 =	vor.u32 s17, v44  }
0x301: {  	v16 =	vor.u32 s16, v39;
	_ =	sdelay $0x1  }
0x302: {  	v0 =	vadd.f32 v0, v15;
	_ =	sdelay $0x1  }
0x303: {  	[tilespmem:v1+s10+$0x0] =	vst.idx.msk $0xffff, v0  }
0x304: {  	v0 =	vld.idx.msk [tilespmem:v16+s10+$0x0], $0xffff;
	_ =	sdelay $0x1  }
0x305: {  	v1 =	vor.u32 s17, v39  }
0x306: {  	v15 =	vor.u32 s16, v45;
	_ =	sdelay $0x1  }
0x307: {  	v0 =	vadd.f32 v0, v14;
	_ =	sdelay $0x1  }
0x308: {  	[tilespmem:v1+s10+$0x0] =	vst.idx.msk $0xffff, v0  }
0x309: {  	v0 =	vld.idx.msk [tilespmem:v15+s10+$0x0], $0xffff;
	_ =	sdelay $0x1  }
0x30a: {  	v1 =	vor.u32 s17, v45  }
0x30b: {  	v14 =	vor.u32 s16, v2;
	_ =	sdelay $0x1  }
0x30c: {  	v0 =	vadd.f32 v0, v13;
	_ =	sdelay $0x1  }
0x30d: {  	[tilespmem:v1+s10+$0x0] =	vst.idx.msk $0xffff, v0  }
0x30e: {  	v0 =	vld.idx.msk [tilespmem:v14+s10+$0x0], $0xffff;
	_ =	sdelay $0x1  }
0x30f: {  	v1 =	vor.u32 s17, v2  }
0x310: {  	v13 =	vor.u32 s16, v59;
	_ =	sdelay $0x1  }
0x311: {  	v0 =	vadd.f32 v0, v12;
	_ =	sdelay $0x1  }
0x312: {  	[tilespmem:v1+s10+$0x0] =	vst.idx.msk $0xffff, v0  }
0x313: {  	v0 =	vld.idx.msk [tilespmem:v13+s10+$0x0], $0xffff;
	_ =	sdelay $0x1  }
0x314: {  	v1 =	vor.u32 s17, v59  }
0x315: {  	v12 =	vor.u32 s16, v49;
	_ =	sdelay $0x1  }
0x316: {  	v0 =	vadd.f32 v0, v11;
	_ =	sdelay $0x1  }
0x317: {  	[tilespmem:v1+s10+$0x0] =	vst.idx.msk $0xffff, v0  }
0x318: {  	v0 =	vld.idx.msk [tilespmem:v12+s10+$0x0], $0xffff;
	_ =	sdelay $0x1  }
0x319: {  	v1 =	vor.u32 s17, v49  }
0x31a: {  	v11 =	vor.u32 s16, v47;
	_ =	sdelay $0x1  }
0x31b: {  	v0 =	vadd.f32 v0, v10;
	_ =	sdelay $0x1  }
0x31c: {  	[tilespmem:v1+s10+$0x0] =	vst.idx.msk $0xffff, v0  }
0x31d: {  	v0 =	vld.idx.msk [tilespmem:v11+s10+$0x0], $0xffff;
	_ =	sdelay $0x1  }
0x31e: {  	v1 =	vor.u32 s17, v47  }
0x31f: {  	v10 =	vor.u32 s16, v46;
	_ =	sdelay $0x1  }
0x320: {  	v0 =	vadd.f32 v0, v9;
	_ =	sdelay $0x1  }
0x321: {  	[tilespmem:v1+s10+$0x0] =	vst.idx.msk $0xffff, v0  }
0x322: {  	v0 =	vld.idx.msk [tilespmem:v10+s10+$0x0], $0xffff;
	_ =	sdelay $0x2  }
0x323: {  	v1 =	vor.u32 s17, v46  }
0x324: {  	s31 =	simm.s32 $0x0  }
0x325: {  	v0 =	vadd.f32 v0, v8;
	v8 =	vor.u32 s31, v44;
	_ =	sdelay $0x2  }
0x326: {  	[tilespmem:v1+s10+$0x0] =	vst.idx.msk $0xffff, v0  }
0x327: {  	v15 =	vld [tilespmem:$0x500]  }
0x328: {  	v0 =	vld.idx.msk [tilespmem:v8+s10+$0x0], $0xffff  }
0x329: {  	s18 =	simm.s32 $0xD80;
	v14 =	vld [tilespmem:$0x510]  }
0x32a: {  	v1 =	vor.u32 s18, v44;
	v13 =	vld [tilespmem:$0x520]  }
0x32b: {  	v16 =	vor.u32 s31, v39;
	v12 =	vld [tilespmem:$0x530]  }
0x32c: {  	v11 =	vld [tilespmem:$0x540]  }
0x32d: {  	v10 =	vld [tilespmem:$0x550];
	v0 =	vadd.f32 v0, v15  }
0x32e: {  	v9 =	vld [tilespmem:$0x560]  }
0x32f: {  	v8 =	vld [tilespmem:$0x570];
	[tilespmem:v1+s10+$0x0] =	vst.idx.msk $0xffff, v0  }
0x330: {  	v0 =	vld.idx.msk [tilespmem:v16+s10+$0x0], $0xffff;
	_ =	sdelay $0x1  }
0x331: {  	v1 =	vor.u32 s18, v39  }
0x332: {  	v16 =	vor.u32 s31, v45;
	_ =	sdelay $0x1  }
0x333: {  	v0 =	vadd.f32 v0, v14;
	_ =	sdelay $0x1  }
0x334: {  	[tilespmem:v1+s10+$0x0] =	vst.idx.msk $0xffff, v0  }
0x335: {  	v0 =	vld.idx.msk [tilespmem:v16+s10+$0x0], $0xffff;
	_ =	sdelay $0x1  }
0x336: {  	v1 =	vor.u32 s18, v45  }
0x337: {  	v16 =	vor.u32 s31, v2;
	_ =	sdelay $0x1  }
0x338: {  	v0 =	vadd.f32 v0, v13;
	_ =	sdelay $0x1  }
0x339: {  	[tilespmem:v1+s10+$0x0] =	vst.idx.msk $0xffff, v0  }
0x33a: {  	v0 =	vld.idx.msk [tilespmem:v16+s10+$0x0], $0xffff;
	_ =	sdelay $0x1  }
0x33b: {  	v1 =	vor.u32 s18, v2  }
0x33c: {  	v16 =	vor.u32 s31, v59;
	_ =	sdelay $0x1  }
0x33d: {  	v0 =	vadd.f32 v0, v12;
	_ =	sdelay $0x1  }
0x33e: {  	[tilespmem:v1+s10+$0x0] =	vst.idx.msk $0xffff, v0  }
0x33f: {  	v0 =	vld.idx.msk [tilespmem:v16+s10+$0x0], $0xffff;
	_ =	sdelay $0x1  }
0x340: {  	v1 =	vor.u32 s18, v59  }
0x341: {  	v16 =	vor.u32 s31, v49;
	_ =	sdelay $0x1  }
0x342: {  	v0 =	vadd.f32 v0, v11;
	_ =	sdelay $0x1  }
0x343: {  	[tilespmem:v1+s10+$0x0] =	vst.idx.msk $0xffff, v0  }
0x344: {  	v0 =	vld.idx.msk [tilespmem:v16+s10+$0x0], $0xffff;
	_ =	sdelay $0x1  }
0x345: {  	v1 =	vor.u32 s18, v49  }
0x346: {  	v16 =	vor.u32 s31, v47;
	_ =	sdelay $0x1  }
0x347: {  	v0 =	vadd.f32 v0, v10;
	_ =	sdelay $0x1  }
0x348: {  	[tilespmem:v1+s10+$0x0] =	vst.idx.msk $0xffff, v0  }
0x349: {  	v0 =	vld.idx.msk [tilespmem:v16+s10+$0x0], $0xffff;
	_ =	sdelay $0x1  }
0x34a: {  	v1 =	vor.u32 s18, v47  }
0x34b: {  	v16 =	vor.u32 s31, v46;
	_ =	sdelay $0x1  }
0x34c: {  	v0 =	vadd.f32 v0, v9;
	_ =	sdelay $0x1  }
0x34d: {  	[tilespmem:v1+s10+$0x0] =	vst.idx.msk $0xffff, v0  }
0x34e: {  	v16 =	vld.idx.msk [tilespmem:v16+s10+$0x0], $0xffff;
	_ =	sdelay $0x1  }
0x34f: {  	s16 =	simm.s32 $0x80;
	v1 =	vor.u32 s18, v46  }
0x350: {  	v0 =	vor.u32 s16, v44;
	_ =	sdelay $0x1  }
0x351: {  	s17 =	simm.s32 $0x100;
	v16 =	vadd.f32 v16, v8  }
.LBB2_14:
0x352: {  	_ = 	snop  }
0x353: {  	p0 =	sne.s32 s17, $0xD00;
	s19 =	smov.u32 s17;
	s17 =	sadd.s32 $0x80, s17;
	[tilespmem:v1+s10+$0x0] =	vst.idx.msk $0xffff, v16  }
0x354: {  	v0 =	vld.idx.msk [tilespmem:v0+s10+$0x0], $0xffff;
	_ =	sdelay $0x1  }
0x355: {  	s18 =	sadd.s32 $0xD80, s16  }
0x356: {  	v1 =	vor.u32 s18, v44  }
0x357: {  	v16 =	vor.u32 s16, v39;
	_ =	sdelay $0x1  }
0x358: {  	v0 =	vadd.f32 v0, v15;
	_ =	sdelay $0x1  }
0x359: {  	[tilespmem:v1+s10+$0x0] =	vst.idx.msk $0xffff, v0  }
0x35a: {  	v0 =	vld.idx.msk [tilespmem:v16+s10+$0x0], $0xffff;
	_ =	sdelay $0x2  }
0x35b: {  	v1 =	vor.u32 s18, v39  }
0x35c: {  	v16 =	vor.u32 s16, v45;
	_ =	sdelay $0x1  }
0x35d: {  	v0 =	vadd.f32 v0, v14;
	_ =	sdelay $0x1  }
0x35e: {  	[tilespmem:v1+s10+$0x0] =	vst.idx.msk $0xffff, v0  }
0x35f: {  	v0 =	vld.idx.msk [tilespmem:v16+s10+$0x0], $0xffff;
	_ =	sdelay $0x2  }
0x360: {  	v1 =	vor.u32 s18, v45  }
0x361: {  	v16 =	vor.u32 s16, v2;
	_ =	sdelay $0x1  }
0x362: {  	v0 =	vadd.f32 v0, v13;
	_ =	sdelay $0x1  }
0x363: {  	[tilespmem:v1+s10+$0x0] =	vst.idx.msk $0xffff, v0  }
0x364: {  	v0 =	vld.idx.msk [tilespmem:v16+s10+$0x0], $0xffff;
	_ =	sdelay $0x2  }
0x365: {  	v1 =	vor.u32 s18, v2  }
0x366: {  	v16 =	vor.u32 s16, v59;
	_ =	sdelay $0x1  }
0x367: {  	v0 =	vadd.f32 v0, v12;
	_ =	sdelay $0x1  }
0x368: {  	[tilespmem:v1+s10+$0x0] =	vst.idx.msk $0xffff, v0  }
0x369: {  	v0 =	vld.idx.msk [tilespmem:v16+s10+$0x0], $0xffff;
	_ =	sdelay $0x2  }
0x36a: {  	v1 =	vor.u32 s18, v59  }
0x36b: {  	v16 =	vor.u32 s16, v49;
	_ =	sdelay $0x1  }
0x36c: {  	v0 =	vadd.f32 v0, v11;
	_ =	sdelay $0x1  }
0x36d: {  	[tilespmem:v1+s10+$0x0] =	vst.idx.msk $0xffff, v0  }
0x36e: {  	v0 =	vld.idx.msk [tilespmem:v16+s10+$0x0], $0xffff;
	_ =	sdelay $0x2  }
0x36f: {  	v1 =	vor.u32 s18, v49  }
0x370: {  	v16 =	vor.u32 s16, v47;
	_ =	sdelay $0x1  }
0x371: {  	v0 =	vadd.f32 v0, v10;
	_ =	sdelay $0x1  }
0x372: {  	[tilespmem:v1+s10+$0x0] =	vst.idx.msk $0xffff, v0  }
0x373: {  	v0 =	vld.idx.msk [tilespmem:v16+s10+$0x0], $0xffff;
	_ =	sdelay $0x2  }
0x374: {  	v1 =	vor.u32 s18, v47  }
0x375: {  	v16 =	vor.u32 s16, v46;
	s16 =	smov.u32 s19;
	_ =	sdelay $0x1  }
0x376: {  	v0 =	vadd.f32 v0, v9;
	_ =	sdelay $0x1  }
0x377: {  	[tilespmem:v1+s10+$0x0] =	vst.idx.msk $0xffff, v0  }
0x378: {  	v16 =	vld.idx.msk [tilespmem:v16+s10+$0x0], $0xffff;
	_ =	sdelay $0x1  }
.Ltmp8:
0x379: {  	(pc) =	sbr.rel @p0 .LBB2_14-.Ltmp8, $3  }
0x37a: {  	v1 =	vor.u32 s18, v46  }
0x37b: {  	v0 =	vor.u32 s16, v44;
	_ =	sdelay $0x1  }
0x37c: {  	v16 =	vadd.f32 v16, v8  }
0x37d: {  	_ =	sdelay $0x3  }
0x37e: {  	[tilespmem:v1+s10+$0x0] =	vst.idx.msk $0xffff, v16  }
0x37f: {  	v0 =	vld.idx.msk [tilespmem:v0+s10+$0x0], $0xffff  }
0x380: {  	s17 =	sadd.s32 $0xD80, s16  }
0x381: {  	v1 =	vor.u32 s17, v44  }
0x382: {  	v16 =	vor.u32 s16, v39;
	_ =	sdelay $0x1  }
0x383: {  	v0 =	vadd.f32 v0, v15;
	_ =	sdelay $0x1  }
0x384: {  	[tilespmem:v1+s10+$0x0] =	vst.idx.msk $0xffff, v0  }
0x385: {  	v0 =	vld.idx.msk [tilespmem:v16+s10+$0x0], $0xffff;
	_ =	sdelay $0x1  }
0x386: {  	v1 =	vor.u32 s17, v39  }
0x387: {  	v15 =	vor.u32 s16, v45;
	_ =	sdelay $0x1  }
0x388: {  	v0 =	vadd.f32 v0, v14;
	_ =	sdelay $0x1  }
0x389: {  	[tilespmem:v1+s10+$0x0] =	vst.idx.msk $0xffff, v0  }
0x38a: {  	v0 =	vld.idx.msk [tilespmem:v15+s10+$0x0], $0xffff;
	_ =	sdelay $0x1  }
0x38b: {  	v1 =	vor.u32 s17, v45  }
0x38c: {  	v14 =	vor.u32 s16, v2;
	_ =	sdelay $0x1  }
0x38d: {  	v0 =	vadd.f32 v0, v13;
	_ =	sdelay $0x1  }
0x38e: {  	[tilespmem:v1+s10+$0x0] =	vst.idx.msk $0xffff, v0  }
0x38f: {  	v0 =	vld.idx.msk [tilespmem:v14+s10+$0x0], $0xffff;
	_ =	sdelay $0x1  }
0x390: {  	v1 =	vor.u32 s17, v2  }
0x391: {  	v13 =	vor.u32 s16, v59;
	_ =	sdelay $0x1  }
0x392: {  	v0 =	vadd.f32 v0, v12;
	_ =	sdelay $0x1  }
0x393: {  	[tilespmem:v1+s10+$0x0] =	vst.idx.msk $0xffff, v0  }
0x394: {  	v0 =	vld.idx.msk [tilespmem:v13+s10+$0x0], $0xffff;
	_ =	sdelay $0x1  }
0x395: {  	v1 =	vor.u32 s17, v59  }
0x396: {  	v12 =	vor.u32 s16, v49;
	_ =	sdelay $0x1  }
0x397: {  	v0 =	vadd.f32 v0, v11;
	_ =	sdelay $0x1  }
0x398: {  	[tilespmem:v1+s10+$0x0] =	vst.idx.msk $0xffff, v0  }
0x399: {  	v0 =	vld.idx.msk [tilespmem:v12+s10+$0x0], $0xffff;
	_ =	sdelay $0x1  }
0x39a: {  	v1 =	vor.u32 s17, v49  }
0x39b: {  	v11 =	vor.u32 s16, v47;
	_ =	sdelay $0x1  }
0x39c: {  	v0 =	vadd.f32 v0, v10;
	_ =	sdelay $0x1  }
0x39d: {  	[tilespmem:v1+s10+$0x0] =	vst.idx.msk $0xffff, v0  }
0x39e: {  	v0 =	vld.idx.msk [tilespmem:v11+s10+$0x0], $0xffff;
	_ =	sdelay $0x1  }
0x39f: {  	v1 =	vor.u32 s17, v47  }
0x3a0: {  	v10 =	vor.u32 s16, v46;
	_ =	sdelay $0x1  }
0x3a1: {  	v0 =	vadd.f32 v0, v9;
	_ =	sdelay $0x1  }
0x3a2: {  	[tilespmem:v1+s10+$0x0] =	vst.idx.msk $0xffff, v0  }
0x3a3: {  	v0 =	vld.idx.msk [tilespmem:v10+s10+$0x0], $0xffff;
	_ =	sdelay $0x1  }
0x3a4: {  	v1 =	vor.u32 s17, v46  }
0x3a5: {  	s31 =	simm.s32 $0x0  }
0x3a6: {  	v15 =	vor.u32 s31, v44  }
0x3a7: {  	v0 =	vadd.f32 v0, v8;
	_ =	sdelay $0x1  }
0x3a8: {  	[tilespmem:v1+s10+$0x0] =	vst.idx.msk $0xffff, v0  }
0x3a9: {  	v0 =	vld [tilespmem:$0x480]  }
0x3aa: {  	v1 =	vld.idx.msk [tilespmem:v15+s10+$0x0], $0xffff  }
0x3ab: {  	v14 =	vld [tilespmem:$0x490]  }
0x3ac: {  	v13 =	vld [tilespmem:$0x4A0]  }
0x3ad: {  	v16 =	vor.u32 s31, v39;
	v12 =	vld [tilespmem:$0x4B0]  }
0x3ae: {  	v11 =	vld [tilespmem:$0x4C0]  }
0x3af: {  	v10 =	vld [tilespmem:$0x4D0];
	v1 =	vadd.f32 v1, v0  }
0x3b0: {  	v9 =	vld [tilespmem:$0x4E0]  }
0x3b1: {  	v8 =	vld [tilespmem:$0x4F0];
	[tilespmem:v15+s10+$0x0] =	vst.idx.msk $0xffff, v1  }
0x3b2: {  	v1 =	vld.idx.msk [tilespmem:v16+s10+$0x0], $0xffff;
	_ =	sdelay $0x2  }
0x3b3: {  	v15 =	vor.u32 s31, v45;
	_ =	sdelay $0x1  }
0x3b4: {  	v1 =	vadd.f32 v1, v14;
	_ =	sdelay $0x1  }
0x3b5: {  	[tilespmem:v16+s10+$0x0] =	vst.idx.msk $0xffff, v1  }
0x3b6: {  	v1 =	vld.idx.msk [tilespmem:v15+s10+$0x0], $0xffff;
	_ =	sdelay $0x2  }
0x3b7: {  	v16 =	vor.u32 s31, v2;
	_ =	sdelay $0x1  }
0x3b8: {  	v1 =	vadd.f32 v1, v13;
	_ =	sdelay $0x1  }
0x3b9: {  	[tilespmem:v15+s10+$0x0] =	vst.idx.msk $0xffff, v1  }
0x3ba: {  	v1 =	vld.idx.msk [tilespmem:v16+s10+$0x0], $0xffff;
	_ =	sdelay $0x2  }
0x3bb: {  	v15 =	vor.u32 s31, v59;
	_ =	sdelay $0x1  }
0x3bc: {  	v1 =	vadd.f32 v1, v12;
	_ =	sdelay $0x1  }
0x3bd: {  	[tilespmem:v16+s10+$0x0] =	vst.idx.msk $0xffff, v1  }
0x3be: {  	v1 =	vld.idx.msk [tilespmem:v15+s10+$0x0], $0xffff;
	_ =	sdelay $0x2  }
0x3bf: {  	v16 =	vor.u32 s31, v49;
	_ =	sdelay $0x1  }
0x3c0: {  	v1 =	vadd.f32 v1, v11;
	_ =	sdelay $0x1  }
0x3c1: {  	[tilespmem:v15+s10+$0x0] =	vst.idx.msk $0xffff, v1  }
0x3c2: {  	v1 =	vld.idx.msk [tilespmem:v16+s10+$0x0], $0xffff;
	_ =	sdelay $0x2  }
0x3c3: {  	v15 =	vor.u32 s31, v47;
	_ =	sdelay $0x1  }
0x3c4: {  	v1 =	vadd.f32 v1, v10;
	_ =	sdelay $0x1  }
0x3c5: {  	[tilespmem:v16+s10+$0x0] =	vst.idx.msk $0xffff, v1  }
0x3c6: {  	v16 =	vld.idx.msk [tilespmem:v15+s10+$0x0], $0xffff;
	_ =	sdelay $0x2  }
0x3c7: {  	v1 =	vor.u32 s31, v46;
	_ =	sdelay $0x1  }
0x3c8: {  	v16 =	vadd.f32 v16, v9;
	_ =	sdelay $0x1  }
0x3c9: {  	[tilespmem:v15+s10+$0x0] =	vst.idx.msk $0xffff, v16  }
0x3ca: {  	v16 =	vld.idx.msk [tilespmem:v1+s10+$0x0], $0xffff;
	_ =	sdelay $0x1  }
0x3cb: {  	s16 =	simm.s32 $0x80  }
0x3cc: {  	v15 =	vor.u32 s16, v44;
	_ =	sdelay $0x1  }
0x3cd: {  	s17 =	simm.s32 $0x100;
	v16 =	vadd.f32 v16, v8  }
.LBB2_16:
0x3ce: {  	_ = 	snop  }
0x3cf: {  	p0 =	sne.s32 s17, $0xD00;
	s18 =	smov.u32 s17;
	s17 =	sadd.s32 $0x80, s17;
	[tilespmem:v1+s10+$0x0] =	vst.idx.msk $0xffff, v16  }
0x3d0: {  	v1 =	vld.idx.msk [tilespmem:v15+s10+$0x0], $0xffff;
	_ =	sdelay $0x3  }
0x3d1: {  	v16 =	vor.u32 s16, v39;
	_ =	sdelay $0x1  }
0x3d2: {  	v1 =	vadd.f32 v1, v0;
	_ =	sdelay $0x1  }
0x3d3: {  	[tilespmem:v15+s10+$0x0] =	vst.idx.msk $0xffff, v1  }
0x3d4: {  	v1 =	vld.idx.msk [tilespmem:v16+s10+$0x0], $0xffff;
	_ =	sdelay $0x3  }
0x3d5: {  	v15 =	vor.u32 s16, v45;
	_ =	sdelay $0x1  }
0x3d6: {  	v1 =	vadd.f32 v1, v14;
	_ =	sdelay $0x1  }
0x3d7: {  	[tilespmem:v16+s10+$0x0] =	vst.idx.msk $0xffff, v1  }
0x3d8: {  	v1 =	vld.idx.msk [tilespmem:v15+s10+$0x0], $0xffff;
	_ =	sdelay $0x3  }
0x3d9: {  	v16 =	vor.u32 s16, v2;
	_ =	sdelay $0x1  }
0x3da: {  	v1 =	vadd.f32 v1, v13;
	_ =	sdelay $0x1  }
0x3db: {  	[tilespmem:v15+s10+$0x0] =	vst.idx.msk $0xffff, v1  }
0x3dc: {  	v1 =	vld.idx.msk [tilespmem:v16+s10+$0x0], $0xffff;
	_ =	sdelay $0x3  }
0x3dd: {  	v15 =	vor.u32 s16, v59;
	_ =	sdelay $0x1  }
0x3de: {  	v1 =	vadd.f32 v1, v12;
	_ =	sdelay $0x1  }
0x3df: {  	[tilespmem:v16+s10+$0x0] =	vst.idx.msk $0xffff, v1  }
0x3e0: {  	v1 =	vld.idx.msk [tilespmem:v15+s10+$0x0], $0xffff;
	_ =	sdelay $0x3  }
0x3e1: {  	v16 =	vor.u32 s16, v49;
	_ =	sdelay $0x1  }
0x3e2: {  	v1 =	vadd.f32 v1, v11;
	_ =	sdelay $0x1  }
0x3e3: {  	[tilespmem:v15+s10+$0x0] =	vst.idx.msk $0xffff, v1  }
0x3e4: {  	v1 =	vld.idx.msk [tilespmem:v16+s10+$0x0], $0xffff;
	_ =	sdelay $0x3  }
0x3e5: {  	v15 =	vor.u32 s16, v47;
	_ =	sdelay $0x1  }
0x3e6: {  	v1 =	vadd.f32 v1, v10;
	_ =	sdelay $0x1  }
0x3e7: {  	[tilespmem:v16+s10+$0x0] =	vst.idx.msk $0xffff, v1  }
0x3e8: {  	v16 =	vld.idx.msk [tilespmem:v15+s10+$0x0], $0xffff;
	_ =	sdelay $0x3  }
0x3e9: {  	v1 =	vor.u32 s16, v46;
	s16 =	smov.u32 s18;
	_ =	sdelay $0x1  }
0x3ea: {  	v16 =	vadd.f32 v16, v9;
	_ =	sdelay $0x1  }
0x3eb: {  	[tilespmem:v15+s10+$0x0] =	vst.idx.msk $0xffff, v16  }
0x3ec: {  	v16 =	vld.idx.msk [tilespmem:v1+s10+$0x0], $0xffff;
	_ =	sdelay $0x1  }
.Ltmp9:
0x3ed: {  	(pc) =	sbr.rel @p0 .LBB2_16-.Ltmp9, $3  }
0x3ee: {  	_ = 	snop  }
0x3ef: {  	v15 =	vor.u32 s16, v44;
	_ =	sdelay $0x1  }
0x3f0: {  	v16 =	vadd.f32 v16, v8  }
0x3f1: {  	_ =	sdelay $0x3  }
0x3f2: {  	[tilespmem:v1+s10+$0x0] =	vst.idx.msk $0xffff, v16  }
0x3f3: {  	v1 =	vld.idx.msk [tilespmem:v15+s10+$0x0], $0xffff;
	_ =	sdelay $0x2  }
0x3f4: {  	v61 =	vor.u32 s16, v39;
	_ =	sdelay $0x1  }
0x3f5: {  	v0 =	vadd.f32 v1, v0;
	_ =	sdelay $0x1  }
0x3f6: {  	[tilespmem:v15+s10+$0x0] =	vst.idx.msk $0xffff, v0  }
0x3f7: {  	v0 =	vld.idx.msk [tilespmem:v61+s10+$0x0], $0xffff;
	_ =	sdelay $0x2  }
0x3f8: {  	v1 =	vor.u32 s16, v45;
	_ =	sdelay $0x1  }
0x3f9: {  	v0 =	vadd.f32 v0, v14;
	_ =	sdelay $0x1  }
0x3fa: {  	[tilespmem:v61+s10+$0x0] =	vst.idx.msk $0xffff, v0  }
0x3fb: {  	v0 =	vld.idx.msk [tilespmem:v1+s10+$0x0], $0xffff;
	_ =	sdelay $0x2  }
0x3fc: {  	v62 =	vor.u32 s16, v2;
	_ =	sdelay $0x1  }
0x3fd: {  	v0 =	vadd.f32 v0, v13;
	_ =	sdelay $0x1  }
0x3fe: {  	[tilespmem:v1+s10+$0x0] =	vst.idx.msk $0xffff, v0  }
0x3ff: {  	v0 =	vld.idx.msk [tilespmem:v62+s10+$0x0], $0xffff;
	_ =	sdelay $0x2  }
0x400: {  	v1 =	vor.u32 s16, v59;
	_ =	sdelay $0x1  }
0x401: {  	v0 =	vadd.f32 v0, v12;
	_ =	sdelay $0x1  }
0x402: {  	[tilespmem:v62+s10+$0x0] =	vst.idx.msk $0xffff, v0  }
0x403: {  	v0 =	vld.idx.msk [tilespmem:v1+s10+$0x0], $0xffff;
	_ =	sdelay $0x2  }
0x404: {  	v63 =	vor.u32 s16, v49;
	_ =	sdelay $0x1  }
0x405: {  	v0 =	vadd.f32 v0, v11;
	_ =	sdelay $0x1  }
0x406: {  	[tilespmem:v1+s10+$0x0] =	vst.idx.msk $0xffff, v0  }
0x407: {  	v0 =	vld.idx.msk [tilespmem:v63+s10+$0x0], $0xffff;
	_ =	sdelay $0x2  }
0x408: {  	v1 =	vor.u32 s16, v47;
	_ =	sdelay $0x1  }
0x409: {  	v0 =	vadd.f32 v0, v10;
	_ =	sdelay $0x1  }
0x40a: {  	[tilespmem:v63+s10+$0x0] =	vst.idx.msk $0xffff, v0  }
0x40b: {  	v0 =	vld.idx.msk [tilespmem:v1+s10+$0x0], $0xffff;
	_ =	sdelay $0x2  }
0x40c: {  	v10 =	vor.u32 s16, v46;
	_ =	sdelay $0x1  }
0x40d: {  	v0 =	vadd.f32 v0, v9;
	_ =	sdelay $0x1  }
0x40e: {  	[tilespmem:v1+s10+$0x0] =	vst.idx.msk $0xffff, v0  }
0x40f: {  	v0 =	vld.idx.msk [tilespmem:v10+s10+$0x0], $0xffff;
	_ =	sdelay $0x2  }
0x410: {  	s31 =	simm.s32 $0x0  }
0x411: {  	v1 =	vor.u32 s31, v44  }
0x412: {  	v0 =	vadd.f32 v0, v8;
	_ =	sdelay $0x1  }
0x413: {  	[tilespmem:v10+s10+$0x0] =	vst.idx.msk $0xffff, v0  }
0x414: {  	v9 =	vld [tilespmem:$0x700]  }
0x415: {  	v0 =	vld.idx.msk [tilespmem:v1+s10+$0x0], $0xffff;
	_ =	sdelay $0x2  }
0x416: {  	s18 =	simm.s32 $0x5100;
	v8 =	vld [tilespmem:$0x710]  }
0x417: {  	v29 =	vld [tilespmem:$0x720];
	v1 =	vor.u32 s18, v44  }
0x418: {  	v10 =	vor.u32 s31, v39;
	v28 =	vld [tilespmem:$0x730];
	v0 =	vadd.f32 v0, v9  }
0x419: {  	v27 =	vld [tilespmem:$0x740]  }
0x41a: {  	v26 =	vld [tilespmem:$0x750];
	v0 =	vmul.f32 $1.111111120e-01, v0  }
0x41b: {  	v25 =	vld [tilespmem:$0x760]  }
0x41c: {  	v24 =	vld [tilespmem:$0x770];
	[tilespmem:v1+s10+$0x0] =	vst.idx.msk $0xffff, v0  }
0x41d: {  	v0 =	vld.idx.msk [tilespmem:v10+s10+$0x0], $0xffff;
	_ =	sdelay $0x3  }
0x41e: {  	v1 =	vor.u32 s18, v39  }
0x41f: {  	v10 =	vor.u32 s31, v45;
	v0 =	vadd.f32 v0, v8;
	_ =	sdelay $0x1  }
0x420: {  	v0 =	vmul.f32 $1.111111120e-01, v0;
	_ =	sdelay $0x1  }
0x421: {  	[tilespmem:v1+s10+$0x0] =	vst.idx.msk $0xffff, v0  }
0x422: {  	v0 =	vld.idx.msk [tilespmem:v10+s10+$0x0], $0xffff;
	_ =	sdelay $0x3  }
0x423: {  	v1 =	vor.u32 s18, v45  }
0x424: {  	v10 =	vor.u32 s31, v2;
	v0 =	vadd.f32 v0, v29;
	_ =	sdelay $0x1  }
0x425: {  	v0 =	vmul.f32 $1.111111120e-01, v0;
	_ =	sdelay $0x1  }
0x426: {  	[tilespmem:v1+s10+$0x0] =	vst.idx.msk $0xffff, v0  }
0x427: {  	v0 =	vld.idx.msk [tilespmem:v10+s10+$0x0], $0xffff;
	_ =	sdelay $0x3  }
0x428: {  	v1 =	vor.u32 s18, v2  }
0x429: {  	v10 =	vor.u32 s31, v59;
	v0 =	vadd.f32 v0, v28;
	_ =	sdelay $0x1  }
0x42a: {  	v0 =	vmul.f32 $1.111111120e-01, v0;
	_ =	sdelay $0x1  }
0x42b: {  	[tilespmem:v1+s10+$0x0] =	vst.idx.msk $0xffff, v0  }
0x42c: {  	v0 =	vld.idx.msk [tilespmem:v10+s10+$0x0], $0xffff;
	_ =	sdelay $0x3  }
0x42d: {  	v1 =	vor.u32 s18, v59  }
0x42e: {  	v10 =	vor.u32 s31, v49;
	v0 =	vadd.f32 v0, v27;
	_ =	sdelay $0x1  }
0x42f: {  	v0 =	vmul.f32 $1.111111120e-01, v0;
	_ =	sdelay $0x1  }
0x430: {  	[tilespmem:v1+s10+$0x0] =	vst.idx.msk $0xffff, v0  }
0x431: {  	v0 =	vld.idx.msk [tilespmem:v10+s10+$0x0], $0xffff;
	_ =	sdelay $0x3  }
0x432: {  	v1 =	vor.u32 s18, v49  }
0x433: {  	v10 =	vor.u32 s31, v47;
	v0 =	vadd.f32 v0, v26;
	_ =	sdelay $0x1  }
0x434: {  	v0 =	vmul.f32 $1.111111120e-01, v0;
	_ =	sdelay $0x1  }
0x435: {  	[tilespmem:v1+s10+$0x0] =	vst.idx.msk $0xffff, v0  }
0x436: {  	v0 =	vld.idx.msk [tilespmem:v10+s10+$0x0], $0xffff;
	_ =	sdelay $0x3  }
0x437: {  	v1 =	vor.u32 s18, v47  }
0x438: {  	v10 =	vor.u32 s31, v46;
	v0 =	vadd.f32 v0, v25;
	_ =	sdelay $0x1  }
0x439: {  	v0 =	vmul.f32 $1.111111120e-01, v0;
	_ =	sdelay $0x1  }
0x43a: {  	[tilespmem:v1+s10+$0x0] =	vst.idx.msk $0xffff, v0  }
0x43b: {  	v0 =	vld.idx.msk [tilespmem:v10+s10+$0x0], $0xffff;
	_ =	sdelay $0x3  }
0x43c: {  	s16 =	simm.s32 $0x80;
	v1 =	vor.u32 s18, v46  }
0x43d: {  	v10 =	vadd.f32 v0, v24;
	v0 =	vor.u32 s16, v44;
	_ =	sdelay $0x1  }
0x43e: {  	s17 =	simm.s32 $0x100;
	v10 =	vmul.f32 $1.111111120e-01, v10  }
.LBB2_18:
0x43f: {  	_ = 	snop  }
0x440: {  	p0 =	sne.s32 s17, $0x2800;
	s19 =	smov.u32 s17;
	s17 =	sadd.s32 $0x80, s17;
	[tilespmem:v1+s10+$0x0] =	vst.idx.msk $0xffff, v10  }
0x441: {  	v0 =	vld.idx.msk [tilespmem:v0+s10+$0x0], $0xffff;
	_ =	sdelay $0x3  }
0x442: {  	s18 =	sadd.s32 $0x5100, s16  }
0x443: {  	v1 =	vor.u32 s18, v44  }
0x444: {  	v10 =	vor.u32 s16, v39;
	v0 =	vadd.f32 v0, v9;
	_ =	sdelay $0x1  }
0x445: {  	v0 =	vmul.f32 $1.111111120e-01, v0;
	_ =	sdelay $0x1  }
0x446: {  	[tilespmem:v1+s10+$0x0] =	vst.idx.msk $0xffff, v0  }
0x447: {  	v0 =	vld.idx.msk [tilespmem:v10+s10+$0x0], $0xffff;
	_ =	sdelay $0x4  }
0x448: {  	v1 =	vor.u32 s18, v39  }
0x449: {  	v10 =	vor.u32 s16, v45;
	v0 =	vadd.f32 v0, v8;
	_ =	sdelay $0x1  }
0x44a: {  	v0 =	vmul.f32 $1.111111120e-01, v0;
	_ =	sdelay $0x1  }
0x44b: {  	[tilespmem:v1+s10+$0x0] =	vst.idx.msk $0xffff, v0  }
0x44c: {  	v0 =	vld.idx.msk [tilespmem:v10+s10+$0x0], $0xffff;
	_ =	sdelay $0x4  }
0x44d: {  	v1 =	vor.u32 s18, v45  }
0x44e: {  	v10 =	vor.u32 s16, v2;
	v0 =	vadd.f32 v0, v29;
	_ =	sdelay $0x1  }
0x44f: {  	v0 =	vmul.f32 $1.111111120e-01, v0;
	_ =	sdelay $0x1  }
0x450: {  	[tilespmem:v1+s10+$0x0] =	vst.idx.msk $0xffff, v0  }
0x451: {  	v0 =	vld.idx.msk [tilespmem:v10+s10+$0x0], $0xffff;
	_ =	sdelay $0x4  }
0x452: {  	v1 =	vor.u32 s18, v2  }
0x453: {  	v10 =	vor.u32 s16, v59;
	v0 =	vadd.f32 v0, v28;
	_ =	sdelay $0x1  }
0x454: {  	v0 =	vmul.f32 $1.111111120e-01, v0;
	_ =	sdelay $0x1  }
0x455: {  	[tilespmem:v1+s10+$0x0] =	vst.idx.msk $0xffff, v0  }
0x456: {  	v0 =	vld.idx.msk [tilespmem:v10+s10+$0x0], $0xffff;
	_ =	sdelay $0x4  }
0x457: {  	v1 =	vor.u32 s18, v59  }
0x458: {  	v10 =	vor.u32 s16, v49;
	v0 =	vadd.f32 v0, v27;
	_ =	sdelay $0x1  }
0x459: {  	v0 =	vmul.f32 $1.111111120e-01, v0;
	_ =	sdelay $0x1  }
0x45a: {  	[tilespmem:v1+s10+$0x0] =	vst.idx.msk $0xffff, v0  }
0x45b: {  	v0 =	vld.idx.msk [tilespmem:v10+s10+$0x0], $0xffff;
	_ =	sdelay $0x4  }
0x45c: {  	v1 =	vor.u32 s18, v49  }
0x45d: {  	v10 =	vor.u32 s16, v47;
	v0 =	vadd.f32 v0, v26;
	_ =	sdelay $0x1  }
0x45e: {  	v0 =	vmul.f32 $1.111111120e-01, v0;
	_ =	sdelay $0x1  }
0x45f: {  	[tilespmem:v1+s10+$0x0] =	vst.idx.msk $0xffff, v0  }
0x460: {  	v0 =	vld.idx.msk [tilespmem:v10+s10+$0x0], $0xffff;
	_ =	sdelay $0x4  }
0x461: {  	v1 =	vor.u32 s18, v47  }
0x462: {  	v10 =	vor.u32 s16, v46;
	s16 =	smov.u32 s19;
	v0 =	vadd.f32 v0, v25;
	_ =	sdelay $0x1  }
0x463: {  	v0 =	vmul.f32 $1.111111120e-01, v0;
	_ =	sdelay $0x1  }
0x464: {  	[tilespmem:v1+s10+$0x0] =	vst.idx.msk $0xffff, v0  }
0x465: {  	v10 =	vld.idx.msk [tilespmem:v10+s10+$0x0], $0xffff;
	_ =	sdelay $0x3  }
.Ltmp10:
0x466: {  	(pc) =	sbr.rel @p0 .LBB2_18-.Ltmp10, $3  }
0x467: {  	v1 =	vor.u32 s18, v46  }
0x468: {  	v0 =	vor.u32 s16, v44;
	v10 =	vadd.f32 v10, v24;
	_ =	sdelay $0x1  }
0x469: {  	v10 =	vmul.f32 $1.111111120e-01, v10  }
0x46a: {  	_ =	sdelay $0x3  }
0x46b: {  	[tilespmem:v1+s10+$0x0] =	vst.idx.msk $0xffff, v10  }
0x46c: {  	v0 =	vld.idx.msk [tilespmem:v0+s10+$0x0], $0xffff;
	_ =	sdelay $0x2  }
0x46d: {  	s17 =	sadd.s32 $0x5100, s16  }
0x46e: {  	v1 =	vor.u32 s17, v44  }
0x46f: {  	v0 =	vadd.f32 v0, v9;
	v9 =	vor.u32 s16, v39;
	_ =	sdelay $0x1  }
0x470: {  	v0 =	vmul.f32 $1.111111120e-01, v0;
	_ =	sdelay $0x1  }
0x471: {  	[tilespmem:v1+s10+$0x0] =	vst.idx.msk $0xffff, v0  }
0x472: {  	v0 =	vld.idx.msk [tilespmem:v9+s10+$0x0], $0xffff;
	_ =	sdelay $0x3  }
0x473: {  	v1 =	vor.u32 s17, v39  }
0x474: {  	v0 =	vadd.f32 v0, v8;
	v8 =	vor.u32 s16, v45;
	_ =	sdelay $0x1  }
0x475: {  	v0 =	vmul.f32 $1.111111120e-01, v0;
	_ =	sdelay $0x1  }
0x476: {  	[tilespmem:v1+s10+$0x0] =	vst.idx.msk $0xffff, v0  }
0x477: {  	v0 =	vld.idx.msk [tilespmem:v8+s10+$0x0], $0xffff;
	_ =	sdelay $0x3  }
0x478: {  	v1 =	vor.u32 s17, v45  }
0x479: {  	v8 =	vor.u32 s16, v2;
	v0 =	vadd.f32 v0, v29;
	_ =	sdelay $0x1  }
0x47a: {  	v0 =	vmul.f32 $1.111111120e-01, v0;
	_ =	sdelay $0x1  }
0x47b: {  	[tilespmem:v1+s10+$0x0] =	vst.idx.msk $0xffff, v0  }
0x47c: {  	v0 =	vld.idx.msk [tilespmem:v8+s10+$0x0], $0xffff;
	_ =	sdelay $0x3  }
0x47d: {  	v1 =	vor.u32 s17, v2  }
0x47e: {  	v8 =	vor.u32 s16, v59;
	v0 =	vadd.f32 v0, v28;
	_ =	sdelay $0x1  }
0x47f: {  	v0 =	vmul.f32 $1.111111120e-01, v0;
	_ =	sdelay $0x1  }
0x480: {  	[tilespmem:v1+s10+$0x0] =	vst.idx.msk $0xffff, v0  }
0x481: {  	v0 =	vld.idx.msk [tilespmem:v8+s10+$0x0], $0xffff;
	_ =	sdelay $0x3  }
0x482: {  	v1 =	vor.u32 s17, v59  }
0x483: {  	v8 =	vor.u32 s16, v49;
	v0 =	vadd.f32 v0, v27;
	_ =	sdelay $0x1  }
0x484: {  	v0 =	vmul.f32 $1.111111120e-01, v0;
	_ =	sdelay $0x1  }
0x485: {  	[tilespmem:v1+s10+$0x0] =	vst.idx.msk $0xffff, v0  }
0x486: {  	v0 =	vld.idx.msk [tilespmem:v8+s10+$0x0], $0xffff;
	_ =	sdelay $0x3  }
0x487: {  	v1 =	vor.u32 s17, v49  }
0x488: {  	v8 =	vor.u32 s16, v47;
	v0 =	vadd.f32 v0, v26;
	_ =	sdelay $0x1  }
0x489: {  	v0 =	vmul.f32 $1.111111120e-01, v0;
	_ =	sdelay $0x1  }
0x48a: {  	[tilespmem:v1+s10+$0x0] =	vst.idx.msk $0xffff, v0  }
0x48b: {  	v0 =	vld.idx.msk [tilespmem:v8+s10+$0x0], $0xffff;
	_ =	sdelay $0x3  }
0x48c: {  	v1 =	vor.u32 s17, v47  }
0x48d: {  	v8 =	vor.u32 s16, v46;
	v0 =	vadd.f32 v0, v25;
	_ =	sdelay $0x1  }
0x48e: {  	v0 =	vmul.f32 $1.111111120e-01, v0;
	_ =	sdelay $0x1  }
0x48f: {  	[tilespmem:v1+s10+$0x0] =	vst.idx.msk $0xffff, v0  }
0x490: {  	v0 =	vld.idx.msk [tilespmem:v8+s10+$0x0], $0xffff;
	_ =	sdelay $0x3  }
0x491: {  	v1 =	vor.u32 s17, v46  }
0x492: {  	s31 =	simm.s32 $0x0;
	v0 =	vadd.f32 v0, v24  }
0x493: {  	v8 =	vor.u32 s31, v44  }
0x494: {  	v0 =	vmul.f32 $1.111111120e-01, v0;
	_ =	sdelay $0x1  }
0x495: {  	[tilespmem:v1+s10+$0x0] =	vst.idx.msk $0xffff, v0  }
0x496: {  	v9 =	vld [tilespmem:$0x680]  }
0x497: {  	v0 =	vld.idx.msk [tilespmem:v8+s10+$0x0], $0xffff;
	_ =	sdelay $0x2  }
0x498: {  	s18 =	simm.s32 $0x2880;
	v8 =	vld [tilespmem:$0x690]  }
0x499: {  	v1 =	vor.u32 s18, v44;
	v29 =	vld [tilespmem:$0x6A0]  }
0x49a: {  	v10 =	vor.u32 s31, v39;
	v28 =	vld [tilespmem:$0x6B0];
	v0 =	vadd.f32 v0, v9  }
0x49b: {  	v27 =	vld [tilespmem:$0x6C0]  }
0x49c: {  	v26 =	vld [tilespmem:$0x6D0];
	v0 =	vmul.f32 $1.111111120e-01, v0  }
0x49d: {  	v25 =	vld [tilespmem:$0x6E0]  }
0x49e: {  	v24 =	vld [tilespmem:$0x6F0];
	[tilespmem:v1+s10+$0x0] =	vst.idx.msk $0xffff, v0  }
0x49f: {  	v0 =	vld.idx.msk [tilespmem:v10+s10+$0x0], $0xffff;
	_ =	sdelay $0x3  }
0x4a0: {  	v1 =	vor.u32 s18, v39  }
0x4a1: {  	v10 =	vor.u32 s31, v45;
	v0 =	vadd.f32 v0, v8;
	_ =	sdelay $0x1  }
0x4a2: {  	v0 =	vmul.f32 $1.111111120e-01, v0;
	_ =	sdelay $0x1  }
0x4a3: {  	[tilespmem:v1+s10+$0x0] =	vst.idx.msk $0xffff, v0  }
0x4a4: {  	v0 =	vld.idx.msk [tilespmem:v10+s10+$0x0], $0xffff;
	_ =	sdelay $0x3  }
0x4a5: {  	v1 =	vor.u32 s18, v45  }
0x4a6: {  	v10 =	vor.u32 s31, v2;
	v0 =	vadd.f32 v0, v29;
	_ =	sdelay $0x1  }
0x4a7: {  	v0 =	vmul.f32 $1.111111120e-01, v0;
	_ =	sdelay $0x1  }
0x4a8: {  	[tilespmem:v1+s10+$0x0] =	vst.idx.msk $0xffff, v0  }
0x4a9: {  	v0 =	vld.idx.msk [tilespmem:v10+s10+$0x0], $0xffff;
	_ =	sdelay $0x3  }
0x4aa: {  	v1 =	vor.u32 s18, v2  }
0x4ab: {  	v10 =	vor.u32 s31, v59;
	v0 =	vadd.f32 v0, v28;
	_ =	sdelay $0x1  }
0x4ac: {  	v0 =	vmul.f32 $1.111111120e-01, v0;
	_ =	sdelay $0x1  }
0x4ad: {  	[tilespmem:v1+s10+$0x0] =	vst.idx.msk $0xffff, v0  }
0x4ae: {  	v0 =	vld.idx.msk [tilespmem:v10+s10+$0x0], $0xffff;
	_ =	sdelay $0x3  }
0x4af: {  	v1 =	vor.u32 s18, v59  }
0x4b0: {  	v10 =	vor.u32 s31, v49;
	v0 =	vadd.f32 v0, v27;
	_ =	sdelay $0x1  }
0x4b1: {  	v0 =	vmul.f32 $1.111111120e-01, v0;
	_ =	sdelay $0x1  }
0x4b2: {  	[tilespmem:v1+s10+$0x0] =	vst.idx.msk $0xffff, v0  }
0x4b3: {  	v0 =	vld.idx.msk [tilespmem:v10+s10+$0x0], $0xffff;
	_ =	sdelay $0x3  }
0x4b4: {  	v1 =	vor.u32 s18, v49  }
0x4b5: {  	v10 =	vor.u32 s31, v47;
	v0 =	vadd.f32 v0, v26;
	_ =	sdelay $0x1  }
0x4b6: {  	v0 =	vmul.f32 $1.111111120e-01, v0;
	_ =	sdelay $0x1  }
0x4b7: {  	[tilespmem:v1+s10+$0x0] =	vst.idx.msk $0xffff, v0  }
0x4b8: {  	v0 =	vld.idx.msk [tilespmem:v10+s10+$0x0], $0xffff;
	_ =	sdelay $0x3  }
0x4b9: {  	v1 =	vor.u32 s18, v47  }
0x4ba: {  	v10 =	vor.u32 s31, v46;
	v0 =	vadd.f32 v0, v25;
	_ =	sdelay $0x1  }
0x4bb: {  	v0 =	vmul.f32 $1.111111120e-01, v0;
	_ =	sdelay $0x1  }
0x4bc: {  	[tilespmem:v1+s10+$0x0] =	vst.idx.msk $0xffff, v0  }
0x4bd: {  	v0 =	vld.idx.msk [tilespmem:v10+s10+$0x0], $0xffff;
	_ =	sdelay $0x3  }
0x4be: {  	s16 =	simm.s32 $0x80;
	v1 =	vor.u32 s18, v46  }
0x4bf: {  	v10 =	vadd.f32 v0, v24;
	v0 =	vor.u32 s16, v44;
	_ =	sdelay $0x1  }
0x4c0: {  	s17 =	simm.s32 $0x100;
	v10 =	vmul.f32 $1.111111120e-01, v10  }
.LBB2_20:
0x4c1: {  	_ = 	snop  }
0x4c2: {  	p0 =	sne.s32 s17, $0x2800;
	s19 =	smov.u32 s17;
	s17 =	sadd.s32 $0x80, s17;
	[tilespmem:v1+s10+$0x0] =	vst.idx.msk $0xffff, v10  }
0x4c3: {  	v0 =	vld.idx.msk [tilespmem:v0+s10+$0x0], $0xffff;
	_ =	sdelay $0x3  }
0x4c4: {  	s18 =	sadd.s32 $0x2880, s16  }
0x4c5: {  	v1 =	vor.u32 s18, v44  }
0x4c6: {  	v10 =	vor.u32 s16, v39;
	v0 =	vadd.f32 v0, v9;
	_ =	sdelay $0x1  }
0x4c7: {  	v0 =	vmul.f32 $1.111111120e-01, v0;
	_ =	sdelay $0x1  }
0x4c8: {  	[tilespmem:v1+s10+$0x0] =	vst.idx.msk $0xffff, v0  }
0x4c9: {  	v0 =	vld.idx.msk [tilespmem:v10+s10+$0x0], $0xffff;
	_ =	sdelay $0x4  }
0x4ca: {  	v1 =	vor.u32 s18, v39  }
0x4cb: {  	v10 =	vor.u32 s16, v45;
	v0 =	vadd.f32 v0, v8;
	_ =	sdelay $0x1  }
0x4cc: {  	v0 =	vmul.f32 $1.111111120e-01, v0;
	_ =	sdelay $0x1  }
0x4cd: {  	[tilespmem:v1+s10+$0x0] =	vst.idx.msk $0xffff, v0  }
0x4ce: {  	v0 =	vld.idx.msk [tilespmem:v10+s10+$0x0], $0xffff;
	_ =	sdelay $0x4  }
0x4cf: {  	v1 =	vor.u32 s18, v45  }
0x4d0: {  	v10 =	vor.u32 s16, v2;
	v0 =	vadd.f32 v0, v29;
	_ =	sdelay $0x1  }
0x4d1: {  	v0 =	vmul.f32 $1.111111120e-01, v0;
	_ =	sdelay $0x1  }
0x4d2: {  	[tilespmem:v1+s10+$0x0] =	vst.idx.msk $0xffff, v0  }
0x4d3: {  	v0 =	vld.idx.msk [tilespmem:v10+s10+$0x0], $0xffff;
	_ =	sdelay $0x4  }
0x4d4: {  	v1 =	vor.u32 s18, v2  }
0x4d5: {  	v10 =	vor.u32 s16, v59;
	v0 =	vadd.f32 v0, v28;
	_ =	sdelay $0x1  }
0x4d6: {  	v0 =	vmul.f32 $1.111111120e-01, v0;
	_ =	sdelay $0x1  }
0x4d7: {  	[tilespmem:v1+s10+$0x0] =	vst.idx.msk $0xffff, v0  }
0x4d8: {  	v0 =	vld.idx.msk [tilespmem:v10+s10+$0x0], $0xffff;
	_ =	sdelay $0x4  }
0x4d9: {  	v1 =	vor.u32 s18, v59  }
0x4da: {  	v10 =	vor.u32 s16, v49;
	v0 =	vadd.f32 v0, v27;
	_ =	sdelay $0x1  }
0x4db: {  	v0 =	vmul.f32 $1.111111120e-01, v0;
	_ =	sdelay $0x1  }
0x4dc: {  	[tilespmem:v1+s10+$0x0] =	vst.idx.msk $0xffff, v0  }
0x4dd: {  	v0 =	vld.idx.msk [tilespmem:v10+s10+$0x0], $0xffff;
	_ =	sdelay $0x4  }
0x4de: {  	v1 =	vor.u32 s18, v49  }
0x4df: {  	v10 =	vor.u32 s16, v47;
	v0 =	vadd.f32 v0, v26;
	_ =	sdelay $0x1  }
0x4e0: {  	v0 =	vmul.f32 $1.111111120e-01, v0;
	_ =	sdelay $0x1  }
0x4e1: {  	[tilespmem:v1+s10+$0x0] =	vst.idx.msk $0xffff, v0  }
0x4e2: {  	v0 =	vld.idx.msk [tilespmem:v10+s10+$0x0], $0xffff;
	_ =	sdelay $0x4  }
0x4e3: {  	v1 =	vor.u32 s18, v47  }
0x4e4: {  	v10 =	vor.u32 s16, v46;
	s16 =	smov.u32 s19;
	v0 =	vadd.f32 v0, v25;
	_ =	sdelay $0x1  }
0x4e5: {  	v0 =	vmul.f32 $1.111111120e-01, v0;
	_ =	sdelay $0x1  }
0x4e6: {  	[tilespmem:v1+s10+$0x0] =	vst.idx.msk $0xffff, v0  }
0x4e7: {  	v10 =	vld.idx.msk [tilespmem:v10+s10+$0x0], $0xffff;
	_ =	sdelay $0x3  }
.Ltmp11:
0x4e8: {  	(pc) =	sbr.rel @p0 .LBB2_20-.Ltmp11, $3  }
0x4e9: {  	v1 =	vor.u32 s18, v46  }
0x4ea: {  	v0 =	vor.u32 s16, v44;
	v10 =	vadd.f32 v10, v24;
	_ =	sdelay $0x1  }
0x4eb: {  	v10 =	vmul.f32 $1.111111120e-01, v10  }
0x4ec: {  	_ =	sdelay $0x3  }
0x4ed: {  	[tilespmem:v1+s10+$0x0] =	vst.idx.msk $0xffff, v10  }
0x4ee: {  	v0 =	vld.idx.msk [tilespmem:v0+s10+$0x0], $0xffff;
	_ =	sdelay $0x2  }
0x4ef: {  	s17 =	sadd.s32 $0x2880, s16  }
0x4f0: {  	v1 =	vor.u32 s17, v44  }
0x4f1: {  	v0 =	vadd.f32 v0, v9;
	v9 =	vor.u32 s16, v39;
	_ =	sdelay $0x1  }
0x4f2: {  	v0 =	vmul.f32 $1.111111120e-01, v0;
	_ =	sdelay $0x1  }
0x4f3: {  	[tilespmem:v1+s10+$0x0] =	vst.idx.msk $0xffff, v0  }
0x4f4: {  	v0 =	vld.idx.msk [tilespmem:v9+s10+$0x0], $0xffff;
	_ =	sdelay $0x3  }
0x4f5: {  	v1 =	vor.u32 s17, v39  }
0x4f6: {  	v0 =	vadd.f32 v0, v8;
	v8 =	vor.u32 s16, v45;
	_ =	sdelay $0x1  }
0x4f7: {  	v0 =	vmul.f32 $1.111111120e-01, v0;
	_ =	sdelay $0x1  }
0x4f8: {  	[tilespmem:v1+s10+$0x0] =	vst.idx.msk $0xffff, v0  }
0x4f9: {  	v0 =	vld.idx.msk [tilespmem:v8+s10+$0x0], $0xffff;
	_ =	sdelay $0x3  }
0x4fa: {  	v1 =	vor.u32 s17, v45  }
0x4fb: {  	v8 =	vor.u32 s16, v2;
	v0 =	vadd.f32 v0, v29;
	_ =	sdelay $0x1  }
0x4fc: {  	v0 =	vmul.f32 $1.111111120e-01, v0;
	_ =	sdelay $0x1  }
0x4fd: {  	[tilespmem:v1+s10+$0x0] =	vst.idx.msk $0xffff, v0  }
0x4fe: {  	v0 =	vld.idx.msk [tilespmem:v8+s10+$0x0], $0xffff;
	_ =	sdelay $0x3  }
0x4ff: {  	v1 =	vor.u32 s17, v2  }
0x500: {  	v8 =	vor.u32 s16, v59;
	v0 =	vadd.f32 v0, v28;
	_ =	sdelay $0x1  }
0x501: {  	v0 =	vmul.f32 $1.111111120e-01, v0;
	_ =	sdelay $0x1  }
0x502: {  	[tilespmem:v1+s10+$0x0] =	vst.idx.msk $0xffff, v0  }
0x503: {  	v0 =	vld.idx.msk [tilespmem:v8+s10+$0x0], $0xffff;
	_ =	sdelay $0x3  }
0x504: {  	v1 =	vor.u32 s17, v59  }
0x505: {  	v8 =	vor.u32 s16, v49;
	v0 =	vadd.f32 v0, v27;
	_ =	sdelay $0x1  }
0x506: {  	v0 =	vmul.f32 $1.111111120e-01, v0;
	_ =	sdelay $0x1  }
0x507: {  	[tilespmem:v1+s10+$0x0] =	vst.idx.msk $0xffff, v0  }
0x508: {  	v0 =	vld.idx.msk [tilespmem:v8+s10+$0x0], $0xffff;
	_ =	sdelay $0x3  }
0x509: {  	v1 =	vor.u32 s17, v49  }
0x50a: {  	v8 =	vor.u32 s16, v47;
	v0 =	vadd.f32 v0, v26;
	_ =	sdelay $0x1  }
0x50b: {  	v0 =	vmul.f32 $1.111111120e-01, v0;
	_ =	sdelay $0x1  }
0x50c: {  	[tilespmem:v1+s10+$0x0] =	vst.idx.msk $0xffff, v0  }
0x50d: {  	v0 =	vld.idx.msk [tilespmem:v8+s10+$0x0], $0xffff;
	_ =	sdelay $0x3  }
0x50e: {  	v1 =	vor.u32 s17, v47  }
0x50f: {  	v8 =	vor.u32 s16, v46;
	v0 =	vadd.f32 v0, v25;
	_ =	sdelay $0x1  }
0x510: {  	v0 =	vmul.f32 $1.111111120e-01, v0;
	_ =	sdelay $0x1  }
0x511: {  	[tilespmem:v1+s10+$0x0] =	vst.idx.msk $0xffff, v0  }
0x512: {  	v0 =	vld.idx.msk [tilespmem:v8+s10+$0x0], $0xffff;
	_ =	sdelay $0x3  }
0x513: {  	v1 =	vor.u32 s17, v46  }
0x514: {  	s31 =	simm.s32 $0x0;
	v0 =	vadd.f32 v0, v24  }
0x515: {  	v15 =	vor.u32 s31, v44  }
0x516: {  	v0 =	vmul.f32 $1.111111120e-01, v0;
	_ =	sdelay $0x1  }
0x517: {  	[tilespmem:v1+s10+$0x0] =	vst.idx.msk $0xffff, v0  }
0x518: {  	v14 =	vld [tilespmem:$0x600]  }
0x519: {  	v0 =	vld.idx.msk [tilespmem:v15+s10+$0x0], $0xffff;
	_ =	sdelay $0x2  }
0x51a: {  	v13 =	vld [tilespmem:$0x610]  }
0x51b: {  	v12 =	vld [tilespmem:$0x620]  }
0x51c: {  	v1 =	vor.u32 s31, v39;
	v11 =	vld [tilespmem:$0x630];
	v0 =	vadd.f32 v0, v14  }
0x51d: {  	v24 =	vld [tilespmem:$0x640]  }
0x51e: {  	v10 =	vld [tilespmem:$0x650];
	v0 =	vmul.f32 $1.111111120e-01, v0  }
0x51f: {  	v9 =	vld [tilespmem:$0x660]  }
0x520: {  	v8 =	vld [tilespmem:$0x670];
	[tilespmem:v15+s10+$0x0] =	vst.idx.msk $0xffff, v0  }
0x521: {  	v0 =	vld.idx.msk [tilespmem:v1+s10+$0x0], $0xffff;
	_ =	sdelay $0x4  }
0x522: {  	v15 =	vor.u32 s31, v45;
	v0 =	vadd.f32 v0, v13;
	_ =	sdelay $0x1  }
0x523: {  	v0 =	vmul.f32 $1.111111120e-01, v0;
	_ =	sdelay $0x1  }
0x524: {  	[tilespmem:v1+s10+$0x0] =	vst.idx.msk $0xffff, v0  }
0x525: {  	v0 =	vld.idx.msk [tilespmem:v15+s10+$0x0], $0xffff;
	_ =	sdelay $0x4  }
0x526: {  	v1 =	vor.u32 s31, v2;
	v0 =	vadd.f32 v0, v12;
	_ =	sdelay $0x1  }
0x527: {  	v0 =	vmul.f32 $1.111111120e-01, v0;
	_ =	sdelay $0x1  }
0x528: {  	[tilespmem:v15+s10+$0x0] =	vst.idx.msk $0xffff, v0  }
0x529: {  	v0 =	vld.idx.msk [tilespmem:v1+s10+$0x0], $0xffff;
	_ =	sdelay $0x4  }
0x52a: {  	v15 =	vor.u32 s31, v59;
	v0 =	vadd.f32 v0, v11;
	_ =	sdelay $0x1  }
0x52b: {  	v0 =	vmul.f32 $1.111111120e-01, v0;
	_ =	sdelay $0x1  }
0x52c: {  	[tilespmem:v1+s10+$0x0] =	vst.idx.msk $0xffff, v0  }
0x52d: {  	v0 =	vld.idx.msk [tilespmem:v15+s10+$0x0], $0xffff;
	_ =	sdelay $0x4  }
0x52e: {  	v1 =	vor.u32 s31, v49;
	v0 =	vadd.f32 v0, v24;
	_ =	sdelay $0x1  }
0x52f: {  	v0 =	vmul.f32 $1.111111120e-01, v0;
	_ =	sdelay $0x1  }
0x530: {  	[tilespmem:v15+s10+$0x0] =	vst.idx.msk $0xffff, v0  }
0x531: {  	v0 =	vld.idx.msk [tilespmem:v1+s10+$0x0], $0xffff;
	_ =	sdelay $0x4  }
0x532: {  	v15 =	vor.u32 s31, v47;
	v0 =	vadd.f32 v0, v10;
	_ =	sdelay $0x1  }
0x533: {  	v0 =	vmul.f32 $1.111111120e-01, v0;
	_ =	sdelay $0x1  }
0x534: {  	[tilespmem:v1+s10+$0x0] =	vst.idx.msk $0xffff, v0  }
0x535: {  	v0 =	vld.idx.msk [tilespmem:v15+s10+$0x0], $0xffff;
	_ =	sdelay $0x4  }
0x536: {  	v1 =	vadd.f32 v0, v9;
	v0 =	vor.u32 s31, v46;
	_ =	sdelay $0x1  }
0x537: {  	v1 =	vmul.f32 $1.111111120e-01, v1;
	_ =	sdelay $0x1  }
0x538: {  	[tilespmem:v15+s10+$0x0] =	vst.idx.msk $0xffff, v1  }
0x539: {  	v1 =	vld.idx.msk [tilespmem:v0+s10+$0x0], $0xffff;
	_ =	sdelay $0x3  }
0x53a: {  	s16 =	simm.s32 $0x80  }
0x53b: {  	v15 =	vadd.f32 v1, v8;
	v1 =	vor.u32 s16, v44;
	_ =	sdelay $0x1  }
0x53c: {  	s17 =	simm.s32 $0x100;
	v15 =	vmul.f32 $1.111111120e-01, v15  }
.LBB2_22:
0x53d: {  	_ = 	snop  }
0x53e: {  	p0 =	sne.s32 s17, $0x2800;
	s18 =	smov.u32 s17;
	s17 =	sadd.s32 $0x80, s17;
	[tilespmem:v0+s10+$0x0] =	vst.idx.msk $0xffff, v15  }
0x53f: {  	v0 =	vld.idx.msk [tilespmem:v1+s10+$0x0], $0xffff;
	_ =	sdelay $0x5  }
0x540: {  	v15 =	vor.u32 s16, v39;
	v0 =	vadd.f32 v0, v14;
	_ =	sdelay $0x1  }
0x541: {  	v0 =	vmul.f32 $1.111111120e-01, v0;
	_ =	sdelay $0x1  }
0x542: {  	[tilespmem:v1+s10+$0x0] =	vst.idx.msk $0xffff, v0  }
0x543: {  	v0 =	vld.idx.msk [tilespmem:v15+s10+$0x0], $0xffff;
	_ =	sdelay $0x5  }
0x544: {  	v1 =	vor.u32 s16, v45;
	v0 =	vadd.f32 v0, v13;
	_ =	sdelay $0x1  }
0x545: {  	v0 =	vmul.f32 $1.111111120e-01, v0;
	_ =	sdelay $0x1  }
0x546: {  	[tilespmem:v15+s10+$0x0] =	vst.idx.msk $0xffff, v0  }
0x547: {  	v0 =	vld.idx.msk [tilespmem:v1+s10+$0x0], $0xffff;
	_ =	sdelay $0x5  }
0x548: {  	v15 =	vor.u32 s16, v2;
	v0 =	vadd.f32 v0, v12;
	_ =	sdelay $0x1  }
0x549: {  	v0 =	vmul.f32 $1.111111120e-01, v0;
	_ =	sdelay $0x1  }
0x54a: {  	[tilespmem:v1+s10+$0x0] =	vst.idx.msk $0xffff, v0  }
0x54b: {  	v0 =	vld.idx.msk [tilespmem:v15+s10+$0x0], $0xffff;
	_ =	sdelay $0x5  }
0x54c: {  	v1 =	vor.u32 s16, v59;
	v0 =	vadd.f32 v0, v11;
	_ =	sdelay $0x1  }
0x54d: {  	v0 =	vmul.f32 $1.111111120e-01, v0;
	_ =	sdelay $0x1  }
0x54e: {  	[tilespmem:v15+s10+$0x0] =	vst.idx.msk $0xffff, v0  }
0x54f: {  	v0 =	vld.idx.msk [tilespmem:v1+s10+$0x0], $0xffff;
	_ =	sdelay $0x5  }
0x550: {  	v15 =	vor.u32 s16, v49;
	v0 =	vadd.f32 v0, v24;
	_ =	sdelay $0x1  }
0x551: {  	v0 =	vmul.f32 $1.111111120e-01, v0;
	_ =	sdelay $0x1  }
0x552: {  	[tilespmem:v1+s10+$0x0] =	vst.idx.msk $0xffff, v0  }
0x553: {  	v0 =	vld.idx.msk [tilespmem:v15+s10+$0x0], $0xffff;
	_ =	sdelay $0x5  }
0x554: {  	v1 =	vor.u32 s16, v47;
	v0 =	vadd.f32 v0, v10;
	_ =	sdelay $0x1  }
0x555: {  	v0 =	vmul.f32 $1.111111120e-01, v0;
	_ =	sdelay $0x1  }
0x556: {  	[tilespmem:v15+s10+$0x0] =	vst.idx.msk $0xffff, v0  }
0x557: {  	v0 =	vld.idx.msk [tilespmem:v1+s10+$0x0], $0xffff;
	_ =	sdelay $0x5  }
0x558: {  	v15 =	vadd.f32 v0, v9;
	v0 =	vor.u32 s16, v46;
	s16 =	smov.u32 s18;
	_ =	sdelay $0x1  }
0x559: {  	v15 =	vmul.f32 $1.111111120e-01, v15;
	_ =	sdelay $0x1  }
0x55a: {  	[tilespmem:v1+s10+$0x0] =	vst.idx.msk $0xffff, v15  }
0x55b: {  	v15 =	vld.idx.msk [tilespmem:v0+s10+$0x0], $0xffff;
	_ =	sdelay $0x3  }
.Ltmp12:
0x55c: {  	(pc) =	sbr.rel @p0 .LBB2_22-.Ltmp12, $3  }
0x55d: {  	_ = 	snop  }
0x55e: {  	v1 =	vor.u32 s16, v44;
	v15 =	vadd.f32 v15, v8;
	_ =	sdelay $0x1  }
0x55f: {  	v15 =	vmul.f32 $1.111111120e-01, v15  }
0x560: {  	_ =	sdelay $0x3  }
0x561: {  	[tilespmem:v0+s10+$0x0] =	vst.idx.msk $0xffff, v15  }
0x562: {  	v0 =	vld.idx.msk [tilespmem:v1+s10+$0x0], $0xffff;
	_ =	sdelay $0x4  }
0x563: {  	v0 =	vadd.f32 v0, v14;
	v14 =	vor.u32 s16, v39;
	_ =	sdelay $0x1  }
0x564: {  	v0 =	vmul.f32 $1.111111120e-01, v0;
	_ =	sdelay $0x1  }
0x565: {  	[tilespmem:v1+s10+$0x0] =	vst.idx.msk $0xffff, v0  }
0x566: {  	v0 =	vld.idx.msk [tilespmem:v14+s10+$0x0], $0xffff;
	_ =	sdelay $0x4  }
0x567: {  	v1 =	vor.u32 s16, v45;
	v0 =	vadd.f32 v0, v13;
	_ =	sdelay $0x1  }
0x568: {  	v0 =	vmul.f32 $1.111111120e-01, v0;
	_ =	sdelay $0x1  }
0x569: {  	[tilespmem:v14+s10+$0x0] =	vst.idx.msk $0xffff, v0  }
0x56a: {  	v0 =	vld.idx.msk [tilespmem:v1+s10+$0x0], $0xffff;
	_ =	sdelay $0x4  }
0x56b: {  	v0 =	vadd.f32 v0, v12;
	v12 =	vor.u32 s16, v2;
	_ =	sdelay $0x1  }
0x56c: {  	v0 =	vmul.f32 $1.111111120e-01, v0;
	_ =	sdelay $0x1  }
0x56d: {  	[tilespmem:v1+s10+$0x0] =	vst.idx.msk $0xffff, v0  }
0x56e: {  	v0 =	vld.idx.msk [tilespmem:v12+s10+$0x0], $0xffff;
	_ =	sdelay $0x4  }
0x56f: {  	v1 =	vor.u32 s16, v59;
	v0 =	vadd.f32 v0, v11;
	_ =	sdelay $0x1  }
0x570: {  	v0 =	vmul.f32 $1.111111120e-01, v0;
	_ =	sdelay $0x1  }
0x571: {  	[tilespmem:v12+s10+$0x0] =	vst.idx.msk $0xffff, v0  }
0x572: {  	v0 =	vld.idx.msk [tilespmem:v1+s10+$0x0], $0xffff;
	_ =	sdelay $0x4  }
0x573: {  	v11 =	vor.u32 s16, v49;
	v0 =	vadd.f32 v0, v24;
	_ =	sdelay $0x1  }
0x574: {  	v0 =	vmul.f32 $1.111111120e-01, v0;
	_ =	sdelay $0x1  }
0x575: {  	[tilespmem:v1+s10+$0x0] =	vst.idx.msk $0xffff, v0  }
0x576: {  	v0 =	vld.idx.msk [tilespmem:v11+s10+$0x0], $0xffff;
	_ =	sdelay $0x4  }
0x577: {  	v1 =	vor.u32 s16, v47;
	v0 =	vadd.f32 v0, v10;
	_ =	sdelay $0x1  }
0x578: {  	v0 =	vmul.f32 $1.111111120e-01, v0;
	_ =	sdelay $0x1  }
0x579: {  	[tilespmem:v11+s10+$0x0] =	vst.idx.msk $0xffff, v0  }
0x57a: {  	v0 =	vld.idx.msk [tilespmem:v1+s10+$0x0], $0xffff;
	_ =	sdelay $0x4  }
0x57b: {  	v0 =	vadd.f32 v0, v9;
	v9 =	vor.u32 s16, v46;
	_ =	sdelay $0x1  }
0x57c: {  	v0 =	vmul.f32 $1.111111120e-01, v0;
	_ =	sdelay $0x1  }
0x57d: {  	[tilespmem:v1+s10+$0x0] =	vst.idx.msk $0xffff, v0  }
0x57e: {  	v0 =	vld.idx.msk [tilespmem:v9+s10+$0x0], $0xffff;
	_ =	sdelay $0x4  }
0x57f: {  	v0 =	vadd.f32 v0, v8;
	_ =	sdelay $0x1  }
0x580: {  	v0 =	vmul.f32 $1.111111120e-01, v0;
	_ =	sdelay $0x1  }
0x581: {  	[tilespmem:v9+s10+$0x0] =	vst.idx.msk $0xffff, v0  }
0x582: {  	v0 =	vld [tilespmem:$0x780]  }
0x583: {  	v1 =	vld [tilespmem:$0x790]  }
0x584: {  	v8 =	vld [tilespmem:$0x7A0]  }
0x585: {  	v9 =	vld [tilespmem:$0x7B0]  }
0x586: {  	v10 =	vld [tilespmem:$0x7C0]  }
0x587: {  	[tilespmem:$0x8980] =	vst v0;
	v0 =	vld [tilespmem:$0x7D0]  }
0x588: {  	[tilespmem:$0x8990] =	vst v1;
	v1 =	vld [tilespmem:$0x7E0]  }
0x589: {  	[tilespmem:$0x89A0] =	vst v8;
	v8 =	vld [tilespmem:$0x7F0]  }
0x58a: {  	[tilespmem:$0x89B0] =	vst v9;
	v9 =	vld [tilespmem:$0x800]  }
0x58b: {  	[tilespmem:$0x89C0] =	vst v10;
	v10 =	vld [tilespmem:$0x810]  }
0x58c: {  	[tilespmem:$0x89D0] =	vst v0;
	v0 =	vld [tilespmem:$0x820]  }
0x58d: {  	[tilespmem:$0x89E0] =	vst v1;
	v1 =	vld [tilespmem:$0x830]  }
0x58e: {  	[tilespmem:$0x89F0] =	vst v8;
	v8 =	vld [tilespmem:$0x840]  }
0x58f: {  	[tilespmem:$0x8A00] =	vst v9;
	v9 =	vld [tilespmem:$0x850]  }
0x590: {  	[tilespmem:$0x8A10] =	vst v10;
	v10 =	vld [tilespmem:$0x860]  }
0x591: {  	[tilespmem:$0x8A20] =	vst v0;
	v0 =	vld [tilespmem:$0x870]  }
0x592: {  	[tilespmem:$0x8A30] =	vst v1;
	v1 =	vld [tilespmem:$0x880]  }
0x593: {  	[tilespmem:$0x8A40] =	vst v8;
	v8 =	vld [tilespmem:$0x890]  }
0x594: {  	[tilespmem:$0x8A50] =	vst v9;
	v9 =	vld [tilespmem:$0x8A0]  }
0x595: {  	[tilespmem:$0x8A60] =	vst v10;
	v10 =	vld [tilespmem:$0x8B0]  }
0x596: {  	[tilespmem:$0x8A70] =	vst v0;
	v0 =	vld [tilespmem:$0x8C0]  }
0x597: {  	[tilespmem:$0x8A80] =	vst v1;
	v1 =	vld [tilespmem:$0x8D0]  }
0x598: {  	[tilespmem:$0x8A90] =	vst v8;
	v8 =	vld [tilespmem:$0x8E0]  }
0x599: {  	s31 =	simm.s32 $0x0;
	[tilespmem:$0x8AA0] =	vst v9;
	v9 =	vld [tilespmem:$0x8F0]  }
0x59a: {  	[tilespmem:$0x8AB0] =	vst v10;
	v10 =	vor.u32 s31, v44  }
0x59b: {  	[tilespmem:$0x8AC0] =	vst v0  }
0x59c: {  	[tilespmem:$0x8AD0] =	vst v1  }
0x59d: {  	[tilespmem:$0x8AE0] =	vst v8  }
0x59e: {  	v8 =	vld [tilespmem:$0xA00];
	[tilespmem:$0x8AF0] =	vst v9  }
0x59f: {  	v0 =	vld.idx.msk [tilespmem:v10+s11+$0x0], $0xffff  }
0x5a0: {  	s17 =	simm.s32 $0x300;
	v11 =	vld [tilespmem:$0xA30]  }
0x5a1: {  	v12 =	vld [tilespmem:$0xA40];
	v1 =	vor.u32 s17, v44  }
0x5a2: {  	v16 =	vor.u32 s31, v39;
	v13 =	vld [tilespmem:$0xA50]  }
0x5a3: {  	v14 =	vld [tilespmem:$0xA60]  }
0x5a4: {  	v15 =	vld [tilespmem:$0xA70];
	v0 =	vadd.f32 v0, v8  }
0x5a5: {  	v9 =	vld [tilespmem:$0xA10]  }
0x5a6: {  	v10 =	vld [tilespmem:$0xA20];
	[tilespmem:v1+s11+$0x0] =	vst.idx.msk $0xffff, v0  }
0x5a7: {  	v0 =	vld.idx.msk [tilespmem:v16+s11+$0x0], $0xffff;
	_ =	sdelay $0x1  }
0x5a8: {  	v1 =	vor.u32 s17, v39  }
0x5a9: {  	v16 =	vor.u32 s31, v45;
	_ =	sdelay $0x1  }
0x5aa: {  	v0 =	vadd.f32 v0, v9;
	_ =	sdelay $0x1  }
0x5ab: {  	[tilespmem:v1+s11+$0x0] =	vst.idx.msk $0xffff, v0  }
0x5ac: {  	v0 =	vld.idx.msk [tilespmem:v16+s11+$0x0], $0xffff;
	_ =	sdelay $0x1  }
0x5ad: {  	v1 =	vor.u32 s17, v45  }
0x5ae: {  	v16 =	vor.u32 s31, v2;
	_ =	sdelay $0x1  }
0x5af: {  	v0 =	vadd.f32 v0, v10;
	_ =	sdelay $0x1  }
0x5b0: {  	[tilespmem:v1+s11+$0x0] =	vst.idx.msk $0xffff, v0  }
0x5b1: {  	v0 =	vld.idx.msk [tilespmem:v16+s11+$0x0], $0xffff;
	_ =	sdelay $0x1  }
0x5b2: {  	v1 =	vor.u32 s17, v2  }
0x5b3: {  	v16 =	vor.u32 s31, v59;
	_ =	sdelay $0x1  }
0x5b4: {  	v0 =	vadd.f32 v0, v11;
	_ =	sdelay $0x1  }
0x5b5: {  	[tilespmem:v1+s11+$0x0] =	vst.idx.msk $0xffff, v0  }
0x5b6: {  	v0 =	vld.idx.msk [tilespmem:v16+s11+$0x0], $0xffff;
	_ =	sdelay $0x1  }
0x5b7: {  	v1 =	vor.u32 s17, v59  }
0x5b8: {  	v16 =	vor.u32 s31, v49;
	_ =	sdelay $0x1  }
0x5b9: {  	v0 =	vadd.f32 v0, v12;
	_ =	sdelay $0x1  }
0x5ba: {  	[tilespmem:v1+s11+$0x0] =	vst.idx.msk $0xffff, v0  }
0x5bb: {  	v0 =	vld.idx.msk [tilespmem:v16+s11+$0x0], $0xffff;
	_ =	sdelay $0x1  }
0x5bc: {  	v1 =	vor.u32 s17, v49  }
0x5bd: {  	v16 =	vor.u32 s31, v47;
	_ =	sdelay $0x1  }
0x5be: {  	v0 =	vadd.f32 v0, v13;
	_ =	sdelay $0x1  }
0x5bf: {  	[tilespmem:v1+s11+$0x0] =	vst.idx.msk $0xffff, v0  }
0x5c0: {  	v0 =	vld.idx.msk [tilespmem:v16+s11+$0x0], $0xffff;
	_ =	sdelay $0x1  }
0x5c1: {  	v1 =	vor.u32 s17, v47  }
0x5c2: {  	v16 =	vor.u32 s31, v46;
	_ =	sdelay $0x1  }
0x5c3: {  	v0 =	vadd.f32 v0, v14;
	_ =	sdelay $0x1  }
0x5c4: {  	[tilespmem:v1+s11+$0x0] =	vst.idx.msk $0xffff, v0  }
0x5c5: {  	v1 =	vld.idx.msk [tilespmem:v16+s11+$0x0], $0xffff;
	_ =	sdelay $0x1  }
0x5c6: {  	v0 =	vor.u32 s17, v46;
	_ =	sdelay $0x2  }
0x5c7: {  	s16 =	simm.s32 $0x80;
	v1 =	vadd.f32 v1, v15  }
.LBB2_24:
0x5c8: {  	_ = 	snop  }
0x5c9: {  	p0 =	sne.s32 s16, $0x100;
	s17 =	smov.u32 s16;
	s16 =	sadd.s32 $0x80, s16;
	[tilespmem:v0+s11+$0x0] =	vst.idx.msk $0xffff, v1  }
0x5ca: {  	v0 =	vor.u32 s17, v44;
	_ =	sdelay $0x4  }
0x5cb: {  	v0 =	vld.idx.msk [tilespmem:v0+s11+$0x0], $0xffff;
	_ =	sdelay $0x1  }
0x5cc: {  	s18 =	sadd.s32 $0x300, s17  }
0x5cd: {  	v1 =	vor.u32 s18, v44  }
0x5ce: {  	v16 =	vor.u32 s17, v39;
	_ =	sdelay $0x1  }
0x5cf: {  	v0 =	vadd.f32 v0, v8;
	_ =	sdelay $0x1  }
0x5d0: {  	[tilespmem:v1+s11+$0x0] =	vst.idx.msk $0xffff, v0  }
0x5d1: {  	v0 =	vld.idx.msk [tilespmem:v16+s11+$0x0], $0xffff;
	_ =	sdelay $0x2  }
0x5d2: {  	v1 =	vor.u32 s18, v39  }
0x5d3: {  	v16 =	vor.u32 s17, v45;
	_ =	sdelay $0x1  }
0x5d4: {  	v0 =	vadd.f32 v0, v9;
	_ =	sdelay $0x1  }
0x5d5: {  	[tilespmem:v1+s11+$0x0] =	vst.idx.msk $0xffff, v0  }
0x5d6: {  	v0 =	vld.idx.msk [tilespmem:v16+s11+$0x0], $0xffff;
	_ =	sdelay $0x2  }
0x5d7: {  	v1 =	vor.u32 s18, v45  }
0x5d8: {  	v16 =	vor.u32 s17, v2;
	_ =	sdelay $0x1  }
0x5d9: {  	v0 =	vadd.f32 v0, v10;
	_ =	sdelay $0x1  }
0x5da: {  	[tilespmem:v1+s11+$0x0] =	vst.idx.msk $0xffff, v0  }
0x5db: {  	v0 =	vld.idx.msk [tilespmem:v16+s11+$0x0], $0xffff;
	_ =	sdelay $0x2  }
0x5dc: {  	v1 =	vor.u32 s18, v2  }
0x5dd: {  	v16 =	vor.u32 s17, v59;
	_ =	sdelay $0x1  }
0x5de: {  	v0 =	vadd.f32 v0, v11;
	_ =	sdelay $0x1  }
0x5df: {  	[tilespmem:v1+s11+$0x0] =	vst.idx.msk $0xffff, v0  }
0x5e0: {  	v0 =	vld.idx.msk [tilespmem:v16+s11+$0x0], $0xffff;
	_ =	sdelay $0x2  }
0x5e1: {  	v1 =	vor.u32 s18, v59  }
0x5e2: {  	v16 =	vor.u32 s17, v49;
	_ =	sdelay $0x1  }
0x5e3: {  	v0 =	vadd.f32 v0, v12;
	_ =	sdelay $0x1  }
0x5e4: {  	[tilespmem:v1+s11+$0x0] =	vst.idx.msk $0xffff, v0  }
0x5e5: {  	v0 =	vld.idx.msk [tilespmem:v16+s11+$0x0], $0xffff;
	_ =	sdelay $0x2  }
0x5e6: {  	v1 =	vor.u32 s18, v49  }
0x5e7: {  	v16 =	vor.u32 s17, v47;
	_ =	sdelay $0x1  }
0x5e8: {  	v0 =	vadd.f32 v0, v13;
	_ =	sdelay $0x1  }
0x5e9: {  	[tilespmem:v1+s11+$0x0] =	vst.idx.msk $0xffff, v0  }
0x5ea: {  	v0 =	vld.idx.msk [tilespmem:v16+s11+$0x0], $0xffff;
	_ =	sdelay $0x2  }
0x5eb: {  	v1 =	vor.u32 s18, v47  }
0x5ec: {  	v16 =	vor.u32 s17, v46;
	_ =	sdelay $0x1  }
0x5ed: {  	v0 =	vadd.f32 v0, v14;
	_ =	sdelay $0x1  }
0x5ee: {  	[tilespmem:v1+s11+$0x0] =	vst.idx.msk $0xffff, v0  }
0x5ef: {  	v1 =	vld.idx.msk [tilespmem:v16+s11+$0x0], $0xffff;
	_ =	sdelay $0x1  }
.Ltmp13:
0x5f0: {  	(pc) =	sbr.rel @p0 .LBB2_24-.Ltmp13, $2  }
0x5f1: {  	v0 =	vor.u32 s18, v46;
	_ =	sdelay $0x2  }
0x5f2: {  	v1 =	vadd.f32 v1, v15  }
0x5f3: {  	s16 =	simm.s32 $0x0  }
0x5f4: {  	v10 =	vor.u32 s16, v44;
	_ =	sdelay $0x2  }
0x5f5: {  	[tilespmem:v0+s11+$0x0] =	vst.idx.msk $0xffff, v1  }
0x5f6: {  	v8 =	vld [tilespmem:$0x980]  }
0x5f7: {  	v0 =	vld.idx.msk [tilespmem:v10+s11+$0x0], $0xffff  }
0x5f8: {  	s17 =	simm.s32 $0x180;
	v9 =	vld [tilespmem:$0x990]  }
0x5f9: {  	v1 =	vor.u32 s17, v44;
	v11 =	vld [tilespmem:$0x9B0]  }
0x5fa: {  	v16 =	vor.u32 s16, v39;
	v12 =	vld [tilespmem:$0x9C0]  }
0x5fb: {  	v13 =	vld [tilespmem:$0x9D0]  }
0x5fc: {  	v14 =	vld [tilespmem:$0x9E0];
	v0 =	vadd.f32 v0, v8  }
0x5fd: {  	v15 =	vld [tilespmem:$0x9F0]  }
0x5fe: {  	v10 =	vld [tilespmem:$0x9A0];
	[tilespmem:v1+s11+$0x0] =	vst.idx.msk $0xffff, v0  }
0x5ff: {  	v0 =	vld.idx.msk [tilespmem:v16+s11+$0x0], $0xffff;
	_ =	sdelay $0x1  }
0x600: {  	v1 =	vor.u32 s17, v39  }
0x601: {  	v16 =	vor.u32 s16, v45;
	_ =	sdelay $0x1  }
0x602: {  	v0 =	vadd.f32 v0, v9;
	_ =	sdelay $0x1  }
0x603: {  	[tilespmem:v1+s11+$0x0] =	vst.idx.msk $0xffff, v0  }
0x604: {  	v0 =	vld.idx.msk [tilespmem:v16+s11+$0x0], $0xffff;
	_ =	sdelay $0x1  }
0x605: {  	v1 =	vor.u32 s17, v45  }
0x606: {  	v16 =	vor.u32 s16, v2;
	_ =	sdelay $0x1  }
0x607: {  	v0 =	vadd.f32 v0, v10;
	_ =	sdelay $0x1  }
0x608: {  	[tilespmem:v1+s11+$0x0] =	vst.idx.msk $0xffff, v0  }
0x609: {  	v0 =	vld.idx.msk [tilespmem:v16+s11+$0x0], $0xffff;
	_ =	sdelay $0x1  }
0x60a: {  	v1 =	vor.u32 s17, v2  }
0x60b: {  	v16 =	vor.u32 s16, v59;
	_ =	sdelay $0x1  }
0x60c: {  	v0 =	vadd.f32 v0, v11;
	_ =	sdelay $0x1  }
0x60d: {  	[tilespmem:v1+s11+$0x0] =	vst.idx.msk $0xffff, v0  }
0x60e: {  	v0 =	vld.idx.msk [tilespmem:v16+s11+$0x0], $0xffff;
	_ =	sdelay $0x1  }
0x60f: {  	v1 =	vor.u32 s17, v59  }
0x610: {  	v16 =	vor.u32 s16, v49;
	_ =	sdelay $0x1  }
0x611: {  	v0 =	vadd.f32 v0, v12;
	_ =	sdelay $0x1  }
0x612: {  	[tilespmem:v1+s11+$0x0] =	vst.idx.msk $0xffff, v0  }
0x613: {  	v0 =	vld.idx.msk [tilespmem:v16+s11+$0x0], $0xffff;
	_ =	sdelay $0x1  }
0x614: {  	v1 =	vor.u32 s17, v49  }
0x615: {  	v16 =	vor.u32 s16, v47;
	_ =	sdelay $0x1  }
0x616: {  	v0 =	vadd.f32 v0, v13;
	_ =	sdelay $0x1  }
0x617: {  	[tilespmem:v1+s11+$0x0] =	vst.idx.msk $0xffff, v0  }
0x618: {  	v0 =	vld.idx.msk [tilespmem:v16+s11+$0x0], $0xffff;
	_ =	sdelay $0x1  }
0x619: {  	v1 =	vor.u32 s17, v47  }
0x61a: {  	v16 =	vor.u32 s16, v46;
	_ =	sdelay $0x1  }
0x61b: {  	v0 =	vadd.f32 v0, v14;
	_ =	sdelay $0x1  }
0x61c: {  	[tilespmem:v1+s11+$0x0] =	vst.idx.msk $0xffff, v0  }
0x61d: {  	v1 =	vld.idx.msk [tilespmem:v16+s11+$0x0], $0xffff;
	_ =	sdelay $0x1  }
0x61e: {  	v0 =	vor.u32 s17, v46;
	_ =	sdelay $0x2  }
0x61f: {  	s16 =	simm.s32 $0x80;
	v1 =	vadd.f32 v1, v15  }
.LBB2_26:
0x620: {  	_ = 	snop  }
0x621: {  	p0 =	sne.s32 s16, $0x100;
	s17 =	smov.u32 s16;
	s16 =	sadd.s32 $0x80, s16;
	[tilespmem:v0+s11+$0x0] =	vst.idx.msk $0xffff, v1  }
0x622: {  	v0 =	vor.u32 s17, v44;
	_ =	sdelay $0x4  }
0x623: {  	v0 =	vld.idx.msk [tilespmem:v0+s11+$0x0], $0xffff;
	_ =	sdelay $0x1  }
0x624: {  	s18 =	sadd.s32 $0x180, s17  }
0x625: {  	v1 =	vor.u32 s18, v44  }
0x626: {  	v16 =	vor.u32 s17, v39;
	_ =	sdelay $0x1  }
0x627: {  	v0 =	vadd.f32 v0, v8;
	_ =	sdelay $0x1  }
0x628: {  	[tilespmem:v1+s11+$0x0] =	vst.idx.msk $0xffff, v0  }
0x629: {  	v0 =	vld.idx.msk [tilespmem:v16+s11+$0x0], $0xffff;
	_ =	sdelay $0x2  }
0x62a: {  	v1 =	vor.u32 s18, v39  }
0x62b: {  	v16 =	vor.u32 s17, v45;
	_ =	sdelay $0x1  }
0x62c: {  	v0 =	vadd.f32 v0, v9;
	_ =	sdelay $0x1  }
0x62d: {  	[tilespmem:v1+s11+$0x0] =	vst.idx.msk $0xffff, v0  }
0x62e: {  	v0 =	vld.idx.msk [tilespmem:v16+s11+$0x0], $0xffff;
	_ =	sdelay $0x2  }
0x62f: {  	v1 =	vor.u32 s18, v45  }
0x630: {  	v16 =	vor.u32 s17, v2;
	_ =	sdelay $0x1  }
0x631: {  	v0 =	vadd.f32 v0, v10;
	_ =	sdelay $0x1  }
0x632: {  	[tilespmem:v1+s11+$0x0] =	vst.idx.msk $0xffff, v0  }
0x633: {  	v0 =	vld.idx.msk [tilespmem:v16+s11+$0x0], $0xffff;
	_ =	sdelay $0x2  }
0x634: {  	v1 =	vor.u32 s18, v2  }
0x635: {  	v16 =	vor.u32 s17, v59;
	_ =	sdelay $0x1  }
0x636: {  	v0 =	vadd.f32 v0, v11;
	_ =	sdelay $0x1  }
0x637: {  	[tilespmem:v1+s11+$0x0] =	vst.idx.msk $0xffff, v0  }
0x638: {  	v0 =	vld.idx.msk [tilespmem:v16+s11+$0x0], $0xffff;
	_ =	sdelay $0x2  }
0x639: {  	v1 =	vor.u32 s18, v59  }
0x63a: {  	v16 =	vor.u32 s17, v49;
	_ =	sdelay $0x1  }
0x63b: {  	v0 =	vadd.f32 v0, v12;
	_ =	sdelay $0x1  }
0x63c: {  	[tilespmem:v1+s11+$0x0] =	vst.idx.msk $0xffff, v0  }
0x63d: {  	v0 =	vld.idx.msk [tilespmem:v16+s11+$0x0], $0xffff;
	_ =	sdelay $0x2  }
0x63e: {  	v1 =	vor.u32 s18, v49  }
0x63f: {  	v16 =	vor.u32 s17, v47;
	_ =	sdelay $0x1  }
0x640: {  	v0 =	vadd.f32 v0, v13;
	_ =	sdelay $0x1  }
0x641: {  	[tilespmem:v1+s11+$0x0] =	vst.idx.msk $0xffff, v0  }
0x642: {  	v0 =	vld.idx.msk [tilespmem:v16+s11+$0x0], $0xffff;
	_ =	sdelay $0x2  }
0x643: {  	v1 =	vor.u32 s18, v47  }
0x644: {  	v16 =	vor.u32 s17, v46;
	_ =	sdelay $0x1  }
0x645: {  	v0 =	vadd.f32 v0, v14;
	_ =	sdelay $0x1  }
0x646: {  	[tilespmem:v1+s11+$0x0] =	vst.idx.msk $0xffff, v0  }
0x647: {  	v1 =	vld.idx.msk [tilespmem:v16+s11+$0x0], $0xffff;
	_ =	sdelay $0x1  }
.Ltmp14:
0x648: {  	(pc) =	sbr.rel @p0 .LBB2_26-.Ltmp14, $2  }
0x649: {  	v0 =	vor.u32 s18, v46;
	_ =	sdelay $0x2  }
0x64a: {  	v1 =	vadd.f32 v1, v15  }
0x64b: {  	_ =	sdelay $0x3  }
0x64c: {  	[tilespmem:v0+s11+$0x0] =	vst.idx.msk $0xffff, v1  }
0x64d: {  	v0 =	vld [tilespmem:$0x900]  }
0x64e: {  	v8 =	vld.idx.msk [tilespmem:v44+s11+$0x0], $0xffff  }
0x64f: {  	v1 =	vld [tilespmem:$0x910]  }
0x650: {  	v9 =	vld [tilespmem:$0x920]  }
0x651: {  	v10 =	vld [tilespmem:$0x930]  }
0x652: {  	v11 =	vld [tilespmem:$0x940]  }
0x653: {  	v12 =	vld [tilespmem:$0x950];
	v8 =	vadd.f32 v8, v0  }
0x654: {  	v13 =	vld [tilespmem:$0x960]  }
0x655: {  	v14 =	vld [tilespmem:$0x970];
	[tilespmem:v44+s11+$0x0] =	vst.idx.msk $0xffff, v8  }
0x656: {  	v8 =	vld.idx.msk [tilespmem:v39+s11+$0x0], $0xffff;
	_ =	sdelay $0x4  }
0x657: {  	v8 =	vadd.f32 v8, v1;
	_ =	sdelay $0x1  }
0x658: {  	[tilespmem:v39+s11+$0x0] =	vst.idx.msk $0xffff, v8  }
0x659: {  	v8 =	vld.idx.msk [tilespmem:v45+s11+$0x0], $0xffff;
	_ =	sdelay $0x4  }
0x65a: {  	v8 =	vadd.f32 v8, v9;
	_ =	sdelay $0x1  }
0x65b: {  	[tilespmem:v45+s11+$0x0] =	vst.idx.msk $0xffff, v8  }
0x65c: {  	v8 =	vld.idx.msk [tilespmem:v2+s11+$0x0], $0xffff;
	_ =	sdelay $0x4  }
0x65d: {  	v8 =	vadd.f32 v8, v10;
	_ =	sdelay $0x1  }
0x65e: {  	[tilespmem:v2+s11+$0x0] =	vst.idx.msk $0xffff, v8  }
0x65f: {  	v8 =	vld.idx.msk [tilespmem:v59+s11+$0x0], $0xffff;
	_ =	sdelay $0x4  }
0x660: {  	v8 =	vadd.f32 v8, v11;
	_ =	sdelay $0x1  }
0x661: {  	[tilespmem:v59+s11+$0x0] =	vst.idx.msk $0xffff, v8  }
0x662: {  	v8 =	vld.idx.msk [tilespmem:v49+s11+$0x0], $0xffff;
	_ =	sdelay $0x4  }
0x663: {  	v8 =	vadd.f32 v8, v12;
	_ =	sdelay $0x1  }
0x664: {  	[tilespmem:v49+s11+$0x0] =	vst.idx.msk $0xffff, v8  }
0x665: {  	v8 =	vld.idx.msk [tilespmem:v47+s11+$0x0], $0xffff;
	_ =	sdelay $0x4  }
0x666: {  	v8 =	vadd.f32 v8, v13;
	_ =	sdelay $0x1  }
0x667: {  	v4 =	vld [tilespmem:$0x1FF00];
	[tilespmem:v47+s11+$0x0] =	vst.idx.msk $0xffff, v8  }
0x668: {  	v8 =	vld.idx.msk [tilespmem:v46+s11+$0x0], $0xffff;
	_ =	sdelay $0x4  }
0x669: {  	v8 =	vadd.f32 v8, v14;
	_ =	sdelay $0x1  }
0x66a: {  	v53 =	vld [tilespmem:$0x1FF10];
	[tilespmem:v46+s11+$0x0] =	vst.idx.msk $0xffff, v8  }
0x66b: {  	v8 =	vld.idx.msk [tilespmem:v4+s11+$0x0], $0xffff;
	_ =	sdelay $0x4  }
0x66c: {  	v8 =	vadd.f32 v8, v0;
	_ =	sdelay $0x1  }
0x66d: {  	v54 =	vld [tilespmem:$0x1FF20];
	[tilespmem:v4+s11+$0x0] =	vst.idx.msk $0xffff, v8  }
0x66e: {  	v8 =	vld.idx.msk [tilespmem:v53+s11+$0x0], $0xffff;
	_ =	sdelay $0x4  }
0x66f: {  	v8 =	vadd.f32 v8, v1;
	_ =	sdelay $0x1  }
0x670: {  	v55 =	vld [tilespmem:$0x1FF30];
	[tilespmem:v53+s11+$0x0] =	vst.idx.msk $0xffff, v8  }
0x671: {  	v8 =	vld.idx.msk [tilespmem:v54+s11+$0x0], $0xffff;
	_ =	sdelay $0x4  }
0x672: {  	v8 =	vadd.f32 v8, v9;
	_ =	sdelay $0x1  }
0x673: {  	v56 =	vld [tilespmem:$0x1FF40];
	[tilespmem:v54+s11+$0x0] =	vst.idx.msk $0xffff, v8  }
0x674: {  	v8 =	vld.idx.msk [tilespmem:v55+s11+$0x0], $0xffff;
	_ =	sdelay $0x4  }
0x675: {  	v8 =	vadd.f32 v8, v10;
	_ =	sdelay $0x1  }
0x676: {  	v57 =	vld [tilespmem:$0x1FF50];
	[tilespmem:v55+s11+$0x0] =	vst.idx.msk $0xffff, v8  }
0x677: {  	v8 =	vld.idx.msk [tilespmem:v56+s11+$0x0], $0xffff;
	_ =	sdelay $0x4  }
0x678: {  	v8 =	vadd.f32 v8, v11;
	_ =	sdelay $0x1  }
0x679: {  	v58 =	vld [tilespmem:$0x1FF60];
	[tilespmem:v56+s11+$0x0] =	vst.idx.msk $0xffff, v8  }
0x67a: {  	v8 =	vld.idx.msk [tilespmem:v57+s11+$0x0], $0xffff;
	_ =	sdelay $0x4  }
0x67b: {  	v8 =	vadd.f32 v8, v12;
	_ =	sdelay $0x1  }
0x67c: {  	v60 =	vld [tilespmem:$0x1FF70];
	[tilespmem:v57+s11+$0x0] =	vst.idx.msk $0xffff, v8  }
0x67d: {  	v8 =	vld.idx.msk [tilespmem:v58+s11+$0x0], $0xffff;
	_ =	sdelay $0x4  }
0x67e: {  	v8 =	vadd.f32 v8, v13;
	_ =	sdelay $0x1  }
0x67f: {  	v61 =	vld [tilespmem:$0x1FF80];
	[tilespmem:v58+s11+$0x0] =	vst.idx.msk $0xffff, v8  }
0x680: {  	v8 =	vld.idx.msk [tilespmem:v60+s11+$0x0], $0xffff;
	_ =	sdelay $0x4  }
0x681: {  	v8 =	vadd.f32 v8, v14;
	_ =	sdelay $0x1  }
0x682: {  	v62 =	vld [tilespmem:$0x1FF90];
	[tilespmem:v60+s11+$0x0] =	vst.idx.msk $0xffff, v8  }
0x683: {  	v8 =	vld.idx.msk [tilespmem:v61+s11+$0x0], $0xffff;
	_ =	sdelay $0x4  }
0x684: {  	v0 =	vadd.f32 v8, v0;
	_ =	sdelay $0x1  }
0x685: {  	[tilespmem:v61+s11+$0x0] =	vst.idx.msk $0xffff, v0  }
0x686: {  	v0 =	vld.idx.msk [tilespmem:v62+s11+$0x0], $0xffff;
	_ =	sdelay $0x4  }
0x687: {  	v0 =	vadd.f32 v0, v1;
	v1 =	vld [tilespmem:$0x1FFA0];
	_ =	sdelay $0x6  }
0x688: {  	[tilespmem:v62+s11+$0x0] =	vst.idx.msk $0xffff, v0  }
0x689: {  	v0 =	vld.idx.msk [tilespmem:v1+s11+$0x0], $0xffff;
	_ =	sdelay $0x4  }
0x68a: {  	v0 =	vadd.f32 v0, v9;
	_ =	sdelay $0x1  }
0x68b: {  	[tilespmem:v1+s11+$0x0] =	vst.idx.msk $0xffff, v0;
	v1 =	vld [tilespmem:$0x1FFB0];
	_ =	sdelay $0x7  }
0x68c: {  	v0 =	vld.idx.msk [tilespmem:v1+s11+$0x0], $0xffff;
	_ =	sdelay $0x4  }
0x68d: {  	v0 =	vadd.f32 v0, v10;
	_ =	sdelay $0x1  }
0x68e: {  	[tilespmem:v1+s11+$0x0] =	vst.idx.msk $0xffff, v0;
	v1 =	vld [tilespmem:$0x1FFC0];
	_ =	sdelay $0x7  }
0x68f: {  	v0 =	vld.idx.msk [tilespmem:v1+s11+$0x0], $0xffff;
	_ =	sdelay $0x4  }
0x690: {  	v0 =	vadd.f32 v0, v11;
	_ =	sdelay $0x1  }
0x691: {  	[tilespmem:v1+s11+$0x0] =	vst.idx.msk $0xffff, v0;
	v1 =	vld [tilespmem:$0x1FFD0];
	_ =	sdelay $0x7  }
0x692: {  	v0 =	vld.idx.msk [tilespmem:v1+s11+$0x0], $0xffff;
	_ =	sdelay $0x4  }
0x693: {  	v0 =	vadd.f32 v0, v12;
	_ =	sdelay $0x1  }
0x694: {  	[tilespmem:v1+s11+$0x0] =	vst.idx.msk $0xffff, v0;
	v1 =	vld [tilespmem:$0x1FFE0];
	_ =	sdelay $0x6  }
0x695: {  	v63 =	vld [tilespmem:$0x1FFF0]  }
0x696: {  	v0 =	vld.idx.msk [tilespmem:v1+s11+$0x0], $0xffff;
	_ =	sdelay $0x4  }
0x697: {  	v0 =	vadd.f32 v0, v13;
	_ =	sdelay $0x1  }
0x698: {  	[tilespmem:v1+s11+$0x0] =	vst.idx.msk $0xffff, v0  }
0x699: {  	v0 =	vld.idx.msk [tilespmem:v63+s11+$0x0], $0xffff;
	_ =	sdelay $0x2  }
0x69a: {  	s16 =	simm.s32 $0x0  }
0x69b: {  	v1 =	vor.u32 s16, v44  }
0x69c: {  	v0 =	vadd.f32 v0, v14;
	_ =	sdelay $0x1  }
0x69d: {  	[tilespmem:v63+s11+$0x0] =	vst.idx.msk $0xffff, v0  }
0x69e: {  	v15 =	vld [tilespmem:$0xB80]  }
0x69f: {  	v0 =	vld.idx.msk [tilespmem:v1+s11+$0x0], $0xffff  }
0x6a0: {  	s18 =	simm.s32 $0x900;
	v14 =	vld [tilespmem:$0xB90]  }
0x6a1: {  	v13 =	vld [tilespmem:$0xBA0];
	v1 =	vor.u32 s18, v44  }
0x6a2: {  	v16 =	vor.u32 s16, v39;
	v12 =	vld [tilespmem:$0xBB0]  }
0x6a3: {  	v11 =	vld [tilespmem:$0xBC0]  }
0x6a4: {  	v10 =	vld [tilespmem:$0xBD0];
	v0 =	vadd.f32 v0, v15  }
0x6a5: {  	v9 =	vld [tilespmem:$0xBE0]  }
0x6a6: {  	v8 =	vld [tilespmem:$0xBF0];
	[tilespmem:v1+s11+$0x0] =	vst.idx.msk $0xffff, v0  }
0x6a7: {  	v0 =	vld.idx.msk [tilespmem:v16+s11+$0x0], $0xffff;
	_ =	sdelay $0x1  }
0x6a8: {  	v1 =	vor.u32 s18, v39  }
0x6a9: {  	v16 =	vor.u32 s16, v45;
	_ =	sdelay $0x1  }
0x6aa: {  	v0 =	vadd.f32 v0, v14;
	_ =	sdelay $0x1  }
0x6ab: {  	[tilespmem:v1+s11+$0x0] =	vst.idx.msk $0xffff, v0  }
0x6ac: {  	v0 =	vld.idx.msk [tilespmem:v16+s11+$0x0], $0xffff;
	_ =	sdelay $0x1  }
0x6ad: {  	v1 =	vor.u32 s18, v45  }
0x6ae: {  	v16 =	vor.u32 s16, v2;
	_ =	sdelay $0x1  }
0x6af: {  	v0 =	vadd.f32 v0, v13;
	_ =	sdelay $0x1  }
0x6b0: {  	[tilespmem:v1+s11+$0x0] =	vst.idx.msk $0xffff, v0  }
0x6b1: {  	v0 =	vld.idx.msk [tilespmem:v16+s11+$0x0], $0xffff;
	_ =	sdelay $0x1  }
0x6b2: {  	v1 =	vor.u32 s18, v2  }
0x6b3: {  	v16 =	vor.u32 s16, v59;
	_ =	sdelay $0x1  }
0x6b4: {  	v0 =	vadd.f32 v0, v12;
	_ =	sdelay $0x1  }
0x6b5: {  	[tilespmem:v1+s11+$0x0] =	vst.idx.msk $0xffff, v0  }
0x6b6: {  	v0 =	vld.idx.msk [tilespmem:v16+s11+$0x0], $0xffff;
	_ =	sdelay $0x1  }
0x6b7: {  	v1 =	vor.u32 s18, v59  }
0x6b8: {  	v16 =	vor.u32 s16, v49;
	_ =	sdelay $0x1  }
0x6b9: {  	v0 =	vadd.f32 v0, v11;
	_ =	sdelay $0x1  }
0x6ba: {  	[tilespmem:v1+s11+$0x0] =	vst.idx.msk $0xffff, v0  }
0x6bb: {  	v0 =	vld.idx.msk [tilespmem:v16+s11+$0x0], $0xffff;
	_ =	sdelay $0x1  }
0x6bc: {  	v1 =	vor.u32 s18, v49  }
0x6bd: {  	v16 =	vor.u32 s16, v47;
	_ =	sdelay $0x1  }
0x6be: {  	v0 =	vadd.f32 v0, v10;
	_ =	sdelay $0x1  }
0x6bf: {  	[tilespmem:v1+s11+$0x0] =	vst.idx.msk $0xffff, v0  }
0x6c0: {  	v0 =	vld.idx.msk [tilespmem:v16+s11+$0x0], $0xffff;
	_ =	sdelay $0x1  }
0x6c1: {  	v1 =	vor.u32 s18, v47  }
0x6c2: {  	v16 =	vor.u32 s16, v46;
	_ =	sdelay $0x1  }
0x6c3: {  	v0 =	vadd.f32 v0, v9;
	_ =	sdelay $0x1  }
0x6c4: {  	[tilespmem:v1+s11+$0x0] =	vst.idx.msk $0xffff, v0  }
0x6c5: {  	v16 =	vld.idx.msk [tilespmem:v16+s11+$0x0], $0xffff;
	_ =	sdelay $0x1  }
0x6c6: {  	s16 =	simm.s32 $0x80;
	v1 =	vor.u32 s18, v46  }
0x6c7: {  	v0 =	vor.u32 s16, v44;
	_ =	sdelay $0x1  }
0x6c8: {  	s17 =	simm.s32 $0x100;
	v16 =	vadd.f32 v16, v8  }
.LBB2_28:
0x6c9: {  	_ = 	snop  }
0x6ca: {  	p0 =	sne.s32 s17, $0x400;
	s19 =	smov.u32 s17;
	s17 =	sadd.s32 $0x80, s17;
	[tilespmem:v1+s11+$0x0] =	vst.idx.msk $0xffff, v16  }
0x6cb: {  	v0 =	vld.idx.msk [tilespmem:v0+s11+$0x0], $0xffff;
	_ =	sdelay $0x1  }
0x6cc: {  	s18 =	sadd.s32 $0x900, s16  }
0x6cd: {  	v1 =	vor.u32 s18, v44  }
0x6ce: {  	v16 =	vor.u32 s16, v39;
	_ =	sdelay $0x1  }
0x6cf: {  	v0 =	vadd.f32 v0, v15;
	_ =	sdelay $0x1  }
0x6d0: {  	[tilespmem:v1+s11+$0x0] =	vst.idx.msk $0xffff, v0  }
0x6d1: {  	v0 =	vld.idx.msk [tilespmem:v16+s11+$0x0], $0xffff;
	_ =	sdelay $0x2  }
0x6d2: {  	v1 =	vor.u32 s18, v39  }
0x6d3: {  	v16 =	vor.u32 s16, v45;
	_ =	sdelay $0x1  }
0x6d4: {  	v0 =	vadd.f32 v0, v14;
	_ =	sdelay $0x1  }
0x6d5: {  	[tilespmem:v1+s11+$0x0] =	vst.idx.msk $0xffff, v0  }
0x6d6: {  	v0 =	vld.idx.msk [tilespmem:v16+s11+$0x0], $0xffff;
	_ =	sdelay $0x2  }
0x6d7: {  	v1 =	vor.u32 s18, v45  }
0x6d8: {  	v16 =	vor.u32 s16, v2;
	_ =	sdelay $0x1  }
0x6d9: {  	v0 =	vadd.f32 v0, v13;
	_ =	sdelay $0x1  }
0x6da: {  	[tilespmem:v1+s11+$0x0] =	vst.idx.msk $0xffff, v0  }
0x6db: {  	v0 =	vld.idx.msk [tilespmem:v16+s11+$0x0], $0xffff;
	_ =	sdelay $0x2  }
0x6dc: {  	v1 =	vor.u32 s18, v2  }
0x6dd: {  	v16 =	vor.u32 s16, v59;
	_ =	sdelay $0x1  }
0x6de: {  	v0 =	vadd.f32 v0, v12;
	_ =	sdelay $0x1  }
0x6df: {  	[tilespmem:v1+s11+$0x0] =	vst.idx.msk $0xffff, v0  }
0x6e0: {  	v0 =	vld.idx.msk [tilespmem:v16+s11+$0x0], $0xffff;
	_ =	sdelay $0x2  }
0x6e1: {  	v1 =	vor.u32 s18, v59  }
0x6e2: {  	v16 =	vor.u32 s16, v49;
	_ =	sdelay $0x1  }
0x6e3: {  	v0 =	vadd.f32 v0, v11;
	_ =	sdelay $0x1  }
0x6e4: {  	[tilespmem:v1+s11+$0x0] =	vst.idx.msk $0xffff, v0  }
0x6e5: {  	v0 =	vld.idx.msk [tilespmem:v16+s11+$0x0], $0xffff;
	_ =	sdelay $0x2  }
0x6e6: {  	v1 =	vor.u32 s18, v49  }
0x6e7: {  	v16 =	vor.u32 s16, v47;
	_ =	sdelay $0x1  }
0x6e8: {  	v0 =	vadd.f32 v0, v10;
	_ =	sdelay $0x1  }
0x6e9: {  	[tilespmem:v1+s11+$0x0] =	vst.idx.msk $0xffff, v0  }
0x6ea: {  	v0 =	vld.idx.msk [tilespmem:v16+s11+$0x0], $0xffff;
	_ =	sdelay $0x2  }
0x6eb: {  	v1 =	vor.u32 s18, v47  }
0x6ec: {  	v16 =	vor.u32 s16, v46;
	s16 =	smov.u32 s19;
	_ =	sdelay $0x1  }
0x6ed: {  	v0 =	vadd.f32 v0, v9;
	_ =	sdelay $0x1  }
0x6ee: {  	[tilespmem:v1+s11+$0x0] =	vst.idx.msk $0xffff, v0  }
0x6ef: {  	v16 =	vld.idx.msk [tilespmem:v16+s11+$0x0], $0xffff;
	_ =	sdelay $0x1  }
.Ltmp15:
0x6f0: {  	(pc) =	sbr.rel @p0 .LBB2_28-.Ltmp15, $3  }
0x6f1: {  	v1 =	vor.u32 s18, v46  }
0x6f2: {  	v0 =	vor.u32 s16, v44;
	_ =	sdelay $0x1  }
0x6f3: {  	v16 =	vadd.f32 v16, v8  }
0x6f4: {  	_ =	sdelay $0x3  }
0x6f5: {  	[tilespmem:v1+s11+$0x0] =	vst.idx.msk $0xffff, v16  }
0x6f6: {  	v0 =	vld.idx.msk [tilespmem:v0+s11+$0x0], $0xffff  }
0x6f7: {  	s17 =	sadd.s32 $0x900, s16  }
0x6f8: {  	v1 =	vor.u32 s17, v44  }
0x6f9: {  	v16 =	vor.u32 s16, v39;
	_ =	sdelay $0x1  }
0x6fa: {  	v0 =	vadd.f32 v0, v15;
	_ =	sdelay $0x1  }
0x6fb: {  	[tilespmem:v1+s11+$0x0] =	vst.idx.msk $0xffff, v0  }
0x6fc: {  	v0 =	vld.idx.msk [tilespmem:v16+s11+$0x0], $0xffff;
	_ =	sdelay $0x1  }
0x6fd: {  	v1 =	vor.u32 s17, v39  }
0x6fe: {  	v15 =	vor.u32 s16, v45;
	_ =	sdelay $0x1  }
0x6ff: {  	v0 =	vadd.f32 v0, v14;
	_ =	sdelay $0x1  }
0x700: {  	[tilespmem:v1+s11+$0x0] =	vst.idx.msk $0xffff, v0  }
0x701: {  	v0 =	vld.idx.msk [tilespmem:v15+s11+$0x0], $0xffff;
	_ =	sdelay $0x1  }
0x702: {  	v1 =	vor.u32 s17, v45  }
0x703: {  	v14 =	vor.u32 s16, v2;
	_ =	sdelay $0x1  }
0x704: {  	v0 =	vadd.f32 v0, v13;
	_ =	sdelay $0x1  }
0x705: {  	[tilespmem:v1+s11+$0x0] =	vst.idx.msk $0xffff, v0  }
0x706: {  	v0 =	vld.idx.msk [tilespmem:v14+s11+$0x0], $0xffff;
	_ =	sdelay $0x1  }
0x707: {  	v1 =	vor.u32 s17, v2  }
0x708: {  	v13 =	vor.u32 s16, v59;
	_ =	sdelay $0x1  }
0x709: {  	v0 =	vadd.f32 v0, v12;
	_ =	sdelay $0x1  }
0x70a: {  	[tilespmem:v1+s11+$0x0] =	vst.idx.msk $0xffff, v0  }
0x70b: {  	v0 =	vld.idx.msk [tilespmem:v13+s11+$0x0], $0xffff;
	_ =	sdelay $0x1  }
0x70c: {  	v1 =	vor.u32 s17, v59  }
0x70d: {  	v12 =	vor.u32 s16, v49;
	_ =	sdelay $0x1  }
0x70e: {  	v0 =	vadd.f32 v0, v11;
	_ =	sdelay $0x1  }
0x70f: {  	[tilespmem:v1+s11+$0x0] =	vst.idx.msk $0xffff, v0  }
0x710: {  	v0 =	vld.idx.msk [tilespmem:v12+s11+$0x0], $0xffff;
	_ =	sdelay $0x1  }
0x711: {  	v1 =	vor.u32 s17, v49  }
0x712: {  	v11 =	vor.u32 s16, v47;
	_ =	sdelay $0x1  }
0x713: {  	v0 =	vadd.f32 v0, v10;
	_ =	sdelay $0x1  }
0x714: {  	[tilespmem:v1+s11+$0x0] =	vst.idx.msk $0xffff, v0  }
0x715: {  	v0 =	vld.idx.msk [tilespmem:v11+s11+$0x0], $0xffff;
	_ =	sdelay $0x1  }
0x716: {  	v1 =	vor.u32 s17, v47  }
0x717: {  	v10 =	vor.u32 s16, v46;
	_ =	sdelay $0x1  }
0x718: {  	v0 =	vadd.f32 v0, v9;
	_ =	sdelay $0x1  }
0x719: {  	[tilespmem:v1+s11+$0x0] =	vst.idx.msk $0xffff, v0  }
0x71a: {  	v0 =	vld.idx.msk [tilespmem:v10+s11+$0x0], $0xffff;
	_ =	sdelay $0x2  }
0x71b: {  	v1 =	vor.u32 s17, v46  }
0x71c: {  	s31 =	simm.s32 $0x0  }
0x71d: {  	v0 =	vadd.f32 v0, v8;
	v8 =	vor.u32 s31, v44;
	_ =	sdelay $0x2  }
0x71e: {  	[tilespmem:v1+s11+$0x0] =	vst.idx.msk $0xffff, v0  }
0x71f: {  	v15 =	vld [tilespmem:$0xB00]  }
0x720: {  	v0 =	vld.idx.msk [tilespmem:v8+s11+$0x0], $0xffff  }
0x721: {  	s18 =	simm.s32 $0x480;
	v14 =	vld [tilespmem:$0xB10]  }
0x722: {  	v1 =	vor.u32 s18, v44;
	v13 =	vld [tilespmem:$0xB20]  }
0x723: {  	v16 =	vor.u32 s31, v39;
	v12 =	vld [tilespmem:$0xB30]  }
0x724: {  	v11 =	vld [tilespmem:$0xB40]  }
0x725: {  	v10 =	vld [tilespmem:$0xB50];
	v0 =	vadd.f32 v0, v15  }
0x726: {  	v9 =	vld [tilespmem:$0xB60]  }
0x727: {  	v8 =	vld [tilespmem:$0xB70];
	[tilespmem:v1+s11+$0x0] =	vst.idx.msk $0xffff, v0  }
0x728: {  	v0 =	vld.idx.msk [tilespmem:v16+s11+$0x0], $0xffff;
	_ =	sdelay $0x1  }
0x729: {  	v1 =	vor.u32 s18, v39  }
0x72a: {  	v16 =	vor.u32 s31, v45;
	_ =	sdelay $0x1  }
0x72b: {  	v0 =	vadd.f32 v0, v14;
	_ =	sdelay $0x1  }
0x72c: {  	[tilespmem:v1+s11+$0x0] =	vst.idx.msk $0xffff, v0  }
0x72d: {  	v0 =	vld.idx.msk [tilespmem:v16+s11+$0x0], $0xffff;
	_ =	sdelay $0x1  }
0x72e: {  	v1 =	vor.u32 s18, v45  }
0x72f: {  	v16 =	vor.u32 s31, v2;
	_ =	sdelay $0x1  }
0x730: {  	v0 =	vadd.f32 v0, v13;
	_ =	sdelay $0x1  }
0x731: {  	[tilespmem:v1+s11+$0x0] =	vst.idx.msk $0xffff, v0  }
0x732: {  	v0 =	vld.idx.msk [tilespmem:v16+s11+$0x0], $0xffff;
	_ =	sdelay $0x1  }
0x733: {  	v1 =	vor.u32 s18, v2  }
0x734: {  	v16 =	vor.u32 s31, v59;
	_ =	sdelay $0x1  }
0x735: {  	v0 =	vadd.f32 v0, v12;
	_ =	sdelay $0x1  }
0x736: {  	[tilespmem:v1+s11+$0x0] =	vst.idx.msk $0xffff, v0  }
0x737: {  	v0 =	vld.idx.msk [tilespmem:v16+s11+$0x0], $0xffff;
	_ =	sdelay $0x1  }
0x738: {  	v1 =	vor.u32 s18, v59  }
0x739: {  	v16 =	vor.u32 s31, v49;
	_ =	sdelay $0x1  }
0x73a: {  	v0 =	vadd.f32 v0, v11;
	_ =	sdelay $0x1  }
0x73b: {  	[tilespmem:v1+s11+$0x0] =	vst.idx.msk $0xffff, v0  }
0x73c: {  	v0 =	vld.idx.msk [tilespmem:v16+s11+$0x0], $0xffff;
	_ =	sdelay $0x1  }
0x73d: {  	v1 =	vor.u32 s18, v49  }
0x73e: {  	v16 =	vor.u32 s31, v47;
	_ =	sdelay $0x1  }
0x73f: {  	v0 =	vadd.f32 v0, v10;
	_ =	sdelay $0x1  }
0x740: {  	[tilespmem:v1+s11+$0x0] =	vst.idx.msk $0xffff, v0  }
0x741: {  	v0 =	vld.idx.msk [tilespmem:v16+s11+$0x0], $0xffff;
	_ =	sdelay $0x1  }
0x742: {  	v1 =	vor.u32 s18, v47  }
0x743: {  	v16 =	vor.u32 s31, v46;
	_ =	sdelay $0x1  }
0x744: {  	v0 =	vadd.f32 v0, v9;
	_ =	sdelay $0x1  }
0x745: {  	[tilespmem:v1+s11+$0x0] =	vst.idx.msk $0xffff, v0  }
0x746: {  	v16 =	vld.idx.msk [tilespmem:v16+s11+$0x0], $0xffff;
	_ =	sdelay $0x1  }
0x747: {  	s16 =	simm.s32 $0x80;
	v1 =	vor.u32 s18, v46  }
0x748: {  	v0 =	vor.u32 s16, v44;
	_ =	sdelay $0x1  }
0x749: {  	s17 =	simm.s32 $0x100;
	v16 =	vadd.f32 v16, v8  }
.LBB2_30:
0x74a: {  	_ = 	snop  }
0x74b: {  	p0 =	sne.s32 s17, $0x400;
	s19 =	smov.u32 s17;
	s17 =	sadd.s32 $0x80, s17;
	[tilespmem:v1+s11+$0x0] =	vst.idx.msk $0xffff, v16  }
0x74c: {  	v0 =	vld.idx.msk [tilespmem:v0+s11+$0x0], $0xffff;
	_ =	sdelay $0x1  }
0x74d: {  	s18 =	sadd.s32 $0x480, s16  }
0x74e: {  	v1 =	vor.u32 s18, v44  }
0x74f: {  	v16 =	vor.u32 s16, v39;
	_ =	sdelay $0x1  }
0x750: {  	v0 =	vadd.f32 v0, v15;
	_ =	sdelay $0x1  }
0x751: {  	[tilespmem:v1+s11+$0x0] =	vst.idx.msk $0xffff, v0  }
0x752: {  	v0 =	vld.idx.msk [tilespmem:v16+s11+$0x0], $0xffff;
	_ =	sdelay $0x2  }
0x753: {  	v1 =	vor.u32 s18, v39  }
0x754: {  	v16 =	vor.u32 s16, v45;
	_ =	sdelay $0x1  }
0x755: {  	v0 =	vadd.f32 v0, v14;
	_ =	sdelay $0x1  }
0x756: {  	[tilespmem:v1+s11+$0x0] =	vst.idx.msk $0xffff, v0  }
0x757: {  	v0 =	vld.idx.msk [tilespmem:v16+s11+$0x0], $0xffff;
	_ =	sdelay $0x2  }
0x758: {  	v1 =	vor.u32 s18, v45  }
0x759: {  	v16 =	vor.u32 s16, v2;
	_ =	sdelay $0x1  }
0x75a: {  	v0 =	vadd.f32 v0, v13;
	_ =	sdelay $0x1  }
0x75b: {  	[tilespmem:v1+s11+$0x0] =	vst.idx.msk $0xffff, v0  }
0x75c: {  	v0 =	vld.idx.msk [tilespmem:v16+s11+$0x0], $0xffff;
	_ =	sdelay $0x2  }
0x75d: {  	v1 =	vor.u32 s18, v2  }
0x75e: {  	v16 =	vor.u32 s16, v59;
	_ =	sdelay $0x1  }
0x75f: {  	v0 =	vadd.f32 v0, v12;
	_ =	sdelay $0x1  }
0x760: {  	[tilespmem:v1+s11+$0x0] =	vst.idx.msk $0xffff, v0  }
0x761: {  	v0 =	vld.idx.msk [tilespmem:v16+s11+$0x0], $0xffff;
	_ =	sdelay $0x2  }
0x762: {  	v1 =	vor.u32 s18, v59  }
0x763: {  	v16 =	vor.u32 s16, v49;
	_ =	sdelay $0x1  }
0x764: {  	v0 =	vadd.f32 v0, v11;
	_ =	sdelay $0x1  }
0x765: {  	[tilespmem:v1+s11+$0x0] =	vst.idx.msk $0xffff, v0  }
0x766: {  	v0 =	vld.idx.msk [tilespmem:v16+s11+$0x0], $0xffff;
	_ =	sdelay $0x2  }
0x767: {  	v1 =	vor.u32 s18, v49  }
0x768: {  	v16 =	vor.u32 s16, v47;
	_ =	sdelay $0x1  }
0x769: {  	v0 =	vadd.f32 v0, v10;
	_ =	sdelay $0x1  }
0x76a: {  	[tilespmem:v1+s11+$0x0] =	vst.idx.msk $0xffff, v0  }
0x76b: {  	v0 =	vld.idx.msk [tilespmem:v16+s11+$0x0], $0xffff;
	_ =	sdelay $0x2  }
0x76c: {  	v1 =	vor.u32 s18, v47  }
0x76d: {  	v16 =	vor.u32 s16, v46;
	s16 =	smov.u32 s19;
	_ =	sdelay $0x1  }
0x76e: {  	v0 =	vadd.f32 v0, v9;
	_ =	sdelay $0x1  }
0x76f: {  	[tilespmem:v1+s11+$0x0] =	vst.idx.msk $0xffff, v0  }
0x770: {  	v16 =	vld.idx.msk [tilespmem:v16+s11+$0x0], $0xffff;
	_ =	sdelay $0x1  }
.Ltmp16:
0x771: {  	(pc) =	sbr.rel @p0 .LBB2_30-.Ltmp16, $3  }
0x772: {  	v1 =	vor.u32 s18, v46  }
0x773: {  	v0 =	vor.u32 s16, v44;
	_ =	sdelay $0x1  }
0x774: {  	v16 =	vadd.f32 v16, v8  }
0x775: {  	_ =	sdelay $0x3  }
0x776: {  	[tilespmem:v1+s11+$0x0] =	vst.idx.msk $0xffff, v16  }
0x777: {  	v0 =	vld.idx.msk [tilespmem:v0+s11+$0x0], $0xffff  }
0x778: {  	s17 =	sadd.s32 $0x480, s16  }
0x779: {  	v1 =	vor.u32 s17, v44  }
0x77a: {  	v16 =	vor.u32 s16, v39;
	_ =	sdelay $0x1  }
0x77b: {  	v0 =	vadd.f32 v0, v15;
	_ =	sdelay $0x1  }
0x77c: {  	[tilespmem:v1+s11+$0x0] =	vst.idx.msk $0xffff, v0  }
0x77d: {  	v0 =	vld.idx.msk [tilespmem:v16+s11+$0x0], $0xffff;
	_ =	sdelay $0x1  }
0x77e: {  	v1 =	vor.u32 s17, v39  }
0x77f: {  	v15 =	vor.u32 s16, v45;
	_ =	sdelay $0x1  }
0x780: {  	v0 =	vadd.f32 v0, v14;
	_ =	sdelay $0x1  }
0x781: {  	[tilespmem:v1+s11+$0x0] =	vst.idx.msk $0xffff, v0  }
0x782: {  	v0 =	vld.idx.msk [tilespmem:v15+s11+$0x0], $0xffff;
	_ =	sdelay $0x1  }
0x783: {  	v1 =	vor.u32 s17, v45  }
0x784: {  	v14 =	vor.u32 s16, v2;
	_ =	sdelay $0x1  }
0x785: {  	v0 =	vadd.f32 v0, v13;
	_ =	sdelay $0x1  }
0x786: {  	[tilespmem:v1+s11+$0x0] =	vst.idx.msk $0xffff, v0  }
0x787: {  	v0 =	vld.idx.msk [tilespmem:v14+s11+$0x0], $0xffff;
	_ =	sdelay $0x1  }
0x788: {  	v1 =	vor.u32 s17, v2  }
0x789: {  	v13 =	vor.u32 s16, v59;
	_ =	sdelay $0x1  }
0x78a: {  	v0 =	vadd.f32 v0, v12;
	_ =	sdelay $0x1  }
0x78b: {  	[tilespmem:v1+s11+$0x0] =	vst.idx.msk $0xffff, v0  }
0x78c: {  	v0 =	vld.idx.msk [tilespmem:v13+s11+$0x0], $0xffff;
	_ =	sdelay $0x1  }
0x78d: {  	v1 =	vor.u32 s17, v59  }
0x78e: {  	v12 =	vor.u32 s16, v49;
	_ =	sdelay $0x1  }
0x78f: {  	v0 =	vadd.f32 v0, v11;
	_ =	sdelay $0x1  }
0x790: {  	[tilespmem:v1+s11+$0x0] =	vst.idx.msk $0xffff, v0  }
0x791: {  	v0 =	vld.idx.msk [tilespmem:v12+s11+$0x0], $0xffff;
	_ =	sdelay $0x1  }
0x792: {  	v1 =	vor.u32 s17, v49  }
0x793: {  	v11 =	vor.u32 s16, v47;
	_ =	sdelay $0x1  }
0x794: {  	v0 =	vadd.f32 v0, v10;
	_ =	sdelay $0x1  }
0x795: {  	[tilespmem:v1+s11+$0x0] =	vst.idx.msk $0xffff, v0  }
0x796: {  	v0 =	vld.idx.msk [tilespmem:v11+s11+$0x0], $0xffff;
	_ =	sdelay $0x1  }
0x797: {  	v1 =	vor.u32 s17, v47  }
0x798: {  	v10 =	vor.u32 s16, v46;
	_ =	sdelay $0x1  }
0x799: {  	v0 =	vadd.f32 v0, v9;
	_ =	sdelay $0x1  }
0x79a: {  	[tilespmem:v1+s11+$0x0] =	vst.idx.msk $0xffff, v0  }
0x79b: {  	v0 =	vld.idx.msk [tilespmem:v10+s11+$0x0], $0xffff;
	_ =	sdelay $0x1  }
0x79c: {  	v1 =	vor.u32 s17, v46  }
0x79d: {  	s31 =	simm.s32 $0x0  }
0x79e: {  	v15 =	vor.u32 s31, v44  }
0x79f: {  	v0 =	vadd.f32 v0, v8;
	_ =	sdelay $0x1  }
0x7a0: {  	[tilespmem:v1+s11+$0x0] =	vst.idx.msk $0xffff, v0  }
0x7a1: {  	v0 =	vld [tilespmem:$0xA80]  }
0x7a2: {  	v1 =	vld.idx.msk [tilespmem:v15+s11+$0x0], $0xffff  }
0x7a3: {  	v14 =	vld [tilespmem:$0xA90]  }
0x7a4: {  	v13 =	vld [tilespmem:$0xAA0]  }
0x7a5: {  	v16 =	vor.u32 s31, v39;
	v12 =	vld [tilespmem:$0xAB0]  }
0x7a6: {  	v11 =	vld [tilespmem:$0xAC0]  }
0x7a7: {  	v10 =	vld [tilespmem:$0xAD0];
	v1 =	vadd.f32 v1, v0  }
0x7a8: {  	v9 =	vld [tilespmem:$0xAE0]  }
0x7a9: {  	v8 =	vld [tilespmem:$0xAF0];
	[tilespmem:v15+s11+$0x0] =	vst.idx.msk $0xffff, v1  }
0x7aa: {  	v1 =	vld.idx.msk [tilespmem:v16+s11+$0x0], $0xffff;
	_ =	sdelay $0x2  }
0x7ab: {  	v15 =	vor.u32 s31, v45;
	_ =	sdelay $0x1  }
0x7ac: {  	v1 =	vadd.f32 v1, v14;
	_ =	sdelay $0x1  }
0x7ad: {  	[tilespmem:v16+s11+$0x0] =	vst.idx.msk $0xffff, v1  }
0x7ae: {  	v1 =	vld.idx.msk [tilespmem:v15+s11+$0x0], $0xffff;
	_ =	sdelay $0x2  }
0x7af: {  	v16 =	vor.u32 s31, v2;
	_ =	sdelay $0x1  }
0x7b0: {  	v1 =	vadd.f32 v1, v13;
	_ =	sdelay $0x1  }
0x7b1: {  	[tilespmem:v15+s11+$0x0] =	vst.idx.msk $0xffff, v1  }
0x7b2: {  	v1 =	vld.idx.msk [tilespmem:v16+s11+$0x0], $0xffff;
	_ =	sdelay $0x2  }
0x7b3: {  	v15 =	vor.u32 s31, v59;
	_ =	sdelay $0x1  }
0x7b4: {  	v1 =	vadd.f32 v1, v12;
	_ =	sdelay $0x1  }
0x7b5: {  	[tilespmem:v16+s11+$0x0] =	vst.idx.msk $0xffff, v1  }
0x7b6: {  	v1 =	vld.idx.msk [tilespmem:v15+s11+$0x0], $0xffff;
	_ =	sdelay $0x2  }
0x7b7: {  	v16 =	vor.u32 s31, v49;
	_ =	sdelay $0x1  }
0x7b8: {  	v1 =	vadd.f32 v1, v11;
	_ =	sdelay $0x1  }
0x7b9: {  	[tilespmem:v15+s11+$0x0] =	vst.idx.msk $0xffff, v1  }
0x7ba: {  	v1 =	vld.idx.msk [tilespmem:v16+s11+$0x0], $0xffff;
	_ =	sdelay $0x2  }
0x7bb: {  	v15 =	vor.u32 s31, v47;
	_ =	sdelay $0x1  }
0x7bc: {  	v1 =	vadd.f32 v1, v10;
	_ =	sdelay $0x1  }
0x7bd: {  	[tilespmem:v16+s11+$0x0] =	vst.idx.msk $0xffff, v1  }
0x7be: {  	v16 =	vld.idx.msk [tilespmem:v15+s11+$0x0], $0xffff;
	_ =	sdelay $0x2  }
0x7bf: {  	v1 =	vor.u32 s31, v46;
	_ =	sdelay $0x1  }
0x7c0: {  	v16 =	vadd.f32 v16, v9;
	_ =	sdelay $0x1  }
0x7c1: {  	[tilespmem:v15+s11+$0x0] =	vst.idx.msk $0xffff, v16  }
0x7c2: {  	v16 =	vld.idx.msk [tilespmem:v1+s11+$0x0], $0xffff;
	_ =	sdelay $0x1  }
0x7c3: {  	s16 =	simm.s32 $0x80  }
0x7c4: {  	v15 =	vor.u32 s16, v44;
	_ =	sdelay $0x1  }
0x7c5: {  	s17 =	simm.s32 $0x100;
	v16 =	vadd.f32 v16, v8  }
.LBB2_32:
0x7c6: {  	_ = 	snop  }
0x7c7: {  	p0 =	sne.s32 s17, $0x400;
	s18 =	smov.u32 s17;
	s17 =	sadd.s32 $0x80, s17;
	[tilespmem:v1+s11+$0x0] =	vst.idx.msk $0xffff, v16  }
0x7c8: {  	v1 =	vld.idx.msk [tilespmem:v15+s11+$0x0], $0xffff;
	_ =	sdelay $0x3  }
0x7c9: {  	v16 =	vor.u32 s16, v39;
	_ =	sdelay $0x1  }
0x7ca: {  	v1 =	vadd.f32 v1, v0;
	_ =	sdelay $0x1  }
0x7cb: {  	[tilespmem:v15+s11+$0x0] =	vst.idx.msk $0xffff, v1  }
0x7cc: {  	v1 =	vld.idx.msk [tilespmem:v16+s11+$0x0], $0xffff;
	_ =	sdelay $0x3  }
0x7cd: {  	v15 =	vor.u32 s16, v45;
	_ =	sdelay $0x1  }
0x7ce: {  	v1 =	vadd.f32 v1, v14;
	_ =	sdelay $0x1  }
0x7cf: {  	[tilespmem:v16+s11+$0x0] =	vst.idx.msk $0xffff, v1  }
0x7d0: {  	v1 =	vld.idx.msk [tilespmem:v15+s11+$0x0], $0xffff;
	_ =	sdelay $0x3  }
0x7d1: {  	v16 =	vor.u32 s16, v2;
	_ =	sdelay $0x1  }
0x7d2: {  	v1 =	vadd.f32 v1, v13;
	_ =	sdelay $0x1  }
0x7d3: {  	[tilespmem:v15+s11+$0x0] =	vst.idx.msk $0xffff, v1  }
0x7d4: {  	v1 =	vld.idx.msk [tilespmem:v16+s11+$0x0], $0xffff;
	_ =	sdelay $0x3  }
0x7d5: {  	v15 =	vor.u32 s16, v59;
	_ =	sdelay $0x1  }
0x7d6: {  	v1 =	vadd.f32 v1, v12;
	_ =	sdelay $0x1  }
0x7d7: {  	[tilespmem:v16+s11+$0x0] =	vst.idx.msk $0xffff, v1  }
0x7d8: {  	v1 =	vld.idx.msk [tilespmem:v15+s11+$0x0], $0xffff;
	_ =	sdelay $0x3  }
0x7d9: {  	v16 =	vor.u32 s16, v49;
	_ =	sdelay $0x1  }
0x7da: {  	v1 =	vadd.f32 v1, v11;
	_ =	sdelay $0x1  }
0x7db: {  	[tilespmem:v15+s11+$0x0] =	vst.idx.msk $0xffff, v1  }
0x7dc: {  	v1 =	vld.idx.msk [tilespmem:v16+s11+$0x0], $0xffff;
	_ =	sdelay $0x3  }
0x7dd: {  	v15 =	vor.u32 s16, v47;
	_ =	sdelay $0x1  }
0x7de: {  	v1 =	vadd.f32 v1, v10;
	_ =	sdelay $0x1  }
0x7df: {  	[tilespmem:v16+s11+$0x0] =	vst.idx.msk $0xffff, v1  }
0x7e0: {  	v16 =	vld.idx.msk [tilespmem:v15+s11+$0x0], $0xffff;
	_ =	sdelay $0x3  }
0x7e1: {  	v1 =	vor.u32 s16, v46;
	s16 =	smov.u32 s18;
	_ =	sdelay $0x1  }
0x7e2: {  	v16 =	vadd.f32 v16, v9;
	_ =	sdelay $0x1  }
0x7e3: {  	[tilespmem:v15+s11+$0x0] =	vst.idx.msk $0xffff, v16  }
0x7e4: {  	v16 =	vld.idx.msk [tilespmem:v1+s11+$0x0], $0xffff;
	_ =	sdelay $0x1  }
.Ltmp17:
0x7e5: {  	(pc) =	sbr.rel @p0 .LBB2_32-.Ltmp17, $3  }
0x7e6: {  	_ = 	snop  }
0x7e7: {  	v15 =	vor.u32 s16, v44;
	_ =	sdelay $0x1  }
0x7e8: {  	v16 =	vadd.f32 v16, v8  }
0x7e9: {  	_ =	sdelay $0x3  }
0x7ea: {  	[tilespmem:v1+s11+$0x0] =	vst.idx.msk $0xffff, v16  }
0x7eb: {  	v1 =	vld.idx.msk [tilespmem:v15+s11+$0x0], $0xffff;
	_ =	sdelay $0x2  }
0x7ec: {  	v61 =	vor.u32 s16, v39;
	_ =	sdelay $0x1  }
0x7ed: {  	v0 =	vadd.f32 v1, v0;
	_ =	sdelay $0x1  }
0x7ee: {  	[tilespmem:v15+s11+$0x0] =	vst.idx.msk $0xffff, v0  }
0x7ef: {  	v0 =	vld.idx.msk [tilespmem:v61+s11+$0x0], $0xffff;
	_ =	sdelay $0x2  }
0x7f0: {  	v1 =	vor.u32 s16, v45;
	_ =	sdelay $0x1  }
0x7f1: {  	v0 =	vadd.f32 v0, v14;
	_ =	sdelay $0x1  }
0x7f2: {  	[tilespmem:v61+s11+$0x0] =	vst.idx.msk $0xffff, v0  }
0x7f3: {  	v0 =	vld.idx.msk [tilespmem:v1+s11+$0x0], $0xffff;
	_ =	sdelay $0x2  }
0x7f4: {  	v62 =	vor.u32 s16, v2;
	_ =	sdelay $0x1  }
0x7f5: {  	v0 =	vadd.f32 v0, v13;
	_ =	sdelay $0x1  }
0x7f6: {  	[tilespmem:v1+s11+$0x0] =	vst.idx.msk $0xffff, v0  }
0x7f7: {  	v0 =	vld.idx.msk [tilespmem:v62+s11+$0x0], $0xffff;
	_ =	sdelay $0x2  }
0x7f8: {  	v1 =	vor.u32 s16, v59;
	_ =	sdelay $0x1  }
0x7f9: {  	v0 =	vadd.f32 v0, v12;
	_ =	sdelay $0x1  }
0x7fa: {  	[tilespmem:v62+s11+$0x0] =	vst.idx.msk $0xffff, v0  }
0x7fb: {  	v0 =	vld.idx.msk [tilespmem:v1+s11+$0x0], $0xffff;
	_ =	sdelay $0x2  }
0x7fc: {  	v63 =	vor.u32 s16, v49;
	_ =	sdelay $0x1  }
0x7fd: {  	v0 =	vadd.f32 v0, v11;
	_ =	sdelay $0x1  }
0x7fe: {  	[tilespmem:v1+s11+$0x0] =	vst.idx.msk $0xffff, v0  }
0x7ff: {  	v0 =	vld.idx.msk [tilespmem:v63+s11+$0x0], $0xffff;
	_ =	sdelay $0x2  }
0x800: {  	v1 =	vor.u32 s16, v47;
	_ =	sdelay $0x1  }
0x801: {  	v0 =	vadd.f32 v0, v10;
	_ =	sdelay $0x1  }
0x802: {  	[tilespmem:v63+s11+$0x0] =	vst.idx.msk $0xffff, v0  }
0x803: {  	v0 =	vld.idx.msk [tilespmem:v1+s11+$0x0], $0xffff;
	_ =	sdelay $0x2  }
0x804: {  	v10 =	vor.u32 s16, v46;
	_ =	sdelay $0x1  }
0x805: {  	v0 =	vadd.f32 v0, v9;
	_ =	sdelay $0x1  }
0x806: {  	[tilespmem:v1+s11+$0x0] =	vst.idx.msk $0xffff, v0  }
0x807: {  	v0 =	vld.idx.msk [tilespmem:v10+s11+$0x0], $0xffff;
	_ =	sdelay $0x2  }
0x808: {  	s31 =	simm.s32 $0x0  }
0x809: {  	v1 =	vor.u32 s31, v44  }
0x80a: {  	v0 =	vadd.f32 v0, v8;
	_ =	sdelay $0x1  }
0x80b: {  	[tilespmem:v10+s11+$0x0] =	vst.idx.msk $0xffff, v0  }
0x80c: {  	v9 =	vld [tilespmem:$0xD00]  }
0x80d: {  	v0 =	vld.idx.msk [tilespmem:v1+s11+$0x0], $0xffff;
	_ =	sdelay $0x2  }
0x80e: {  	s18 =	simm.s32 $0x1B00;
	v8 =	vld [tilespmem:$0xD10]  }
0x80f: {  	v29 =	vld [tilespmem:$0xD20];
	v1 =	vor.u32 s18, v44  }
0x810: {  	v10 =	vor.u32 s31, v39;
	v28 =	vld [tilespmem:$0xD30];
	v0 =	vadd.f32 v0, v9  }
0x811: {  	v27 =	vld [tilespmem:$0xD40]  }
0x812: {  	v26 =	vld [tilespmem:$0xD50];
	v0 =	vmul.f32 $1.111111120e-01, v0  }
0x813: {  	v25 =	vld [tilespmem:$0xD60]  }
0x814: {  	v24 =	vld [tilespmem:$0xD70];
	[tilespmem:v1+s11+$0x0] =	vst.idx.msk $0xffff, v0  }
0x815: {  	v0 =	vld.idx.msk [tilespmem:v10+s11+$0x0], $0xffff;
	_ =	sdelay $0x3  }
0x816: {  	v1 =	vor.u32 s18, v39  }
0x817: {  	v10 =	vor.u32 s31, v45;
	v0 =	vadd.f32 v0, v8;
	_ =	sdelay $0x1  }
0x818: {  	v0 =	vmul.f32 $1.111111120e-01, v0;
	_ =	sdelay $0x1  }
0x819: {  	[tilespmem:v1+s11+$0x0] =	vst.idx.msk $0xffff, v0  }
0x81a: {  	v0 =	vld.idx.msk [tilespmem:v10+s11+$0x0], $0xffff;
	_ =	sdelay $0x3  }
0x81b: {  	v1 =	vor.u32 s18, v45  }
0x81c: {  	v10 =	vor.u32 s31, v2;
	v0 =	vadd.f32 v0, v29;
	_ =	sdelay $0x1  }
0x81d: {  	v0 =	vmul.f32 $1.111111120e-01, v0;
	_ =	sdelay $0x1  }
0x81e: {  	[tilespmem:v1+s11+$0x0] =	vst.idx.msk $0xffff, v0  }
0x81f: {  	v0 =	vld.idx.msk [tilespmem:v10+s11+$0x0], $0xffff;
	_ =	sdelay $0x3  }
0x820: {  	v1 =	vor.u32 s18, v2  }
0x821: {  	v10 =	vor.u32 s31, v59;
	v0 =	vadd.f32 v0, v28;
	_ =	sdelay $0x1  }
0x822: {  	v0 =	vmul.f32 $1.111111120e-01, v0;
	_ =	sdelay $0x1  }
0x823: {  	[tilespmem:v1+s11+$0x0] =	vst.idx.msk $0xffff, v0  }
0x824: {  	v0 =	vld.idx.msk [tilespmem:v10+s11+$0x0], $0xffff;
	_ =	sdelay $0x3  }
0x825: {  	v1 =	vor.u32 s18, v59  }
0x826: {  	v10 =	vor.u32 s31, v49;
	v0 =	vadd.f32 v0, v27;
	_ =	sdelay $0x1  }
0x827: {  	v0 =	vmul.f32 $1.111111120e-01, v0;
	_ =	sdelay $0x1  }
0x828: {  	[tilespmem:v1+s11+$0x0] =	vst.idx.msk $0xffff, v0  }
0x829: {  	v0 =	vld.idx.msk [tilespmem:v10+s11+$0x0], $0xffff;
	_ =	sdelay $0x3  }
0x82a: {  	v1 =	vor.u32 s18, v49  }
0x82b: {  	v10 =	vor.u32 s31, v47;
	v0 =	vadd.f32 v0, v26;
	_ =	sdelay $0x1  }
0x82c: {  	v0 =	vmul.f32 $1.111111120e-01, v0;
	_ =	sdelay $0x1  }
0x82d: {  	[tilespmem:v1+s11+$0x0] =	vst.idx.msk $0xffff, v0  }
0x82e: {  	v0 =	vld.idx.msk [tilespmem:v10+s11+$0x0], $0xffff;
	_ =	sdelay $0x3  }
0x82f: {  	v1 =	vor.u32 s18, v47  }
0x830: {  	v10 =	vor.u32 s31, v46;
	v0 =	vadd.f32 v0, v25;
	_ =	sdelay $0x1  }
0x831: {  	v0 =	vmul.f32 $1.111111120e-01, v0;
	_ =	sdelay $0x1  }
0x832: {  	[tilespmem:v1+s11+$0x0] =	vst.idx.msk $0xffff, v0  }
0x833: {  	v0 =	vld.idx.msk [tilespmem:v10+s11+$0x0], $0xffff;
	_ =	sdelay $0x3  }
0x834: {  	s16 =	simm.s32 $0x80;
	v1 =	vor.u32 s18, v46  }
0x835: {  	v10 =	vadd.f32 v0, v24;
	v0 =	vor.u32 s16, v44;
	_ =	sdelay $0x1  }
0x836: {  	s17 =	simm.s32 $0x100;
	v10 =	vmul.f32 $1.111111120e-01, v10  }
.LBB2_34:
0x837: {  	_ = 	snop  }
0x838: {  	p0 =	sne.s32 s17, $0xD00;
	s19 =	smov.u32 s17;
	s17 =	sadd.s32 $0x80, s17;
	[tilespmem:v1+s11+$0x0] =	vst.idx.msk $0xffff, v10  }
0x839: {  	v0 =	vld.idx.msk [tilespmem:v0+s11+$0x0], $0xffff;
	_ =	sdelay $0x3  }
0x83a: {  	s18 =	sadd.s32 $0x1B00, s16  }
0x83b: {  	v1 =	vor.u32 s18, v44  }
0x83c: {  	v10 =	vor.u32 s16, v39;
	v0 =	vadd.f32 v0, v9;
	_ =	sdelay $0x1  }
0x83d: {  	v0 =	vmul.f32 $1.111111120e-01, v0;
	_ =	sdelay $0x1  }
0x83e: {  	[tilespmem:v1+s11+$0x0] =	vst.idx.msk $0xffff, v0  }
0x83f: {  	v0 =	vld.idx.msk [tilespmem:v10+s11+$0x0], $0xffff;
	_ =	sdelay $0x4  }
0x840: {  	v1 =	vor.u32 s18, v39  }
0x841: {  	v10 =	vor.u32 s16, v45;
	v0 =	vadd.f32 v0, v8;
	_ =	sdelay $0x1  }
0x842: {  	v0 =	vmul.f32 $1.111111120e-01, v0;
	_ =	sdelay $0x1  }
0x843: {  	[tilespmem:v1+s11+$0x0] =	vst.idx.msk $0xffff, v0  }
0x844: {  	v0 =	vld.idx.msk [tilespmem:v10+s11+$0x0], $0xffff;
	_ =	sdelay $0x4  }
0x845: {  	v1 =	vor.u32 s18, v45  }
0x846: {  	v10 =	vor.u32 s16, v2;
	v0 =	vadd.f32 v0, v29;
	_ =	sdelay $0x1  }
0x847: {  	v0 =	vmul.f32 $1.111111120e-01, v0;
	_ =	sdelay $0x1  }
0x848: {  	[tilespmem:v1+s11+$0x0] =	vst.idx.msk $0xffff, v0  }
0x849: {  	v0 =	vld.idx.msk [tilespmem:v10+s11+$0x0], $0xffff;
	_ =	sdelay $0x4  }
0x84a: {  	v1 =	vor.u32 s18, v2  }
0x84b: {  	v10 =	vor.u32 s16, v59;
	v0 =	vadd.f32 v0, v28;
	_ =	sdelay $0x1  }
0x84c: {  	v0 =	vmul.f32 $1.111111120e-01, v0;
	_ =	sdelay $0x1  }
0x84d: {  	[tilespmem:v1+s11+$0x0] =	vst.idx.msk $0xffff, v0  }
0x84e: {  	v0 =	vld.idx.msk [tilespmem:v10+s11+$0x0], $0xffff;
	_ =	sdelay $0x4  }
0x84f: {  	v1 =	vor.u32 s18, v59  }
0x850: {  	v10 =	vor.u32 s16, v49;
	v0 =	vadd.f32 v0, v27;
	_ =	sdelay $0x1  }
0x851: {  	v0 =	vmul.f32 $1.111111120e-01, v0;
	_ =	sdelay $0x1  }
0x852: {  	[tilespmem:v1+s11+$0x0] =	vst.idx.msk $0xffff, v0  }
0x853: {  	v0 =	vld.idx.msk [tilespmem:v10+s11+$0x0], $0xffff;
	_ =	sdelay $0x4  }
0x854: {  	v1 =	vor.u32 s18, v49  }
0x855: {  	v10 =	vor.u32 s16, v47;
	v0 =	vadd.f32 v0, v26;
	_ =	sdelay $0x1  }
0x856: {  	v0 =	vmul.f32 $1.111111120e-01, v0;
	_ =	sdelay $0x1  }
0x857: {  	[tilespmem:v1+s11+$0x0] =	vst.idx.msk $0xffff, v0  }
0x858: {  	v0 =	vld.idx.msk [tilespmem:v10+s11+$0x0], $0xffff;
	_ =	sdelay $0x4  }
0x859: {  	v1 =	vor.u32 s18, v47  }
0x85a: {  	v10 =	vor.u32 s16, v46;
	s16 =	smov.u32 s19;
	v0 =	vadd.f32 v0, v25;
	_ =	sdelay $0x1  }
0x85b: {  	v0 =	vmul.f32 $1.111111120e-01, v0;
	_ =	sdelay $0x1  }
0x85c: {  	[tilespmem:v1+s11+$0x0] =	vst.idx.msk $0xffff, v0  }
0x85d: {  	v10 =	vld.idx.msk [tilespmem:v10+s11+$0x0], $0xffff;
	_ =	sdelay $0x3  }
.Ltmp18:
0x85e: {  	(pc) =	sbr.rel @p0 .LBB2_34-.Ltmp18, $3  }
0x85f: {  	v1 =	vor.u32 s18, v46  }
0x860: {  	v0 =	vor.u32 s16, v44;
	v10 =	vadd.f32 v10, v24;
	_ =	sdelay $0x1  }
0x861: {  	v10 =	vmul.f32 $1.111111120e-01, v10  }
0x862: {  	_ =	sdelay $0x3  }
0x863: {  	[tilespmem:v1+s11+$0x0] =	vst.idx.msk $0xffff, v10  }
0x864: {  	v0 =	vld.idx.msk [tilespmem:v0+s11+$0x0], $0xffff;
	_ =	sdelay $0x2  }
0x865: {  	s17 =	sadd.s32 $0x1B00, s16  }
0x866: {  	v1 =	vor.u32 s17, v44  }
0x867: {  	v0 =	vadd.f32 v0, v9;
	v9 =	vor.u32 s16, v39;
	_ =	sdelay $0x1  }
0x868: {  	v0 =	vmul.f32 $1.111111120e-01, v0;
	_ =	sdelay $0x1  }
0x869: {  	[tilespmem:v1+s11+$0x0] =	vst.idx.msk $0xffff, v0  }
0x86a: {  	v0 =	vld.idx.msk [tilespmem:v9+s11+$0x0], $0xffff;
	_ =	sdelay $0x3  }
0x86b: {  	v1 =	vor.u32 s17, v39  }
0x86c: {  	v0 =	vadd.f32 v0, v8;
	v8 =	vor.u32 s16, v45;
	_ =	sdelay $0x1  }
0x86d: {  	v0 =	vmul.f32 $1.111111120e-01, v0;
	_ =	sdelay $0x1  }
0x86e: {  	[tilespmem:v1+s11+$0x0] =	vst.idx.msk $0xffff, v0  }
0x86f: {  	v0 =	vld.idx.msk [tilespmem:v8+s11+$0x0], $0xffff;
	_ =	sdelay $0x3  }
0x870: {  	v1 =	vor.u32 s17, v45  }
0x871: {  	v8 =	vor.u32 s16, v2;
	v0 =	vadd.f32 v0, v29;
	_ =	sdelay $0x1  }
0x872: {  	v0 =	vmul.f32 $1.111111120e-01, v0;
	_ =	sdelay $0x1  }
0x873: {  	[tilespmem:v1+s11+$0x0] =	vst.idx.msk $0xffff, v0  }
0x874: {  	v0 =	vld.idx.msk [tilespmem:v8+s11+$0x0], $0xffff;
	_ =	sdelay $0x3  }
0x875: {  	v1 =	vor.u32 s17, v2  }
0x876: {  	v8 =	vor.u32 s16, v59;
	v0 =	vadd.f32 v0, v28;
	_ =	sdelay $0x1  }
0x877: {  	v0 =	vmul.f32 $1.111111120e-01, v0;
	_ =	sdelay $0x1  }
0x878: {  	[tilespmem:v1+s11+$0x0] =	vst.idx.msk $0xffff, v0  }
0x879: {  	v0 =	vld.idx.msk [tilespmem:v8+s11+$0x0], $0xffff;
	_ =	sdelay $0x3  }
0x87a: {  	v1 =	vor.u32 s17, v59  }
0x87b: {  	v8 =	vor.u32 s16, v49;
	v0 =	vadd.f32 v0, v27;
	_ =	sdelay $0x1  }
0x87c: {  	v0 =	vmul.f32 $1.111111120e-01, v0;
	_ =	sdelay $0x1  }
0x87d: {  	[tilespmem:v1+s11+$0x0] =	vst.idx.msk $0xffff, v0  }
0x87e: {  	v0 =	vld.idx.msk [tilespmem:v8+s11+$0x0], $0xffff;
	_ =	sdelay $0x3  }
0x87f: {  	v1 =	vor.u32 s17, v49  }
0x880: {  	v8 =	vor.u32 s16, v47;
	v0 =	vadd.f32 v0, v26;
	_ =	sdelay $0x1  }
0x881: {  	v0 =	vmul.f32 $1.111111120e-01, v0;
	_ =	sdelay $0x1  }
0x882: {  	[tilespmem:v1+s11+$0x0] =	vst.idx.msk $0xffff, v0  }
0x883: {  	v0 =	vld.idx.msk [tilespmem:v8+s11+$0x0], $0xffff;
	_ =	sdelay $0x3  }
0x884: {  	v1 =	vor.u32 s17, v47  }
0x885: {  	v8 =	vor.u32 s16, v46;
	v0 =	vadd.f32 v0, v25;
	_ =	sdelay $0x1  }
0x886: {  	v0 =	vmul.f32 $1.111111120e-01, v0;
	_ =	sdelay $0x1  }
0x887: {  	[tilespmem:v1+s11+$0x0] =	vst.idx.msk $0xffff, v0  }
0x888: {  	v0 =	vld.idx.msk [tilespmem:v8+s11+$0x0], $0xffff;
	_ =	sdelay $0x3  }
0x889: {  	v1 =	vor.u32 s17, v46  }
0x88a: {  	s31 =	simm.s32 $0x0;
	v0 =	vadd.f32 v0, v24  }
0x88b: {  	v8 =	vor.u32 s31, v44  }
0x88c: {  	v0 =	vmul.f32 $1.111111120e-01, v0;
	_ =	sdelay $0x1  }
0x88d: {  	[tilespmem:v1+s11+$0x0] =	vst.idx.msk $0xffff, v0  }
0x88e: {  	v9 =	vld [tilespmem:$0xC80]  }
0x88f: {  	v0 =	vld.idx.msk [tilespmem:v8+s11+$0x0], $0xffff;
	_ =	sdelay $0x2  }
0x890: {  	s18 =	simm.s32 $0xD80;
	v8 =	vld [tilespmem:$0xC90]  }
0x891: {  	v1 =	vor.u32 s18, v44;
	v29 =	vld [tilespmem:$0xCA0]  }
0x892: {  	v10 =	vor.u32 s31, v39;
	v28 =	vld [tilespmem:$0xCB0];
	v0 =	vadd.f32 v0, v9  }
0x893: {  	v27 =	vld [tilespmem:$0xCC0]  }
0x894: {  	v26 =	vld [tilespmem:$0xCD0];
	v0 =	vmul.f32 $1.111111120e-01, v0  }
0x895: {  	v25 =	vld [tilespmem:$0xCE0]  }
0x896: {  	v24 =	vld [tilespmem:$0xCF0];
	[tilespmem:v1+s11+$0x0] =	vst.idx.msk $0xffff, v0  }
0x897: {  	v0 =	vld.idx.msk [tilespmem:v10+s11+$0x0], $0xffff;
	_ =	sdelay $0x3  }
0x898: {  	v1 =	vor.u32 s18, v39  }
0x899: {  	v10 =	vor.u32 s31, v45;
	v0 =	vadd.f32 v0, v8;
	_ =	sdelay $0x1  }
0x89a: {  	v0 =	vmul.f32 $1.111111120e-01, v0;
	_ =	sdelay $0x1  }
0x89b: {  	[tilespmem:v1+s11+$0x0] =	vst.idx.msk $0xffff, v0  }
0x89c: {  	v0 =	vld.idx.msk [tilespmem:v10+s11+$0x0], $0xffff;
	_ =	sdelay $0x3  }
0x89d: {  	v1 =	vor.u32 s18, v45  }
0x89e: {  	v10 =	vor.u32 s31, v2;
	v0 =	vadd.f32 v0, v29;
	_ =	sdelay $0x1  }
0x89f: {  	v0 =	vmul.f32 $1.111111120e-01, v0;
	_ =	sdelay $0x1  }
0x8a0: {  	[tilespmem:v1+s11+$0x0] =	vst.idx.msk $0xffff, v0  }
0x8a1: {  	v0 =	vld.idx.msk [tilespmem:v10+s11+$0x0], $0xffff;
	_ =	sdelay $0x3  }
0x8a2: {  	v1 =	vor.u32 s18, v2  }
0x8a3: {  	v10 =	vor.u32 s31, v59;
	v0 =	vadd.f32 v0, v28;
	_ =	sdelay $0x1  }
0x8a4: {  	v0 =	vmul.f32 $1.111111120e-01, v0;
	_ =	sdelay $0x1  }
0x8a5: {  	[tilespmem:v1+s11+$0x0] =	vst.idx.msk $0xffff, v0  }
0x8a6: {  	v0 =	vld.idx.msk [tilespmem:v10+s11+$0x0], $0xffff;
	_ =	sdelay $0x3  }
0x8a7: {  	v1 =	vor.u32 s18, v59  }
0x8a8: {  	v10 =	vor.u32 s31, v49;
	v0 =	vadd.f32 v0, v27;
	_ =	sdelay $0x1  }
0x8a9: {  	v0 =	vmul.f32 $1.111111120e-01, v0;
	_ =	sdelay $0x1  }
0x8aa: {  	[tilespmem:v1+s11+$0x0] =	vst.idx.msk $0xffff, v0  }
0x8ab: {  	v0 =	vld.idx.msk [tilespmem:v10+s11+$0x0], $0xffff;
	_ =	sdelay $0x3  }
0x8ac: {  	v1 =	vor.u32 s18, v49  }
0x8ad: {  	v10 =	vor.u32 s31, v47;
	v0 =	vadd.f32 v0, v26;
	_ =	sdelay $0x1  }
0x8ae: {  	v0 =	vmul.f32 $1.111111120e-01, v0;
	_ =	sdelay $0x1  }
0x8af: {  	[tilespmem:v1+s11+$0x0] =	vst.idx.msk $0xffff, v0  }
0x8b0: {  	v0 =	vld.idx.msk [tilespmem:v10+s11+$0x0], $0xffff;
	_ =	sdelay $0x3  }
0x8b1: {  	v1 =	vor.u32 s18, v47  }
0x8b2: {  	v10 =	vor.u32 s31, v46;
	v0 =	vadd.f32 v0, v25;
	_ =	sdelay $0x1  }
0x8b3: {  	v0 =	vmul.f32 $1.111111120e-01, v0;
	_ =	sdelay $0x1  }
0x8b4: {  	[tilespmem:v1+s11+$0x0] =	vst.idx.msk $0xffff, v0  }
0x8b5: {  	v0 =	vld.idx.msk [tilespmem:v10+s11+$0x0], $0xffff;
	_ =	sdelay $0x3  }
0x8b6: {  	s16 =	simm.s32 $0x80;
	v1 =	vor.u32 s18, v46  }
0x8b7: {  	v10 =	vadd.f32 v0, v24;
	v0 =	vor.u32 s16, v44;
	_ =	sdelay $0x1  }
0x8b8: {  	s17 =	simm.s32 $0x100;
	v10 =	vmul.f32 $1.111111120e-01, v10  }
.LBB2_36:
0x8b9: {  	_ = 	snop  }
0x8ba: {  	p0 =	sne.s32 s17, $0xD00;
	s19 =	smov.u32 s17;
	s17 =	sadd.s32 $0x80, s17;
	[tilespmem:v1+s11+$0x0] =	vst.idx.msk $0xffff, v10  }
0x8bb: {  	v0 =	vld.idx.msk [tilespmem:v0+s11+$0x0], $0xffff;
	_ =	sdelay $0x3  }
0x8bc: {  	s18 =	sadd.s32 $0xD80, s16  }
0x8bd: {  	v1 =	vor.u32 s18, v44  }
0x8be: {  	v10 =	vor.u32 s16, v39;
	v0 =	vadd.f32 v0, v9;
	_ =	sdelay $0x1  }
0x8bf: {  	v0 =	vmul.f32 $1.111111120e-01, v0;
	_ =	sdelay $0x1  }
0x8c0: {  	[tilespmem:v1+s11+$0x0] =	vst.idx.msk $0xffff, v0  }
0x8c1: {  	v0 =	vld.idx.msk [tilespmem:v10+s11+$0x0], $0xffff;
	_ =	sdelay $0x4  }
0x8c2: {  	v1 =	vor.u32 s18, v39  }
0x8c3: {  	v10 =	vor.u32 s16, v45;
	v0 =	vadd.f32 v0, v8;
	_ =	sdelay $0x1  }
0x8c4: {  	v0 =	vmul.f32 $1.111111120e-01, v0;
	_ =	sdelay $0x1  }
0x8c5: {  	[tilespmem:v1+s11+$0x0] =	vst.idx.msk $0xffff, v0  }
0x8c6: {  	v0 =	vld.idx.msk [tilespmem:v10+s11+$0x0], $0xffff;
	_ =	sdelay $0x4  }
0x8c7: {  	v1 =	vor.u32 s18, v45  }
0x8c8: {  	v10 =	vor.u32 s16, v2;
	v0 =	vadd.f32 v0, v29;
	_ =	sdelay $0x1  }
0x8c9: {  	v0 =	vmul.f32 $1.111111120e-01, v0;
	_ =	sdelay $0x1  }
0x8ca: {  	[tilespmem:v1+s11+$0x0] =	vst.idx.msk $0xffff, v0  }
0x8cb: {  	v0 =	vld.idx.msk [tilespmem:v10+s11+$0x0], $0xffff;
	_ =	sdelay $0x4  }
0x8cc: {  	v1 =	vor.u32 s18, v2  }
0x8cd: {  	v10 =	vor.u32 s16, v59;
	v0 =	vadd.f32 v0, v28;
	_ =	sdelay $0x1  }
0x8ce: {  	v0 =	vmul.f32 $1.111111120e-01, v0;
	_ =	sdelay $0x1  }
0x8cf: {  	[tilespmem:v1+s11+$0x0] =	vst.idx.msk $0xffff, v0  }
0x8d0: {  	v0 =	vld.idx.msk [tilespmem:v10+s11+$0x0], $0xffff;
	_ =	sdelay $0x4  }
0x8d1: {  	v1 =	vor.u32 s18, v59  }
0x8d2: {  	v10 =	vor.u32 s16, v49;
	v0 =	vadd.f32 v0, v27;
	_ =	sdelay $0x1  }
0x8d3: {  	v0 =	vmul.f32 $1.111111120e-01, v0;
	_ =	sdelay $0x1  }
0x8d4: {  	[tilespmem:v1+s11+$0x0] =	vst.idx.msk $0xffff, v0  }
0x8d5: {  	v0 =	vld.idx.msk [tilespmem:v10+s11+$0x0], $0xffff;
	_ =	sdelay $0x4  }
0x8d6: {  	v1 =	vor.u32 s18, v49  }
0x8d7: {  	v10 =	vor.u32 s16, v47;
	v0 =	vadd.f32 v0, v26;
	_ =	sdelay $0x1  }
0x8d8: {  	v0 =	vmul.f32 $1.111111120e-01, v0;
	_ =	sdelay $0x1  }
0x8d9: {  	[tilespmem:v1+s11+$0x0] =	vst.idx.msk $0xffff, v0  }
0x8da: {  	v0 =	vld.idx.msk [tilespmem:v10+s11+$0x0], $0xffff;
	_ =	sdelay $0x4  }
0x8db: {  	v1 =	vor.u32 s18, v47  }
0x8dc: {  	v10 =	vor.u32 s16, v46;
	s16 =	smov.u32 s19;
	v0 =	vadd.f32 v0, v25;
	_ =	sdelay $0x1  }
0x8dd: {  	v0 =	vmul.f32 $1.111111120e-01, v0;
	_ =	sdelay $0x1  }
0x8de: {  	[tilespmem:v1+s11+$0x0] =	vst.idx.msk $0xffff, v0  }
0x8df: {  	v10 =	vld.idx.msk [tilespmem:v10+s11+$0x0], $0xffff;
	_ =	sdelay $0x3  }
.Ltmp19:
0x8e0: {  	(pc) =	sbr.rel @p0 .LBB2_36-.Ltmp19, $3  }
0x8e1: {  	v1 =	vor.u32 s18, v46  }
0x8e2: {  	v0 =	vor.u32 s16, v44;
	v10 =	vadd.f32 v10, v24;
	_ =	sdelay $0x1  }
0x8e3: {  	v10 =	vmul.f32 $1.111111120e-01, v10  }
0x8e4: {  	_ =	sdelay $0x3  }
0x8e5: {  	[tilespmem:v1+s11+$0x0] =	vst.idx.msk $0xffff, v10  }
0x8e6: {  	v0 =	vld.idx.msk [tilespmem:v0+s11+$0x0], $0xffff;
	_ =	sdelay $0x2  }
0x8e7: {  	s17 =	sadd.s32 $0xD80, s16  }
0x8e8: {  	v1 =	vor.u32 s17, v44  }
0x8e9: {  	v0 =	vadd.f32 v0, v9;
	v9 =	vor.u32 s16, v39;
	_ =	sdelay $0x1  }
0x8ea: {  	v0 =	vmul.f32 $1.111111120e-01, v0;
	_ =	sdelay $0x1  }
0x8eb: {  	[tilespmem:v1+s11+$0x0] =	vst.idx.msk $0xffff, v0  }
0x8ec: {  	v0 =	vld.idx.msk [tilespmem:v9+s11+$0x0], $0xffff;
	_ =	sdelay $0x3  }
0x8ed: {  	v1 =	vor.u32 s17, v39  }
0x8ee: {  	v0 =	vadd.f32 v0, v8;
	v8 =	vor.u32 s16, v45;
	_ =	sdelay $0x1  }
0x8ef: {  	v0 =	vmul.f32 $1.111111120e-01, v0;
	_ =	sdelay $0x1  }
0x8f0: {  	[tilespmem:v1+s11+$0x0] =	vst.idx.msk $0xffff, v0  }
0x8f1: {  	v0 =	vld.idx.msk [tilespmem:v8+s11+$0x0], $0xffff;
	_ =	sdelay $0x3  }
0x8f2: {  	v1 =	vor.u32 s17, v45  }
0x8f3: {  	v8 =	vor.u32 s16, v2;
	v0 =	vadd.f32 v0, v29;
	_ =	sdelay $0x1  }
0x8f4: {  	v0 =	vmul.f32 $1.111111120e-01, v0;
	_ =	sdelay $0x1  }
0x8f5: {  	[tilespmem:v1+s11+$0x0] =	vst.idx.msk $0xffff, v0  }
0x8f6: {  	v0 =	vld.idx.msk [tilespmem:v8+s11+$0x0], $0xffff;
	_ =	sdelay $0x3  }
0x8f7: {  	v1 =	vor.u32 s17, v2  }
0x8f8: {  	v8 =	vor.u32 s16, v59;
	v0 =	vadd.f32 v0, v28;
	_ =	sdelay $0x1  }
0x8f9: {  	v0 =	vmul.f32 $1.111111120e-01, v0;
	_ =	sdelay $0x1  }
0x8fa: {  	[tilespmem:v1+s11+$0x0] =	vst.idx.msk $0xffff, v0  }
0x8fb: {  	v0 =	vld.idx.msk [tilespmem:v8+s11+$0x0], $0xffff;
	_ =	sdelay $0x3  }
0x8fc: {  	v1 =	vor.u32 s17, v59  }
0x8fd: {  	v8 =	vor.u32 s16, v49;
	v0 =	vadd.f32 v0, v27;
	_ =	sdelay $0x1  }
0x8fe: {  	v0 =	vmul.f32 $1.111111120e-01, v0;
	_ =	sdelay $0x1  }
0x8ff: {  	[tilespmem:v1+s11+$0x0] =	vst.idx.msk $0xffff, v0  }
0x900: {  	v0 =	vld.idx.msk [tilespmem:v8+s11+$0x0], $0xffff;
	_ =	sdelay $0x3  }
0x901: {  	v1 =	vor.u32 s17, v49  }
0x902: {  	v8 =	vor.u32 s16, v47;
	v0 =	vadd.f32 v0, v26;
	_ =	sdelay $0x1  }
0x903: {  	v0 =	vmul.f32 $1.111111120e-01, v0;
	_ =	sdelay $0x1  }
0x904: {  	[tilespmem:v1+s11+$0x0] =	vst.idx.msk $0xffff, v0  }
0x905: {  	v0 =	vld.idx.msk [tilespmem:v8+s11+$0x0], $0xffff;
	_ =	sdelay $0x3  }
0x906: {  	v1 =	vor.u32 s17, v47  }
0x907: {  	v8 =	vor.u32 s16, v46;
	v0 =	vadd.f32 v0, v25;
	_ =	sdelay $0x1  }
0x908: {  	v0 =	vmul.f32 $1.111111120e-01, v0;
	_ =	sdelay $0x1  }
0x909: {  	[tilespmem:v1+s11+$0x0] =	vst.idx.msk $0xffff, v0  }
0x90a: {  	v0 =	vld.idx.msk [tilespmem:v8+s11+$0x0], $0xffff;
	_ =	sdelay $0x3  }
0x90b: {  	v1 =	vor.u32 s17, v46  }
0x90c: {  	s16 =	simm.s32 $0x0;
	v0 =	vadd.f32 v0, v24  }
0x90d: {  	v15 =	vor.u32 s16, v44  }
0x90e: {  	v0 =	vmul.f32 $1.111111120e-01, v0;
	_ =	sdelay $0x1  }
0x90f: {  	[tilespmem:v1+s11+$0x0] =	vst.idx.msk $0xffff, v0  }
0x910: {  	v14 =	vld [tilespmem:$0xC00]  }
0x911: {  	v0 =	vld.idx.msk [tilespmem:v15+s11+$0x0], $0xffff;
	_ =	sdelay $0x2  }
0x912: {  	v13 =	vld [tilespmem:$0xC10]  }
0x913: {  	v12 =	vld [tilespmem:$0xC20]  }
0x914: {  	v1 =	vor.u32 s16, v39;
	v11 =	vld [tilespmem:$0xC30];
	v0 =	vadd.f32 v0, v14  }
0x915: {  	v24 =	vld [tilespmem:$0xC40]  }
0x916: {  	v10 =	vld [tilespmem:$0xC50];
	v0 =	vmul.f32 $1.111111120e-01, v0  }
0x917: {  	v9 =	vld [tilespmem:$0xC60]  }
0x918: {  	v8 =	vld [tilespmem:$0xC70];
	[tilespmem:v15+s11+$0x0] =	vst.idx.msk $0xffff, v0  }
0x919: {  	v0 =	vld.idx.msk [tilespmem:v1+s11+$0x0], $0xffff;
	_ =	sdelay $0x4  }
0x91a: {  	v15 =	vor.u32 s16, v45;
	v0 =	vadd.f32 v0, v13;
	_ =	sdelay $0x1  }
0x91b: {  	v0 =	vmul.f32 $1.111111120e-01, v0;
	_ =	sdelay $0x1  }
0x91c: {  	[tilespmem:v1+s11+$0x0] =	vst.idx.msk $0xffff, v0  }
0x91d: {  	v0 =	vld.idx.msk [tilespmem:v15+s11+$0x0], $0xffff;
	_ =	sdelay $0x4  }
0x91e: {  	v1 =	vor.u32 s16, v2;
	v0 =	vadd.f32 v0, v12;
	_ =	sdelay $0x1  }
0x91f: {  	v0 =	vmul.f32 $1.111111120e-01, v0;
	_ =	sdelay $0x1  }
0x920: {  	[tilespmem:v15+s11+$0x0] =	vst.idx.msk $0xffff, v0  }
0x921: {  	v0 =	vld.idx.msk [tilespmem:v1+s11+$0x0], $0xffff;
	_ =	sdelay $0x4  }
0x922: {  	v15 =	vor.u32 s16, v59;
	v0 =	vadd.f32 v0, v11;
	_ =	sdelay $0x1  }
0x923: {  	v0 =	vmul.f32 $1.111111120e-01, v0;
	_ =	sdelay $0x1  }
0x924: {  	[tilespmem:v1+s11+$0x0] =	vst.idx.msk $0xffff, v0  }
0x925: {  	v0 =	vld.idx.msk [tilespmem:v15+s11+$0x0], $0xffff;
	_ =	sdelay $0x4  }
0x926: {  	v1 =	vor.u32 s16, v49;
	v0 =	vadd.f32 v0, v24;
	_ =	sdelay $0x1  }
0x927: {  	v0 =	vmul.f32 $1.111111120e-01, v0;
	_ =	sdelay $0x1  }
0x928: {  	[tilespmem:v15+s11+$0x0] =	vst.idx.msk $0xffff, v0  }
0x929: {  	v0 =	vld.idx.msk [tilespmem:v1+s11+$0x0], $0xffff;
	_ =	sdelay $0x4  }
0x92a: {  	v15 =	vor.u32 s16, v47;
	v0 =	vadd.f32 v0, v10;
	_ =	sdelay $0x1  }
0x92b: {  	v0 =	vmul.f32 $1.111111120e-01, v0;
	_ =	sdelay $0x1  }
0x92c: {  	[tilespmem:v1+s11+$0x0] =	vst.idx.msk $0xffff, v0  }
0x92d: {  	v0 =	vld.idx.msk [tilespmem:v15+s11+$0x0], $0xffff;
	_ =	sdelay $0x4  }
0x92e: {  	v1 =	vadd.f32 v0, v9;
	v0 =	vor.u32 s16, v46;
	_ =	sdelay $0x1  }
0x92f: {  	v1 =	vmul.f32 $1.111111120e-01, v1;
	_ =	sdelay $0x1  }
0x930: {  	[tilespmem:v15+s11+$0x0] =	vst.idx.msk $0xffff, v1  }
0x931: {  	v1 =	vld.idx.msk [tilespmem:v0+s11+$0x0], $0xffff;
	_ =	sdelay $0x3  }
0x932: {  	s17 =	simm.s32 $0x80  }
0x933: {  	v15 =	vadd.f32 v1, v8;
	v1 =	vor.u32 s17, v44;
	_ =	sdelay $0x1  }
0x934: {  	s18 =	simm.s32 $0x100;
	v15 =	vmul.f32 $1.111111120e-01, v15  }
.LBB2_38:
0x935: {  	_ = 	snop  }
0x936: {  	p0 =	sne.s32 s18, $0xD00;
	s19 =	smov.u32 s18;
	s18 =	sadd.s32 $0x80, s18;
	[tilespmem:v0+s11+$0x0] =	vst.idx.msk $0xffff, v15  }
0x937: {  	v0 =	vld.idx.msk [tilespmem:v1+s11+$0x0], $0xffff;
	_ =	sdelay $0x5  }
0x938: {  	v15 =	vor.u32 s17, v39;
	v0 =	vadd.f32 v0, v14;
	_ =	sdelay $0x1  }
0x939: {  	v0 =	vmul.f32 $1.111111120e-01, v0;
	_ =	sdelay $0x1  }
0x93a: {  	[tilespmem:v1+s11+$0x0] =	vst.idx.msk $0xffff, v0  }
0x93b: {  	v0 =	vld.idx.msk [tilespmem:v15+s11+$0x0], $0xffff;
	_ =	sdelay $0x5  }
0x93c: {  	v1 =	vor.u32 s17, v45;
	v0 =	vadd.f32 v0, v13;
	_ =	sdelay $0x1  }
0x93d: {  	v0 =	vmul.f32 $1.111111120e-01, v0;
	_ =	sdelay $0x1  }
0x93e: {  	[tilespmem:v15+s11+$0x0] =	vst.idx.msk $0xffff, v0  }
0x93f: {  	v0 =	vld.idx.msk [tilespmem:v1+s11+$0x0], $0xffff;
	_ =	sdelay $0x5  }
0x940: {  	v15 =	vor.u32 s17, v2;
	v0 =	vadd.f32 v0, v12;
	_ =	sdelay $0x1  }
0x941: {  	v0 =	vmul.f32 $1.111111120e-01, v0;
	_ =	sdelay $0x1  }
0x942: {  	[tilespmem:v1+s11+$0x0] =	vst.idx.msk $0xffff, v0  }
0x943: {  	v0 =	vld.idx.msk [tilespmem:v15+s11+$0x0], $0xffff;
	_ =	sdelay $0x5  }
0x944: {  	v1 =	vor.u32 s17, v59;
	v0 =	vadd.f32 v0, v11;
	_ =	sdelay $0x1  }
0x945: {  	v0 =	vmul.f32 $1.111111120e-01, v0;
	_ =	sdelay $0x1  }
0x946: {  	[tilespmem:v15+s11+$0x0] =	vst.idx.msk $0xffff, v0  }
0x947: {  	v0 =	vld.idx.msk [tilespmem:v1+s11+$0x0], $0xffff;
	_ =	sdelay $0x5  }
0x948: {  	v15 =	vor.u32 s17, v49;
	v0 =	vadd.f32 v0, v24;
	_ =	sdelay $0x1  }
0x949: {  	v0 =	vmul.f32 $1.111111120e-01, v0;
	_ =	sdelay $0x1  }
0x94a: {  	[tilespmem:v1+s11+$0x0] =	vst.idx.msk $0xffff, v0  }
0x94b: {  	v0 =	vld.idx.msk [tilespmem:v15+s11+$0x0], $0xffff;
	_ =	sdelay $0x5  }
0x94c: {  	v1 =	vor.u32 s17, v47;
	v0 =	vadd.f32 v0, v10;
	_ =	sdelay $0x1  }
0x94d: {  	v0 =	vmul.f32 $1.111111120e-01, v0;
	_ =	sdelay $0x1  }
0x94e: {  	[tilespmem:v15+s11+$0x0] =	vst.idx.msk $0xffff, v0  }
0x94f: {  	v0 =	vld.idx.msk [tilespmem:v1+s11+$0x0], $0xffff;
	_ =	sdelay $0x5  }
0x950: {  	v15 =	vadd.f32 v0, v9;
	v0 =	vor.u32 s17, v46;
	s17 =	smov.u32 s19;
	_ =	sdelay $0x1  }
0x951: {  	v15 =	vmul.f32 $1.111111120e-01, v15;
	_ =	sdelay $0x1  }
0x952: {  	[tilespmem:v1+s11+$0x0] =	vst.idx.msk $0xffff, v15  }
0x953: {  	v15 =	vld.idx.msk [tilespmem:v0+s11+$0x0], $0xffff;
	_ =	sdelay $0x3  }
.Ltmp20:
0x954: {  	(pc) =	sbr.rel @p0 .LBB2_38-.Ltmp20, $3  }
0x955: {  	_ = 	snop  }
0x956: {  	v1 =	vor.u32 s17, v44;
	v15 =	vadd.f32 v15, v8;
	_ =	sdelay $0x1  }
0x957: {  	v15 =	vmul.f32 $1.111111120e-01, v15  }
0x958: {  	_ =	sdelay $0x3  }
0x959: {  	[tilespmem:v0+s11+$0x0] =	vst.idx.msk $0xffff, v15  }
0x95a: {  	v0 =	vld.idx.msk [tilespmem:v1+s11+$0x0], $0xffff;
	_ =	sdelay $0x4  }
0x95b: {  	v60 =	vor.u32 s17, v39;
	v0 =	vadd.f32 v0, v14;
	_ =	sdelay $0x1  }
0x95c: {  	v0 =	vmul.f32 $1.111111120e-01, v0;
	_ =	sdelay $0x1  }
0x95d: {  	[tilespmem:v1+s11+$0x0] =	vst.idx.msk $0xffff, v0  }
0x95e: {  	v0 =	vld.idx.msk [tilespmem:v60+s11+$0x0], $0xffff;
	_ =	sdelay $0x4  }
0x95f: {  	v1 =	vor.u32 s17, v45;
	v0 =	vadd.f32 v0, v13;
	_ =	sdelay $0x1  }
0x960: {  	v0 =	vmul.f32 $1.111111120e-01, v0;
	_ =	sdelay $0x1  }
0x961: {  	[tilespmem:v60+s11+$0x0] =	vst.idx.msk $0xffff, v0  }
0x962: {  	v0 =	vld.idx.msk [tilespmem:v1+s11+$0x0], $0xffff;
	_ =	sdelay $0x4  }
0x963: {  	v61 =	vor.u32 s17, v2;
	v0 =	vadd.f32 v0, v12;
	_ =	sdelay $0x1  }
0x964: {  	v0 =	vmul.f32 $1.111111120e-01, v0;
	_ =	sdelay $0x1  }
0x965: {  	[tilespmem:v1+s11+$0x0] =	vst.idx.msk $0xffff, v0  }
0x966: {  	v0 =	vld.idx.msk [tilespmem:v61+s11+$0x0], $0xffff;
	_ =	sdelay $0x4  }
0x967: {  	v1 =	vor.u32 s17, v59;
	v0 =	vadd.f32 v0, v11;
	_ =	sdelay $0x1  }
0x968: {  	v0 =	vmul.f32 $1.111111120e-01, v0;
	_ =	sdelay $0x1  }
0x969: {  	[tilespmem:v61+s11+$0x0] =	vst.idx.msk $0xffff, v0  }
0x96a: {  	v0 =	vld.idx.msk [tilespmem:v1+s11+$0x0], $0xffff;
	_ =	sdelay $0x4  }
0x96b: {  	v62 =	vor.u32 s17, v49;
	v0 =	vadd.f32 v0, v24;
	_ =	sdelay $0x1  }
0x96c: {  	v0 =	vmul.f32 $1.111111120e-01, v0;
	_ =	sdelay $0x1  }
0x96d: {  	[tilespmem:v1+s11+$0x0] =	vst.idx.msk $0xffff, v0  }
0x96e: {  	v0 =	vld.idx.msk [tilespmem:v62+s11+$0x0], $0xffff;
	_ =	sdelay $0x4  }
0x96f: {  	v1 =	vor.u32 s17, v47;
	v0 =	vadd.f32 v0, v10;
	_ =	sdelay $0x1  }
0x970: {  	v0 =	vmul.f32 $1.111111120e-01, v0;
	_ =	sdelay $0x1  }
0x971: {  	[tilespmem:v62+s11+$0x0] =	vst.idx.msk $0xffff, v0  }
0x972: {  	v0 =	vld.idx.msk [tilespmem:v1+s11+$0x0], $0xffff;
	_ =	sdelay $0x4  }
0x973: {  	v63 =	vor.u32 s17, v46;
	v0 =	vadd.f32 v0, v9;
	_ =	sdelay $0x1  }
0x974: {  	v0 =	vmul.f32 $1.111111120e-01, v0;
	_ =	sdelay $0x1  }
0x975: {  	[tilespmem:v1+s11+$0x0] =	vst.idx.msk $0xffff, v0  }
0x976: {  	v0 =	vld.idx.msk [tilespmem:v63+s11+$0x0], $0xffff;
	_ =	sdelay $0x4  }
.Ltmp21:
0x977: {  	v0 =	vadd.f32 v0, v8;
	(pc) =	sbr.rel .LBB2_40-.Ltmp21, $3  }
0x978: {  	_ = 	snop  }
0x979: {  	v0 =	vmul.f32 $1.111111120e-01, v0;
	_ =	sdelay $0x1  }
0x97a: {  	[tilespmem:v63+s11+$0x0] =	vst.idx.msk $0xffff, v0  }
.LBB2_44:
0x97b: {  	s16 =	sadd.s32 $0x1, s16  }
0x97c: {  	p0 =	sne.s32 s16, $0x8  }
.Ltmp22:
0x97d: {  	_ = 	snop;
	(pc) =	sbr.rel @!p0 .LBB2_45-.Ltmp22, $1  }
0x97e: {  	_ =	sdelay $0x3  }
.LBB2_40:
0x97f: {  	s17 =	sshll.u32 s16, $0x5  }
0x980: {  	s17 =	sor.u32 s7, s17  }
0x981: {  	p0 =	sgt.u32 s17, $0xF9  }
.Ltmp23:
0x982: {  	_ = 	snop;
	(pc) =	sbr.rel @p0 .LBB2_44-.Ltmp23, $1  }
0x983: {  	_ =	sdelay $0x3  }
0x984: {  	s17 =	sor.u32 s3, s17  }
0x985: {  	s18 =	smul.u32 $0x320, s17;
	_ =	sdelay $0x1  }
0x986: {  	s19 =	simm.s32 $0x0;
	s18 =	sadd.s32 s4, s18  }
0x987: {  	[tilespmem:s12], [sflag:$0x2] =	stream.linear.gather [hbm4b:s18+s19], $0x1900, $0x38;
	[tilespmem:$0x19300] =	vst v63  }
0x988: {  	_ =	swait.ge [sflag:s13], $0x1900  }
0x989: {  	[sflag:s13] =	ssyncset.done $0x0  }
0x98a: {  	[sflag:s13] =	ssyncadd.s32 $0xFFFFE700  }
0x98b: {  	v0 =	vld.idx.msk [tilespmem:v44+s10+$0x0], $0xffff  }
0x98c: {  	v1 =	vld.idx.msk [tilespmem:v44+s11+$0x0], $0xffff  }
0x98d: {  	s24 =	simm.s32 $0x380  }
0x98e: {  	v8 =	vor.u32 s24, v44  }
0x98f: {  	s21 =	simm.s32 $0x0  }
0x990: {  	s20 =	simm.s32 $0x180;
	v9 =	vor.u32 s21, v44  }
0x991: {  	v11 =	vor.u32 s20, v44;
	v0 =	vadd.f32 v1, v0  }
0x992: {  	s22 =	simm.s32 $0x200  }
0x993: {  	v15 =	vor.u32 s22, v44;
	[tilespmem:v8+s14+$0x0] =	vst.idx.msk $0xffff, v0  }
0x994: {  	s30 =	simm.s32 $0x80;
	v10 =	vld.idx.msk [tilespmem:v39+s10+$0x0], $0xffff  }
0x995: {  	v1 =	vor.u32 s30, v44;
	[tilespmem:v9+s14+$0x0] =	vst.idx.msk $0xffff, v0;
	v9 =	vld.idx.msk [tilespmem:v39+s11+$0x0], $0xffff  }
0x996: {  	s31 =	simm.s32 $0x100;
	[tilespmem:v11+s14+$0x0] =	vst.idx.msk $0xffff, v0;
	v12 =	vld.idx.msk [tilespmem:v39+s10+$0x0], $0xffff  }
0x997: {  	v8 =	vor.u32 s31, v44;
	v17 =	vld.idx.msk [tilespmem:v39+s10+$0x0], $0xffff  }
0x998: {  	[tilespmem:v15+s14+$0x0] =	vst.idx.msk $0xffff, v0;
	v18 =	vld.idx.msk [tilespmem:v39+s11+$0x0], $0xffff  }
0x999: {  	v14 =	vor.u32 s24, v39;
	v20 =	vld.idx.msk [tilespmem:v39+s10+$0x0], $0xffff  }
0x99a: {  	[tilespmem:v1+s14+$0x0] =	vst.idx.msk $0xffff, v0;
	v1 =	vld.idx.msk [tilespmem:v39+s11+$0x0], $0xffff  }
0x99b: {  	s23 =	simm.s32 $0x280;
	v13 =	vld.idx.msk [tilespmem:v39+s10+$0x0], $0xffff  }
0x99c: {  	[tilespmem:v8+s14+$0x0] =	vst.idx.msk $0xffff, v0;
	v8 =	vld.idx.msk [tilespmem:v39+s11+$0x0], $0xffff;
	v9 =	vadd.f32 v9, v10;
	v10 =	vor.u32 s23, v44  }
0x99d: {  	s25 =	simm.s32 $0x300;
	v16 =	vld.idx.msk [tilespmem:v39+s10+$0x0], $0xffff  }
0x99e: {  	v11 =	vld.idx.msk [tilespmem:v39+s11+$0x0], $0xffff;
	[tilespmem:v14+s14+$0x0] =	vst.idx.msk $0xffff, v9;
	v9 =	vor.u32 s25, v44  }
0x99f: {  	v14 =	vld.idx.msk [tilespmem:v45+s10+$0x0], $0xffff  }
0x9a0: {  	v19 =	vor.u32 s21, v39;
	v15 =	vld.idx.msk [tilespmem:v45+s11+$0x0], $0xffff  }
0x9a1: {  	[tilespmem:v10+s14+$0x0] =	vst.idx.msk $0xffff, v0;
	v10 =	vld.idx.msk [tilespmem:v39+s11+$0x0], $0xffff  }
0x9a2: {  	v22 =	vor.u32 s24, v45;
	v21 =	vld.idx.msk [tilespmem:v39+s10+$0x0], $0xffff  }
0x9a3: {  	[tilespmem:v9+s14+$0x0] =	vst.idx.msk $0xffff, v0;
	v0 =	vadd.f32 v1, v12;
	v1 =	vld.idx.msk [tilespmem:v39+s11+$0x0], $0xffff  }
0x9a4: {  	v9 =	vor.u32 s30, v39;
	v12 =	vld.idx.msk [tilespmem:v39+s10+$0x0], $0xffff  }
0x9a5: {  	v14 =	vadd.f32 v15, v14;
	[tilespmem:v19+s14+$0x0] =	vst.idx.msk $0xffff, v0;
	v0 =	vld.idx.msk [tilespmem:v39+s11+$0x0], $0xffff  }
0x9a6: {  	v15 =	vor.u32 s31, v39;
	v19 =	vld.idx.msk [tilespmem:v45+s10+$0x0], $0xffff  }
0x9a7: {  	v8 =	vadd.f32 v8, v13;
	v13 =	vld.idx.msk [tilespmem:v45+s11+$0x0], $0xffff;
	[tilespmem:v22+s14+$0x0] =	vst.idx.msk $0xffff, v14  }
0x9a8: {  	v14 =	vor.u32 s20, v39;
	v22 =	vld.idx.msk [tilespmem:v2+s10+$0x0], $0xffff  }
0x9a9: {  	[tilespmem:v9+s14+$0x0] =	vst.idx.msk $0xffff, v8;
	v8 =	vadd.f32 v11, v16;
	v9 =	vld.idx.msk [tilespmem:v2+s11+$0x0], $0xffff  }
0x9aa: {  	v11 =	vor.u32 s22, v39;
	v16 =	vld.idx.msk [tilespmem:v45+s10+$0x0], $0xffff  }
0x9ab: {  	[tilespmem:v15+s14+$0x0] =	vst.idx.msk $0xffff, v8;
	v8 =	vadd.f32 v18, v17;
	v15 =	vld.idx.msk [tilespmem:v45+s11+$0x0], $0xffff  }
0x9ac: {  	v18 =	vor.u32 s24, v2;
	v17 =	vld.idx.msk [tilespmem:v45+s10+$0x0], $0xffff  }
0x9ad: {  	[tilespmem:v14+s14+$0x0] =	vst.idx.msk $0xffff, v8;
	v8 =	vadd.f32 v10, v20;
	v10 =	vld.idx.msk [tilespmem:v45+s11+$0x0], $0xffff  }
0x9ae: {  	v14 =	vor.u32 s23, v39;
	v20 =	vld.idx.msk [tilespmem:v45+s10+$0x0], $0xffff  }
0x9af: {  	v9 =	vadd.f32 v9, v22;
	[tilespmem:v11+s14+$0x0] =	vst.idx.msk $0xffff, v8;
	v8 =	vld.idx.msk [tilespmem:v45+s11+$0x0], $0xffff  }
0x9b0: {  	v11 =	vor.u32 s25, v39;
	v22 =	vld.idx.msk [tilespmem:v45+s10+$0x0], $0xffff  }
0x9b1: {  	v1 =	vadd.f32 v1, v21;
	v21 =	vld.idx.msk [tilespmem:v45+s11+$0x0], $0xffff;
	[tilespmem:v18+s14+$0x0] =	vst.idx.msk $0xffff, v9  }
0x9b2: {  	v9 =	vor.u32 s21, v45;
	v18 =	vld.idx.msk [tilespmem:v59+s10+$0x0], $0xffff  }
0x9b3: {  	v0 =	vadd.f32 v0, v12;
	[tilespmem:v14+s14+$0x0] =	vst.idx.msk $0xffff, v1;
	v1 =	vld.idx.msk [tilespmem:v59+s11+$0x0], $0xffff  }
0x9b4: {  	v12 =	vor.u32 s30, v45;
	v14 =	vld.idx.msk [tilespmem:v45+s10+$0x0], $0xffff  }
0x9b5: {  	v13 =	vadd.f32 v13, v19;
	[tilespmem:v11+s14+$0x0] =	vst.idx.msk $0xffff, v0;
	v0 =	vld.idx.msk [tilespmem:v45+s11+$0x0], $0xffff  }
0x9b6: {  	v19 =	vor.u32 s24, v59;
	v11 =	vld.idx.msk [tilespmem:v45+s10+$0x0], $0xffff  }
0x9b7: {  	[tilespmem:v9+s14+$0x0] =	vst.idx.msk $0xffff, v13;
	v9 =	vadd.f32 v15, v16;
	v13 =	vld.idx.msk [tilespmem:v45+s11+$0x0], $0xffff  }
0x9b8: {  	v15 =	vor.u32 s31, v45;
	v16 =	vld.idx.msk [tilespmem:v2+s10+$0x0], $0xffff  }
0x9b9: {  	[tilespmem:v12+s14+$0x0] =	vst.idx.msk $0xffff, v9;
	v9 =	vld.idx.msk [tilespmem:v2+s11+$0x0], $0xffff;
	v1 =	vadd.f32 v1, v18  }
0x9ba: {  	v12 =	vor.u32 s20, v45;
	v18 =	vld.idx.msk [tilespmem:v2+s10+$0x0], $0xffff  }
0x9bb: {  	v10 =	vadd.f32 v10, v17;
	v17 =	vld.idx.msk [tilespmem:v2+s11+$0x0], $0xffff;
	[tilespmem:v19+s14+$0x0] =	vst.idx.msk $0xffff, v1  }
0x9bc: {  	v1 =	vor.u32 s22, v45;
	v19 =	vld.idx.msk [tilespmem:v49+s10+$0x0], $0xffff  }
0x9bd: {  	v8 =	vadd.f32 v8, v20;
	[tilespmem:v15+s14+$0x0] =	vst.idx.msk $0xffff, v10;
	v10 =	vld.idx.msk [tilespmem:v49+s11+$0x0], $0xffff  }
0x9be: {  	v15 =	vor.u32 s23, v45;
	v20 =	vld.idx.msk [tilespmem:v2+s10+$0x0], $0xffff  }
0x9bf: {  	[tilespmem:v12+s14+$0x0] =	vst.idx.msk $0xffff, v8;
	v8 =	vadd.f32 v21, v22;
	v12 =	vld.idx.msk [tilespmem:v2+s11+$0x0], $0xffff  }
0x9c0: {  	v22 =	vor.u32 s24, v49;
	v21 =	vld.idx.msk [tilespmem:v2+s10+$0x0], $0xffff  }
0x9c1: {  	v0 =	vadd.f32 v0, v14;
	[tilespmem:v1+s14+$0x0] =	vst.idx.msk $0xffff, v8;
	v1 =	vld.idx.msk [tilespmem:v2+s11+$0x0], $0xffff  }
0x9c2: {  	v8 =	vor.u32 s25, v45;
	v14 =	vld.idx.msk [tilespmem:v2+s10+$0x0], $0xffff  }
0x9c3: {  	[tilespmem:v15+s14+$0x0] =	vst.idx.msk $0xffff, v0;
	v0 =	vld.idx.msk [tilespmem:v2+s11+$0x0], $0xffff;
	v10 =	vadd.f32 v10, v19  }
0x9c4: {  	v15 =	vor.u32 s21, v2;
	v19 =	vld.idx.msk [tilespmem:v2+s10+$0x0], $0xffff  }
0x9c5: {  	v11 =	vadd.f32 v13, v11;
	v13 =	vld.idx.msk [tilespmem:v2+s11+$0x0], $0xffff;
	[tilespmem:v22+s14+$0x0] =	vst.idx.msk $0xffff, v10  }
0x9c6: {  	v10 =	vor.u32 s30, v2;
	v22 =	vld.idx.msk [tilespmem:v47+s10+$0x0], $0xffff  }
0x9c7: {  	v9 =	vadd.f32 v9, v16;
	[tilespmem:v8+s14+$0x0] =	vst.idx.msk $0xffff, v11;
	v8 =	vld.idx.msk [tilespmem:v47+s11+$0x0], $0xffff  }
0x9c8: {  	v11 =	vor.u32 s31, v2;
	v16 =	vld.idx.msk [tilespmem:v2+s10+$0x0], $0xffff  }
0x9c9: {  	[tilespmem:v15+s14+$0x0] =	vst.idx.msk $0xffff, v9;
	v9 =	vadd.f32 v17, v18;
	v15 =	vld.idx.msk [tilespmem:v2+s11+$0x0], $0xffff  }
0x9ca: {  	v18 =	vor.u32 s24, v47;
	v17 =	vld.idx.msk [tilespmem:v59+s10+$0x0], $0xffff  }
0x9cb: {  	[tilespmem:v10+s14+$0x0] =	vst.idx.msk $0xffff, v9;
	v9 =	vadd.f32 v12, v20;
	v10 =	vld.idx.msk [tilespmem:v59+s11+$0x0], $0xffff  }
0x9cc: {  	v12 =	vor.u32 s20, v2;
	v20 =	vld.idx.msk [tilespmem:v59+s10+$0x0], $0xffff  }
0x9cd: {  	[tilespmem:v11+s14+$0x0] =	vst.idx.msk $0xffff, v9;
	v9 =	vld.idx.msk [tilespmem:v59+s11+$0x0], $0xffff;
	v8 =	vadd.f32 v8, v22  }
0x9ce: {  	v11 =	vor.u32 s22, v2;
	v22 =	vld.idx.msk [tilespmem:v59+s10+$0x0], $0xffff  }
0x9cf: {  	v1 =	vadd.f32 v1, v21;
	v21 =	vld.idx.msk [tilespmem:v59+s11+$0x0], $0xffff;
	[tilespmem:v18+s14+$0x0] =	vst.idx.msk $0xffff, v8  }
0x9d0: {  	v8 =	vor.u32 s23, v2;
	v18 =	vld.idx.msk [tilespmem:v46+s10+$0x0], $0xffff  }
0x9d1: {  	v0 =	vadd.f32 v0, v14;
	[tilespmem:v12+s14+$0x0] =	vst.idx.msk $0xffff, v1;
	v1 =	vld.idx.msk [tilespmem:v46+s11+$0x0], $0xffff  }
0x9d2: {  	v12 =	vor.u32 s25, v2;
	v14 =	vld.idx.msk [tilespmem:v59+s10+$0x0], $0xffff  }
0x9d3: {  	[tilespmem:v11+s14+$0x0] =	vst.idx.msk $0xffff, v0;
	v0 =	vadd.f32 v13, v19;
	v11 =	vld.idx.msk [tilespmem:v59+s11+$0x0], $0xffff  }
0x9d4: {  	v13 =	vor.u32 s21, v59;
	v19 =	vld.idx.msk [tilespmem:v59+s10+$0x0], $0xffff  }
0x9d5: {  	[tilespmem:v8+s14+$0x0] =	vst.idx.msk $0xffff, v0;
	v0 =	vadd.f32 v15, v16;
	v8 =	vld.idx.msk [tilespmem:v59+s11+$0x0], $0xffff  }
0x9d6: {  	v15 =	vor.u32 s30, v59;
	v16 =	vld.idx.msk [tilespmem:v59+s10+$0x0], $0xffff  }
0x9d7: {  	v10 =	vadd.f32 v10, v17;
	[tilespmem:v12+s14+$0x0] =	vst.idx.msk $0xffff, v0;
	v0 =	vld.idx.msk [tilespmem:v59+s11+$0x0], $0xffff  }
0x9d8: {  	v12 =	vor.u32 s31, v59;
	v17 =	vld.idx.msk [tilespmem:v59+s10+$0x0], $0xffff  }
0x9d9: {  	v9 =	vadd.f32 v9, v20;
	[tilespmem:v13+s14+$0x0] =	vst.idx.msk $0xffff, v10;
	v10 =	vld.idx.msk [tilespmem:v59+s11+$0x0], $0xffff  }
0x9da: {  	v13 =	vor.u32 s20, v59;
	v20 =	vld.idx.msk [tilespmem:v49+s10+$0x0], $0xffff  }
0x9db: {  	[tilespmem:v15+s14+$0x0] =	vst.idx.msk $0xffff, v9;
	v9 =	vadd.f32 v21, v22;
	v15 =	vld.idx.msk [tilespmem:v49+s11+$0x0], $0xffff  }
0x9dc: {  	v21 =	vor.u32 s22, v59;
	v22 =	vld.idx.msk [tilespmem:v49+s10+$0x0], $0xffff  }
0x9dd: {  	[tilespmem:v12+s14+$0x0] =	vst.idx.msk $0xffff, v9;
	v9 =	vadd.f32 v11, v14;
	v11 =	vld.idx.msk [tilespmem:v49+s11+$0x0], $0xffff  }
0x9de: {  	v8 =	vadd.f32 v8, v19;
	v12 =	vor.u32 s23, v59;
	v14 =	vld.idx.msk [tilespmem:v49+s10+$0x0], $0xffff  }
0x9df: {  	v0 =	vadd.f32 v0, v16;
	v16 =	vor.u32 s21, v49;
	[tilespmem:v13+s14+$0x0] =	vst.idx.msk $0xffff, v9;
	v9 =	vld.idx.msk [tilespmem:v49+s11+$0x0], $0xffff  }
0x9e0: {  	v19 =	vld.idx.msk [tilespmem:v49+s10+$0x0], $0xffff  }
0x9e1: {  	v13 =	vor.u32 s25, v59;
	[tilespmem:v21+s14+$0x0] =	vst.idx.msk $0xffff, v8;
	v8 =	vld.idx.msk [tilespmem:v49+s11+$0x0], $0xffff  }
0x9e2: {  	v15 =	vadd.f32 v15, v20;
	v21 =	vld.idx.msk [tilespmem:v49+s10+$0x0], $0xffff  }
0x9e3: {  	[tilespmem:v12+s14+$0x0] =	vst.idx.msk $0xffff, v0;
	v0 =	vadd.f32 v10, v17;
	v10 =	vld.idx.msk [tilespmem:v49+s11+$0x0], $0xffff  }
0x9e4: {  	v12 =	vor.u32 s30, v49;
	[tilespmem:v16+s14+$0x0] =	vst.idx.msk $0xffff, v15;
	v17 =	vld.idx.msk [tilespmem:v49+s10+$0x0], $0xffff  }
0x9e5: {  	v11 =	vadd.f32 v11, v22;
	v16 =	vor.u32 s20, v49;
	v22 =	vld.idx.msk [tilespmem:v47+s10+$0x0], $0xffff  }
0x9e6: {  	[tilespmem:v13+s14+$0x0] =	vst.idx.msk $0xffff, v0;
	v0 =	vld.idx.msk [tilespmem:v49+s11+$0x0], $0xffff  }
0x9e7: {  	v13 =	vor.u32 s31, v49;
	v20 =	vld.idx.msk [tilespmem:v49+s10+$0x0], $0xffff  }
0x9e8: {  	v15 =	vld.idx.msk [tilespmem:v49+s11+$0x0], $0xffff;
	v8 =	vadd.f32 v8, v19  }
0x9e9: {  	[tilespmem:v12+s14+$0x0] =	vst.idx.msk $0xffff, v11;
	v11 =	vld.idx.msk [tilespmem:v47+s11+$0x0], $0xffff  }
0x9ea: {  	v9 =	vadd.f32 v9, v14;
	v12 =	vor.u32 s22, v49;
	[tilespmem:v16+s14+$0x0] =	vst.idx.msk $0xffff, v8;
	v14 =	vld.idx.msk [tilespmem:v47+s10+$0x0], $0xffff  }
0x9eb: {  	v8 =	vadd.f32 v10, v21;
	v21 =	vld.idx.msk [tilespmem:v47+s10+$0x0], $0xffff  }
0x9ec: {  	[tilespmem:v13+s14+$0x0] =	vst.idx.msk $0xffff, v9;
	v9 =	vld.idx.msk [tilespmem:v47+s11+$0x0], $0xffff;
	v13 =	vor.u32 s23, v49  }
0x9ed: {  	v19 =	vld.idx.msk [tilespmem:v47+s10+$0x0], $0xffff  }
0x9ee: {  	v16 =	vor.u32 s25, v49;
	v10 =	vld.idx.msk [tilespmem:v47+s11+$0x0], $0xffff  }
0x9ef: {  	v0 =	vadd.f32 v0, v17;
	[tilespmem:v12+s14+$0x0] =	vst.idx.msk $0xffff, v8;
	v8 =	vld.idx.msk [tilespmem:v47+s11+$0x0], $0xffff  }
0x9f0: {  	v12 =	vor.u32 s21, v47;
	v17 =	vld.idx.msk [tilespmem:v47+s10+$0x0], $0xffff  }
0x9f1: {  	[tilespmem:v13+s14+$0x0] =	vst.idx.msk $0xffff, v0;
	v0 =	vadd.f32 v15, v20;
	v13 =	vld.idx.msk [tilespmem:v47+s11+$0x0], $0xffff  }
0x9f2: {  	v15 =	vor.u32 s30, v47;
	v20 =	vld.idx.msk [tilespmem:v47+s10+$0x0], $0xffff  }
0x9f3: {  	v11 =	vadd.f32 v11, v22;
	[tilespmem:v16+s14+$0x0] =	vst.idx.msk $0xffff, v0;
	v0 =	vld.idx.msk [tilespmem:v47+s11+$0x0], $0xffff  }
0x9f4: {  	v16 =	vor.u32 s31, v47;
	v22 =	vld.idx.msk [tilespmem:v47+s10+$0x0], $0xffff  }
0x9f5: {  	v23 =	vor.u32 s24, v46;
	v9 =	vadd.f32 v9, v14;
	[tilespmem:v12+s14+$0x0] =	vst.idx.msk $0xffff, v11;
	v11 =	vld.idx.msk [tilespmem:v47+s11+$0x0], $0xffff  }
0x9f6: {  	v12 =	vor.u32 s20, v47;
	v14 =	vld.idx.msk [tilespmem:v46+s10+$0x0], $0xffff  }
0x9f7: {  	[tilespmem:v15+s14+$0x0] =	vst.idx.msk $0xffff, v9;
	v9 =	vadd.f32 v10, v19;
	v10 =	vld.idx.msk [tilespmem:v46+s11+$0x0], $0xffff  }
0x9f8: {  	v1 =	vadd.f32 v1, v18;
	v15 =	vor.u32 s22, v47;
	v19 =	vld.idx.msk [tilespmem:v46+s10+$0x0], $0xffff  }
0x9f9: {  	v8 =	vadd.f32 v8, v21;
	[tilespmem:v16+s14+$0x0] =	vst.idx.msk $0xffff, v9;
	v9 =	vld.idx.msk [tilespmem:v46+s11+$0x0], $0xffff  }
0x9fa: {  	[tilespmem:v23+s14+$0x0] =	vst.idx.msk $0xffff, v1;
	v29 =	vld.idx.msk [tilespmem:v46+s10+$0x0], $0xffff  }
0x9fb: {  	v24 =	vor.u32 s23, v47;
	v1 =	vor.u32 s31, v46;
	[tilespmem:v12+s14+$0x0] =	vst.idx.msk $0xffff, v8;
	v8 =	vadd.f32 v13, v17;
	v31 =	vld.idx.msk [tilespmem:v46+s11+$0x0], $0xffff  }
0x9fc: {  	v30 =	vld.idx.msk [tilespmem:v46+s10+$0x0], $0xffff;
	[tilespmem:$0x1FED0] =	vst v1  }
0x9fd: {  	v4 =	vor.u32 s20, v46;
	[tilespmem:v15+s14+$0x0] =	vst.idx.msk $0xffff, v8  }
0x9fe: {  	v63 =	vor.u32 s22, v46;
	v0 =	vadd.f32 v0, v20;
	v8 =	vld.idx.msk [tilespmem:v44+s10+$0x0], $0xffff;
	[tilespmem:$0x1FEE0] =	vst v4  }
0x9ff: {  	v48 =	vor.u32 s23, v46;
	v16 =	vor.u32 s25, v47;
	[tilespmem:$0x1FEF0] =	vst v63  }
0xa00: {  	s26 =	simm.s32 $0x480;
	v32 =	vor.u32 s25, v46;
	s19 =	simm.s32 $0x400;
	v18 =	vor.u32 s21, v46;
	[tilespmem:v24+s14+$0x0] =	vst.idx.msk $0xffff, v0;
	v0 =	vadd.f32 v10, v14;
	v14 =	vld.idx.msk [tilespmem:v44+s11+$0x0], $0xffff  }
0xa01: {  	v60 =	vor.u32 s26, v45;
	v50 =	vor.u32 s19, v45;
	s24 =	simm.s32 $0x700;
	s22 =	simm.s32 $0x600;
	v13 =	vor.u32 s30, v46;
	v52 =	vld.idx.msk [tilespmem:v46+s11+$0x0], $0xffff  }
0xa02: {  	v40 =	vor.u32 s24, v44;
	s23 =	simm.s32 $0x500;
	v42 =	vor.u32 s22, v44;
	v1 =	vadd.f32 v11, v22;
	v33 =	vld.idx.msk [tilespmem:v46+s10+$0x0], $0xffff  }
0xa03: {  	s18 =	simm.s32 $0x780;
	v12 =	vor.u32 s26, v44;
	v11 =	vor.u32 s19, v44;
	v22 =	vor.u32 s23, v39;
	v34 =	vld.idx.msk [tilespmem:v46+s11+$0x0], $0xffff  }
0xa04: {  	s25 =	simm.s32 $0x580;
	v15 =	vor.u32 s18, v44;
	[tilespmem:v16+s14+$0x0] =	vst.idx.msk $0xffff, v1;
	v16 =	vadd.f32 v9, v19;
	v10 =	vor.u32 s23, v44;
	v35 =	vld.idx.msk [tilespmem:v46+s10+$0x0], $0xffff  }
0xa05: {  	s21 =	simm.s32 $0x680;
	v43 =	vor.u32 s25, v44;
	v1 =	vor.u32 s26, v39;
	v19 =	vor.u32 s25, v39;
	v37 =	vld.idx.msk [tilespmem:v46+s11+$0x0], $0xffff;
	[tilespmem:v18+s14+$0x0] =	vst.idx.msk $0xffff, v0  }
0xa06: {  	v9 =	vor.u32 s21, v44;
	v36 =	vld.idx.msk [tilespmem:v46+s10+$0x0], $0xffff;
	v18 =	vor.u32 s19, v39;
	[tilespmem:v13+s14+$0x0] =	vst.idx.msk $0xffff, v16;
	v13 =	vor.u32 s21, v39  }
0xa07: {  	v28 =	vmovc v2;
	s20 =	simm.s32 $0x10;
	v38 =	vld.idx.msk [tilespmem:v46+s11+$0x0], $0xffff;
	v41 =	vadd.f32 v14, v8;
	v14 =	vor.u32 s22, v39;
	v8 =	vor.u32 s24, v39  }
.LBB2_42:
0xa08: {  	_ = 	snop  }
0xa09: {  	[tilespmem:v11+s14+$0x0] =	vst.idx.msk $0xffff, v41  }
0xa0a: {  	v51 =	vld.idx.msk [tilespmem:v39+s10+$0x0], $0xffff  }
0xa0b: {  	[tilespmem:v12+s14+$0x0] =	vst.idx.msk $0xffff, v41;
	v2 =	vld.idx.msk [tilespmem:v39+s11+$0x0], $0xffff  }
0xa0c: {  	v3 =	vld.idx.msk [tilespmem:v39+s10+$0x0], $0xffff  }
0xa0d: {  	v5 =	vld.idx.msk [tilespmem:v39+s11+$0x0], $0xffff  }
0xa0e: {  	[tilespmem:v15+s14+$0x0] =	vst.idx.msk $0xffff, v41  }
0xa0f: {  	[tilespmem:v10+s14+$0x0] =	vst.idx.msk $0xffff, v41;
	v24 =	vld.idx.msk [tilespmem:v39+s10+$0x0], $0xffff  }
0xa10: {  	[tilespmem:v43+s14+$0x0] =	vst.idx.msk $0xffff, v41;
	v6 =	vor.u32 s22, v49;
	v44 =	vld.idx.msk [tilespmem:v39+s11+$0x0], $0xffff;
	v2 =	vadd.f32 v2, v51  }
0xa11: {  	[tilespmem:$0x1FE70] =	vst v6;
	v6 =	vld.idx.msk [tilespmem:v39+s10+$0x0], $0xffff  }
0xa12: {  	v4 =	vor.u32 s18, v39;
	v7 =	vld.idx.msk [tilespmem:v39+s11+$0x0], $0xffff;
	[tilespmem:v18+s14+$0x0] =	vst.idx.msk $0xffff, v2;
	v2 =	vadd.f32 v5, v3  }
0xa13: {  	[tilespmem:v42+s14+$0x0] =	vst.idx.msk $0xffff, v41;
	v5 =	vadd.f32 v31, v29;
	v18 =	vor.u32 s26, v46;
	v29 =	vadd.f32 v52, v30;
	v52 =	vld [tilespmem:$0x1FED0]  }
0xa14: {  	[tilespmem:$0x1FEC0] =	vst v18;
	v18 =	vld.idx.msk [tilespmem:v39+s10+$0x0], $0xffff  }
0xa15: {  	v26 =	vadd.f32 v44, v24;
	[tilespmem:v1+s14+$0x0] =	vst.idx.msk $0xffff, v2;
	v2 =	vld.idx.msk [tilespmem:v39+s11+$0x0], $0xffff  }
0xa16: {  	v25 =	vld.idx.msk [tilespmem:v39+s11+$0x0], $0xffff  }
0xa17: {  	v24 =	vld.idx.msk [tilespmem:v39+s10+$0x0], $0xffff;
	[tilespmem:v4+s14+$0x0] =	vst.idx.msk $0xffff, v26;
	v4 =	vor.u32 s24, v47  }
0xa18: {  	[tilespmem:$0x1FEB0] =	vst v4;
	v4 =	vld.idx.msk [tilespmem:v45+s10+$0x0], $0xffff  }
0xa19: {  	[tilespmem:v9+s14+$0x0] =	vst.idx.msk $0xffff, v41;
	v3 =	vld.idx.msk [tilespmem:v45+s11+$0x0], $0xffff  }
0xa1a: {  	[tilespmem:v40+s14+$0x0] =	vst.idx.msk $0xffff, v41;
	v1 =	vadd.f32 v7, v6;
	v2 =	vadd.f32 v2, v18;
	v18 =	vld [tilespmem:$0x1FEF0]  }
0xa1b: {  	v31 =	vor.u32 s18, v45;
	v7 =	vld.idx.msk [tilespmem:v39+s10+$0x0], $0xffff;
	[tilespmem:v52+s14+$0x0] =	vst.idx.msk $0xffff, v5  }
0xa1c: {  	v6 =	vadd.f32 v37, v35;
	v37 =	vld.idx.msk [tilespmem:v39+s10+$0x0], $0xffff;
	[tilespmem:v22+s14+$0x0] =	vst.idx.msk $0xffff, v1;
	v1 =	vadd.f32 v25, v24  }
0xa1d: {  	v25 =	vld.idx.msk [tilespmem:v39+s11+$0x0], $0xffff  }
0xa1e: {  	v35 =	vor.u32 s23, v46;
	v3 =	vadd.f32 v3, v4;
	[tilespmem:v19+s14+$0x0] =	vst.idx.msk $0xffff, v1;
	v1 =	vld.idx.msk [tilespmem:v39+s11+$0x0], $0xffff  }
0xa1f: {  	[tilespmem:$0x1FED0] =	vst v35;
	v19 =	vld [tilespmem:$0x1FEE0]  }
0xa20: {  	v30 =	vadd.f32 v34, v33;
	v52 =	vld.idx.msk [tilespmem:v45+s10+$0x0], $0xffff;
	[tilespmem:v31+s14+$0x0] =	vst.idx.msk $0xffff, v3  }
0xa21: {  	v3 =	vld.idx.msk [tilespmem:v28+s10+$0x0], $0xffff;
	[tilespmem:v48+s14+$0x0] =	vst.idx.msk $0xffff, v6  }
0xa22: {  	v5 =	vadd.f32 v38, v36;
	v6 =	vld.idx.msk [tilespmem:v45+s11+$0x0], $0xffff;
	[tilespmem:v18+s14+$0x0] =	vst.idx.msk $0xffff, v30  }
0xa23: {  	v35 =	vld.idx.msk [tilespmem:v45+s11+$0x0], $0xffff;
	[tilespmem:v14+s14+$0x0] =	vst.idx.msk $0xffff, v2;
	v2 =	vadd.f32 v25, v7  }
0xa24: {  	[tilespmem:v32+s14+$0x0] =	vst.idx.msk $0xffff, v5;
	v7 =	vld.idx.msk [tilespmem:v28+s11+$0x0], $0xffff;
	v1 =	vadd.f32 v1, v37  }
0xa25: {  	v14 =	vld.idx.msk [tilespmem:v45+s10+$0x0], $0xffff;
	[tilespmem:v13+s14+$0x0] =	vst.idx.msk $0xffff, v2  }
0xa26: {  	v22 =	vor.u32 s25, v46;
	v2 =	vld.idx.msk [tilespmem:v45+s10+$0x0], $0xffff;
	v13 =	vor.u32 s18, v28;
	[tilespmem:v8+s14+$0x0] =	vst.idx.msk $0xffff, v1  }
0xa27: {  	v8 =	vld.idx.msk [tilespmem:v45+s11+$0x0], $0xffff;
	[tilespmem:v19+s14+$0x0] =	vst.idx.msk $0xffff, v29;
	v19 =	vmov v22  }
0xa28: {  	[tilespmem:$0x1FEE0] =	vst v19;
	v19 =	vld.idx.msk [tilespmem:v45+s11+$0x0], $0xffff  }
0xa29: {  	v1 =	vld.idx.msk [tilespmem:v45+s10+$0x0], $0xffff;
	v3 =	vadd.f32 v7, v3  }
0xa2a: {  	v0 =	vor.u32 s23, v45;
	v37 =	vld.idx.msk [tilespmem:v45+s11+$0x0], $0xffff;
	v6 =	vadd.f32 v6, v14  }
0xa2b: {  	v7 =	vld.idx.msk [tilespmem:v45+s10+$0x0], $0xffff;
	[tilespmem:v13+s14+$0x0] =	vst.idx.msk $0xffff, v3  }
0xa2c: {  	[tilespmem:v60+s14+$0x0] =	vst.idx.msk $0xffff, v6;
	v6 =	vld.idx.msk [tilespmem:v45+s10+$0x0], $0xffff  }
0xa2d: {  	v38 =	vor.u32 s24, v46;
	v2 =	vadd.f32 v35, v2;
	v3 =	vld.idx.msk [tilespmem:v59+s10+$0x0], $0xffff  }
0xa2e: {  	v23 =	vor.u32 s25, v45;
	v32 =	vmov v38;
	v38 =	vld.idx.msk [tilespmem:v59+s11+$0x0], $0xffff  }
0xa2f: {  	[tilespmem:v0+s14+$0x0] =	vst.idx.msk $0xffff, v2;
	v0 =	vadd.f32 v37, v1;
	v1 =	vld.idx.msk [tilespmem:v45+s11+$0x0], $0xffff  }
0xa30: {  	v21 =	vor.u32 s22, v45;
	v4 =	vadd.f32 v19, v52;
	v2 =	vld.idx.msk [tilespmem:v45+s10+$0x0], $0xffff  }
0xa31: {  	v52 =	vld.idx.msk [tilespmem:v28+s11+$0x0], $0xffff  }
0xa32: {  	v60 =	vld.idx.msk [tilespmem:v28+s10+$0x0], $0xffff;
	[tilespmem:v50+s14+$0x0] =	vst.idx.msk $0xffff, v4;
	v50 =	vor.u32 s18, v59  }
0xa33: {  	v17 =	vor.u32 s21, v45;
	[tilespmem:v23+s14+$0x0] =	vst.idx.msk $0xffff, v0;
	v0 =	vadd.f32 v8, v7;
	v7 =	vld.idx.msk [tilespmem:v45+s11+$0x0], $0xffff  }
0xa34: {  	v8 =	vld.idx.msk [tilespmem:v28+s10+$0x0], $0xffff  }
0xa35: {  	v24 =	vor.u32 s22, v46;
	v13 =	vld.idx.msk [tilespmem:v28+s11+$0x0], $0xffff;
	[tilespmem:v21+s14+$0x0] =	vst.idx.msk $0xffff, v0;
	v0 =	vadd.f32 v38, v3  }
0xa36: {  	v16 =	vor.u32 s24, v45;
	v18 =	vmov v24;
	v24 =	vld.idx.msk [tilespmem:v28+s11+$0x0], $0xffff;
	v1 =	vadd.f32 v1, v6  }
0xa37: {  	v20 =	vor.u32 s19, v28;
	v3 =	vld.idx.msk [tilespmem:v28+s10+$0x0], $0xffff;
	[tilespmem:v50+s14+$0x0] =	vst.idx.msk $0xffff, v0  }
0xa38: {  	[tilespmem:v17+s14+$0x0] =	vst.idx.msk $0xffff, v1;
	v1 =	vadd.f32 v7, v2;
	v7 =	vld.idx.msk [tilespmem:v28+s11+$0x0], $0xffff  }
0xa39: {  	v15 =	vor.u32 s26, v28;
	v0 =	vld.idx.msk [tilespmem:v49+s10+$0x0], $0xffff  }
0xa3a: {  	v2 =	vld.idx.msk [tilespmem:v49+s11+$0x0], $0xffff;
	v6 =	vadd.f32 v13, v8  }
0xa3b: {  	v12 =	vor.u32 s23, v28;
	[tilespmem:v16+s14+$0x0] =	vst.idx.msk $0xffff, v1;
	v1 =	vld.idx.msk [tilespmem:v28+s10+$0x0], $0xffff  }
0xa3c: {  	v33 =	vor.u32 s21, v46;
	v8 =	vor.u32 s18, v49;
	v3 =	vadd.f32 v52, v3;
	[tilespmem:v20+s14+$0x0] =	vst.idx.msk $0xffff, v6;
	v6 =	vld.idx.msk [tilespmem:v28+s10+$0x0], $0xffff  }
0xa3d: {  	v48 =	vmov v33;
	v33 =	vld.idx.msk [tilespmem:v28+s10+$0x0], $0xffff  }
0xa3e: {  	[tilespmem:v15+s14+$0x0] =	vst.idx.msk $0xffff, v3;
	v3 =	vld.idx.msk [tilespmem:v28+s11+$0x0], $0xffff;
	v4 =	vadd.f32 v7, v60  }
0xa3f: {  	v11 =	vor.u32 s25, v28;
	v7 =	vld.idx.msk [tilespmem:v28+s11+$0x0], $0xffff;
	v0 =	vadd.f32 v2, v0  }
0xa40: {  	v2 =	vld.idx.msk [tilespmem:v28+s10+$0x0], $0xffff;
	[tilespmem:v12+s14+$0x0] =	vst.idx.msk $0xffff, v4  }
0xa41: {  	[tilespmem:v8+s14+$0x0] =	vst.idx.msk $0xffff, v0;
	v34 =	vld.idx.msk [tilespmem:v59+s11+$0x0], $0xffff  }
0xa42: {  	v10 =	vor.u32 s22, v28;
	v1 =	vadd.f32 v24, v1;
	v0 =	vld.idx.msk [tilespmem:v47+s10+$0x0], $0xffff  }
0xa43: {  	v25 =	vld.idx.msk [tilespmem:v47+s11+$0x0], $0xffff  }
0xa44: {  	[tilespmem:v11+s14+$0x0] =	vst.idx.msk $0xffff, v1;
	v1 =	vadd.f32 v3, v6;
	v3 =	vld.idx.msk [tilespmem:v28+s11+$0x0], $0xffff  }
0xa45: {  	v62 =	vor.u32 s21, v28;
	v6 =	vld.idx.msk [tilespmem:v59+s10+$0x0], $0xffff  }
0xa46: {  	v11 =	vld.idx.msk [tilespmem:v59+s11+$0x0], $0xffff  }
0xa47: {  	[tilespmem:v10+s14+$0x0] =	vst.idx.msk $0xffff, v1;
	v1 =	vadd.f32 v7, v2;
	v2 =	vld.idx.msk [tilespmem:v59+s10+$0x0], $0xffff  }
0xa48: {  	v8 =	vor.u32 s18, v47;
	v7 =	vld.idx.msk [tilespmem:v59+s11+$0x0], $0xffff  }
0xa49: {  	v9 =	vor.u32 s19, v59;
	v37 =	vld.idx.msk [tilespmem:v59+s11+$0x0], $0xffff  }
0xa4a: {  	[tilespmem:v62+s14+$0x0] =	vst.idx.msk $0xffff, v1;
	v1 =	vld.idx.msk [tilespmem:v59+s10+$0x0], $0xffff  }
0xa4b: {  	v63 =	vor.u32 s24, v28;
	v0 =	vadd.f32 v25, v0;
	v35 =	vadd.f32 v11, v6;
	v6 =	vld.idx.msk [tilespmem:v59+s10+$0x0], $0xffff  }
0xa4c: {  	v27 =	vor.u32 s26, v59;
	v38 =	vld.idx.msk [tilespmem:v59+s10+$0x0], $0xffff  }
0xa4d: {  	[tilespmem:v8+s14+$0x0] =	vst.idx.msk $0xffff, v0;
	v2 =	vadd.f32 v7, v2;
	v7 =	vld.idx.msk [tilespmem:v59+s10+$0x0], $0xffff  }
0xa4e: {  	v3 =	vadd.f32 v3, v33;
	[tilespmem:v9+s14+$0x0] =	vst.idx.msk $0xffff, v35;
	v9 =	vld [tilespmem:$0x1FE70]  }
0xa4f: {  	v61 =	vor.u32 s23, v59;
	v0 =	vld.idx.msk [tilespmem:v46+s10+$0x0], $0xffff  }
0xa50: {  	[tilespmem:v63+s14+$0x0] =	vst.idx.msk $0xffff, v3;
	v3 =	vld.idx.msk [tilespmem:v46+s11+$0x0], $0xffff  }
0xa51: {  	[tilespmem:v27+s14+$0x0] =	vst.idx.msk $0xffff, v2;
	v2 =	vld.idx.msk [tilespmem:v59+s11+$0x0], $0xffff  }
0xa52: {  	v8 =	vor.u32 s18, v46;
	v1 =	vadd.f32 v34, v1;
	v5 =	vadd.f32 v37, v6;
	v6 =	vld.idx.msk [tilespmem:v59+s11+$0x0], $0xffff  }
0xa53: {  	v50 =	vld.idx.msk [tilespmem:v49+s10+$0x0], $0xffff  }
0xa54: {  	v56 =	vor.u32 s25, v59;
	[tilespmem:v61+s14+$0x0] =	vst.idx.msk $0xffff, v1;
	v1 =	vld.idx.msk [tilespmem:v59+s11+$0x0], $0xffff  }
0xa55: {  	v58 =	vor.u32 s22, v59;
	v52 =	vld.idx.msk [tilespmem:v49+s11+$0x0], $0xffff;
	v0 =	vadd.f32 v3, v0  }
0xa56: {  	v57 =	vor.u32 s21, v59;
	v3 =	vld.idx.msk [tilespmem:v59+s10+$0x0], $0xffff  }
0xa57: {  	[tilespmem:v8+s14+$0x0] =	vst.idx.msk $0xffff, v0;
	v0 =	vld.idx.msk [tilespmem:v49+s10+$0x0], $0xffff  }
0xa58: {  	v53 =	vor.u32 s24, v59;
	v2 =	vadd.f32 v2, v7;
	v8 =	vld.idx.msk [tilespmem:v49+s11+$0x0], $0xffff  }
0xa59: {  	[tilespmem:v56+s14+$0x0] =	vst.idx.msk $0xffff, v5;
	v7 =	vld.idx.msk [tilespmem:v49+s11+$0x0], $0xffff;
	v1 =	vadd.f32 v1, v38  }
0xa5a: {  	v55 =	vor.u32 s19, v49;
	[tilespmem:v58+s14+$0x0] =	vst.idx.msk $0xffff, v2;
	v2 =	vld.idx.msk [tilespmem:v49+s10+$0x0], $0xffff  }
0xa5b: {  	[tilespmem:v57+s14+$0x0] =	vst.idx.msk $0xffff, v1;
	v1 =	vadd.f32 v6, v3;
	v3 =	vld.idx.msk [tilespmem:v49+s10+$0x0], $0xffff  }
0xa5c: {  	v54 =	vor.u32 s26, v49;
	v6 =	vld.idx.msk [tilespmem:v49+s11+$0x0], $0xffff  }
0xa5d: {  	v0 =	vadd.f32 v8, v0;
	[tilespmem:v53+s14+$0x0] =	vst.idx.msk $0xffff, v1;
	v1 =	vld.idx.msk [tilespmem:v49+s10+$0x0], $0xffff  }
0xa5e: {  	v43 =	vor.u32 s23, v49;
	v56 =	vld.idx.msk [tilespmem:v49+s10+$0x0], $0xffff  }
0xa5f: {  	[tilespmem:v55+s14+$0x0] =	vst.idx.msk $0xffff, v0;
	v0 =	vadd.f32 v7, v50;
	v55 =	vld.idx.msk [tilespmem:v49+s11+$0x0], $0xffff  }
0xa60: {  	v40 =	vor.u32 s25, v49;
	v7 =	vld.idx.msk [tilespmem:v49+s10+$0x0], $0xffff  }
0xa61: {  	v8 =	vld.idx.msk [tilespmem:v47+s11+$0x0], $0xffff;
	[tilespmem:v54+s14+$0x0] =	vst.idx.msk $0xffff, v0;
	v0 =	vadd.f32 v52, v2  }
0xa62: {  	v2 =	vld.idx.msk [tilespmem:v49+s11+$0x0], $0xffff  }
0xa63: {  	v57 =	vld.idx.msk [tilespmem:v47+s11+$0x0], $0xffff;
	[tilespmem:v43+s14+$0x0] =	vst.idx.msk $0xffff, v0;
	v0 =	vadd.f32 v6, v3  }
0xa64: {  	v6 =	vld.idx.msk [tilespmem:v47+s10+$0x0], $0xffff  }
0xa65: {  	v3 =	vld.idx.msk [tilespmem:v49+s11+$0x0], $0xffff;
	[tilespmem:v40+s14+$0x0] =	vst.idx.msk $0xffff, v0;
	v0 =	vadd.f32 v55, v1  }
0xa66: {  	v1 =	vld.idx.msk [tilespmem:v47+s10+$0x0], $0xffff  }
0xa67: {  	v41 =	vor.u32 s21, v49;
	v42 =	vor.u32 s23, v47;
	[tilespmem:v9+s14+$0x0] =	vst.idx.msk $0xffff, v0;
	v0 =	vadd.f32 v2, v7;
	v2 =	vld.idx.msk [tilespmem:v47+s10+$0x0], $0xffff  }
0xa68: {  	[tilespmem:$0x1FE80] =	vst v42;
	v51 =	vor.u32 s25, v47;
	v7 =	vld.idx.msk [tilespmem:v47+s11+$0x0], $0xffff  }
0xa69: {  	[tilespmem:$0x1FE90] =	vst v51;
	v58 =	vadd.f32 v8, v6;
	v8 =	vld [tilespmem:$0x1FE80]  }
0xa6a: {  	v44 =	vor.u32 s26, v47;
	v9 =	vld [tilespmem:$0x1FE90]  }
0xa6b: {  	v6 =	vld.idx.msk [tilespmem:v47+s11+$0x0], $0xffff  }
0xa6c: {  	[tilespmem:v41+s14+$0x0] =	vst.idx.msk $0xffff, v0;
	v0 =	vadd.f32 v3, v56;
	v3 =	vld.idx.msk [tilespmem:v47+s10+$0x0], $0xffff  }
0xa6d: {  	v1 =	vadd.f32 v57, v1;
	_ =	sdelay $0x1  }
0xa6e: {  	v42 =	vor.u32 s24, v49;
	[tilespmem:v44+s14+$0x0] =	vst.idx.msk $0xffff, v1;
	v1 =	vadd.f32 v7, v2;
	_ =	sdelay $0x1  }
0xa6f: {  	v51 =	vor.u32 s22, v47;
	v63 =	vld [tilespmem:$0x1FEB0];
	[tilespmem:v8+s14+$0x0] =	vst.idx.msk $0xffff, v1;
	v1 =	vadd.f32 v6, v3  }
0xa70: {  	[tilespmem:$0x1FEA0] =	vst v51;
	v60 =	vld.idx.msk [tilespmem:v47+s11+$0x0], $0xffff  }
0xa71: {  	[tilespmem:v9+s14+$0x0] =	vst.idx.msk $0xffff, v1;
	v9 =	vld [tilespmem:$0x1FEA0]  }
0xa72: {  	[tilespmem:v42+s14+$0x0] =	vst.idx.msk $0xffff, v0;
	v0 =	vld.idx.msk [tilespmem:v47+s10+$0x0], $0xffff  }
0xa73: {  	v61 =	vld.idx.msk [tilespmem:v47+s10+$0x0], $0xffff  }
0xa74: {  	v2 =	vld.idx.msk [tilespmem:v47+s11+$0x0], $0xffff  }
0xa75: {  	v51 =	vor.u32 s19, v47;
	v7 =	vld.idx.msk [tilespmem:v47+s10+$0x0], $0xffff  }
0xa76: {  	v26 =	vor.u32 s21, v47;
	v3 =	vld.idx.msk [tilespmem:v47+s11+$0x0], $0xffff  }
0xa77: {  	v44 =	vlaneseq.u32;
	v0 =	vadd.f32 v60, v0;
	_ =	sdelay $0x1  }
0xa78: {  	[tilespmem:v9+s14+$0x0] =	vst.idx.msk $0xffff, v0;
	v0 =	vadd.f32 v2, v61  }
0xa79: {  	[tilespmem:v51+s14+$0x0] =	vst.idx.msk $0xffff, v58;
	v62 =	vld.idx.msk [tilespmem:v46+s11+$0x0], $0xffff  }
0xa7a: {  	v6 =	vld.idx.msk [tilespmem:v46+s10+$0x0], $0xffff;
	[tilespmem:v26+s14+$0x0] =	vst.idx.msk $0xffff, v0;
	v0 =	vadd.f32 v3, v7  }
0xa7b: {  	v2 =	vld.idx.msk [tilespmem:v44+s10+$0x0], $0xffff  }
0xa7c: {  	[tilespmem:v63+s14+$0x0] =	vst.idx.msk $0xffff, v0;
	v0 =	vld.idx.msk [tilespmem:v44+s11+$0x0], $0xffff  }
0xa7d: {  	v8 =	vld.idx.msk [tilespmem:v46+s11+$0x0], $0xffff  }
0xa7e: {  	v29 =	vld.idx.msk [tilespmem:v46+s10+$0x0], $0xffff  }
0xa7f: {  	v31 =	vld.idx.msk [tilespmem:v46+s11+$0x0], $0xffff  }
0xa80: {  	v1 =	vld.idx.msk [tilespmem:v46+s10+$0x0], $0xffff  }
0xa81: {  	v41 =	vadd.f32 v0, v2;
	v0 =	vld [tilespmem:$0x1FEC0]  }
0xa82: {  	v36 =	vor.u32 s19, v46;
	s19 =	sshll.u32 s20, $0x7;
	v30 =	vld.idx.msk [tilespmem:v46+s10+$0x0], $0xffff  }
0xa83: {  	s23 =	sadd.s32 $0x100, s19;
	s25 =	sadd.s32 $0x180, s19;
	s22 =	sadd.s32 $0x200, s19;
	[tilespmem:$0x1FEF0] =	vst v18;
	v18 =	vor.u32 s19, v39;
	v52 =	vld.idx.msk [tilespmem:v46+s11+$0x0], $0xffff  }
0xa84: {  	p0 =	slt.u32 s20, $0x188;
	s21 =	sadd.s32 $0x280, s19;
	v22 =	vor.u32 s23, v39;
	v14 =	vor.u32 s22, v39;
	v19 =	vor.u32 s25, v39;
	v33 =	vld.idx.msk [tilespmem:v46+s10+$0x0], $0xffff  }
.Ltmp24:
0xa85: {  	s26 =	sadd.s32 $0x80, s19;
	v13 =	vor.u32 s21, v39;
	v50 =	vor.u32 s19, v45;
	v34 =	vld.idx.msk [tilespmem:v46+s11+$0x0], $0xffff;
	v3 =	vadd.f32 v8, v6;
	(pc) =	sbr.rel @p0 .LBB2_42-.Ltmp24, $4  }
0xa86: {  	s18 =	sadd.s32 $0x380, s19;
	v11 =	vor.u32 s19, v44;
	v12 =	vor.u32 s26, v44;
	v10 =	vor.u32 s23, v44;
	v35 =	vld.idx.msk [tilespmem:v46+s10+$0x0], $0xffff  }
0xa87: {  	s24 =	sadd.s32 $0x300, s19;
	v15 =	vor.u32 s18, v44;
	v43 =	vor.u32 s25, v44;
	v37 =	vld.idx.msk [tilespmem:v46+s11+$0x0], $0xffff;
	[tilespmem:v36+s14+$0x0] =	vst.idx.msk $0xffff, v3;
	v3 =	vadd.f32 v62, v1  }
0xa88: {  	v42 =	vor.u32 s22, v44;
	v40 =	vor.u32 s24, v44;
	v9 =	vor.u32 s21, v44;
	v36 =	vld.idx.msk [tilespmem:v46+s10+$0x0], $0xffff  }
0xa89: {  	s20 =	sadd.s32 $0x8, s20;
	v60 =	vor.u32 s26, v45;
	v8 =	vor.u32 s24, v39;
	v1 =	vor.u32 s26, v39;
	v38 =	vld.idx.msk [tilespmem:v46+s11+$0x0], $0xffff;
	[tilespmem:v0+s14+$0x0] =	vst.idx.msk $0xffff, v3  }
0xa8a: {  	_ =	sdelay $0x3  }
0xa8b: {  	[tilespmem:v15+s14+$0x0] =	vst.idx.msk $0xffff, v41  }
0xa8c: {  	v0 =	vld.idx.msk [tilespmem:v39+s10+$0x0], $0xffff  }
0xa8d: {  	[tilespmem:v11+s14+$0x0] =	vst.idx.msk $0xffff, v41;
	v2 =	vld.idx.msk [tilespmem:v39+s11+$0x0], $0xffff  }
0xa8e: {  	v3 =	vld.idx.msk [tilespmem:v39+s10+$0x0], $0xffff  }
0xa8f: {  	[tilespmem:v12+s14+$0x0] =	vst.idx.msk $0xffff, v41;
	v4 =	vld.idx.msk [tilespmem:v39+s11+$0x0], $0xffff  }
0xa90: {  	v5 =	vld.idx.msk [tilespmem:v39+s10+$0x0], $0xffff  }
0xa91: {  	[tilespmem:v10+s14+$0x0] =	vst.idx.msk $0xffff, v41;
	v7 =	vld.idx.msk [tilespmem:v39+s11+$0x0], $0xffff  }
0xa92: {  	v10 =	vld.idx.msk [tilespmem:v39+s10+$0x0], $0xffff  }
0xa93: {  	[tilespmem:v43+s14+$0x0] =	vst.idx.msk $0xffff, v41;
	v58 =	vld.idx.msk [tilespmem:v39+s11+$0x0], $0xffff  }
0xa94: {  	[tilespmem:v42+s14+$0x0] =	vst.idx.msk $0xffff, v41;
	v61 =	vld.idx.msk [tilespmem:v39+s11+$0x0], $0xffff  }
0xa95: {  	v6 =	vor.u32 s18, v39;
	v62 =	vld.idx.msk [tilespmem:v39+s10+$0x0], $0xffff  }
0xa96: {  	[tilespmem:v9+s14+$0x0] =	vst.idx.msk $0xffff, v41;
	v63 =	vld.idx.msk [tilespmem:v39+s11+$0x0], $0xffff  }
0xa97: {  	v16 =	vld.idx.msk [tilespmem:v39+s10+$0x0], $0xffff  }
0xa98: {  	[tilespmem:v40+s14+$0x0] =	vst.idx.msk $0xffff, v41;
	v24 =	vld.idx.msk [tilespmem:v39+s11+$0x0], $0xffff;
	v0 =	vadd.f32 v2, v0  }
0xa99: {  	v20 =	vld.idx.msk [tilespmem:v39+s10+$0x0], $0xffff;
	v3 =	vadd.f32 v4, v3  }
0xa9a: {  	v2 =	vld.idx.msk [tilespmem:v39+s10+$0x0], $0xffff;
	[tilespmem:v6+s14+$0x0] =	vst.idx.msk $0xffff, v0  }
0xa9b: {  	[tilespmem:v18+s14+$0x0] =	vst.idx.msk $0xffff, v3;
	v3 =	vld.idx.msk [tilespmem:v39+s11+$0x0], $0xffff  }
0xa9c: {  	v5 =	vadd.f32 v7, v5;
	v0 =	vld.idx.msk [tilespmem:v45+s10+$0x0], $0xffff  }
0xa9d: {  	v4 =	vadd.f32 v24, v16;
	v6 =	vld.idx.msk [tilespmem:v45+s11+$0x0], $0xffff  }
0xa9e: {  	[tilespmem:v1+s14+$0x0] =	vst.idx.msk $0xffff, v5;
	v25 =	vld.idx.msk [tilespmem:v45+s10+$0x0], $0xffff  }
0xa9f: {  	v1 =	vadd.f32 v58, v10;
	[tilespmem:v13+s14+$0x0] =	vst.idx.msk $0xffff, v4;
	v40 =	vld.idx.msk [tilespmem:v45+s10+$0x0], $0xffff  }
0xaa0: {  	v13 =	vld.idx.msk [tilespmem:v45+s10+$0x0], $0xffff  }
0xaa1: {  	[tilespmem:v22+s14+$0x0] =	vst.idx.msk $0xffff, v1;
	v1 =	vadd.f32 v61, v2;
	v2 =	vld.idx.msk [tilespmem:v45+s11+$0x0], $0xffff  }
0xaa2: {  	v17 =	vor.u32 s18, v45;
	v41 =	vld.idx.msk [tilespmem:v45+s10+$0x0], $0xffff  }
0xaa3: {  	v43 =	vld.idx.msk [tilespmem:v45+s11+$0x0], $0xffff;
	[tilespmem:v19+s14+$0x0] =	vst.idx.msk $0xffff, v1;
	v1 =	vadd.f32 v63, v62  }
0xaa4: {  	v3 =	vadd.f32 v3, v20;
	v51 =	vld.idx.msk [tilespmem:v45+s10+$0x0], $0xffff  }
0xaa5: {  	v0 =	vadd.f32 v6, v0;
	[tilespmem:v14+s14+$0x0] =	vst.idx.msk $0xffff, v1;
	v1 =	vld.idx.msk [tilespmem:v45+s11+$0x0], $0xffff  }
0xaa6: {  	[tilespmem:v8+s14+$0x0] =	vst.idx.msk $0xffff, v3;
	v3 =	vld.idx.msk [tilespmem:v45+s11+$0x0], $0xffff  }
0xaa7: {  	v58 =	vor.u32 s23, v45;
	[tilespmem:v17+s14+$0x0] =	vst.idx.msk $0xffff, v0;
	v0 =	vld.idx.msk [tilespmem:v45+s11+$0x0], $0xffff  }
0xaa8: {  	v26 =	vld.idx.msk [tilespmem:v28+s10+$0x0], $0xffff  }
0xaa9: {  	v62 =	vor.u32 s25, v45;
	v27 =	vld.idx.msk [tilespmem:v28+s11+$0x0], $0xffff  }
0xaaa: {  	v53 =	vld.idx.msk [tilespmem:v45+s10+$0x0], $0xffff;
	v9 =	vadd.f32 v43, v41  }
0xaab: {  	v42 =	vor.u32 s18, v28;
	v54 =	vld.idx.msk [tilespmem:v45+s11+$0x0], $0xffff  }
0xaac: {  	v56 =	vld.idx.msk [tilespmem:v45+s10+$0x0], $0xffff;
	[tilespmem:v58+s14+$0x0] =	vst.idx.msk $0xffff, v9;
	v1 =	vadd.f32 v1, v51  }
0xaad: {  	v22 =	vld.idx.msk [tilespmem:v28+s10+$0x0], $0xffff;
	v0 =	vadd.f32 v0, v25  }
0xaae: {  	v23 =	vld.idx.msk [tilespmem:v28+s11+$0x0], $0xffff;
	v5 =	vadd.f32 v27, v26;
	[tilespmem:v62+s14+$0x0] =	vst.idx.msk $0xffff, v1  }
0xaaf: {  	v19 =	vor.u32 s22, v45;
	[tilespmem:v50+s14+$0x0] =	vst.idx.msk $0xffff, v0;
	v0 =	vadd.f32 v2, v40;
	v2 =	vld.idx.msk [tilespmem:v45+s11+$0x0], $0xffff  }
0xab0: {  	v24 =	vld.idx.msk [tilespmem:v28+s10+$0x0], $0xffff;
	[tilespmem:v42+s14+$0x0] =	vst.idx.msk $0xffff, v5  }
0xab1: {  	v12 =	vld.idx.msk [tilespmem:v59+s10+$0x0], $0xffff  }
0xab2: {  	v1 =	vadd.f32 v54, v53;
	v55 =	vld.idx.msk [tilespmem:v59+s11+$0x0], $0xffff  }
0xab3: {  	v21 =	vor.u32 s21, v45;
	v61 =	vld.idx.msk [tilespmem:v28+s10+$0x0], $0xffff  }
0xab4: {  	v57 =	vor.u32 s18, v59;
	[tilespmem:v19+s14+$0x0] =	vst.idx.msk $0xffff, v1;
	v1 =	vadd.f32 v3, v13;
	v3 =	vld.idx.msk [tilespmem:v28+s11+$0x0], $0xffff  }
0xab5: {  	[tilespmem:v60+s14+$0x0] =	vst.idx.msk $0xffff, v0;
	v0 =	vld.idx.msk [tilespmem:v28+s11+$0x0], $0xffff  }
0xab6: {  	v63 =	vld.idx.msk [tilespmem:v28+s10+$0x0], $0xffff  }
0xab7: {  	v40 =	vor.u32 s19, v28;
	v18 =	vld.idx.msk [tilespmem:v28+s11+$0x0], $0xffff;
	v4 =	vadd.f32 v55, v12  }
0xab8: {  	v27 =	vld.idx.msk [tilespmem:v28+s10+$0x0], $0xffff;
	[tilespmem:v21+s14+$0x0] =	vst.idx.msk $0xffff, v1  }
0xab9: {  	v42 =	vor.u32 s26, v28;
	v1 =	vld.idx.msk [tilespmem:v28+s11+$0x0], $0xffff;
	[tilespmem:v57+s14+$0x0] =	vst.idx.msk $0xffff, v4  }
0xaba: {  	v0 =	vadd.f32 v0, v61;
	v8 =	vld.idx.msk [tilespmem:v49+s10+$0x0], $0xffff  }
0xabb: {  	v43 =	vor.u32 s23, v28;
	v20 =	vld.idx.msk [tilespmem:v49+s11+$0x0], $0xffff  }
0xabc: {  	v10 =	vld.idx.msk [tilespmem:v28+s10+$0x0], $0xffff;
	[tilespmem:v40+s14+$0x0] =	vst.idx.msk $0xffff, v0;
	v0 =	vadd.f32 v18, v63  }
0xabd: {  	v25 =	vor.u32 s18, v49;
	v53 =	vld.idx.msk [tilespmem:v59+s10+$0x0], $0xffff  }
0xabe: {  	v55 =	vld.idx.msk [tilespmem:v59+s11+$0x0], $0xffff;
	[tilespmem:v42+s14+$0x0] =	vst.idx.msk $0xffff, v0;
	v0 =	vadd.f32 v23, v22  }
0xabf: {  	v26 =	vor.u32 s24, v45;
	v57 =	vld.idx.msk [tilespmem:v59+s10+$0x0], $0xffff  }
0xac0: {  	v58 =	vld.idx.msk [tilespmem:v59+s11+$0x0], $0xffff;
	[tilespmem:v43+s14+$0x0] =	vst.idx.msk $0xffff, v0;
	v8 =	vadd.f32 v20, v8  }
0xac1: {  	v60 =	vld.idx.msk [tilespmem:v59+s10+$0x0], $0xffff  }
0xac2: {  	v2 =	vadd.f32 v2, v56;
	v56 =	vor.u32 s25, v28;
	v61 =	vld.idx.msk [tilespmem:v59+s11+$0x0], $0xffff;
	[tilespmem:v25+s14+$0x0] =	vst.idx.msk $0xffff, v8  }
0xac3: {  	v12 =	vld.idx.msk [tilespmem:v47+s10+$0x0], $0xffff  }
0xac4: {  	v21 =	vor.u32 s19, v59;
	[tilespmem:v26+s14+$0x0] =	vst.idx.msk $0xffff, v2;
	v2 =	vld.idx.msk [tilespmem:v47+s11+$0x0], $0xffff  }
0xac5: {  	v41 =	vld.idx.msk [tilespmem:v28+s11+$0x0], $0xffff;
	v3 =	vadd.f32 v3, v24;
	v24 =	vor.u32 s26, v59  }
0xac6: {  	v50 =	vld.idx.msk [tilespmem:v28+s10+$0x0], $0xffff;
	v25 =	vor.u32 s23, v59  }
0xac7: {  	v51 =	vld.idx.msk [tilespmem:v28+s11+$0x0], $0xffff;
	[tilespmem:v56+s14+$0x0] =	vst.idx.msk $0xffff, v3;
	v5 =	vadd.f32 v55, v53  }
0xac8: {  	v54 =	vor.u32 s18, v47;
	v20 =	vld.idx.msk [tilespmem:v59+s10+$0x0], $0xffff;
	v4 =	vadd.f32 v58, v57  }
0xac9: {  	[tilespmem:v21+s14+$0x0] =	vst.idx.msk $0xffff, v5;
	v42 =	vadd.f32 v61, v60;
	v0 =	vadd.f32 v2, v12;
	v2 =	vor.u32 s22, v28  }
0xaca: {  	v43 =	vld.idx.msk [tilespmem:v49+s11+$0x0], $0xffff;
	[tilespmem:v24+s14+$0x0] =	vst.idx.msk $0xffff, v4  }
0xacb: {  	v14 =	vld.idx.msk [tilespmem:v49+s10+$0x0], $0xffff;
	[tilespmem:v25+s14+$0x0] =	vst.idx.msk $0xffff, v42  }
0xacc: {  	v3 =	vadd.f32 v1, v27;
	v55 =	vld.idx.msk [tilespmem:v49+s11+$0x0], $0xffff  }
0xacd: {  	v62 =	vor.u32 s21, v28;
	[tilespmem:v54+s14+$0x0] =	vst.idx.msk $0xffff, v0;
	v54 =	vld.idx.msk [tilespmem:v49+s10+$0x0], $0xffff  }
0xace: {  	[tilespmem:v2+s14+$0x0] =	vst.idx.msk $0xffff, v3;
	v3 =	vld.idx.msk [tilespmem:v59+s11+$0x0], $0xffff  }
0xacf: {  	v63 =	vor.u32 s24, v28;
	v2 =	vadd.f32 v41, v10;
	v41 =	vld.idx.msk [tilespmem:v49+s10+$0x0], $0xffff  }
0xad0: {  	v22 =	vld.idx.msk [tilespmem:v59+s10+$0x0], $0xffff  }
0xad1: {  	v19 =	vor.u32 s23, v49;
	v23 =	vld.idx.msk [tilespmem:v59+s11+$0x0], $0xffff  }
0xad2: {  	v40 =	vor.u32 s25, v59;
	[tilespmem:v62+s14+$0x0] =	vst.idx.msk $0xffff, v2;
	v2 =	vadd.f32 v51, v50;
	v51 =	vld.idx.msk [tilespmem:v49+s11+$0x0], $0xffff  }
0xad3: {  	v58 =	vor.u32 s19, v49;
	v16 =	vld.idx.msk [tilespmem:v59+s10+$0x0], $0xffff  }
0xad4: {  	v24 =	vadd.f32 v55, v54;
	[tilespmem:v63+s14+$0x0] =	vst.idx.msk $0xffff, v2;
	v2 =	vld.idx.msk [tilespmem:v59+s11+$0x0], $0xffff  }
0xad5: {  	v26 =	vld.idx.msk [tilespmem:v59+s10+$0x0], $0xffff;
	v3 =	vadd.f32 v3, v20  }
0xad6: {  	v50 =	vor.u32 s22, v59;
	[tilespmem:v19+s14+$0x0] =	vst.idx.msk $0xffff, v24;
	v27 =	vld.idx.msk [tilespmem:v59+s11+$0x0], $0xffff;
	v7 =	vadd.f32 v43, v41  }
0xad7: {  	v42 =	vld.idx.msk [tilespmem:v47+s10+$0x0], $0xffff;
	[tilespmem:v40+s14+$0x0] =	vst.idx.msk $0xffff, v3  }
0xad8: {  	v62 =	vor.u32 s26, v49;
	[tilespmem:v58+s14+$0x0] =	vst.idx.msk $0xffff, v7;
	v57 =	vld.idx.msk [tilespmem:v49+s10+$0x0], $0xffff  }
0xad9: {  	v3 =	vadd.f32 v23, v22;
	v23 =	vld.idx.msk [tilespmem:v47+s10+$0x0], $0xffff  }
0xada: {  	v53 =	vor.u32 s21, v59;
	v25 =	vld.idx.msk [tilespmem:v47+s11+$0x0], $0xffff  }
0xadb: {  	v4 =	vadd.f32 v51, v14;
	[tilespmem:v50+s14+$0x0] =	vst.idx.msk $0xffff, v3;
	v3 =	vld.idx.msk [tilespmem:v49+s11+$0x0], $0xffff  }
0xadc: {  	v56 =	vor.u32 s24, v59;
	v60 =	vld.idx.msk [tilespmem:v49+s10+$0x0], $0xffff  }
0xadd: {  	v2 =	vadd.f32 v2, v16;
	[tilespmem:v62+s14+$0x0] =	vst.idx.msk $0xffff, v4;
	v61 =	vld.idx.msk [tilespmem:v49+s11+$0x0], $0xffff  }
0xade: {  	v40 =	vld.idx.msk [tilespmem:v47+s11+$0x0], $0xffff  }
0xadf: {  	[tilespmem:v53+s14+$0x0] =	vst.idx.msk $0xffff, v2;
	v2 =	vadd.f32 v27, v26;
	v27 =	vld.idx.msk [tilespmem:v47+s10+$0x0], $0xffff  }
0xae0: {  	v22 =	vor.u32 s25, v49;
	v63 =	vld.idx.msk [tilespmem:v49+s10+$0x0], $0xffff  }
0xae1: {  	v53 =	vor.u32 s19, v47;
	[tilespmem:v56+s14+$0x0] =	vst.idx.msk $0xffff, v2;
	v2 =	vld.idx.msk [tilespmem:v49+s11+$0x0], $0xffff  }
0xae2: {  	v26 =	vor.u32 s22, v49;
	v20 =	vld.idx.msk [tilespmem:v49+s10+$0x0], $0xffff  }
0xae3: {  	v41 =	vor.u32 s21, v49;
	v21 =	vld.idx.msk [tilespmem:v49+s11+$0x0], $0xffff;
	v3 =	vadd.f32 v3, v57  }
0xae4: {  	v43 =	vld.idx.msk [tilespmem:v47+s11+$0x0], $0xffff;
	v56 =	vor.u32 s26, v47;
	v6 =	vadd.f32 v25, v23  }
0xae5: {  	v50 =	vor.u32 s24, v49;
	[tilespmem:v22+s14+$0x0] =	vst.idx.msk $0xffff, v3;
	v3 =	vadd.f32 v61, v60  }
0xae6: {  	v58 =	vor.u32 s23, v47;
	[tilespmem:v53+s14+$0x0] =	vst.idx.msk $0xffff, v6;
	v2 =	vadd.f32 v2, v63  }
0xae7: {  	v4 =	vadd.f32 v40, v27;
	[tilespmem:v26+s14+$0x0] =	vst.idx.msk $0xffff, v3  }
0xae8: {  	[tilespmem:v41+s14+$0x0] =	vst.idx.msk $0xffff, v2;
	v2 =	vadd.f32 v21, v20  }
0xae9: {  	v0 =	vld.idx.msk [tilespmem:v46+s10+$0x0], $0xffff;
	[tilespmem:v56+s14+$0x0] =	vst.idx.msk $0xffff, v4;
	v21 =	vadd.f32 v43, v42  }
0xaea: {  	v51 =	vld.idx.msk [tilespmem:v47+s10+$0x0], $0xffff;
	[tilespmem:v50+s14+$0x0] =	vst.idx.msk $0xffff, v2  }
0xaeb: {  	v3 =	vld.idx.msk [tilespmem:v47+s11+$0x0], $0xffff;
	[tilespmem:v58+s14+$0x0] =	vst.idx.msk $0xffff, v21  }
0xaec: {  	v12 =	vld [tilespmem:$0x1FED0]  }
0xaed: {  	v1 =	vld.idx.msk [tilespmem:v46+s11+$0x0], $0xffff  }
0xaee: {  	v62 =	vor.u32 s25, v47;
	v22 =	vld.idx.msk [tilespmem:v46+s11+$0x0], $0xffff  }
0xaef: {  	v63 =	vld.idx.msk [tilespmem:v46+s10+$0x0], $0xffff  }
0xaf0: {  	v54 =	vld.idx.msk [tilespmem:v47+s10+$0x0], $0xffff  }
0xaf1: {  	v55 =	vld.idx.msk [tilespmem:v47+s11+$0x0], $0xffff;
	v3 =	vadd.f32 v3, v51  }
0xaf2: {  	v24 =	vadd.f32 v31, v29;
	v25 =	vld.idx.msk [tilespmem:v46+s10+$0x0], $0xffff  }
0xaf3: {  	v26 =	vld.idx.msk [tilespmem:v46+s11+$0x0], $0xffff;
	[tilespmem:v62+s14+$0x0] =	vst.idx.msk $0xffff, v3  }
0xaf4: {  	v57 =	vld.idx.msk [tilespmem:v47+s10+$0x0], $0xffff;
	[tilespmem:v12+s14+$0x0] =	vst.idx.msk $0xffff, v24  }
0xaf5: {  	v8 =	vld [tilespmem:$0x1FEE0]  }
0xaf6: {  	v2 =	vld.idx.msk [tilespmem:v47+s11+$0x0], $0xffff  }
0xaf7: {  	v23 =	vor.u32 s22, v47;
	v60 =	vld.idx.msk [tilespmem:v47+s10+$0x0], $0xffff  }
0xaf8: {  	v61 =	vld.idx.msk [tilespmem:v47+s11+$0x0], $0xffff  }
0xaf9: {  	v29 =	vadd.f32 v52, v30;
	v27 =	vor.u32 s21, v47;
	v30 =	vld.idx.msk [tilespmem:v46+s10+$0x0], $0xffff  }
0xafa: {  	v31 =	vld.idx.msk [tilespmem:v46+s11+$0x0], $0xffff;
	v3 =	vadd.f32 v55, v54  }
0xafb: {  	v40 =	vor.u32 s24, v47;
	v42 =	vld.idx.msk [tilespmem:v46+s10+$0x0], $0xffff  }
0xafc: {  	v2 =	vadd.f32 v2, v57;
	[tilespmem:v23+s14+$0x0] =	vst.idx.msk $0xffff, v3;
	v3 =	vld.idx.msk [tilespmem:v46+s11+$0x0], $0xffff  }
0xafd: {  	v43 =	vadd.f32 v37, v35;
	v51 =	vor.u32 s18, v46;
	v52 =	vld.idx.msk [tilespmem:v46+s10+$0x0], $0xffff;
	[tilespmem:v8+s14+$0x0] =	vst.idx.msk $0xffff, v29  }
0xafe: {  	v54 =	vor.u32 s26, v46;
	v6 =	vadd.f32 v61, v60;
	v50 =	vld [tilespmem:$0x1FEF0];
	[tilespmem:v27+s14+$0x0] =	vst.idx.msk $0xffff, v2  }
0xaff: {  	v55 =	vadd.f32 v38, v36;
	v53 =	vld.idx.msk [tilespmem:v46+s11+$0x0], $0xffff;
	v2 =	vor.u32 s19, v46;
	[tilespmem:v48+s14+$0x0] =	vst.idx.msk $0xffff, v43  }
0xb00: {  	v0 =	vadd.f32 v1, v0;
	v58 =	vor.u32 s25, v46;
	[tilespmem:v40+s14+$0x0] =	vst.idx.msk $0xffff, v6;
	v56 =	vld.idx.msk [tilespmem:v46+s10+$0x0], $0xffff  }
0xb01: {  	v4 =	vadd.f32 v26, v25;
	v57 =	vor.u32 s23, v46;
	[tilespmem:v32+s14+$0x0] =	vst.idx.msk $0xffff, v55;
	v1 =	vld.idx.msk [tilespmem:v46+s11+$0x0], $0xffff  }
0xb02: {  	v5 =	vadd.f32 v22, v63;
	[tilespmem:v51+s14+$0x0] =	vst.idx.msk $0xffff, v0;
	v60 =	vld.idx.msk [tilespmem:v46+s10+$0x0], $0xffff  }
0xb03: {  	v3 =	vadd.f32 v3, v42;
	v0 =	vor.u32 s22, v46;
	[tilespmem:v54+s14+$0x0] =	vst.idx.msk $0xffff, v4;
	v61 =	vld.idx.msk [tilespmem:v46+s11+$0x0], $0xffff  }
0xb04: {  	v62 =	vor.u32 s21, v46;
	[tilespmem:v2+s14+$0x0] =	vst.idx.msk $0xffff, v5;
	v2 =	vadd.f32 v31, v30  }
0xb05: {  	v41 =	vadd.f32 v34, v33;
	v63 =	vor.u32 s24, v46;
	[tilespmem:v58+s14+$0x0] =	vst.idx.msk $0xffff, v3  }
0xb06: {  	[tilespmem:v57+s14+$0x0] =	vst.idx.msk $0xffff, v2;
	v2 =	vadd.f32 v53, v52  }
0xb07: {  	v1 =	vadd.f32 v1, v56;
	[tilespmem:v50+s14+$0x0] =	vst.idx.msk $0xffff, v41  }
0xb08: {  	s17 =	smul.u32 $0x1900, s17;
	[tilespmem:v0+s14+$0x0] =	vst.idx.msk $0xffff, v2;
	v0 =	vadd.f32 v61, v60  }
0xb09: {  	[tilespmem:v62+s14+$0x0] =	vst.idx.msk $0xffff, v1  }
.Ltmp25:
0xb0a: {  	s17 =	sadd.s32 s1, s17;
	[tilespmem:v63+s14+$0x0] =	vst.idx.msk $0xffff, v0;
	(pc) =	sbr.rel .LBB2_44-.Ltmp25, $4  }
0xb0b: {  	[hbm4b:s17+s2] =	stream.linear.scatter [tilespmem:s14], [sflag:$0x1], $0xC800, $0x38;
	[tilespmem:$0x19300] =	vst v63  }
0xb0c: {  	_ =	swait.ge [sflag:s9], $0xC800  }
0xb0d: {  	[sflag:s9] =	ssyncset.done $0x0  }
0xb0e: {  	v2 =	vmov v28;
	[sflag:s9] =	ssyncadd.s32 $0xFFFF3800  }
.LBB2_46:
0xb0f: {  	_ =	sfence.sel $0x180000  }
0xb10: {  	[bflag:$0x0] =	sbarrier.arrive $0xFFFF  }
0xb11: {  	p0 =	sne.s32 s5, $0x0;
	_ =	strace $0x90000047  }
0xb12: {  	s0 =	sadd.s32 @!p0 $0x100000, s0;
	[bflag:$0x2] =	sbarrier.arrive $0xFFFF  }
0xb13: {  	[sflag:s0] =	ssyncadd.tile.s32 @!p0 $0x1;
	_ =	shalt  }
.Lfunc_end2:
_tile_overlayer_lowered:
.L_overlay_start_2:
0xb14: {  	(tag) =	ssettag $0x2  }
0xb15: {  	s0 =	rddreg [dreg:$0x0];
	s2 =	stileid.u32  }
0xb16: {  	s1 =	rddreg [dreg:$0x1];
	p0 =	sne.s32 s2, $0x0  }
0xb17: {  	s3 =	rddreg [dreg:$0x2];
	[bflag:$0x3] =	sbarrier.arrive $0xFFFF;
	s2 =	simm.s32 @!p0 $0x1C01  }
0xb18: {  	[timem:s3], [sflag:s2] =	dma.local @!p0 [hbm:s0], s1  }
0xb19: {  	s0 =	simm.s32 @!p0 $0x1  }
0xb1a: {  	_ =	swait.ge @!p0 [sflag:s0], s1  }
0xb1b: {  	s1 =	ssub.s32 @!p0 $0x0, s1;
	[sflag:s0] =	ssyncset.done @!p0 $0x0  }
0xb1c: {  	[sflag:s0] =	ssyncadd.s32 @!p0 s1  }
0xb1d: {  	[bflag:$0x3] =	sbarrier.arrive $0xFFFF  }
0xb1e: {  	_ =	shalt  }

</sc_bundles>
